<compile_context>
chip_gen: v7x
topology: tpu7x:2x2x1
jax: 0.10.2.dev20260603
libtpu: 0.0.44.dev20260713+nightly
codegen_flags: <defaults>
</compile_context>

<pallas_src>
import jax
import jax.numpy as jnp
from jax import lax
from jax.experimental import pallas as pl
from jax.experimental.pallas import tpu as pltpu
from jax.experimental.pallas import tpu_sc as plsc

B = 16384
D_IN = 128
D_OUT = D_IN + 6
NC, NS, L = 2, 16, 16
NW = NC * NS
RW = B // NW
CH = 128
NCHUNK = RW // CH
INV_D = 1.0 / D_OUT


def _rsqrt_nr(v):
    i = lax.bitcast_convert_type(v, jnp.int32)
    i = jnp.int32(0x5F3759DF) - lax.shift_right_logical(i, 1)
    y = lax.bitcast_convert_type(i, jnp.float32)
    for _ in range(3):
        y = y * (1.5 - 0.5 * v * y * y)
    return y


def _body(x_hbm, gb_hbm, tab_hbm, out_hbm,
          x_v0, x_v1, o_v0, o_v1, ob_v0, ob_v1, gb_v, tab_v,
          si0, si1, so0, so1):
    x_bufs = (x_v0, x_v1)
    o_bufs = (o_v0, o_v1)
    ob_bufs = (ob_v0, ob_v1)
    si = (si0, si1)
    so = (so0, so1)
    wid = lax.axis_index("s") * NC + lax.axis_index("c")
    h_in0 = pltpu.async_copy(x_hbm.at[pl.ds(wid * RW, CH)], x_v0, si0)
    pltpu.async_copy(tab_hbm, tab_v, si1).wait()
    pltpu.async_copy(gb_hbm, gb_v, si1).wait()
    lanes = lax.iota(jnp.int32, L)
    m_head = lanes < 7
    m6 = lanes < 6
    m_19 = jnp.logical_and(lanes >= 1, lanes <= 9)
    m_ge10 = lanes >= 10
    zeros_i = jnp.zeros((L,), jnp.int32)
    last_i = jnp.full((L,), L - 1, jnp.int32)
    idx6 = jnp.where(m6, lanes + 10, 0)
    idxh = jnp.where(m_head, 0, lanes - 6)
    fz = jnp.zeros((L,), jnp.float32)

    gA = [gb_v[pl.ds(16 * k, L)] for k in range(8)]
    bA = [gb_v[pl.ds(D_OUT + 16 * k, L)] for k in range(8)]
    g6 = gb_v[pl.ds(128, L)]
    b6 = gb_v[pl.ds(D_OUT + 128, L)]

    def compute_chunk(x_v, o_v, ob_v):
        @plsc.parallel_loop(0, CH, unroll=2)
        def rowbody(r):
            xv0 = x_v[r, pl.ds(0, L)]
            la = [x_v[r, pl.ds(16 * k - 6, L)] for k in range(1, 8)]
            ld = x_v[r, pl.ds(112, L)]
            eib = xv0.astype(jnp.int32).at[zeros_i].get(
                mode="promise_in_bounds")
            tix = jnp.where(m_head, (eib + 1) * 7 + lanes, 0)
            ev = plsc.load_gather(tab_v, [tix], mask=m_head)
            ev = jnp.where(m_head, ev, fz)
            x19 = jnp.where(m_19, xv0, fz)
            xtl = jnp.where(m_ge10, ld, fz)
            s8 = ev + x19 + xtl
            q8 = ev * ev + x19 * x19 + xtl * xtl
            for k in range(7):
                s8 = s8 + la[k]
                q8 = q8 + la[k] * la[k]
            tot_s = plsc.cumsum(s8).at[last_i].get(mode="promise_in_bounds")
            tot_q = plsc.cumsum(q8).at[last_i].get(mode="promise_in_bounds")
            mean = tot_s * INV_D
            var = tot_q * INV_D - mean * mean
            rstd = _rsqrt_nr(var + 1e-12)
            sx = xv0.at[idxh].get(mode="promise_in_bounds")
            cat0 = jnp.where(m_head, ev, sx)
            o_v[r, pl.ds(0, L)] = (cat0 - mean) * rstd * gA[0] + bA[0]
            for k in range(7):
                o_v[r, pl.ds(16 * (k + 1), L)] = (la[k] - mean) * rstd * gA[k + 1] + bA[k + 1]
            sh = ld.at[idx6].get(mode="promise_in_bounds")
            ov6 = (sh - mean) * rstd * g6 + b6
            plsc.store_scatter(ob_v, [r + zeros_i, lanes], ov6, mask=m6)

    def row_of(ci):
        return wid * RW + ci * CH

    hin = [None] * NCHUNK
    hout = [None] * NCHUNK
    hin[0] = h_in0
    for ci in range(NCHUNK):
        b = ci % 2
        if ci + 1 < NCHUNK:
            hin[ci + 1] = pltpu.async_copy(
                x_hbm.at[pl.ds(row_of(ci + 1), CH)], x_bufs[1 - b], si[1 - b])
        hin[ci].wait()
        if ci >= 2:
            hout[ci - 2][0].wait()
            hout[ci - 2][1].wait()
        compute_chunk(x_bufs[b], o_bufs[b], ob_bufs[b])
        hout[ci] = (
            pltpu.async_copy(
                o_bufs[b], out_hbm.at[pl.ds(row_of(ci), CH), pl.ds(0, D_IN)],
                so[b]),
            pltpu.async_copy(
                ob_bufs[b], out_hbm.at[pl.ds(row_of(ci), CH), pl.ds(D_IN, 6)],
                so[b]),
        )
    for ci in (NCHUNK - 2, NCHUNK - 1):
        hout[ci][0].wait()
        hout[ci][1].wait()


def kernel(x, table, gamma, beta):
    gb = jnp.concatenate([gamma, beta]).astype(jnp.float32)
    gb = jnp.pad(gb, (0, 20))
    tab = jnp.pad(table.astype(jnp.float32).reshape(-1), (0, 23))
    mesh = plsc.VectorSubcoreMesh(core_axis_name="c", subcore_axis_name="s")
    f = pl.kernel(
        _body,
        out_type=jax.ShapeDtypeStruct((B, D_OUT), jnp.float32),
        mesh=mesh,
        compiler_params=pltpu.CompilerParams(needs_layout_passes=False),
        scratch_types=[
            pltpu.VMEM((CH, D_IN), jnp.float32),
            pltpu.VMEM((CH, D_IN), jnp.float32),
            pltpu.VMEM((CH, D_IN), jnp.float32),
            pltpu.VMEM((CH, D_IN), jnp.float32),
            pltpu.VMEM((CH, 6), jnp.float32),
            pltpu.VMEM((CH, 6), jnp.float32),
            pltpu.VMEM((2 * D_OUT + 20,), jnp.float32),
            pltpu.VMEM((72,), jnp.float32),
            pltpu.SemaphoreType.DMA,
            pltpu.SemaphoreType.DMA,
            pltpu.SemaphoreType.DMA,
            pltpu.SemaphoreType.DMA,
        ],
    )
    return f(x, gb, tab)

# --- scband reference (transcript-rebuilt; emitter-appended) ---
"""Pipeline reference for scband-embeddings-2542620639806 (READ-ONLY COPY).

The authoritative reference and input builder live on the scoring server;
editing this copy changes nothing except your own understanding.
"""

import jax, jax.numpy as jnp
import numpy as np

B = 16384
D_IN = 128
D_OUT = D_IN + 6  # concat(7-dim embedding, d_in-1 passthrough features)

def setup_inputs(seed: int = 0) -> dict:
    key = jax.random.key(seed)
    k1, k2 = jax.random.split(key, 2)
    # x[:,0] in [0,1) so x[:,0].int()+1 == 1, always a valid index into the 7-row table
    x = jax.random.uniform(k1, (B, D_IN), dtype=jnp.float32)
    # nn.Embedding(7, 7, padding_idx=0): row 0 initialized to zeros
    table = jax.random.normal(k2, (7, 7), dtype=jnp.float32)
    table = table.at[0].set(0.0)
    # nn.LayerNorm(d_in + 6) affine params
    gamma = jnp.ones((D_OUT,), dtype=jnp.float32)
    beta = jnp.zeros((D_OUT,), dtype=jnp.float32)
    return {"x": x, "table": table, "gamma": gamma, "beta": beta}

def reference(x, table, gamma, beta):
    # idx = x[:, 0].int() + 1  (int cast is non-differentiable in torch)
    idx = jax.lax.stop_gradient(x[:, 0]).astype(jnp.int32) + 1
    emb = jnp.take(table, idx, axis=0)                      # [B, 7] embedding gather
    cat = jnp.concatenate([emb, x[:, 1:]], axis=-1)          # [B, d_in + 6]
    # LayerNorm(eps=1e-12), biased variance as in torch
    mean = jnp.mean(cat, axis=-1, keepdims=True)
    var = jnp.mean(jnp.square(cat - mean), axis=-1, keepdims=True)
    norm = (cat - mean) / jnp.sqrt(var + 1e-12)
    return norm * gamma + beta

if __name__ == "__main__":
    import jax
    _d = setup_inputs()
    print(jax.jit(kernel)(*tuple(_d.values())))

</pallas_src>

<mosaic_0001>
#map = affine_map<(d0, d1) -> (0, 0)>
#map1 = affine_map<(d0, d1) -> (0)>
module attributes {stable_mosaic.version = 14 : i64} {
  func.func @_body(%arg0: i32, %arg1: i32, %arg2: memref<16384x128xf32, #tpu.memory_space<hbm>>, %arg3: memref<288xf32, #tpu.memory_space<hbm>>, %arg4: memref<72xf32, #tpu.memory_space<hbm>>, %arg5: memref<16384x134xf32, #tpu.memory_space<hbm>>, %arg6: memref<128x128xf32, #tpu.memory_space<vmem>>, %arg7: memref<128x128xf32, #tpu.memory_space<vmem>>, %arg8: memref<128x128xf32, #tpu.memory_space<vmem>>, %arg9: memref<128x128xf32, #tpu.memory_space<vmem>>, %arg10: memref<128x6xf32, #tpu.memory_space<vmem>>, %arg11: memref<128x6xf32, #tpu.memory_space<vmem>>, %arg12: memref<288xf32, #tpu.memory_space<vmem>>, %arg13: memref<72xf32, #tpu.memory_space<vmem>>, %arg14: memref<!tpu.dma_semaphore, #tpu.memory_space<semaphore_mem>>, %arg15: memref<!tpu.dma_semaphore, #tpu.memory_space<semaphore_mem>>, %arg16: memref<!tpu.dma_semaphore, #tpu.memory_space<semaphore_mem>>, %arg17: memref<!tpu.dma_semaphore, #tpu.memory_space<semaphore_mem>>) attributes {dimension_semantics = [#tpu.dimension_semantics<core_parallel>, #tpu.dimension_semantics<subcore_parallel>], iteration_bounds = array<i64: 2, 16>, scalar_prefetch = 0 : i64, scratch_operands = 12 : i64, tpu.core_type = #tpu.core_type<sc_vector_subcore>, window_params = [{transform_indices = #map}, {transform_indices = #map1}, {transform_indices = #map1}, {transform_indices = #map}]} {
    %mul3A = arith.constant 2 : i32
    %mul3A_0 = arith.muli %arg1, %mul3A : i32
    %add3A = arith.addi %mul3A_0, %arg0 : i32
    %mul3A_1 = arith.constant 512 : i32
    %mul3A_2 = arith.muli %add3A, %mul3A_1 : i32
    %dma_start3A = arith.constant 0 : i32
    %dma_start3A_3 = tpu.memref_slice %arg2[%mul3A_2, %dma_start3A] : memref<16384x128xf32, #tpu.memory_space<hbm>> -> memref<128x128xf32, #tpu.memory_space<hbm>>
    %dma_start3A_4 = arith.constant 0 : i32
    %dma_start3A_5 = tpu.memref_slice %arg2[%mul3A_2, %dma_start3A_4] : memref<16384x128xf32, #tpu.memory_space<hbm>> -> memref<128x128xf32, #tpu.memory_space<hbm>>
    tpu.enqueue_dma source(%dma_start3A_5 : memref<128x128xf32, #tpu.memory_space<hbm>>) target(%arg6 : memref<128x128xf32, #tpu.memory_space<vmem>>) target_semaphore(%arg14 : memref<!tpu.dma_semaphore, #tpu.memory_space<semaphore_mem>>)
    tpu.enqueue_dma source(%arg4 : memref<72xf32, #tpu.memory_space<hbm>>) target(%arg13 : memref<72xf32, #tpu.memory_space<vmem>>) target_semaphore(%arg15 : memref<!tpu.dma_semaphore, #tpu.memory_space<semaphore_mem>>)
    tpu.wait_dma2 semaphore(%arg15 : memref<!tpu.dma_semaphore, #tpu.memory_space<semaphore_mem>>) src(%arg4 : memref<72xf32, #tpu.memory_space<hbm>>) dst(%arg13 : memref<72xf32, #tpu.memory_space<vmem>>)
    tpu.enqueue_dma source(%arg3 : memref<288xf32, #tpu.memory_space<hbm>>) target(%arg12 : memref<288xf32, #tpu.memory_space<vmem>>) target_semaphore(%arg15 : memref<!tpu.dma_semaphore, #tpu.memory_space<semaphore_mem>>)
    tpu.wait_dma2 semaphore(%arg15 : memref<!tpu.dma_semaphore, #tpu.memory_space<semaphore_mem>>) src(%arg3 : memref<288xf32, #tpu.memory_space<hbm>>) dst(%arg12 : memref<288xf32, #tpu.memory_space<vmem>>)
    %iota3A = tpu.iota {dimensions = array<i32: 0>} : vector<16xi32>
    %lt3A = arith.constant 7 : i32
    %lt3A_6 = vector.broadcast %lt3A : i32 to vector<16xi32>
    %lt3A_7 = arith.cmpi slt, %iota3A, %lt3A_6 : vector<16xi32>
    %lt3A_8 = arith.constant 6 : i32
    %lt3A_9 = vector.broadcast %lt3A_8 : i32 to vector<16xi32>
    %lt3A_10 = arith.cmpi slt, %iota3A, %lt3A_9 : vector<16xi32>
    %ge3A = arith.constant 1 : i32
    %ge3A_11 = vector.broadcast %ge3A : i32 to vector<16xi32>
    %ge3A_12 = arith.cmpi sge, %iota3A, %ge3A_11 : vector<16xi32>
    %le3A = arith.constant 9 : i32
    %le3A_13 = vector.broadcast %le3A : i32 to vector<16xi32>
    %le3A_14 = arith.cmpi sle, %iota3A, %le3A_13 : vector<16xi32>
    %and3A = arith.andi %ge3A_12, %le3A_14 : vector<16xi1>
    %ge3A_15 = arith.constant 10 : i32
    %ge3A_16 = vector.broadcast %ge3A_15 : i32 to vector<16xi32>
    %ge3A_17 = arith.cmpi sge, %iota3A, %ge3A_16 : vector<16xi32>
    %broadcast_in_dim3A = arith.constant 0 : i32
    %broadcast_in_dim3A_18 = vector.broadcast %broadcast_in_dim3A : i32 to vector<16xi32>
    %broadcast_in_dim3A_19 = arith.constant 15 : i32
    %broadcast_in_dim3A_20 = vector.broadcast %broadcast_in_dim3A_19 : i32 to vector<16xi32>
    %add3A_21 = arith.constant 10 : i32
    %add3A_22 = vector.broadcast %add3A_21 : i32 to vector<16xi32>
    %add3A_23 = arith.addi %iota3A, %add3A_22 : vector<16xi32>
    %jit3A = arith.constant 0 : i32
    %broadcast_in_dim3A_24 = vector.broadcast %jit3A : i32 to vector<16xi32>
    %select_n3A = arith.select %lt3A_10, %add3A_23, %broadcast_in_dim3A_24 : vector<16xi1>, vector<16xi32>
    %sub3A = arith.constant 6 : i32
    %sub3A_25 = vector.broadcast %sub3A : i32 to vector<16xi32>
    %sub3A_26 = arith.subi %iota3A, %sub3A_25 : vector<16xi32>
    %jit3A_27 = arith.constant 0 : i32
    %broadcast_in_dim3A_28 = vector.broadcast %jit3A_27 : i32 to vector<16xi32>
    %select_n3A_29 = arith.select %lt3A_7, %broadcast_in_dim3A_28, %sub3A_26 : vector<16xi1>, vector<16xi32>
    %broadcast_in_dim3A_30 = arith.constant 0.000000e+00 : f32
    %broadcast_in_dim3A_31 = vector.broadcast %broadcast_in_dim3A_30 : f32 to vector<16xf32>
    %get3A = arith.constant 0 : index
    %get3A_32 = tpu.vector_load %arg12[%get3A] {strides = array<i32>} : memref<288xf32, #tpu.memory_space<vmem>>, vector<16xf32>,
    %get3A_33 = arith.constant 16 : index
    %get3A_34 = tpu.vector_load %arg12[%get3A_33] {strides = array<i32>} : memref<288xf32, #tpu.memory_space<vmem>>, vector<16xf32>,
    %get3A_35 = arith.constant 32 : index
    %get3A_36 = tpu.vector_load %arg12[%get3A_35] {strides = array<i32>} : memref<288xf32, #tpu.memory_space<vmem>>, vector<16xf32>,
    %get3A_37 = arith.constant 48 : index
    %get3A_38 = tpu.vector_load %arg12[%get3A_37] {strides = array<i32>} : memref<288xf32, #tpu.memory_space<vmem>>, vector<16xf32>,
    %get3A_39 = arith.constant 64 : index
    %get3A_40 = tpu.vector_load %arg12[%get3A_39] {strides = array<i32>} : memref<288xf32, #tpu.memory_space<vmem>>, vector<16xf32>,
    %get3A_41 = arith.constant 80 : index
    %get3A_42 = tpu.vector_load %arg12[%get3A_41] {strides = array<i32>} : memref<288xf32, #tpu.memory_space<vmem>>, vector<16xf32>,
    %get3A_43 = arith.constant 96 : index
    %get3A_44 = tpu.vector_load %arg12[%get3A_43] {strides = array<i32>} : memref<288xf32, #tpu.memory_space<vmem>>, vector<16xf32>,
    %get3A_45 = arith.constant 112 : index
    %get3A_46 = tpu.vector_load %arg12[%get3A_45] {strides = array<i32>} : memref<288xf32, #tpu.memory_space<vmem>>, vector<16xf32>,
    %get3A_47 = arith.constant 134 : index
    %get3A_48 = tpu.vector_load %arg12[%get3A_47] {strides = array<i32>} : memref<288xf32, #tpu.memory_space<vmem>>, vector<16xf32>,
    %get3A_49 = arith.constant 150 : index
    %get3A_50 = tpu.vector_load %arg12[%get3A_49] {strides = array<i32>} : memref<288xf32, #tpu.memory_space<vmem>>, vector<16xf32>,
    %get3A_51 = arith.constant 166 : index
    %get3A_52 = tpu.vector_load %arg12[%get3A_51] {strides = array<i32>} : memref<288xf32, #tpu.memory_space<vmem>>, vector<16xf32>,
    %get3A_53 = arith.constant 182 : index
    %get3A_54 = tpu.vector_load %arg12[%get3A_53] {strides = array<i32>} : memref<288xf32, #tpu.memory_space<vmem>>, vector<16xf32>,
    %get3A_55 = arith.constant 198 : index
    %get3A_56 = tpu.vector_load %arg12[%get3A_55] {strides = array<i32>} : memref<288xf32, #tpu.memory_space<vmem>>, vector<16xf32>,
    %get3A_57 = arith.constant 214 : index
    %get3A_58 = tpu.vector_load %arg12[%get3A_57] {strides = array<i32>} : memref<288xf32, #tpu.memory_space<vmem>>, vector<16xf32>,
    %get3A_59 = arith.constant 230 : index
    %get3A_60 = tpu.vector_load %arg12[%get3A_59] {strides = array<i32>} : memref<288xf32, #tpu.memory_space<vmem>>, vector<16xf32>,
    %get3A_61 = arith.constant 246 : index
    %get3A_62 = tpu.vector_load %arg12[%get3A_61] {strides = array<i32>} : memref<288xf32, #tpu.memory_space<vmem>>, vector<16xf32>,
    %get3A_63 = arith.constant 128 : index
    %get3A_64 = tpu.vector_load %arg12[%get3A_63] {strides = array<i32>} : memref<288xf32, #tpu.memory_space<vmem>>, vector<16xf32>,
    %get3A_65 = arith.constant 262 : index
    %get3A_66 = tpu.vector_load %arg12[%get3A_65] {strides = array<i32>} : memref<288xf32, #tpu.memory_space<vmem>>, vector<16xf32>,
    %mul3A_67 = arith.constant 512 : i32
    %mul3A_68 = arith.muli %add3A, %mul3A_67 : i32
    %add3A_69 = arith.constant 128 : i32
    %add3A_70 = arith.addi %mul3A_68, %add3A_69 : i32
    %dma_start3A_71 = arith.constant 0 : i32
    %dma_start3A_72 = tpu.memref_slice %arg2[%add3A_70, %dma_start3A_71] : memref<16384x128xf32, #tpu.memory_space<hbm>> -> memref<128x128xf32, #tpu.memory_space<hbm>>
    %dma_start3A_73 = arith.constant 0 : i32
    %dma_start3A_74 = tpu.memref_slice %arg2[%add3A_70, %dma_start3A_73] : memref<16384x128xf32, #tpu.memory_space<hbm>> -> memref<128x128xf32, #tpu.memory_space<hbm>>
    tpu.enqueue_dma source(%dma_start3A_74 : memref<128x128xf32, #tpu.memory_space<hbm>>) target(%arg7 : memref<128x128xf32, #tpu.memory_space<vmem>>) target_semaphore(%arg15 : memref<!tpu.dma_semaphore, #tpu.memory_space<semaphore_mem>>)
    %dma_wait3A = arith.constant 0 : i32
    %dma_wait3A_75 = tpu.memref_slice %arg2[%mul3A_2, %dma_wait3A] : memref<16384x128xf32, #tpu.memory_space<hbm>> -> memref<128x128xf32, #tpu.memory_space<hbm>>
    %dma_wait3A_76 = arith.constant 0 : i32
    %dma_wait3A_77 = tpu.memref_slice %arg2[%mul3A_2, %dma_wait3A_76] : memref<16384x128xf32, #tpu.memory_space<hbm>> -> memref<128x128xf32, #tpu.memory_space<hbm>>
    tpu.wait_dma2 semaphore(%arg14 : memref<!tpu.dma_semaphore, #tpu.memory_space<semaphore_mem>>) src(%dma_wait3A_77 : memref<128x128xf32, #tpu.memory_space<hbm>>) dst(%arg6 : memref<128x128xf32, #tpu.memory_space<vmem>>)
    %parallel_loop3A = arith.constant 0 : i32
    %parallel_loop3A_78 = arith.constant 128 : i32
    %parallel_loop3A_79 = arith.constant 1 : i32
    scf.for %parallel_loop3A_213 = %parallel_loop3A to %parallel_loop3A_78 step %parallel_loop3A_79  : i32 {
      %parallel_loop3A_214 = arith.index_cast %parallel_loop3A_213 : i32 to index
      %parallel_loop3A_215 = arith.constant 0 : index
      %parallel_loop3A_216 = tpu.vector_load %arg6[%parallel_loop3A_214, %parallel_loop3A_215] {strides = array<i32>} : memref<128x128xf32, #tpu.memory_space<vmem>>, vector<16xf32>,
      %parallel_loop3A_217 = arith.index_cast %parallel_loop3A_213 : i32 to index
      %parallel_loop3A_218 = arith.constant 10 : index
      %parallel_loop3A_219 = tpu.vector_load %arg6[%parallel_loop3A_217, %parallel_loop3A_218] {strides = array<i32>} : memref<128x128xf32, #tpu.memory_space<vmem>>, vector<16xf32>,
      %parallel_loop3A_220 = arith.index_cast %parallel_loop3A_213 : i32 to index
      %parallel_loop3A_221 = arith.constant 26 : index
      %parallel_loop3A_222 = tpu.vector_load %arg6[%parallel_loop3A_220, %parallel_loop3A_221] {strides = array<i32>} : memref<128x128xf32, #tpu.memory_space<vmem>>, vector<16xf32>,
      %parallel_loop3A_223 = arith.index_cast %parallel_loop3A_213 : i32 to index
      %parallel_loop3A_224 = arith.constant 42 : index
      %parallel_loop3A_225 = tpu.vector_load %arg6[%parallel_loop3A_223, %parallel_loop3A_224] {strides = array<i32>} : memref<128x128xf32, #tpu.memory_space<vmem>>, vector<16xf32>,
      %parallel_loop3A_226 = arith.index_cast %parallel_loop3A_213 : i32 to index
      %parallel_loop3A_227 = arith.constant 58 : index
      %parallel_loop3A_228 = tpu.vector_load %arg6[%parallel_loop3A_226, %parallel_loop3A_227] {strides = array<i32>} : memref<128x128xf32, #tpu.memory_space<vmem>>, vector<16xf32>,
      %parallel_loop3A_229 = arith.index_cast %parallel_loop3A_213 : i32 to index
      %parallel_loop3A_230 = arith.constant 74 : index
      %parallel_loop3A_231 = tpu.vector_load %arg6[%parallel_loop3A_229, %parallel_loop3A_230] {strides = array<i32>} : memref<128x128xf32, #tpu.memory_space<vmem>>, vector<16xf32>,
      %parallel_loop3A_232 = arith.index_cast %parallel_loop3A_213 : i32 to index
      %parallel_loop3A_233 = arith.constant 90 : index
      %parallel_loop3A_234 = tpu.vector_load %arg6[%parallel_loop3A_232, %parallel_loop3A_233] {strides = array<i32>} : memref<128x128xf32, #tpu.memory_space<vmem>>, vector<16xf32>,
      %parallel_loop3A_235 = arith.index_cast %parallel_loop3A_213 : i32 to index
      %parallel_loop3A_236 = arith.constant 106 : index
      %parallel_loop3A_237 = tpu.vector_load %arg6[%parallel_loop3A_235, %parallel_loop3A_236] {strides = array<i32>} : memref<128x128xf32, #tpu.memory_space<vmem>>, vector<16xf32>,
      %parallel_loop3A_238 = arith.index_cast %parallel_loop3A_213 : i32 to index
      %parallel_loop3A_239 = arith.constant 112 : index
      %parallel_loop3A_240 = tpu.vector_load %arg6[%parallel_loop3A_238, %parallel_loop3A_239] {strides = array<i32>} : memref<128x128xf32, #tpu.memory_space<vmem>>, vector<16xf32>,
      %parallel_loop3A_241 = arith.fptosi %parallel_loop3A_216 : vector<16xf32> to vector<16xi32>
      %parallel_loop3A_242 = arith.constant 0 : i32
      %parallel_loop3A_243 = vector.broadcast %parallel_loop3A_242 : i32 to vector<16xi32>
      %parallel_loop3A_244 = arith.cmpi slt, %broadcast_in_dim3A_18, %parallel_loop3A_243 : vector<16xi32>
      %parallel_loop3A_245 = arith.constant 16 : i32
      %parallel_loop3A_246 = vector.broadcast %parallel_loop3A_245 : i32 to vector<16xi32>
      %parallel_loop3A_247 = arith.addi %broadcast_in_dim3A_18, %parallel_loop3A_246 : vector<16xi32>
      %parallel_loop3A_248 = arith.select %parallel_loop3A_244, %parallel_loop3A_247, %broadcast_in_dim3A_18 : vector<16xi1>, vector<16xi32>
      %parallel_loop3A_249 = vector.shape_cast %parallel_loop3A_248 : vector<16xi32> to vector<16x1xi32>
      %parallel_loop3A_250 = vector.shape_cast %parallel_loop3A_249 : vector<16x1xi32> to vector<16xi32>
      %parallel_loop3A_251 = tpu.dynamic_gather %parallel_loop3A_241[%parallel_loop3A_250] in [0] : vector<16xi32>, vector<16xi32> -> vector<16xi32>
      %parallel_loop3A_252 = arith.constant 1 : i32
      %parallel_loop3A_253 = vector.broadcast %parallel_loop3A_252 : i32 to vector<16xi32>
      %parallel_loop3A_254 = arith.addi %parallel_loop3A_251, %parallel_loop3A_253 : vector<16xi32>
      %parallel_loop3A_255 = arith.constant 7 : i32
      %parallel_loop3A_256 = vector.broadcast %parallel_loop3A_255 : i32 to vector<16xi32>
      %parallel_loop3A_257 = arith.muli %parallel_loop3A_254, %parallel_loop3A_256 : vector<16xi32>
      %parallel_loop3A_258 = arith.addi %parallel_loop3A_257, %iota3A : vector<16xi32>
      %parallel_loop3A_259 = arith.constant 0 : i32
      %parallel_loop3A_260 = vector.broadcast %parallel_loop3A_259 : i32 to vector<16xi32>
      %parallel_loop3A_261 = arith.select %lt3A_7, %parallel_loop3A_258, %parallel_loop3A_260 : vector<16xi1>, vector<16xi32>
      %parallel_loop3A_262 = tpu.vector_load_idx %arg13[%parallel_loop3A_261] masked %lt3A_7 : memref<72xf32, #tpu.memory_space<vmem>>[vector<16xi32>], vector<16xf32>, vector<16xi1>
      %parallel_loop3A_263 = arith.select %lt3A_7, %parallel_loop3A_262, %broadcast_in_dim3A_31 : vector<16xi1>, vector<16xf32>
      %parallel_loop3A_264 = arith.select %and3A, %parallel_loop3A_216, %broadcast_in_dim3A_31 : vector<16xi1>, vector<16xf32>
      %parallel_loop3A_265 = arith.select %ge3A_17, %parallel_loop3A_240, %broadcast_in_dim3A_31 : vector<16xi1>, vector<16xf32>
      %parallel_loop3A_266 = arith.addf %parallel_loop3A_263, %parallel_loop3A_264 : vector<16xf32>
      %parallel_loop3A_267 = arith.addf %parallel_loop3A_266, %parallel_loop3A_265 : vector<16xf32>
      %parallel_loop3A_268 = arith.mulf %parallel_loop3A_263, %parallel_loop3A_263 : vector<16xf32>
      %parallel_loop3A_269 = arith.mulf %parallel_loop3A_264, %parallel_loop3A_264 : vector<16xf32>
      %parallel_loop3A_270 = arith.addf %parallel_loop3A_268, %parallel_loop3A_269 : vector<16xf32>
      %parallel_loop3A_271 = arith.mulf %parallel_loop3A_265, %parallel_loop3A_265 : vector<16xf32>
      %parallel_loop3A_272 = arith.addf %parallel_loop3A_270, %parallel_loop3A_271 : vector<16xf32>
      %parallel_loop3A_273 = arith.addf %parallel_loop3A_267, %parallel_loop3A_219 : vector<16xf32>
      %parallel_loop3A_274 = arith.mulf %parallel_loop3A_219, %parallel_loop3A_219 : vector<16xf32>
      %parallel_loop3A_275 = arith.addf %parallel_loop3A_272, %parallel_loop3A_274 : vector<16xf32>
      %parallel_loop3A_276 = arith.addf %parallel_loop3A_273, %parallel_loop3A_222 : vector<16xf32>
      %parallel_loop3A_277 = arith.mulf %parallel_loop3A_222, %parallel_loop3A_222 : vector<16xf32>
      %parallel_loop3A_278 = arith.addf %parallel_loop3A_275, %parallel_loop3A_277 : vector<16xf32>
      %parallel_loop3A_279 = arith.addf %parallel_loop3A_276, %parallel_loop3A_225 : vector<16xf32>
      %parallel_loop3A_280 = arith.mulf %parallel_loop3A_225, %parallel_loop3A_225 : vector<16xf32>
      %parallel_loop3A_281 = arith.addf %parallel_loop3A_278, %parallel_loop3A_280 : vector<16xf32>
      %parallel_loop3A_282 = arith.addf %parallel_loop3A_279, %parallel_loop3A_228 : vector<16xf32>
      %parallel_loop3A_283 = arith.mulf %parallel_loop3A_228, %parallel_loop3A_228 : vector<16xf32>
      %parallel_loop3A_284 = arith.addf %parallel_loop3A_281, %parallel_loop3A_283 : vector<16xf32>
      %parallel_loop3A_285 = arith.addf %parallel_loop3A_282, %parallel_loop3A_231 : vector<16xf32>
      %parallel_loop3A_286 = arith.mulf %parallel_loop3A_231, %parallel_loop3A_231 : vector<16xf32>
      %parallel_loop3A_287 = arith.addf %parallel_loop3A_284, %parallel_loop3A_286 : vector<16xf32>
      %parallel_loop3A_288 = arith.addf %parallel_loop3A_285, %parallel_loop3A_234 : vector<16xf32>
      %parallel_loop3A_289 = arith.mulf %parallel_loop3A_234, %parallel_loop3A_234 : vector<16xf32>
      %parallel_loop3A_290 = arith.addf %parallel_loop3A_287, %parallel_loop3A_289 : vector<16xf32>
      %parallel_loop3A_291 = arith.addf %parallel_loop3A_288, %parallel_loop3A_237 : vector<16xf32>
      %parallel_loop3A_292 = arith.mulf %parallel_loop3A_237, %parallel_loop3A_237 : vector<16xf32>
      %parallel_loop3A_293 = arith.addf %parallel_loop3A_290, %parallel_loop3A_292 : vector<16xf32>
      %parallel_loop3A_294 = arith.constant true
      %parallel_loop3A_295 = vector.broadcast %parallel_loop3A_294 : i1 to vector<16xi1>
      %parallel_loop3A_296 = tpu.scan <sum>, %parallel_loop3A_291 masked %parallel_loop3A_295 : vector<16xf32>, vector<16xi1> -> vector<16xf32>
      %parallel_loop3A_297 = arith.constant 0 : i32
      %parallel_loop3A_298 = vector.broadcast %parallel_loop3A_297 : i32 to vector<16xi32>
      %parallel_loop3A_299 = arith.cmpi slt, %broadcast_in_dim3A_20, %parallel_loop3A_298 : vector<16xi32>
      %parallel_loop3A_300 = arith.constant 16 : i32
      %parallel_loop3A_301 = vector.broadcast %parallel_loop3A_300 : i32 to vector<16xi32>
      %parallel_loop3A_302 = arith.addi %broadcast_in_dim3A_20, %parallel_loop3A_301 : vector<16xi32>
      %parallel_loop3A_303 = arith.select %parallel_loop3A_299, %parallel_loop3A_302, %broadcast_in_dim3A_20 : vector<16xi1>, vector<16xi32>
      %parallel_loop3A_304 = vector.shape_cast %parallel_loop3A_303 : vector<16xi32> to vector<16x1xi32>
      %parallel_loop3A_305 = vector.shape_cast %parallel_loop3A_304 : vector<16x1xi32> to vector<16xi32>
      %parallel_loop3A_306 = tpu.dynamic_gather %parallel_loop3A_296[%parallel_loop3A_305] in [0] : vector<16xf32>, vector<16xi32> -> vector<16xf32>
      %parallel_loop3A_307 = arith.constant true
      %parallel_loop3A_308 = vector.broadcast %parallel_loop3A_307 : i1 to vector<16xi1>
      %parallel_loop3A_309 = tpu.scan <sum>, %parallel_loop3A_293 masked %parallel_loop3A_308 : vector<16xf32>, vector<16xi1> -> vector<16xf32>
      %parallel_loop3A_310 = arith.constant 0 : i32
      %parallel_loop3A_311 = vector.broadcast %parallel_loop3A_310 : i32 to vector<16xi32>
      %parallel_loop3A_312 = arith.cmpi slt, %broadcast_in_dim3A_20, %parallel_loop3A_311 : vector<16xi32>
      %parallel_loop3A_313 = arith.constant 16 : i32
      %parallel_loop3A_314 = vector.broadcast %parallel_loop3A_313 : i32 to vector<16xi32>
      %parallel_loop3A_315 = arith.addi %broadcast_in_dim3A_20, %parallel_loop3A_314 : vector<16xi32>
      %parallel_loop3A_316 = arith.select %parallel_loop3A_312, %parallel_loop3A_315, %broadcast_in_dim3A_20 : vector<16xi1>, vector<16xi32>
      %parallel_loop3A_317 = vector.shape_cast %parallel_loop3A_316 : vector<16xi32> to vector<16x1xi32>
      %parallel_loop3A_318 = vector.shape_cast %parallel_loop3A_317 : vector<16x1xi32> to vector<16xi32>
      %parallel_loop3A_319 = tpu.dynamic_gather %parallel_loop3A_309[%parallel_loop3A_318] in [0] : vector<16xf32>, vector<16xi32> -> vector<16xf32>
      %parallel_loop3A_320 = arith.constant 0.00746268639 : f32
      %parallel_loop3A_321 = vector.broadcast %parallel_loop3A_320 : f32 to vector<16xf32>
      %parallel_loop3A_322 = arith.mulf %parallel_loop3A_306, %parallel_loop3A_321 : vector<16xf32>
      %parallel_loop3A_323 = arith.constant 0.00746268639 : f32
      %parallel_loop3A_324 = vector.broadcast %parallel_loop3A_323 : f32 to vector<16xf32>
      %parallel_loop3A_325 = arith.mulf %parallel_loop3A_319, %parallel_loop3A_324 : vector<16xf32>
      %parallel_loop3A_326 = arith.mulf %parallel_loop3A_322, %parallel_loop3A_322 : vector<16xf32>
      %parallel_loop3A_327 = arith.subf %parallel_loop3A_325, %parallel_loop3A_326 : vector<16xf32>
      %parallel_loop3A_328 = arith.constant 9.99999996E-13 : f32
      %parallel_loop3A_329 = vector.broadcast %parallel_loop3A_328 : f32 to vector<16xf32>
      %parallel_loop3A_330 = arith.addf %parallel_loop3A_327, %parallel_loop3A_329 : vector<16xf32>
      %parallel_loop3A_331 = tpu.bitcast %parallel_loop3A_330 : vector<16xf32> -> vector<16xi32>
      %parallel_loop3A_332 = arith.constant 1 : i32
      %parallel_loop3A_333 = vector.broadcast %parallel_loop3A_332 : i32 to vector<16xi32>
      %parallel_loop3A_334 = arith.shrui %parallel_loop3A_331, %parallel_loop3A_333 : vector<16xi32>
      %parallel_loop3A_335 = arith.constant 1597463007 : i32
      %parallel_loop3A_336 = vector.broadcast %parallel_loop3A_335 : i32 to vector<16xi32>
      %parallel_loop3A_337 = arith.subi %parallel_loop3A_336, %parallel_loop3A_334 : vector<16xi32>
      %parallel_loop3A_338 = tpu.bitcast %parallel_loop3A_337 : vector<16xi32> -> vector<16xf32>
      %parallel_loop3A_339 = arith.constant 5.000000e-01 : f32
      %parallel_loop3A_340 = vector.broadcast %parallel_loop3A_339 : f32 to vector<16xf32>
      %parallel_loop3A_341 = arith.mulf %parallel_loop3A_340, %parallel_loop3A_330 : vector<16xf32>
      %parallel_loop3A_342 = arith.mulf %parallel_loop3A_341, %parallel_loop3A_338 : vector<16xf32>
      %parallel_loop3A_343 = arith.mulf %parallel_loop3A_342, %parallel_loop3A_338 : vector<16xf32>
      %parallel_loop3A_344 = arith.constant 1.500000e+00 : f32
      %parallel_loop3A_345 = vector.broadcast %parallel_loop3A_344 : f32 to vector<16xf32>
      %parallel_loop3A_346 = arith.subf %parallel_loop3A_345, %parallel_loop3A_343 : vector<16xf32>
      %parallel_loop3A_347 = arith.mulf %parallel_loop3A_338, %parallel_loop3A_346 : vector<16xf32>
      %parallel_loop3A_348 = arith.constant 5.000000e-01 : f32
      %parallel_loop3A_349 = vector.broadcast %parallel_loop3A_348 : f32 to vector<16xf32>
      %parallel_loop3A_350 = arith.mulf %parallel_loop3A_349, %parallel_loop3A_330 : vector<16xf32>
      %parallel_loop3A_351 = arith.mulf %parallel_loop3A_350, %parallel_loop3A_347 : vector<16xf32>
      %parallel_loop3A_352 = arith.mulf %parallel_loop3A_351, %parallel_loop3A_347 : vector<16xf32>
      %parallel_loop3A_353 = arith.constant 1.500000e+00 : f32
      %parallel_loop3A_354 = vector.broadcast %parallel_loop3A_353 : f32 to vector<16xf32>
      %parallel_loop3A_355 = arith.subf %parallel_loop3A_354, %parallel_loop3A_352 : vector<16xf32>
      %parallel_loop3A_356 = arith.mulf %parallel_loop3A_347, %parallel_loop3A_355 : vector<16xf32>
      %parallel_loop3A_357 = arith.constant 5.000000e-01 : f32
      %parallel_loop3A_358 = vector.broadcast %parallel_loop3A_357 : f32 to vector<16xf32>
      %parallel_loop3A_359 = arith.mulf %parallel_loop3A_358, %parallel_loop3A_330 : vector<16xf32>
      %parallel_loop3A_360 = arith.mulf %parallel_loop3A_359, %parallel_loop3A_356 : vector<16xf32>
      %parallel_loop3A_361 = arith.mulf %parallel_loop3A_360, %parallel_loop3A_356 : vector<16xf32>
      %parallel_loop3A_362 = arith.constant 1.500000e+00 : f32
      %parallel_loop3A_363 = vector.broadcast %parallel_loop3A_362 : f32 to vector<16xf32>
      %parallel_loop3A_364 = arith.subf %parallel_loop3A_363, %parallel_loop3A_361 : vector<16xf32>
      %parallel_loop3A_365 = arith.mulf %parallel_loop3A_356, %parallel_loop3A_364 : vector<16xf32>
      %parallel_loop3A_366 = arith.constant 0 : i32
      %parallel_loop3A_367 = vector.broadcast %parallel_loop3A_366 : i32 to vector<16xi32>
      %parallel_loop3A_368 = arith.cmpi slt, %select_n3A_29, %parallel_loop3A_367 : vector<16xi32>
      %parallel_loop3A_369 = arith.constant 16 : i32
      %parallel_loop3A_370 = vector.broadcast %parallel_loop3A_369 : i32 to vector<16xi32>
      %parallel_loop3A_371 = arith.addi %select_n3A_29, %parallel_loop3A_370 : vector<16xi32>
      %parallel_loop3A_372 = arith.select %parallel_loop3A_368, %parallel_loop3A_371, %select_n3A_29 : vector<16xi1>, vector<16xi32>
      %parallel_loop3A_373 = vector.shape_cast %parallel_loop3A_372 : vector<16xi32> to vector<16x1xi32>
      %parallel_loop3A_374 = vector.shape_cast %parallel_loop3A_373 : vector<16x1xi32> to vector<16xi32>
      %parallel_loop3A_375 = tpu.dynamic_gather %parallel_loop3A_216[%parallel_loop3A_374] in [0] : vector<16xf32>, vector<16xi32> -> vector<16xf32>
      %parallel_loop3A_376 = arith.select %lt3A_7, %parallel_loop3A_263, %parallel_loop3A_375 : vector<16xi1>, vector<16xf32>
      %parallel_loop3A_377 = arith.subf %parallel_loop3A_376, %parallel_loop3A_322 : vector<16xf32>
      %parallel_loop3A_378 = arith.mulf %parallel_loop3A_377, %parallel_loop3A_365 : vector<16xf32>
      %parallel_loop3A_379 = arith.mulf %parallel_loop3A_378, %get3A_32 : vector<16xf32>
      %parallel_loop3A_380 = arith.addf %parallel_loop3A_379, %get3A_48 : vector<16xf32>
      %parallel_loop3A_381 = arith.index_cast %parallel_loop3A_213 : i32 to index
      %parallel_loop3A_382 = arith.constant 0 : index
      %parallel_loop3A_383 = tpu.vector_load %arg8[%parallel_loop3A_381, %parallel_loop3A_382] {strides = array<i32>} : memref<128x128xf32, #tpu.memory_space<vmem>>, vector<16xf32>,
      tpu.vector_store %arg8[%parallel_loop3A_381, %parallel_loop3A_382], %parallel_loop3A_380 {strides = array<i32>} : memref<128x128xf32, #tpu.memory_space<vmem>>, vector<16xf32>,
      %parallel_loop3A_384 = arith.subf %parallel_loop3A_219, %parallel_loop3A_322 : vector<16xf32>
      %parallel_loop3A_385 = arith.mulf %parallel_loop3A_384, %parallel_loop3A_365 : vector<16xf32>
      %parallel_loop3A_386 = arith.mulf %parallel_loop3A_385, %get3A_34 : vector<16xf32>
      %parallel_loop3A_387 = arith.addf %parallel_loop3A_386, %get3A_50 : vector<16xf32>
      %parallel_loop3A_388 = arith.index_cast %parallel_loop3A_213 : i32 to index
      %parallel_loop3A_389 = arith.constant 16 : index
      %parallel_loop3A_390 = tpu.vector_load %arg8[%parallel_loop3A_388, %parallel_loop3A_389] {strides = array<i32>} : memref<128x128xf32, #tpu.memory_space<vmem>>, vector<16xf32>,
      tpu.vector_store %arg8[%parallel_loop3A_388, %parallel_loop3A_389], %parallel_loop3A_387 {strides = array<i32>} : memref<128x128xf32, #tpu.memory_space<vmem>>, vector<16xf32>,
      %parallel_loop3A_391 = arith.subf %parallel_loop3A_222, %parallel_loop3A_322 : vector<16xf32>
      %parallel_loop3A_392 = arith.mulf %parallel_loop3A_391, %parallel_loop3A_365 : vector<16xf32>
      %parallel_loop3A_393 = arith.mulf %parallel_loop3A_392, %get3A_36 : vector<16xf32>
      %parallel_loop3A_394 = arith.addf %parallel_loop3A_393, %get3A_52 : vector<16xf32>
      %parallel_loop3A_395 = arith.index_cast %parallel_loop3A_213 : i32 to index
      %parallel_loop3A_396 = arith.constant 32 : index
      %parallel_loop3A_397 = tpu.vector_load %arg8[%parallel_loop3A_395, %parallel_loop3A_396] {strides = array<i32>} : memref<128x128xf32, #tpu.memory_space<vmem>>, vector<16xf32>,
      tpu.vector_store %arg8[%parallel_loop3A_395, %parallel_loop3A_396], %parallel_loop3A_394 {strides = array<i32>} : memref<128x128xf32, #tpu.memory_space<vmem>>, vector<16xf32>,
      %parallel_loop3A_398 = arith.subf %parallel_loop3A_225, %parallel_loop3A_322 : vector<16xf32>
      %parallel_loop3A_399 = arith.mulf %parallel_loop3A_398, %parallel_loop3A_365 : vector<16xf32>
      %parallel_loop3A_400 = arith.mulf %parallel_loop3A_399, %get3A_38 : vector<16xf32>
      %parallel_loop3A_401 = arith.addf %parallel_loop3A_400, %get3A_54 : vector<16xf32>
      %parallel_loop3A_402 = arith.index_cast %parallel_loop3A_213 : i32 to index
      %parallel_loop3A_403 = arith.constant 48 : index
      %parallel_loop3A_404 = tpu.vector_load %arg8[%parallel_loop3A_402, %parallel_loop3A_403] {strides = array<i32>} : memref<128x128xf32, #tpu.memory_space<vmem>>, vector<16xf32>,
      tpu.vector_store %arg8[%parallel_loop3A_402, %parallel_loop3A_403], %parallel_loop3A_401 {strides = array<i32>} : memref<128x128xf32, #tpu.memory_space<vmem>>, vector<16xf32>,
      %parallel_loop3A_405 = arith.subf %parallel_loop3A_228, %parallel_loop3A_322 : vector<16xf32>
      %parallel_loop3A_406 = arith.mulf %parallel_loop3A_405, %parallel_loop3A_365 : vector<16xf32>
      %parallel_loop3A_407 = arith.mulf %parallel_loop3A_406, %get3A_40 : vector<16xf32>
      %parallel_loop3A_408 = arith.addf %parallel_loop3A_407, %get3A_56 : vector<16xf32>
      %parallel_loop3A_409 = arith.index_cast %parallel_loop3A_213 : i32 to index
      %parallel_loop3A_410 = arith.constant 64 : index
      %parallel_loop3A_411 = tpu.vector_load %arg8[%parallel_loop3A_409, %parallel_loop3A_410] {strides = array<i32>} : memref<128x128xf32, #tpu.memory_space<vmem>>, vector<16xf32>,
      tpu.vector_store %arg8[%parallel_loop3A_409, %parallel_loop3A_410], %parallel_loop3A_408 {strides = array<i32>} : memref<128x128xf32, #tpu.memory_space<vmem>>, vector<16xf32>,
      %parallel_loop3A_412 = arith.subf %parallel_loop3A_231, %parallel_loop3A_322 : vector<16xf32>
      %parallel_loop3A_413 = arith.mulf %parallel_loop3A_412, %parallel_loop3A_365 : vector<16xf32>
      %parallel_loop3A_414 = arith.mulf %parallel_loop3A_413, %get3A_42 : vector<16xf32>
      %parallel_loop3A_415 = arith.addf %parallel_loop3A_414, %get3A_58 : vector<16xf32>
      %parallel_loop3A_416 = arith.index_cast %parallel_loop3A_213 : i32 to index
      %parallel_loop3A_417 = arith.constant 80 : index
      %parallel_loop3A_418 = tpu.vector_load %arg8[%parallel_loop3A_416, %parallel_loop3A_417] {strides = array<i32>} : memref<128x128xf32, #tpu.memory_space<vmem>>, vector<16xf32>,
      tpu.vector_store %arg8[%parallel_loop3A_416, %parallel_loop3A_417], %parallel_loop3A_415 {strides = array<i32>} : memref<128x128xf32, #tpu.memory_space<vmem>>, vector<16xf32>,
      %parallel_loop3A_419 = arith.subf %parallel_loop3A_234, %parallel_loop3A_322 : vector<16xf32>
      %parallel_loop3A_420 = arith.mulf %parallel_loop3A_419, %parallel_loop3A_365 : vector<16xf32>
      %parallel_loop3A_421 = arith.mulf %parallel_loop3A_420, %get3A_44 : vector<16xf32>
      %parallel_loop3A_422 = arith.addf %parallel_loop3A_421, %get3A_60 : vector<16xf32>
      %parallel_loop3A_423 = arith.index_cast %parallel_loop3A_213 : i32 to index
      %parallel_loop3A_424 = arith.constant 96 : index
      %parallel_loop3A_425 = tpu.vector_load %arg8[%parallel_loop3A_423, %parallel_loop3A_424] {strides = array<i32>} : memref<128x128xf32, #tpu.memory_space<vmem>>, vector<16xf32>,
      tpu.vector_store %arg8[%parallel_loop3A_423, %parallel_loop3A_424], %parallel_loop3A_422 {strides = array<i32>} : memref<128x128xf32, #tpu.memory_space<vmem>>, vector<16xf32>,
      %parallel_loop3A_426 = arith.subf %parallel_loop3A_237, %parallel_loop3A_322 : vector<16xf32>
      %parallel_loop3A_427 = arith.mulf %parallel_loop3A_426, %parallel_loop3A_365 : vector<16xf32>
      %parallel_loop3A_428 = arith.mulf %parallel_loop3A_427, %get3A_46 : vector<16xf32>
      %parallel_loop3A_429 = arith.addf %parallel_loop3A_428, %get3A_62 : vector<16xf32>
      %parallel_loop3A_430 = arith.index_cast %parallel_loop3A_213 : i32 to index
      %parallel_loop3A_431 = arith.constant 112 : index
      %parallel_loop3A_432 = tpu.vector_load %arg8[%parallel_loop3A_430, %parallel_loop3A_431] {strides = array<i32>} : memref<128x128xf32, #tpu.memory_space<vmem>>, vector<16xf32>,
      tpu.vector_store %arg8[%parallel_loop3A_430, %parallel_loop3A_431], %parallel_loop3A_429 {strides = array<i32>} : memref<128x128xf32, #tpu.memory_space<vmem>>, vector<16xf32>,
      %parallel_loop3A_433 = arith.constant 0 : i32
      %parallel_loop3A_434 = vector.broadcast %parallel_loop3A_433 : i32 to vector<16xi32>
      %parallel_loop3A_435 = arith.cmpi slt, %select_n3A, %parallel_loop3A_434 : vector<16xi32>
      %parallel_loop3A_436 = arith.constant 16 : i32
      %parallel_loop3A_437 = vector.broadcast %parallel_loop3A_436 : i32 to vector<16xi32>
      %parallel_loop3A_438 = arith.addi %select_n3A, %parallel_loop3A_437 : vector<16xi32>
      %parallel_loop3A_439 = arith.select %parallel_loop3A_435, %parallel_loop3A_438, %select_n3A : vector<16xi1>, vector<16xi32>
      %parallel_loop3A_440 = vector.shape_cast %parallel_loop3A_439 : vector<16xi32> to vector<16x1xi32>
      %parallel_loop3A_441 = vector.shape_cast %parallel_loop3A_440 : vector<16x1xi32> to vector<16xi32>
      %parallel_loop3A_442 = tpu.dynamic_gather %parallel_loop3A_240[%parallel_loop3A_441] in [0] : vector<16xf32>, vector<16xi32> -> vector<16xf32>
      %parallel_loop3A_443 = arith.subf %parallel_loop3A_442, %parallel_loop3A_322 : vector<16xf32>
      %parallel_loop3A_444 = arith.mulf %parallel_loop3A_443, %parallel_loop3A_365 : vector<16xf32>
      %parallel_loop3A_445 = arith.mulf %parallel_loop3A_444, %get3A_64 : vector<16xf32>
      %parallel_loop3A_446 = arith.addf %parallel_loop3A_445, %get3A_66 : vector<16xf32>
      %parallel_loop3A_447 = vector.broadcast %parallel_loop3A_213 : i32 to vector<16xi32>
      %parallel_loop3A_448 = arith.addi %parallel_loop3A_447, %broadcast_in_dim3A_18 : vector<16xi32>
      tpu.vector_store_idx %arg10[%parallel_loop3A_448, %iota3A], %parallel_loop3A_446 masked %lt3A_10 : memref<128x6xf32, #tpu.memory_space<vmem>>[vector<16xi32>, vector<16xi32>], vector<16xf32>, vector<16xi1>
    } {sc.loop_unroll_factor = 2 : i64, sc.parallel_access}
    %mul3A_80 = arith.constant 512 : i32
    %mul3A_81 = arith.muli %add3A, %mul3A_80 : i32
    %add3A_82 = arith.constant 0 : i32
    %add3A_83 = arith.addi %mul3A_81, %add3A_82 : i32
    %dma_start3A_84 = arith.constant 0 : i32
    %dma_start3A_85 = tpu.memref_slice %arg5[%add3A_83, %dma_start3A_84] : memref<16384x134xf32, #tpu.memory_space<hbm>> -> memref<128x128xf32, #tpu.memory_space<hbm>>
    %dma_start3A_86 = arith.constant 0 : i32
    %dma_start3A_87 = tpu.memref_slice %arg5[%add3A_83, %dma_start3A_86] : memref<16384x134xf32, #tpu.memory_space<hbm>> -> memref<128x128xf32, #tpu.memory_space<hbm>>
    tpu.enqueue_dma source(%arg8 : memref<128x128xf32, #tpu.memory_space<vmem>>) target(%dma_start3A_87 : memref<128x128xf32, #tpu.memory_space<hbm>>) target_semaphore(%arg16 : memref<!tpu.dma_semaphore, #tpu.memory_space<semaphore_mem>>)
    %mul3A_88 = arith.constant 512 : i32
    %mul3A_89 = arith.muli %add3A, %mul3A_88 : i32
    %add3A_90 = arith.constant 0 : i32
    %add3A_91 = arith.addi %mul3A_89, %add3A_90 : i32
    %dma_start3A_92 = arith.constant 128 : i32
    %dma_start3A_93 = tpu.memref_slice %arg5[%add3A_91, %dma_start3A_92] : memref<16384x134xf32, #tpu.memory_space<hbm>> -> memref<128x6xf32, #tpu.memory_space<hbm>>
    %dma_start3A_94 = arith.constant 128 : i32
    %dma_start3A_95 = tpu.memref_slice %arg5[%add3A_91, %dma_start3A_94] : memref<16384x134xf32, #tpu.memory_space<hbm>> -> memref<128x6xf32, #tpu.memory_space<hbm>>
    tpu.enqueue_dma source(%arg10 : memref<128x6xf32, #tpu.memory_space<vmem>>) target(%dma_start3A_95 : memref<128x6xf32, #tpu.memory_space<hbm>>) target_semaphore(%arg16 : memref<!tpu.dma_semaphore, #tpu.memory_space<semaphore_mem>>)
    %mul3A_96 = arith.constant 512 : i32
    %mul3A_97 = arith.muli %add3A, %mul3A_96 : i32
    %add3A_98 = arith.constant 256 : i32
    %add3A_99 = arith.addi %mul3A_97, %add3A_98 : i32
    %dma_start3A_100 = arith.constant 0 : i32
    %dma_start3A_101 = tpu.memref_slice %arg2[%add3A_99, %dma_start3A_100] : memref<16384x128xf32, #tpu.memory_space<hbm>> -> memref<128x128xf32, #tpu.memory_space<hbm>>
    %dma_start3A_102 = arith.constant 0 : i32
    %dma_start3A_103 = tpu.memref_slice %arg2[%add3A_99, %dma_start3A_102] : memref<16384x128xf32, #tpu.memory_space<hbm>> -> memref<128x128xf32, #tpu.memory_space<hbm>>
    tpu.enqueue_dma source(%dma_start3A_103 : memref<128x128xf32, #tpu.memory_space<hbm>>) target(%arg6 : memref<128x128xf32, #tpu.memory_space<vmem>>) target_semaphore(%arg14 : memref<!tpu.dma_semaphore, #tpu.memory_space<semaphore_mem>>)
    %dma_wait3A_104 = arith.constant 0 : i32
    %dma_wait3A_105 = tpu.memref_slice %arg2[%add3A_70, %dma_wait3A_104] : memref<16384x128xf32, #tpu.memory_space<hbm>> -> memref<128x128xf32, #tpu.memory_space<hbm>>
    %dma_wait3A_106 = arith.constant 0 : i32
    %dma_wait3A_107 = tpu.memref_slice %arg2[%add3A_70, %dma_wait3A_106] : memref<16384x128xf32, #tpu.memory_space<hbm>> -> memref<128x128xf32, #tpu.memory_space<hbm>>
    tpu.wait_dma2 semaphore(%arg15 : memref<!tpu.dma_semaphore, #tpu.memory_space<semaphore_mem>>) src(%dma_wait3A_107 : memref<128x128xf32, #tpu.memory_space<hbm>>) dst(%arg7 : memref<128x128xf32, #tpu.memory_space<vmem>>)
    %parallel_loop3A_108 = arith.constant 0 : i32
    %parallel_loop3A_109 = arith.constant 128 : i32
    %parallel_loop3A_110 = arith.constant 1 : i32
    scf.for %parallel_loop3A_213 = %parallel_loop3A_108 to %parallel_loop3A_109 step %parallel_loop3A_110  : i32 {
      %parallel_loop3A_214 = arith.index_cast %parallel_loop3A_213 : i32 to index
      %parallel_loop3A_215 = arith.constant 0 : index
      %parallel_loop3A_216 = tpu.vector_load %arg7[%parallel_loop3A_214, %parallel_loop3A_215] {strides = array<i32>} : memref<128x128xf32, #tpu.memory_space<vmem>>, vector<16xf32>,
      %parallel_loop3A_217 = arith.index_cast %parallel_loop3A_213 : i32 to index
      %parallel_loop3A_218 = arith.constant 10 : index
      %parallel_loop3A_219 = tpu.vector_load %arg7[%parallel_loop3A_217, %parallel_loop3A_218] {strides = array<i32>} : memref<128x128xf32, #tpu.memory_space<vmem>>, vector<16xf32>,
      %parallel_loop3A_220 = arith.index_cast %parallel_loop3A_213 : i32 to index
      %parallel_loop3A_221 = arith.constant 26 : index
      %parallel_loop3A_222 = tpu.vector_load %arg7[%parallel_loop3A_220, %parallel_loop3A_221] {strides = array<i32>} : memref<128x128xf32, #tpu.memory_space<vmem>>, vector<16xf32>,
      %parallel_loop3A_223 = arith.index_cast %parallel_loop3A_213 : i32 to index
      %parallel_loop3A_224 = arith.constant 42 : index
      %parallel_loop3A_225 = tpu.vector_load %arg7[%parallel_loop3A_223, %parallel_loop3A_224] {strides = array<i32>} : memref<128x128xf32, #tpu.memory_space<vmem>>, vector<16xf32>,
      %parallel_loop3A_226 = arith.index_cast %parallel_loop3A_213 : i32 to index
      %parallel_loop3A_227 = arith.constant 58 : index
      %parallel_loop3A_228 = tpu.vector_load %arg7[%parallel_loop3A_226, %parallel_loop3A_227] {strides = array<i32>} : memref<128x128xf32, #tpu.memory_space<vmem>>, vector<16xf32>,
      %parallel_loop3A_229 = arith.index_cast %parallel_loop3A_213 : i32 to index
      %parallel_loop3A_230 = arith.constant 74 : index
      %parallel_loop3A_231 = tpu.vector_load %arg7[%parallel_loop3A_229, %parallel_loop3A_230] {strides = array<i32>} : memref<128x128xf32, #tpu.memory_space<vmem>>, vector<16xf32>,
      %parallel_loop3A_232 = arith.index_cast %parallel_loop3A_213 : i32 to index
      %parallel_loop3A_233 = arith.constant 90 : index
      %parallel_loop3A_234 = tpu.vector_load %arg7[%parallel_loop3A_232, %parallel_loop3A_233] {strides = array<i32>} : memref<128x128xf32, #tpu.memory_space<vmem>>, vector<16xf32>,
      %parallel_loop3A_235 = arith.index_cast %parallel_loop3A_213 : i32 to index
      %parallel_loop3A_236 = arith.constant 106 : index
      %parallel_loop3A_237 = tpu.vector_load %arg7[%parallel_loop3A_235, %parallel_loop3A_236] {strides = array<i32>} : memref<128x128xf32, #tpu.memory_space<vmem>>, vector<16xf32>,
      %parallel_loop3A_238 = arith.index_cast %parallel_loop3A_213 : i32 to index
      %parallel_loop3A_239 = arith.constant 112 : index
      %parallel_loop3A_240 = tpu.vector_load %arg7[%parallel_loop3A_238, %parallel_loop3A_239] {strides = array<i32>} : memref<128x128xf32, #tpu.memory_space<vmem>>, vector<16xf32>,
      %parallel_loop3A_241 = arith.fptosi %parallel_loop3A_216 : vector<16xf32> to vector<16xi32>
      %parallel_loop3A_242 = arith.constant 0 : i32
      %parallel_loop3A_243 = vector.broadcast %parallel_loop3A_242 : i32 to vector<16xi32>
      %parallel_loop3A_244 = arith.cmpi slt, %broadcast_in_dim3A_18, %parallel_loop3A_243 : vector<16xi32>
      %parallel_loop3A_245 = arith.constant 16 : i32
      %parallel_loop3A_246 = vector.broadcast %parallel_loop3A_245 : i32 to vector<16xi32>
      %parallel_loop3A_247 = arith.addi %broadcast_in_dim3A_18, %parallel_loop3A_246 : vector<16xi32>
      %parallel_loop3A_248 = arith.select %parallel_loop3A_244, %parallel_loop3A_247, %broadcast_in_dim3A_18 : vector<16xi1>, vector<16xi32>
      %parallel_loop3A_249 = vector.shape_cast %parallel_loop3A_248 : vector<16xi32> to vector<16x1xi32>
      %parallel_loop3A_250 = vector.shape_cast %parallel_loop3A_249 : vector<16x1xi32> to vector<16xi32>
      %parallel_loop3A_251 = tpu.dynamic_gather %parallel_loop3A_241[%parallel_loop3A_250] in [0] : vector<16xi32>, vector<16xi32> -> vector<16xi32>
      %parallel_loop3A_252 = arith.constant 1 : i32
      %parallel_loop3A_253 = vector.broadcast %parallel_loop3A_252 : i32 to vector<16xi32>
      %parallel_loop3A_254 = arith.addi %parallel_loop3A_251, %parallel_loop3A_253 : vector<16xi32>
      %parallel_loop3A_255 = arith.constant 7 : i32
      %parallel_loop3A_256 = vector.broadcast %parallel_loop3A_255 : i32 to vector<16xi32>
      %parallel_loop3A_257 = arith.muli %parallel_loop3A_254, %parallel_loop3A_256 : vector<16xi32>
      %parallel_loop3A_258 = arith.addi %parallel_loop3A_257, %iota3A : vector<16xi32>
      %parallel_loop3A_259 = arith.constant 0 : i32
      %parallel_loop3A_260 = vector.broadcast %parallel_loop3A_259 : i32 to vector<16xi32>
      %parallel_loop3A_261 = arith.select %lt3A_7, %parallel_loop3A_258, %parallel_loop3A_260 : vector<16xi1>, vector<16xi32>
      %parallel_loop3A_262 = tpu.vector_load_idx %arg13[%parallel_loop3A_261] masked %lt3A_7 : memref<72xf32, #tpu.memory_space<vmem>>[vector<16xi32>], vector<16xf32>, vector<16xi1>
      %parallel_loop3A_263 = arith.select %lt3A_7, %parallel_loop3A_262, %broadcast_in_dim3A_31 : vector<16xi1>, vector<16xf32>
      %parallel_loop3A_264 = arith.select %and3A, %parallel_loop3A_216, %broadcast_in_dim3A_31 : vector<16xi1>, vector<16xf32>
      %parallel_loop3A_265 = arith.select %ge3A_17, %parallel_loop3A_240, %broadcast_in_dim3A_31 : vector<16xi1>, vector<16xf32>
      %parallel_loop3A_266 = arith.addf %parallel_loop3A_263, %parallel_loop3A_264 : vector<16xf32>
      %parallel_loop3A_267 = arith.addf %parallel_loop3A_266, %parallel_loop3A_265 : vector<16xf32>
      %parallel_loop3A_268 = arith.mulf %parallel_loop3A_263, %parallel_loop3A_263 : vector<16xf32>
      %parallel_loop3A_269 = arith.mulf %parallel_loop3A_264, %parallel_loop3A_264 : vector<16xf32>
      %parallel_loop3A_270 = arith.addf %parallel_loop3A_268, %parallel_loop3A_269 : vector<16xf32>
      %parallel_loop3A_271 = arith.mulf %parallel_loop3A_265, %parallel_loop3A_265 : vector<16xf32>
      %parallel_loop3A_272 = arith.addf %parallel_loop3A_270, %parallel_loop3A_271 : vector<16xf32>
      %parallel_loop3A_273 = arith.addf %parallel_loop3A_267, %parallel_loop3A_219 : vector<16xf32>
      %parallel_loop3A_274 = arith.mulf %parallel_loop3A_219, %parallel_loop3A_219 : vector<16xf32>
      %parallel_loop3A_275 = arith.addf %parallel_loop3A_272, %parallel_loop3A_274 : vector<16xf32>
      %parallel_loop3A_276 = arith.addf %parallel_loop3A_273, %parallel_loop3A_222 : vector<16xf32>
      %parallel_loop3A_277 = arith.mulf %parallel_loop3A_222, %parallel_loop3A_222 : vector<16xf32>
      %parallel_loop3A_278 = arith.addf %parallel_loop3A_275, %parallel_loop3A_277 : vector<16xf32>
      %parallel_loop3A_279 = arith.addf %parallel_loop3A_276, %parallel_loop3A_225 : vector<16xf32>
      %parallel_loop3A_280 = arith.mulf %parallel_loop3A_225, %parallel_loop3A_225 : vector<16xf32>
      %parallel_loop3A_281 = arith.addf %parallel_loop3A_278, %parallel_loop3A_280 : vector<16xf32>
      %parallel_loop3A_282 = arith.addf %parallel_loop3A_279, %parallel_loop3A_228 : vector<16xf32>
      %parallel_loop3A_283 = arith.mulf %parallel_loop3A_228, %parallel_loop3A_228 : vector<16xf32>
      %parallel_loop3A_284 = arith.addf %parallel_loop3A_281, %parallel_loop3A_283 : vector<16xf32>
      %parallel_loop3A_285 = arith.addf %parallel_loop3A_282, %parallel_loop3A_231 : vector<16xf32>
      %parallel_loop3A_286 = arith.mulf %parallel_loop3A_231, %parallel_loop3A_231 : vector<16xf32>
      %parallel_loop3A_287 = arith.addf %parallel_loop3A_284, %parallel_loop3A_286 : vector<16xf32>
      %parallel_loop3A_288 = arith.addf %parallel_loop3A_285, %parallel_loop3A_234 : vector<16xf32>
      %parallel_loop3A_289 = arith.mulf %parallel_loop3A_234, %parallel_loop3A_234 : vector<16xf32>
      %parallel_loop3A_290 = arith.addf %parallel_loop3A_287, %parallel_loop3A_289 : vector<16xf32>
      %parallel_loop3A_291 = arith.addf %parallel_loop3A_288, %parallel_loop3A_237 : vector<16xf32>
      %parallel_loop3A_292 = arith.mulf %parallel_loop3A_237, %parallel_loop3A_237 : vector<16xf32>
      %parallel_loop3A_293 = arith.addf %parallel_loop3A_290, %parallel_loop3A_292 : vector<16xf32>
      %parallel_loop3A_294 = arith.constant true
      %parallel_loop3A_295 = vector.broadcast %parallel_loop3A_294 : i1 to vector<16xi1>
      %parallel_loop3A_296 = tpu.scan <sum>, %parallel_loop3A_291 masked %parallel_loop3A_295 : vector<16xf32>, vector<16xi1> -> vector<16xf32>
      %parallel_loop3A_297 = arith.constant 0 : i32
      %parallel_loop3A_298 = vector.broadcast %parallel_loop3A_297 : i32 to vector<16xi32>
      %parallel_loop3A_299 = arith.cmpi slt, %broadcast_in_dim3A_20, %parallel_loop3A_298 : vector<16xi32>
      %parallel_loop3A_300 = arith.constant 16 : i32
      %parallel_loop3A_301 = vector.broadcast %parallel_loop3A_300 : i32 to vector<16xi32>
      %parallel_loop3A_302 = arith.addi %broadcast_in_dim3A_20, %parallel_loop3A_301 : vector<16xi32>
      %parallel_loop3A_303 = arith.select %parallel_loop3A_299, %parallel_loop3A_302, %broadcast_in_dim3A_20 : vector<16xi1>, vector<16xi32>
      %parallel_loop3A_304 = vector.shape_cast %parallel_loop3A_303 : vector<16xi32> to vector<16x1xi32>
      %parallel_loop3A_305 = vector.shape_cast %parallel_loop3A_304 : vector<16x1xi32> to vector<16xi32>
      %parallel_loop3A_306 = tpu.dynamic_gather %parallel_loop3A_296[%parallel_loop3A_305] in [0] : vector<16xf32>, vector<16xi32> -> vector<16xf32>
      %parallel_loop3A_307 = arith.constant true
      %parallel_loop3A_308 = vector.broadcast %parallel_loop3A_307 : i1 to vector<16xi1>
      %parallel_loop3A_309 = tpu.scan <sum>, %parallel_loop3A_293 masked %parallel_loop3A_308 : vector<16xf32>, vector<16xi1> -> vector<16xf32>
      %parallel_loop3A_310 = arith.constant 0 : i32
      %parallel_loop3A_311 = vector.broadcast %parallel_loop3A_310 : i32 to vector<16xi32>
      %parallel_loop3A_312 = arith.cmpi slt, %broadcast_in_dim3A_20, %parallel_loop3A_311 : vector<16xi32>
      %parallel_loop3A_313 = arith.constant 16 : i32
      %parallel_loop3A_314 = vector.broadcast %parallel_loop3A_313 : i32 to vector<16xi32>
      %parallel_loop3A_315 = arith.addi %broadcast_in_dim3A_20, %parallel_loop3A_314 : vector<16xi32>
      %parallel_loop3A_316 = arith.select %parallel_loop3A_312, %parallel_loop3A_315, %broadcast_in_dim3A_20 : vector<16xi1>, vector<16xi32>
      %parallel_loop3A_317 = vector.shape_cast %parallel_loop3A_316 : vector<16xi32> to vector<16x1xi32>
      %parallel_loop3A_318 = vector.shape_cast %parallel_loop3A_317 : vector<16x1xi32> to vector<16xi32>
      %parallel_loop3A_319 = tpu.dynamic_gather %parallel_loop3A_309[%parallel_loop3A_318] in [0] : vector<16xf32>, vector<16xi32> -> vector<16xf32>
      %parallel_loop3A_320 = arith.constant 0.00746268639 : f32
      %parallel_loop3A_321 = vector.broadcast %parallel_loop3A_320 : f32 to vector<16xf32>
      %parallel_loop3A_322 = arith.mulf %parallel_loop3A_306, %parallel_loop3A_321 : vector<16xf32>
      %parallel_loop3A_323 = arith.constant 0.00746268639 : f32
      %parallel_loop3A_324 = vector.broadcast %parallel_loop3A_323 : f32 to vector<16xf32>
      %parallel_loop3A_325 = arith.mulf %parallel_loop3A_319, %parallel_loop3A_324 : vector<16xf32>
      %parallel_loop3A_326 = arith.mulf %parallel_loop3A_322, %parallel_loop3A_322 : vector<16xf32>
      %parallel_loop3A_327 = arith.subf %parallel_loop3A_325, %parallel_loop3A_326 : vector<16xf32>
      %parallel_loop3A_328 = arith.constant 9.99999996E-13 : f32
      %parallel_loop3A_329 = vector.broadcast %parallel_loop3A_328 : f32 to vector<16xf32>
      %parallel_loop3A_330 = arith.addf %parallel_loop3A_327, %parallel_loop3A_329 : vector<16xf32>
      %parallel_loop3A_331 = tpu.bitcast %parallel_loop3A_330 : vector<16xf32> -> vector<16xi32>
      %parallel_loop3A_332 = arith.constant 1 : i32
      %parallel_loop3A_333 = vector.broadcast %parallel_loop3A_332 : i32 to vector<16xi32>
      %parallel_loop3A_334 = arith.shrui %parallel_loop3A_331, %parallel_loop3A_333 : vector<16xi32>
      %parallel_loop3A_335 = arith.constant 1597463007 : i32
      %parallel_loop3A_336 = vector.broadcast %parallel_loop3A_335 : i32 to vector<16xi32>
      %parallel_loop3A_337 = arith.subi %parallel_loop3A_336, %parallel_loop3A_334 : vector<16xi32>
      %parallel_loop3A_338 = tpu.bitcast %parallel_loop3A_337 : vector<16xi32> -> vector<16xf32>
      %parallel_loop3A_339 = arith.constant 5.000000e-01 : f32
      %parallel_loop3A_340 = vector.broadcast %parallel_loop3A_339 : f32 to vector<16xf32>
      %parallel_loop3A_341 = arith.mulf %parallel_loop3A_340, %parallel_loop3A_330 : vector<16xf32>
      %parallel_loop3A_342 = arith.mulf %parallel_loop3A_341, %parallel_loop3A_338 : vector<16xf32>
      %parallel_loop3A_343 = arith.mulf %parallel_loop3A_342, %parallel_loop3A_338 : vector<16xf32>
      %parallel_loop3A_344 = arith.constant 1.500000e+00 : f32
      %parallel_loop3A_345 = vector.broadcast %parallel_loop3A_344 : f32 to vector<16xf32>
      %parallel_loop3A_346 = arith.subf %parallel_loop3A_345, %parallel_loop3A_343 : vector<16xf32>
      %parallel_loop3A_347 = arith.mulf %parallel_loop3A_338, %parallel_loop3A_346 : vector<16xf32>
      %parallel_loop3A_348 = arith.constant 5.000000e-01 : f32
      %parallel_loop3A_349 = vector.broadcast %parallel_loop3A_348 : f32 to vector<16xf32>
      %parallel_loop3A_350 = arith.mulf %parallel_loop3A_349, %parallel_loop3A_330 : vector<16xf32>
      %parallel_loop3A_351 = arith.mulf %parallel_loop3A_350, %parallel_loop3A_347 : vector<16xf32>
      %parallel_loop3A_352 = arith.mulf %parallel_loop3A_351, %parallel_loop3A_347 : vector<16xf32>
      %parallel_loop3A_353 = arith.constant 1.500000e+00 : f32
      %parallel_loop3A_354 = vector.broadcast %parallel_loop3A_353 : f32 to vector<16xf32>
      %parallel_loop3A_355 = arith.subf %parallel_loop3A_354, %parallel_loop3A_352 : vector<16xf32>
      %parallel_loop3A_356 = arith.mulf %parallel_loop3A_347, %parallel_loop3A_355 : vector<16xf32>
      %parallel_loop3A_357 = arith.constant 5.000000e-01 : f32
      %parallel_loop3A_358 = vector.broadcast %parallel_loop3A_357 : f32 to vector<16xf32>
      %parallel_loop3A_359 = arith.mulf %parallel_loop3A_358, %parallel_loop3A_330 : vector<16xf32>
      %parallel_loop3A_360 = arith.mulf %parallel_loop3A_359, %parallel_loop3A_356 : vector<16xf32>
      %parallel_loop3A_361 = arith.mulf %parallel_loop3A_360, %parallel_loop3A_356 : vector<16xf32>
      %parallel_loop3A_362 = arith.constant 1.500000e+00 : f32
      %parallel_loop3A_363 = vector.broadcast %parallel_loop3A_362 : f32 to vector<16xf32>
      %parallel_loop3A_364 = arith.subf %parallel_loop3A_363, %parallel_loop3A_361 : vector<16xf32>
      %parallel_loop3A_365 = arith.mulf %parallel_loop3A_356, %parallel_loop3A_364 : vector<16xf32>
      %parallel_loop3A_366 = arith.constant 0 : i32
      %parallel_loop3A_367 = vector.broadcast %parallel_loop3A_366 : i32 to vector<16xi32>
      %parallel_loop3A_368 = arith.cmpi slt, %select_n3A_29, %parallel_loop3A_367 : vector<16xi32>
      %parallel_loop3A_369 = arith.constant 16 : i32
      %parallel_loop3A_370 = vector.broadcast %parallel_loop3A_369 : i32 to vector<16xi32>
      %parallel_loop3A_371 = arith.addi %select_n3A_29, %parallel_loop3A_370 : vector<16xi32>
      %parallel_loop3A_372 = arith.select %parallel_loop3A_368, %parallel_loop3A_371, %select_n3A_29 : vector<16xi1>, vector<16xi32>
      %parallel_loop3A_373 = vector.shape_cast %parallel_loop3A_372 : vector<16xi32> to vector<16x1xi32>
      %parallel_loop3A_374 = vector.shape_cast %parallel_loop3A_373 : vector<16x1xi32> to vector<16xi32>
      %parallel_loop3A_375 = tpu.dynamic_gather %parallel_loop3A_216[%parallel_loop3A_374] in [0] : vector<16xf32>, vector<16xi32> -> vector<16xf32>
      %parallel_loop3A_376 = arith.select %lt3A_7, %parallel_loop3A_263, %parallel_loop3A_375 : vector<16xi1>, vector<16xf32>
      %parallel_loop3A_377 = arith.subf %parallel_loop3A_376, %parallel_loop3A_322 : vector<16xf32>
      %parallel_loop3A_378 = arith.mulf %parallel_loop3A_377, %parallel_loop3A_365 : vector<16xf32>
      %parallel_loop3A_379 = arith.mulf %parallel_loop3A_378, %get3A_32 : vector<16xf32>
      %parallel_loop3A_380 = arith.addf %parallel_loop3A_379, %get3A_48 : vector<16xf32>
      %parallel_loop3A_381 = arith.index_cast %parallel_loop3A_213 : i32 to index
      %parallel_loop3A_382 = arith.constant 0 : index
      %parallel_loop3A_383 = tpu.vector_load %arg9[%parallel_loop3A_381, %parallel_loop3A_382] {strides = array<i32>} : memref<128x128xf32, #tpu.memory_space<vmem>>, vector<16xf32>,
      tpu.vector_store %arg9[%parallel_loop3A_381, %parallel_loop3A_382], %parallel_loop3A_380 {strides = array<i32>} : memref<128x128xf32, #tpu.memory_space<vmem>>, vector<16xf32>,
      %parallel_loop3A_384 = arith.subf %parallel_loop3A_219, %parallel_loop3A_322 : vector<16xf32>
      %parallel_loop3A_385 = arith.mulf %parallel_loop3A_384, %parallel_loop3A_365 : vector<16xf32>
      %parallel_loop3A_386 = arith.mulf %parallel_loop3A_385, %get3A_34 : vector<16xf32>
      %parallel_loop3A_387 = arith.addf %parallel_loop3A_386, %get3A_50 : vector<16xf32>
      %parallel_loop3A_388 = arith.index_cast %parallel_loop3A_213 : i32 to index
      %parallel_loop3A_389 = arith.constant 16 : index
      %parallel_loop3A_390 = tpu.vector_load %arg9[%parallel_loop3A_388, %parallel_loop3A_389] {strides = array<i32>} : memref<128x128xf32, #tpu.memory_space<vmem>>, vector<16xf32>,
      tpu.vector_store %arg9[%parallel_loop3A_388, %parallel_loop3A_389], %parallel_loop3A_387 {strides = array<i32>} : memref<128x128xf32, #tpu.memory_space<vmem>>, vector<16xf32>,
      %parallel_loop3A_391 = arith.subf %parallel_loop3A_222, %parallel_loop3A_322 : vector<16xf32>
      %parallel_loop3A_392 = arith.mulf %parallel_loop3A_391, %parallel_loop3A_365 : vector<16xf32>
      %parallel_loop3A_393 = arith.mulf %parallel_loop3A_392, %get3A_36 : vector<16xf32>
      %parallel_loop3A_394 = arith.addf %parallel_loop3A_393, %get3A_52 : vector<16xf32>
      %parallel_loop3A_395 = arith.index_cast %parallel_loop3A_213 : i32 to index
      %parallel_loop3A_396 = arith.constant 32 : index
      %parallel_loop3A_397 = tpu.vector_load %arg9[%parallel_loop3A_395, %parallel_loop3A_396] {strides = array<i32>} : memref<128x128xf32, #tpu.memory_space<vmem>>, vector<16xf32>,
      tpu.vector_store %arg9[%parallel_loop3A_395, %parallel_loop3A_396], %parallel_loop3A_394 {strides = array<i32>} : memref<128x128xf32, #tpu.memory_space<vmem>>, vector<16xf32>,
      %parallel_loop3A_398 = arith.subf %parallel_loop3A_225, %parallel_loop3A_322 : vector<16xf32>
      %parallel_loop3A_399 = arith.mulf %parallel_loop3A_398, %parallel_loop3A_365 : vector<16xf32>
      %parallel_loop3A_400 = arith.mulf %parallel_loop3A_399, %get3A_38 : vector<16xf32>
      %parallel_loop3A_401 = arith.addf %parallel_loop3A_400, %get3A_54 : vector<16xf32>
      %parallel_loop3A_402 = arith.index_cast %parallel_loop3A_213 : i32 to index
      %parallel_loop3A_403 = arith.constant 48 : index
      %parallel_loop3A_404 = tpu.vector_load %arg9[%parallel_loop3A_402, %parallel_loop3A_403] {strides = array<i32>} : memref<128x128xf32, #tpu.memory_space<vmem>>, vector<16xf32>,
      tpu.vector_store %arg9[%parallel_loop3A_402, %parallel_loop3A_403], %parallel_loop3A_401 {strides = array<i32>} : memref<128x128xf32, #tpu.memory_space<vmem>>, vector<16xf32>,
      %parallel_loop3A_405 = arith.subf %parallel_loop3A_228, %parallel_loop3A_322 : vector<16xf32>
      %parallel_loop3A_406 = arith.mulf %parallel_loop3A_405, %parallel_loop3A_365 : vector<16xf32>
      %parallel_loop3A_407 = arith.mulf %parallel_loop3A_406, %get3A_40 : vector<16xf32>
      %parallel_loop3A_408 = arith.addf %parallel_loop3A_407, %get3A_56 : vector<16xf32>
      %parallel_loop3A_409 = arith.index_cast %parallel_loop3A_213 : i32 to index
      %parallel_loop3A_410 = arith.constant 64 : index
      %parallel_loop3A_411 = tpu.vector_load %arg9[%parallel_loop3A_409, %parallel_loop3A_410] {strides = array<i32>} : memref<128x128xf32, #tpu.memory_space<vmem>>, vector<16xf32>,
      tpu.vector_store %arg9[%parallel_loop3A_409, %parallel_loop3A_410], %parallel_loop3A_408 {strides = array<i32>} : memref<128x128xf32, #tpu.memory_space<vmem>>, vector<16xf32>,
      %parallel_loop3A_412 = arith.subf %parallel_loop3A_231, %parallel_loop3A_322 : vector<16xf32>
      %parallel_loop3A_413 = arith.mulf %parallel_loop3A_412, %parallel_loop3A_365 : vector<16xf32>
      %parallel_loop3A_414 = arith.mulf %parallel_loop3A_413, %get3A_42 : vector<16xf32>
      %parallel_loop3A_415 = arith.addf %parallel_loop3A_414, %get3A_58 : vector<16xf32>
      %parallel_loop3A_416 = arith.index_cast %parallel_loop3A_213 : i32 to index
      %parallel_loop3A_417 = arith.constant 80 : index
      %parallel_loop3A_418 = tpu.vector_load %arg9[%parallel_loop3A_416, %parallel_loop3A_417] {strides = array<i32>} : memref<128x128xf32, #tpu.memory_space<vmem>>, vector<16xf32>,
      tpu.vector_store %arg9[%parallel_loop3A_416, %parallel_loop3A_417], %parallel_loop3A_415 {strides = array<i32>} : memref<128x128xf32, #tpu.memory_space<vmem>>, vector<16xf32>,
      %parallel_loop3A_419 = arith.subf %parallel_loop3A_234, %parallel_loop3A_322 : vector<16xf32>
      %parallel_loop3A_420 = arith.mulf %parallel_loop3A_419, %parallel_loop3A_365 : vector<16xf32>
      %parallel_loop3A_421 = arith.mulf %parallel_loop3A_420, %get3A_44 : vector<16xf32>
      %parallel_loop3A_422 = arith.addf %parallel_loop3A_421, %get3A_60 : vector<16xf32>
      %parallel_loop3A_423 = arith.index_cast %parallel_loop3A_213 : i32 to index
      %parallel_loop3A_424 = arith.constant 96 : index
      %parallel_loop3A_425 = tpu.vector_load %arg9[%parallel_loop3A_423, %parallel_loop3A_424] {strides = array<i32>} : memref<128x128xf32, #tpu.memory_space<vmem>>, vector<16xf32>,
      tpu.vector_store %arg9[%parallel_loop3A_423, %parallel_loop3A_424], %parallel_loop3A_422 {strides = array<i32>} : memref<128x128xf32, #tpu.memory_space<vmem>>, vector<16xf32>,
      %parallel_loop3A_426 = arith.subf %parallel_loop3A_237, %parallel_loop3A_322 : vector<16xf32>
      %parallel_loop3A_427 = arith.mulf %parallel_loop3A_426, %parallel_loop3A_365 : vector<16xf32>
      %parallel_loop3A_428 = arith.mulf %parallel_loop3A_427, %get3A_46 : vector<16xf32>
      %parallel_loop3A_429 = arith.addf %parallel_loop3A_428, %get3A_62 : vector<16xf32>
      %parallel_loop3A_430 = arith.index_cast %parallel_loop3A_213 : i32 to index
      %parallel_loop3A_431 = arith.constant 112 : index
      %parallel_loop3A_432 = tpu.vector_load %arg9[%parallel_loop3A_430, %parallel_loop3A_431] {strides = array<i32>} : memref<128x128xf32, #tpu.memory_space<vmem>>, vector<16xf32>,
      tpu.vector_store %arg9[%parallel_loop3A_430, %parallel_loop3A_431], %parallel_loop3A_429 {strides = array<i32>} : memref<128x128xf32, #tpu.memory_space<vmem>>, vector<16xf32>,
      %parallel_loop3A_433 = arith.constant 0 : i32
      %parallel_loop3A_434 = vector.broadcast %parallel_loop3A_433 : i32 to vector<16xi32>
      %parallel_loop3A_435 = arith.cmpi slt, %select_n3A, %parallel_loop3A_434 : vector<16xi32>
      %parallel_loop3A_436 = arith.constant 16 : i32
      %parallel_loop3A_437 = vector.broadcast %parallel_loop3A_436 : i32 to vector<16xi32>
      %parallel_loop3A_438 = arith.addi %select_n3A, %parallel_loop3A_437 : vector<16xi32>
      %parallel_loop3A_439 = arith.select %parallel_loop3A_435, %parallel_loop3A_438, %select_n3A : vector<16xi1>, vector<16xi32>
      %parallel_loop3A_440 = vector.shape_cast %parallel_loop3A_439 : vector<16xi32> to vector<16x1xi32>
      %parallel_loop3A_441 = vector.shape_cast %parallel_loop3A_440 : vector<16x1xi32> to vector<16xi32>
      %parallel_loop3A_442 = tpu.dynamic_gather %parallel_loop3A_240[%parallel_loop3A_441] in [0] : vector<16xf32>, vector<16xi32> -> vector<16xf32>
      %parallel_loop3A_443 = arith.subf %parallel_loop3A_442, %parallel_loop3A_322 : vector<16xf32>
      %parallel_loop3A_444 = arith.mulf %parallel_loop3A_443, %parallel_loop3A_365 : vector<16xf32>
      %parallel_loop3A_445 = arith.mulf %parallel_loop3A_444, %get3A_64 : vector<16xf32>
      %parallel_loop3A_446 = arith.addf %parallel_loop3A_445, %get3A_66 : vector<16xf32>
      %parallel_loop3A_447 = vector.broadcast %parallel_loop3A_213 : i32 to vector<16xi32>
      %parallel_loop3A_448 = arith.addi %parallel_loop3A_447, %broadcast_in_dim3A_18 : vector<16xi32>
      tpu.vector_store_idx %arg11[%parallel_loop3A_448, %iota3A], %parallel_loop3A_446 masked %lt3A_10 : memref<128x6xf32, #tpu.memory_space<vmem>>[vector<16xi32>, vector<16xi32>], vector<16xf32>, vector<16xi1>
    } {sc.loop_unroll_factor = 2 : i64, sc.parallel_access}
    %mul3A_111 = arith.constant 512 : i32
    %mul3A_112 = arith.muli %add3A, %mul3A_111 : i32
    %add3A_113 = arith.constant 128 : i32
    %add3A_114 = arith.addi %mul3A_112, %add3A_113 : i32
    %dma_start3A_115 = arith.constant 0 : i32
    %dma_start3A_116 = tpu.memref_slice %arg5[%add3A_114, %dma_start3A_115] : memref<16384x134xf32, #tpu.memory_space<hbm>> -> memref<128x128xf32, #tpu.memory_space<hbm>>
    %dma_start3A_117 = arith.constant 0 : i32
    %dma_start3A_118 = tpu.memref_slice %arg5[%add3A_114, %dma_start3A_117] : memref<16384x134xf32, #tpu.memory_space<hbm>> -> memref<128x128xf32, #tpu.memory_space<hbm>>
    tpu.enqueue_dma source(%arg9 : memref<128x128xf32, #tpu.memory_space<vmem>>) target(%dma_start3A_118 : memref<128x128xf32, #tpu.memory_space<hbm>>) target_semaphore(%arg17 : memref<!tpu.dma_semaphore, #tpu.memory_space<semaphore_mem>>)
    %mul3A_119 = arith.constant 512 : i32
    %mul3A_120 = arith.muli %add3A, %mul3A_119 : i32
    %add3A_121 = arith.constant 128 : i32
    %add3A_122 = arith.addi %mul3A_120, %add3A_121 : i32
    %dma_start3A_123 = arith.constant 128 : i32
    %dma_start3A_124 = tpu.memref_slice %arg5[%add3A_122, %dma_start3A_123] : memref<16384x134xf32, #tpu.memory_space<hbm>> -> memref<128x6xf32, #tpu.memory_space<hbm>>
    %dma_start3A_125 = arith.constant 128 : i32
    %dma_start3A_126 = tpu.memref_slice %arg5[%add3A_122, %dma_start3A_125] : memref<16384x134xf32, #tpu.memory_space<hbm>> -> memref<128x6xf32, #tpu.memory_space<hbm>>
    tpu.enqueue_dma source(%arg11 : memref<128x6xf32, #tpu.memory_space<vmem>>) target(%dma_start3A_126 : memref<128x6xf32, #tpu.memory_space<hbm>>) target_semaphore(%arg17 : memref<!tpu.dma_semaphore, #tpu.memory_space<semaphore_mem>>)
    %mul3A_127 = arith.constant 512 : i32
    %mul3A_128 = arith.muli %add3A, %mul3A_127 : i32
    %add3A_129 = arith.constant 384 : i32
    %add3A_130 = arith.addi %mul3A_128, %add3A_129 : i32
    %dma_start3A_131 = arith.constant 0 : i32
    %dma_start3A_132 = tpu.memref_slice %arg2[%add3A_130, %dma_start3A_131] : memref<16384x128xf32, #tpu.memory_space<hbm>> -> memref<128x128xf32, #tpu.memory_space<hbm>>
    %dma_start3A_133 = arith.constant 0 : i32
    %dma_start3A_134 = tpu.memref_slice %arg2[%add3A_130, %dma_start3A_133] : memref<16384x128xf32, #tpu.memory_space<hbm>> -> memref<128x128xf32, #tpu.memory_space<hbm>>
    tpu.enqueue_dma source(%dma_start3A_134 : memref<128x128xf32, #tpu.memory_space<hbm>>) target(%arg7 : memref<128x128xf32, #tpu.memory_space<vmem>>) target_semaphore(%arg15 : memref<!tpu.dma_semaphore, #tpu.memory_space<semaphore_mem>>)
    %dma_wait3A_135 = arith.constant 0 : i32
    %dma_wait3A_136 = tpu.memref_slice %arg2[%add3A_99, %dma_wait3A_135] : memref<16384x128xf32, #tpu.memory_space<hbm>> -> memref<128x128xf32, #tpu.memory_space<hbm>>
    %dma_wait3A_137 = arith.constant 0 : i32
    %dma_wait3A_138 = tpu.memref_slice %arg2[%add3A_99, %dma_wait3A_137] : memref<16384x128xf32, #tpu.memory_space<hbm>> -> memref<128x128xf32, #tpu.memory_space<hbm>>
    tpu.wait_dma2 semaphore(%arg14 : memref<!tpu.dma_semaphore, #tpu.memory_space<semaphore_mem>>) src(%dma_wait3A_138 : memref<128x128xf32, #tpu.memory_space<hbm>>) dst(%arg6 : memref<128x128xf32, #tpu.memory_space<vmem>>)
    %dma_wait3A_139 = arith.constant 0 : i32
    %dma_wait3A_140 = tpu.memref_slice %arg5[%add3A_83, %dma_wait3A_139] : memref<16384x134xf32, #tpu.memory_space<hbm>> -> memref<128x128xf32, #tpu.memory_space<hbm>>
    %dma_wait3A_141 = arith.constant 0 : i32
    %dma_wait3A_142 = tpu.memref_slice %arg5[%add3A_83, %dma_wait3A_141] : memref<16384x134xf32, #tpu.memory_space<hbm>> -> memref<128x128xf32, #tpu.memory_space<hbm>>
    tpu.wait_dma2 semaphore(%arg16 : memref<!tpu.dma_semaphore, #tpu.memory_space<semaphore_mem>>) src(%arg8 : memref<128x128xf32, #tpu.memory_space<vmem>>) dst(%dma_wait3A_142 : memref<128x128xf32, #tpu.memory_space<hbm>>)
    %dma_wait3A_143 = arith.constant 128 : i32
    %dma_wait3A_144 = tpu.memref_slice %arg5[%add3A_91, %dma_wait3A_143] : memref<16384x134xf32, #tpu.memory_space<hbm>> -> memref<128x6xf32, #tpu.memory_space<hbm>>
    %dma_wait3A_145 = arith.constant 128 : i32
    %dma_wait3A_146 = tpu.memref_slice %arg5[%add3A_91, %dma_wait3A_145] : memref<16384x134xf32, #tpu.memory_space<hbm>> -> memref<128x6xf32, #tpu.memory_space<hbm>>
    tpu.wait_dma2 semaphore(%arg16 : memref<!tpu.dma_semaphore, #tpu.memory_space<semaphore_mem>>) src(%arg10 : memref<128x6xf32, #tpu.memory_space<vmem>>) dst(%dma_wait3A_146 : memref<128x6xf32, #tpu.memory_space<hbm>>)
    %parallel_loop3A_147 = arith.constant 0 : i32
    %parallel_loop3A_148 = arith.constant 128 : i32
    %parallel_loop3A_149 = arith.constant 1 : i32
    scf.for %parallel_loop3A_213 = %parallel_loop3A_147 to %parallel_loop3A_148 step %parallel_loop3A_149  : i32 {
      %parallel_loop3A_214 = arith.index_cast %parallel_loop3A_213 : i32 to index
      %parallel_loop3A_215 = arith.constant 0 : index
      %parallel_loop3A_216 = tpu.vector_load %arg6[%parallel_loop3A_214, %parallel_loop3A_215] {strides = array<i32>} : memref<128x128xf32, #tpu.memory_space<vmem>>, vector<16xf32>,
      %parallel_loop3A_217 = arith.index_cast %parallel_loop3A_213 : i32 to index
      %parallel_loop3A_218 = arith.constant 10 : index
      %parallel_loop3A_219 = tpu.vector_load %arg6[%parallel_loop3A_217, %parallel_loop3A_218] {strides = array<i32>} : memref<128x128xf32, #tpu.memory_space<vmem>>, vector<16xf32>,
      %parallel_loop3A_220 = arith.index_cast %parallel_loop3A_213 : i32 to index
      %parallel_loop3A_221 = arith.constant 26 : index
      %parallel_loop3A_222 = tpu.vector_load %arg6[%parallel_loop3A_220, %parallel_loop3A_221] {strides = array<i32>} : memref<128x128xf32, #tpu.memory_space<vmem>>, vector<16xf32>,
      %parallel_loop3A_223 = arith.index_cast %parallel_loop3A_213 : i32 to index
      %parallel_loop3A_224 = arith.constant 42 : index
      %parallel_loop3A_225 = tpu.vector_load %arg6[%parallel_loop3A_223, %parallel_loop3A_224] {strides = array<i32>} : memref<128x128xf32, #tpu.memory_space<vmem>>, vector<16xf32>,
      %parallel_loop3A_226 = arith.index_cast %parallel_loop3A_213 : i32 to index
      %parallel_loop3A_227 = arith.constant 58 : index
      %parallel_loop3A_228 = tpu.vector_load %arg6[%parallel_loop3A_226, %parallel_loop3A_227] {strides = array<i32>} : memref<128x128xf32, #tpu.memory_space<vmem>>, vector<16xf32>,
      %parallel_loop3A_229 = arith.index_cast %parallel_loop3A_213 : i32 to index
      %parallel_loop3A_230 = arith.constant 74 : index
      %parallel_loop3A_231 = tpu.vector_load %arg6[%parallel_loop3A_229, %parallel_loop3A_230] {strides = array<i32>} : memref<128x128xf32, #tpu.memory_space<vmem>>, vector<16xf32>,
      %parallel_loop3A_232 = arith.index_cast %parallel_loop3A_213 : i32 to index
      %parallel_loop3A_233 = arith.constant 90 : index
      %parallel_loop3A_234 = tpu.vector_load %arg6[%parallel_loop3A_232, %parallel_loop3A_233] {strides = array<i32>} : memref<128x128xf32, #tpu.memory_space<vmem>>, vector<16xf32>,
      %parallel_loop3A_235 = arith.index_cast %parallel_loop3A_213 : i32 to index
      %parallel_loop3A_236 = arith.constant 106 : index
      %parallel_loop3A_237 = tpu.vector_load %arg6[%parallel_loop3A_235, %parallel_loop3A_236] {strides = array<i32>} : memref<128x128xf32, #tpu.memory_space<vmem>>, vector<16xf32>,
      %parallel_loop3A_238 = arith.index_cast %parallel_loop3A_213 : i32 to index
      %parallel_loop3A_239 = arith.constant 112 : index
      %parallel_loop3A_240 = tpu.vector_load %arg6[%parallel_loop3A_238, %parallel_loop3A_239] {strides = array<i32>} : memref<128x128xf32, #tpu.memory_space<vmem>>, vector<16xf32>,
      %parallel_loop3A_241 = arith.fptosi %parallel_loop3A_216 : vector<16xf32> to vector<16xi32>
      %parallel_loop3A_242 = arith.constant 0 : i32
      %parallel_loop3A_243 = vector.broadcast %parallel_loop3A_242 : i32 to vector<16xi32>
      %parallel_loop3A_244 = arith.cmpi slt, %broadcast_in_dim3A_18, %parallel_loop3A_243 : vector<16xi32>
      %parallel_loop3A_245 = arith.constant 16 : i32
      %parallel_loop3A_246 = vector.broadcast %parallel_loop3A_245 : i32 to vector<16xi32>
      %parallel_loop3A_247 = arith.addi %broadcast_in_dim3A_18, %parallel_loop3A_246 : vector<16xi32>
      %parallel_loop3A_248 = arith.select %parallel_loop3A_244, %parallel_loop3A_247, %broadcast_in_dim3A_18 : vector<16xi1>, vector<16xi32>
      %parallel_loop3A_249 = vector.shape_cast %parallel_loop3A_248 : vector<16xi32> to vector<16x1xi32>
      %parallel_loop3A_250 = vector.shape_cast %parallel_loop3A_249 : vector<16x1xi32> to vector<16xi32>
      %parallel_loop3A_251 = tpu.dynamic_gather %parallel_loop3A_241[%parallel_loop3A_250] in [0] : vector<16xi32>, vector<16xi32> -> vector<16xi32>
      %parallel_loop3A_252 = arith.constant 1 : i32
      %parallel_loop3A_253 = vector.broadcast %parallel_loop3A_252 : i32 to vector<16xi32>
      %parallel_loop3A_254 = arith.addi %parallel_loop3A_251, %parallel_loop3A_253 : vector<16xi32>
      %parallel_loop3A_255 = arith.constant 7 : i32
      %parallel_loop3A_256 = vector.broadcast %parallel_loop3A_255 : i32 to vector<16xi32>
      %parallel_loop3A_257 = arith.muli %parallel_loop3A_254, %parallel_loop3A_256 : vector<16xi32>
      %parallel_loop3A_258 = arith.addi %parallel_loop3A_257, %iota3A : vector<16xi32>
      %parallel_loop3A_259 = arith.constant 0 : i32
      %parallel_loop3A_260 = vector.broadcast %parallel_loop3A_259 : i32 to vector<16xi32>
      %parallel_loop3A_261 = arith.select %lt3A_7, %parallel_loop3A_258, %parallel_loop3A_260 : vector<16xi1>, vector<16xi32>
      %parallel_loop3A_262 = tpu.vector_load_idx %arg13[%parallel_loop3A_261] masked %lt3A_7 : memref<72xf32, #tpu.memory_space<vmem>>[vector<16xi32>], vector<16xf32>, vector<16xi1>
      %parallel_loop3A_263 = arith.select %lt3A_7, %parallel_loop3A_262, %broadcast_in_dim3A_31 : vector<16xi1>, vector<16xf32>
      %parallel_loop3A_264 = arith.select %and3A, %parallel_loop3A_216, %broadcast_in_dim3A_31 : vector<16xi1>, vector<16xf32>
      %parallel_loop3A_265 = arith.select %ge3A_17, %parallel_loop3A_240, %broadcast_in_dim3A_31 : vector<16xi1>, vector<16xf32>
      %parallel_loop3A_266 = arith.addf %parallel_loop3A_263, %parallel_loop3A_264 : vector<16xf32>
      %parallel_loop3A_267 = arith.addf %parallel_loop3A_266, %parallel_loop3A_265 : vector<16xf32>
      %parallel_loop3A_268 = arith.mulf %parallel_loop3A_263, %parallel_loop3A_263 : vector<16xf32>
      %parallel_loop3A_269 = arith.mulf %parallel_loop3A_264, %parallel_loop3A_264 : vector<16xf32>
      %parallel_loop3A_270 = arith.addf %parallel_loop3A_268, %parallel_loop3A_269 : vector<16xf32>
      %parallel_loop3A_271 = arith.mulf %parallel_loop3A_265, %parallel_loop3A_265 : vector<16xf32>
      %parallel_loop3A_272 = arith.addf %parallel_loop3A_270, %parallel_loop3A_271 : vector<16xf32>
      %parallel_loop3A_273 = arith.addf %parallel_loop3A_267, %parallel_loop3A_219 : vector<16xf32>
      %parallel_loop3A_274 = arith.mulf %parallel_loop3A_219, %parallel_loop3A_219 : vector<16xf32>
      %parallel_loop3A_275 = arith.addf %parallel_loop3A_272, %parallel_loop3A_274 : vector<16xf32>
      %parallel_loop3A_276 = arith.addf %parallel_loop3A_273, %parallel_loop3A_222 : vector<16xf32>
      %parallel_loop3A_277 = arith.mulf %parallel_loop3A_222, %parallel_loop3A_222 : vector<16xf32>
      %parallel_loop3A_278 = arith.addf %parallel_loop3A_275, %parallel_loop3A_277 : vector<16xf32>
      %parallel_loop3A_279 = arith.addf %parallel_loop3A_276, %parallel_loop3A_225 : vector<16xf32>
      %parallel_loop3A_280 = arith.mulf %parallel_loop3A_225, %parallel_loop3A_225 : vector<16xf32>
      %parallel_loop3A_281 = arith.addf %parallel_loop3A_278, %parallel_loop3A_280 : vector<16xf32>
      %parallel_loop3A_282 = arith.addf %parallel_loop3A_279, %parallel_loop3A_228 : vector<16xf32>
      %parallel_loop3A_283 = arith.mulf %parallel_loop3A_228, %parallel_loop3A_228 : vector<16xf32>
      %parallel_loop3A_284 = arith.addf %parallel_loop3A_281, %parallel_loop3A_283 : vector<16xf32>
      %parallel_loop3A_285 = arith.addf %parallel_loop3A_282, %parallel_loop3A_231 : vector<16xf32>
      %parallel_loop3A_286 = arith.mulf %parallel_loop3A_231, %parallel_loop3A_231 : vector<16xf32>
      %parallel_loop3A_287 = arith.addf %parallel_loop3A_284, %parallel_loop3A_286 : vector<16xf32>
      %parallel_loop3A_288 = arith.addf %parallel_loop3A_285, %parallel_loop3A_234 : vector<16xf32>
      %parallel_loop3A_289 = arith.mulf %parallel_loop3A_234, %parallel_loop3A_234 : vector<16xf32>
      %parallel_loop3A_290 = arith.addf %parallel_loop3A_287, %parallel_loop3A_289 : vector<16xf32>
      %parallel_loop3A_291 = arith.addf %parallel_loop3A_288, %parallel_loop3A_237 : vector<16xf32>
      %parallel_loop3A_292 = arith.mulf %parallel_loop3A_237, %parallel_loop3A_237 : vector<16xf32>
      %parallel_loop3A_293 = arith.addf %parallel_loop3A_290, %parallel_loop3A_292 : vector<16xf32>
      %parallel_loop3A_294 = arith.constant true
      %parallel_loop3A_295 = vector.broadcast %parallel_loop3A_294 : i1 to vector<16xi1>
      %parallel_loop3A_296 = tpu.scan <sum>, %parallel_loop3A_291 masked %parallel_loop3A_295 : vector<16xf32>, vector<16xi1> -> vector<16xf32>
      %parallel_loop3A_297 = arith.constant 0 : i32
      %parallel_loop3A_298 = vector.broadcast %parallel_loop3A_297 : i32 to vector<16xi32>
      %parallel_loop3A_299 = arith.cmpi slt, %broadcast_in_dim3A_20, %parallel_loop3A_298 : vector<16xi32>
      %parallel_loop3A_300 = arith.constant 16 : i32
      %parallel_loop3A_301 = vector.broadcast %parallel_loop3A_300 : i32 to vector<16xi32>
      %parallel_loop3A_302 = arith.addi %broadcast_in_dim3A_20, %parallel_loop3A_301 : vector<16xi32>
      %parallel_loop3A_303 = arith.select %parallel_loop3A_299, %parallel_loop3A_302, %broadcast_in_dim3A_20 : vector<16xi1>, vector<16xi32>
      %parallel_loop3A_304 = vector.shape_cast %parallel_loop3A_303 : vector<16xi32> to vector<16x1xi32>
      %parallel_loop3A_305 = vector.shape_cast %parallel_loop3A_304 : vector<16x1xi32> to vector<16xi32>
      %parallel_loop3A_306 = tpu.dynamic_gather %parallel_loop3A_296[%parallel_loop3A_305] in [0] : vector<16xf32>, vector<16xi32> -> vector<16xf32>
      %parallel_loop3A_307 = arith.constant true
      %parallel_loop3A_308 = vector.broadcast %parallel_loop3A_307 : i1 to vector<16xi1>
      %parallel_loop3A_309 = tpu.scan <sum>, %parallel_loop3A_293 masked %parallel_loop3A_308 : vector<16xf32>, vector<16xi1> -> vector<16xf32>
      %parallel_loop3A_310 = arith.constant 0 : i32
      %parallel_loop3A_311 = vector.broadcast %parallel_loop3A_310 : i32 to vector<16xi32>
      %parallel_loop3A_312 = arith.cmpi slt, %broadcast_in_dim3A_20, %parallel_loop3A_311 : vector<16xi32>
      %parallel_loop3A_313 = arith.constant 16 : i32
      %parallel_loop3A_314 = vector.broadcast %parallel_loop3A_313 : i32 to vector<16xi32>
      %parallel_loop3A_315 = arith.addi %broadcast_in_dim3A_20, %parallel_loop3A_314 : vector<16xi32>
      %parallel_loop3A_316 = arith.select %parallel_loop3A_312, %parallel_loop3A_315, %broadcast_in_dim3A_20 : vector<16xi1>, vector<16xi32>
      %parallel_loop3A_317 = vector.shape_cast %parallel_loop3A_316 : vector<16xi32> to vector<16x1xi32>
      %parallel_loop3A_318 = vector.shape_cast %parallel_loop3A_317 : vector<16x1xi32> to vector<16xi32>
      %parallel_loop3A_319 = tpu.dynamic_gather %parallel_loop3A_309[%parallel_loop3A_318] in [0] : vector<16xf32>, vector<16xi32> -> vector<16xf32>
      %parallel_loop3A_320 = arith.constant 0.00746268639 : f32
      %parallel_loop3A_321 = vector.broadcast %parallel_loop3A_320 : f32 to vector<16xf32>
      %parallel_loop3A_322 = arith.mulf %parallel_loop3A_306, %parallel_loop3A_321 : vector<16xf32>
      %parallel_loop3A_323 = arith.constant 0.00746268639 : f32
      %parallel_loop3A_324 = vector.broadcast %parallel_loop3A_323 : f32 to vector<16xf32>
      %parallel_loop3A_325 = arith.mulf %parallel_loop3A_319, %parallel_loop3A_324 : vector<16xf32>
      %parallel_loop3A_326 = arith.mulf %parallel_loop3A_322, %parallel_loop3A_322 : vector<16xf32>
      %parallel_loop3A_327 = arith.subf %parallel_loop3A_325, %parallel_loop3A_326 : vector<16xf32>
      %parallel_loop3A_328 = arith.constant 9.99999996E-13 : f32
      %parallel_loop3A_329 = vector.broadcast %parallel_loop3A_328 : f32 to vector<16xf32>
      %parallel_loop3A_330 = arith.addf %parallel_loop3A_327, %parallel_loop3A_329 : vector<16xf32>
      %parallel_loop3A_331 = tpu.bitcast %parallel_loop3A_330 : vector<16xf32> -> vector<16xi32>
      %parallel_loop3A_332 = arith.constant 1 : i32
      %parallel_loop3A_333 = vector.broadcast %parallel_loop3A_332 : i32 to vector<16xi32>
      %parallel_loop3A_334 = arith.shrui %parallel_loop3A_331, %parallel_loop3A_333 : vector<16xi32>
      %parallel_loop3A_335 = arith.constant 1597463007 : i32
      %parallel_loop3A_336 = vector.broadcast %parallel_loop3A_335 : i32 to vector<16xi32>
      %parallel_loop3A_337 = arith.subi %parallel_loop3A_336, %parallel_loop3A_334 : vector<16xi32>
      %parallel_loop3A_338 = tpu.bitcast %parallel_loop3A_337 : vector<16xi32> -> vector<16xf32>
      %parallel_loop3A_339 = arith.constant 5.000000e-01 : f32
      %parallel_loop3A_340 = vector.broadcast %parallel_loop3A_339 : f32 to vector<16xf32>
      %parallel_loop3A_341 = arith.mulf %parallel_loop3A_340, %parallel_loop3A_330 : vector<16xf32>
      %parallel_loop3A_342 = arith.mulf %parallel_loop3A_341, %parallel_loop3A_338 : vector<16xf32>
      %parallel_loop3A_343 = arith.mulf %parallel_loop3A_342, %parallel_loop3A_338 : vector<16xf32>
      %parallel_loop3A_344 = arith.constant 1.500000e+00 : f32
      %parallel_loop3A_345 = vector.broadcast %parallel_loop3A_344 : f32 to vector<16xf32>
      %parallel_loop3A_346 = arith.subf %parallel_loop3A_345, %parallel_loop3A_343 : vector<16xf32>
      %parallel_loop3A_347 = arith.mulf %parallel_loop3A_338, %parallel_loop3A_346 : vector<16xf32>
      %parallel_loop3A_348 = arith.constant 5.000000e-01 : f32
      %parallel_loop3A_349 = vector.broadcast %parallel_loop3A_348 : f32 to vector<16xf32>
      %parallel_loop3A_350 = arith.mulf %parallel_loop3A_349, %parallel_loop3A_330 : vector<16xf32>
      %parallel_loop3A_351 = arith.mulf %parallel_loop3A_350, %parallel_loop3A_347 : vector<16xf32>
      %parallel_loop3A_352 = arith.mulf %parallel_loop3A_351, %parallel_loop3A_347 : vector<16xf32>
      %parallel_loop3A_353 = arith.constant 1.500000e+00 : f32
      %parallel_loop3A_354 = vector.broadcast %parallel_loop3A_353 : f32 to vector<16xf32>
      %parallel_loop3A_355 = arith.subf %parallel_loop3A_354, %parallel_loop3A_352 : vector<16xf32>
      %parallel_loop3A_356 = arith.mulf %parallel_loop3A_347, %parallel_loop3A_355 : vector<16xf32>
      %parallel_loop3A_357 = arith.constant 5.000000e-01 : f32
      %parallel_loop3A_358 = vector.broadcast %parallel_loop3A_357 : f32 to vector<16xf32>
      %parallel_loop3A_359 = arith.mulf %parallel_loop3A_358, %parallel_loop3A_330 : vector<16xf32>
      %parallel_loop3A_360 = arith.mulf %parallel_loop3A_359, %parallel_loop3A_356 : vector<16xf32>
      %parallel_loop3A_361 = arith.mulf %parallel_loop3A_360, %parallel_loop3A_356 : vector<16xf32>
      %parallel_loop3A_362 = arith.constant 1.500000e+00 : f32
      %parallel_loop3A_363 = vector.broadcast %parallel_loop3A_362 : f32 to vector<16xf32>
      %parallel_loop3A_364 = arith.subf %parallel_loop3A_363, %parallel_loop3A_361 : vector<16xf32>
      %parallel_loop3A_365 = arith.mulf %parallel_loop3A_356, %parallel_loop3A_364 : vector<16xf32>
      %parallel_loop3A_366 = arith.constant 0 : i32
      %parallel_loop3A_367 = vector.broadcast %parallel_loop3A_366 : i32 to vector<16xi32>
      %parallel_loop3A_368 = arith.cmpi slt, %select_n3A_29, %parallel_loop3A_367 : vector<16xi32>
      %parallel_loop3A_369 = arith.constant 16 : i32
      %parallel_loop3A_370 = vector.broadcast %parallel_loop3A_369 : i32 to vector<16xi32>
      %parallel_loop3A_371 = arith.addi %select_n3A_29, %parallel_loop3A_370 : vector<16xi32>
      %parallel_loop3A_372 = arith.select %parallel_loop3A_368, %parallel_loop3A_371, %select_n3A_29 : vector<16xi1>, vector<16xi32>
      %parallel_loop3A_373 = vector.shape_cast %parallel_loop3A_372 : vector<16xi32> to vector<16x1xi32>
      %parallel_loop3A_374 = vector.shape_cast %parallel_loop3A_373 : vector<16x1xi32> to vector<16xi32>
      %parallel_loop3A_375 = tpu.dynamic_gather %parallel_loop3A_216[%parallel_loop3A_374] in [0] : vector<16xf32>, vector<16xi32> -> vector<16xf32>
      %parallel_loop3A_376 = arith.select %lt3A_7, %parallel_loop3A_263, %parallel_loop3A_375 : vector<16xi1>, vector<16xf32>
      %parallel_loop3A_377 = arith.subf %parallel_loop3A_376, %parallel_loop3A_322 : vector<16xf32>
      %parallel_loop3A_378 = arith.mulf %parallel_loop3A_377, %parallel_loop3A_365 : vector<16xf32>
      %parallel_loop3A_379 = arith.mulf %parallel_loop3A_378, %get3A_32 : vector<16xf32>
      %parallel_loop3A_380 = arith.addf %parallel_loop3A_379, %get3A_48 : vector<16xf32>
      %parallel_loop3A_381 = arith.index_cast %parallel_loop3A_213 : i32 to index
      %parallel_loop3A_382 = arith.constant 0 : index
      %parallel_loop3A_383 = tpu.vector_load %arg8[%parallel_loop3A_381, %parallel_loop3A_382] {strides = array<i32>} : memref<128x128xf32, #tpu.memory_space<vmem>>, vector<16xf32>,
      tpu.vector_store %arg8[%parallel_loop3A_381, %parallel_loop3A_382], %parallel_loop3A_380 {strides = array<i32>} : memref<128x128xf32, #tpu.memory_space<vmem>>, vector<16xf32>,
      %parallel_loop3A_384 = arith.subf %parallel_loop3A_219, %parallel_loop3A_322 : vector<16xf32>
      %parallel_loop3A_385 = arith.mulf %parallel_loop3A_384, %parallel_loop3A_365 : vector<16xf32>
      %parallel_loop3A_386 = arith.mulf %parallel_loop3A_385, %get3A_34 : vector<16xf32>
      %parallel_loop3A_387 = arith.addf %parallel_loop3A_386, %get3A_50 : vector<16xf32>
      %parallel_loop3A_388 = arith.index_cast %parallel_loop3A_213 : i32 to index
      %parallel_loop3A_389 = arith.constant 16 : index
      %parallel_loop3A_390 = tpu.vector_load %arg8[%parallel_loop3A_388, %parallel_loop3A_389] {strides = array<i32>} : memref<128x128xf32, #tpu.memory_space<vmem>>, vector<16xf32>,
      tpu.vector_store %arg8[%parallel_loop3A_388, %parallel_loop3A_389], %parallel_loop3A_387 {strides = array<i32>} : memref<128x128xf32, #tpu.memory_space<vmem>>, vector<16xf32>,
      %parallel_loop3A_391 = arith.subf %parallel_loop3A_222, %parallel_loop3A_322 : vector<16xf32>
      %parallel_loop3A_392 = arith.mulf %parallel_loop3A_391, %parallel_loop3A_365 : vector<16xf32>
      %parallel_loop3A_393 = arith.mulf %parallel_loop3A_392, %get3A_36 : vector<16xf32>
      %parallel_loop3A_394 = arith.addf %parallel_loop3A_393, %get3A_52 : vector<16xf32>
      %parallel_loop3A_395 = arith.index_cast %parallel_loop3A_213 : i32 to index
      %parallel_loop3A_396 = arith.constant 32 : index
      %parallel_loop3A_397 = tpu.vector_load %arg8[%parallel_loop3A_395, %parallel_loop3A_396] {strides = array<i32>} : memref<128x128xf32, #tpu.memory_space<vmem>>, vector<16xf32>,
      tpu.vector_store %arg8[%parallel_loop3A_395, %parallel_loop3A_396], %parallel_loop3A_394 {strides = array<i32>} : memref<128x128xf32, #tpu.memory_space<vmem>>, vector<16xf32>,
      %parallel_loop3A_398 = arith.subf %parallel_loop3A_225, %parallel_loop3A_322 : vector<16xf32>
      %parallel_loop3A_399 = arith.mulf %parallel_loop3A_398, %parallel_loop3A_365 : vector<16xf32>
      %parallel_loop3A_400 = arith.mulf %parallel_loop3A_399, %get3A_38 : vector<16xf32>
      %parallel_loop3A_401 = arith.addf %parallel_loop3A_400, %get3A_54 : vector<16xf32>
      %parallel_loop3A_402 = arith.index_cast %parallel_loop3A_213 : i32 to index
      %parallel_loop3A_403 = arith.constant 48 : index
      %parallel_loop3A_404 = tpu.vector_load %arg8[%parallel_loop3A_402, %parallel_loop3A_403] {strides = array<i32>} : memref<128x128xf32, #tpu.memory_space<vmem>>, vector<16xf32>,
      tpu.vector_store %arg8[%parallel_loop3A_402, %parallel_loop3A_403], %parallel_loop3A_401 {strides = array<i32>} : memref<128x128xf32, #tpu.memory_space<vmem>>, vector<16xf32>,
      %parallel_loop3A_405 = arith.subf %parallel_loop3A_228, %parallel_loop3A_322 : vector<16xf32>
      %parallel_loop3A_406 = arith.mulf %parallel_loop3A_405, %parallel_loop3A_365 : vector<16xf32>
      %parallel_loop3A_407 = arith.mulf %parallel_loop3A_406, %get3A_40 : vector<16xf32>
      %parallel_loop3A_408 = arith.addf %parallel_loop3A_407, %get3A_56 : vector<16xf32>
      %parallel_loop3A_409 = arith.index_cast %parallel_loop3A_213 : i32 to index
      %parallel_loop3A_410 = arith.constant 64 : index
      %parallel_loop3A_411 = tpu.vector_load %arg8[%parallel_loop3A_409, %parallel_loop3A_410] {strides = array<i32>} : memref<128x128xf32, #tpu.memory_space<vmem>>, vector<16xf32>,
      tpu.vector_store %arg8[%parallel_loop3A_409, %parallel_loop3A_410], %parallel_loop3A_408 {strides = array<i32>} : memref<128x128xf32, #tpu.memory_space<vmem>>, vector<16xf32>,
      %parallel_loop3A_412 = arith.subf %parallel_loop3A_231, %parallel_loop3A_322 : vector<16xf32>
      %parallel_loop3A_413 = arith.mulf %parallel_loop3A_412, %parallel_loop3A_365 : vector<16xf32>
      %parallel_loop3A_414 = arith.mulf %parallel_loop3A_413, %get3A_42 : vector<16xf32>
      %parallel_loop3A_415 = arith.addf %parallel_loop3A_414, %get3A_58 : vector<16xf32>
      %parallel_loop3A_416 = arith.index_cast %parallel_loop3A_213 : i32 to index
      %parallel_loop3A_417 = arith.constant 80 : index
      %parallel_loop3A_418 = tpu.vector_load %arg8[%parallel_loop3A_416, %parallel_loop3A_417] {strides = array<i32>} : memref<128x128xf32, #tpu.memory_space<vmem>>, vector<16xf32>,
      tpu.vector_store %arg8[%parallel_loop3A_416, %parallel_loop3A_417], %parallel_loop3A_415 {strides = array<i32>} : memref<128x128xf32, #tpu.memory_space<vmem>>, vector<16xf32>,
      %parallel_loop3A_419 = arith.subf %parallel_loop3A_234, %parallel_loop3A_322 : vector<16xf32>
      %parallel_loop3A_420 = arith.mulf %parallel_loop3A_419, %parallel_loop3A_365 : vector<16xf32>
      %parallel_loop3A_421 = arith.mulf %parallel_loop3A_420, %get3A_44 : vector<16xf32>
      %parallel_loop3A_422 = arith.addf %parallel_loop3A_421, %get3A_60 : vector<16xf32>
      %parallel_loop3A_423 = arith.index_cast %parallel_loop3A_213 : i32 to index
      %parallel_loop3A_424 = arith.constant 96 : index
      %parallel_loop3A_425 = tpu.vector_load %arg8[%parallel_loop3A_423, %parallel_loop3A_424] {strides = array<i32>} : memref<128x128xf32, #tpu.memory_space<vmem>>, vector<16xf32>,
      tpu.vector_store %arg8[%parallel_loop3A_423, %parallel_loop3A_424], %parallel_loop3A_422 {strides = array<i32>} : memref<128x128xf32, #tpu.memory_space<vmem>>, vector<16xf32>,
      %parallel_loop3A_426 = arith.subf %parallel_loop3A_237, %parallel_loop3A_322 : vector<16xf32>
      %parallel_loop3A_427 = arith.mulf %parallel_loop3A_426, %parallel_loop3A_365 : vector<16xf32>
      %parallel_loop3A_428 = arith.mulf %parallel_loop3A_427, %get3A_46 : vector<16xf32>
      %parallel_loop3A_429 = arith.addf %parallel_loop3A_428, %get3A_62 : vector<16xf32>
      %parallel_loop3A_430 = arith.index_cast %parallel_loop3A_213 : i32 to index
      %parallel_loop3A_431 = arith.constant 112 : index
      %parallel_loop3A_432 = tpu.vector_load %arg8[%parallel_loop3A_430, %parallel_loop3A_431] {strides = array<i32>} : memref<128x128xf32, #tpu.memory_space<vmem>>, vector<16xf32>,
      tpu.vector_store %arg8[%parallel_loop3A_430, %parallel_loop3A_431], %parallel_loop3A_429 {strides = array<i32>} : memref<128x128xf32, #tpu.memory_space<vmem>>, vector<16xf32>,
      %parallel_loop3A_433 = arith.constant 0 : i32
      %parallel_loop3A_434 = vector.broadcast %parallel_loop3A_433 : i32 to vector<16xi32>
      %parallel_loop3A_435 = arith.cmpi slt, %select_n3A, %parallel_loop3A_434 : vector<16xi32>
      %parallel_loop3A_436 = arith.constant 16 : i32
      %parallel_loop3A_437 = vector.broadcast %parallel_loop3A_436 : i32 to vector<16xi32>
      %parallel_loop3A_438 = arith.addi %select_n3A, %parallel_loop3A_437 : vector<16xi32>
      %parallel_loop3A_439 = arith.select %parallel_loop3A_435, %parallel_loop3A_438, %select_n3A : vector<16xi1>, vector<16xi32>
      %parallel_loop3A_440 = vector.shape_cast %parallel_loop3A_439 : vector<16xi32> to vector<16x1xi32>
      %parallel_loop3A_441 = vector.shape_cast %parallel_loop3A_440 : vector<16x1xi32> to vector<16xi32>
      %parallel_loop3A_442 = tpu.dynamic_gather %parallel_loop3A_240[%parallel_loop3A_441] in [0] : vector<16xf32>, vector<16xi32> -> vector<16xf32>
      %parallel_loop3A_443 = arith.subf %parallel_loop3A_442, %parallel_loop3A_322 : vector<16xf32>
      %parallel_loop3A_444 = arith.mulf %parallel_loop3A_443, %parallel_loop3A_365 : vector<16xf32>
      %parallel_loop3A_445 = arith.mulf %parallel_loop3A_444, %get3A_64 : vector<16xf32>
      %parallel_loop3A_446 = arith.addf %parallel_loop3A_445, %get3A_66 : vector<16xf32>
      %parallel_loop3A_447 = vector.broadcast %parallel_loop3A_213 : i32 to vector<16xi32>
      %parallel_loop3A_448 = arith.addi %parallel_loop3A_447, %broadcast_in_dim3A_18 : vector<16xi32>
      tpu.vector_store_idx %arg10[%parallel_loop3A_448, %iota3A], %parallel_loop3A_446 masked %lt3A_10 : memref<128x6xf32, #tpu.memory_space<vmem>>[vector<16xi32>, vector<16xi32>], vector<16xf32>, vector<16xi1>
    } {sc.loop_unroll_factor = 2 : i64, sc.parallel_access}
    %mul3A_150 = arith.constant 512 : i32
    %mul3A_151 = arith.muli %add3A, %mul3A_150 : i32
    %add3A_152 = arith.constant 256 : i32
    %add3A_153 = arith.addi %mul3A_151, %add3A_152 : i32
    %dma_start3A_154 = arith.constant 0 : i32
    %dma_start3A_155 = tpu.memref_slice %arg5[%add3A_153, %dma_start3A_154] : memref<16384x134xf32, #tpu.memory_space<hbm>> -> memref<128x128xf32, #tpu.memory_space<hbm>>
    %dma_start3A_156 = arith.constant 0 : i32
    %dma_start3A_157 = tpu.memref_slice %arg5[%add3A_153, %dma_start3A_156] : memref<16384x134xf32, #tpu.memory_space<hbm>> -> memref<128x128xf32, #tpu.memory_space<hbm>>
    tpu.enqueue_dma source(%arg8 : memref<128x128xf32, #tpu.memory_space<vmem>>) target(%dma_start3A_157 : memref<128x128xf32, #tpu.memory_space<hbm>>) target_semaphore(%arg16 : memref<!tpu.dma_semaphore, #tpu.memory_space<semaphore_mem>>)
    %mul3A_158 = arith.constant 512 : i32
    %mul3A_159 = arith.muli %add3A, %mul3A_158 : i32
    %add3A_160 = arith.constant 256 : i32
    %add3A_161 = arith.addi %mul3A_159, %add3A_160 : i32
    %dma_start3A_162 = arith.constant 128 : i32
    %dma_start3A_163 = tpu.memref_slice %arg5[%add3A_161, %dma_start3A_162] : memref<16384x134xf32, #tpu.memory_space<hbm>> -> memref<128x6xf32, #tpu.memory_space<hbm>>
    %dma_start3A_164 = arith.constant 128 : i32
    %dma_start3A_165 = tpu.memref_slice %arg5[%add3A_161, %dma_start3A_164] : memref<16384x134xf32, #tpu.memory_space<hbm>> -> memref<128x6xf32, #tpu.memory_space<hbm>>
    tpu.enqueue_dma source(%arg10 : memref<128x6xf32, #tpu.memory_space<vmem>>) target(%dma_start3A_165 : memref<128x6xf32, #tpu.memory_space<hbm>>) target_semaphore(%arg16 : memref<!tpu.dma_semaphore, #tpu.memory_space<semaphore_mem>>)
    %dma_wait3A_166 = arith.constant 0 : i32
    %dma_wait3A_167 = tpu.memref_slice %arg2[%add3A_130, %dma_wait3A_166] : memref<16384x128xf32, #tpu.memory_space<hbm>> -> memref<128x128xf32, #tpu.memory_space<hbm>>
    %dma_wait3A_168 = arith.constant 0 : i32
    %dma_wait3A_169 = tpu.memref_slice %arg2[%add3A_130, %dma_wait3A_168] : memref<16384x128xf32, #tpu.memory_space<hbm>> -> memref<128x128xf32, #tpu.memory_space<hbm>>
    tpu.wait_dma2 semaphore(%arg15 : memref<!tpu.dma_semaphore, #tpu.memory_space<semaphore_mem>>) src(%dma_wait3A_169 : memref<128x128xf32, #tpu.memory_space<hbm>>) dst(%arg7 : memref<128x128xf32, #tpu.memory_space<vmem>>)
    %dma_wait3A_170 = arith.constant 0 : i32
    %dma_wait3A_171 = tpu.memref_slice %arg5[%add3A_114, %dma_wait3A_170] : memref<16384x134xf32, #tpu.memory_space<hbm>> -> memref<128x128xf32, #tpu.memory_space<hbm>>
    %dma_wait3A_172 = arith.constant 0 : i32
    %dma_wait3A_173 = tpu.memref_slice %arg5[%add3A_114, %dma_wait3A_172] : memref<16384x134xf32, #tpu.memory_space<hbm>> -> memref<128x128xf32, #tpu.memory_space<hbm>>
    tpu.wait_dma2 semaphore(%arg17 : memref<!tpu.dma_semaphore, #tpu.memory_space<semaphore_mem>>) src(%arg9 : memref<128x128xf32, #tpu.memory_space<vmem>>) dst(%dma_wait3A_173 : memref<128x128xf32, #tpu.memory_space<hbm>>)
    %dma_wait3A_174 = arith.constant 128 : i32
    %dma_wait3A_175 = tpu.memref_slice %arg5[%add3A_122, %dma_wait3A_174] : memref<16384x134xf32, #tpu.memory_space<hbm>> -> memref<128x6xf32, #tpu.memory_space<hbm>>
    %dma_wait3A_176 = arith.constant 128 : i32
    %dma_wait3A_177 = tpu.memref_slice %arg5[%add3A_122, %dma_wait3A_176] : memref<16384x134xf32, #tpu.memory_space<hbm>> -> memref<128x6xf32, #tpu.memory_space<hbm>>
    tpu.wait_dma2 semaphore(%arg17 : memref<!tpu.dma_semaphore, #tpu.memory_space<semaphore_mem>>) src(%arg11 : memref<128x6xf32, #tpu.memory_space<vmem>>) dst(%dma_wait3A_177 : memref<128x6xf32, #tpu.memory_space<hbm>>)
    %parallel_loop3A_178 = arith.constant 0 : i32
    %parallel_loop3A_179 = arith.constant 128 : i32
    %parallel_loop3A_180 = arith.constant 1 : i32
    scf.for %parallel_loop3A_213 = %parallel_loop3A_178 to %parallel_loop3A_179 step %parallel_loop3A_180  : i32 {
      %parallel_loop3A_214 = arith.index_cast %parallel_loop3A_213 : i32 to index
      %parallel_loop3A_215 = arith.constant 0 : index
      %parallel_loop3A_216 = tpu.vector_load %arg7[%parallel_loop3A_214, %parallel_loop3A_215] {strides = array<i32>} : memref<128x128xf32, #tpu.memory_space<vmem>>, vector<16xf32>,
      %parallel_loop3A_217 = arith.index_cast %parallel_loop3A_213 : i32 to index
      %parallel_loop3A_218 = arith.constant 10 : index
      %parallel_loop3A_219 = tpu.vector_load %arg7[%parallel_loop3A_217, %parallel_loop3A_218] {strides = array<i32>} : memref<128x128xf32, #tpu.memory_space<vmem>>, vector<16xf32>,
      %parallel_loop3A_220 = arith.index_cast %parallel_loop3A_213 : i32 to index
      %parallel_loop3A_221 = arith.constant 26 : index
      %parallel_loop3A_222 = tpu.vector_load %arg7[%parallel_loop3A_220, %parallel_loop3A_221] {strides = array<i32>} : memref<128x128xf32, #tpu.memory_space<vmem>>, vector<16xf32>,
      %parallel_loop3A_223 = arith.index_cast %parallel_loop3A_213 : i32 to index
      %parallel_loop3A_224 = arith.constant 42 : index
      %parallel_loop3A_225 = tpu.vector_load %arg7[%parallel_loop3A_223, %parallel_loop3A_224] {strides = array<i32>} : memref<128x128xf32, #tpu.memory_space<vmem>>, vector<16xf32>,
      %parallel_loop3A_226 = arith.index_cast %parallel_loop3A_213 : i32 to index
      %parallel_loop3A_227 = arith.constant 58 : index
      %parallel_loop3A_228 = tpu.vector_load %arg7[%parallel_loop3A_226, %parallel_loop3A_227] {strides = array<i32>} : memref<128x128xf32, #tpu.memory_space<vmem>>, vector<16xf32>,
      %parallel_loop3A_229 = arith.index_cast %parallel_loop3A_213 : i32 to index
      %parallel_loop3A_230 = arith.constant 74 : index
      %parallel_loop3A_231 = tpu.vector_load %arg7[%parallel_loop3A_229, %parallel_loop3A_230] {strides = array<i32>} : memref<128x128xf32, #tpu.memory_space<vmem>>, vector<16xf32>,
      %parallel_loop3A_232 = arith.index_cast %parallel_loop3A_213 : i32 to index
      %parallel_loop3A_233 = arith.constant 90 : index
      %parallel_loop3A_234 = tpu.vector_load %arg7[%parallel_loop3A_232, %parallel_loop3A_233] {strides = array<i32>} : memref<128x128xf32, #tpu.memory_space<vmem>>, vector<16xf32>,
      %parallel_loop3A_235 = arith.index_cast %parallel_loop3A_213 : i32 to index
      %parallel_loop3A_236 = arith.constant 106 : index
      %parallel_loop3A_237 = tpu.vector_load %arg7[%parallel_loop3A_235, %parallel_loop3A_236] {strides = array<i32>} : memref<128x128xf32, #tpu.memory_space<vmem>>, vector<16xf32>,
      %parallel_loop3A_238 = arith.index_cast %parallel_loop3A_213 : i32 to index
      %parallel_loop3A_239 = arith.constant 112 : index
      %parallel_loop3A_240 = tpu.vector_load %arg7[%parallel_loop3A_238, %parallel_loop3A_239] {strides = array<i32>} : memref<128x128xf32, #tpu.memory_space<vmem>>, vector<16xf32>,
      %parallel_loop3A_241 = arith.fptosi %parallel_loop3A_216 : vector<16xf32> to vector<16xi32>
      %parallel_loop3A_242 = arith.constant 0 : i32
      %parallel_loop3A_243 = vector.broadcast %parallel_loop3A_242 : i32 to vector<16xi32>
      %parallel_loop3A_244 = arith.cmpi slt, %broadcast_in_dim3A_18, %parallel_loop3A_243 : vector<16xi32>
      %parallel_loop3A_245 = arith.constant 16 : i32
      %parallel_loop3A_246 = vector.broadcast %parallel_loop3A_245 : i32 to vector<16xi32>
      %parallel_loop3A_247 = arith.addi %broadcast_in_dim3A_18, %parallel_loop3A_246 : vector<16xi32>
      %parallel_loop3A_248 = arith.select %parallel_loop3A_244, %parallel_loop3A_247, %broadcast_in_dim3A_18 : vector<16xi1>, vector<16xi32>
      %parallel_loop3A_249 = vector.shape_cast %parallel_loop3A_248 : vector<16xi32> to vector<16x1xi32>
      %parallel_loop3A_250 = vector.shape_cast %parallel_loop3A_249 : vector<16x1xi32> to vector<16xi32>
      %parallel_loop3A_251 = tpu.dynamic_gather %parallel_loop3A_241[%parallel_loop3A_250] in [0] : vector<16xi32>, vector<16xi32> -> vector<16xi32>
      %parallel_loop3A_252 = arith.constant 1 : i32
      %parallel_loop3A_253 = vector.broadcast %parallel_loop3A_252 : i32 to vector<16xi32>
      %parallel_loop3A_254 = arith.addi %parallel_loop3A_251, %parallel_loop3A_253 : vector<16xi32>
      %parallel_loop3A_255 = arith.constant 7 : i32
      %parallel_loop3A_256 = vector.broadcast %parallel_loop3A_255 : i32 to vector<16xi32>
      %parallel_loop3A_257 = arith.muli %parallel_loop3A_254, %parallel_loop3A_256 : vector<16xi32>
      %parallel_loop3A_258 = arith.addi %parallel_loop3A_257, %iota3A : vector<16xi32>
      %parallel_loop3A_259 = arith.constant 0 : i32
      %parallel_loop3A_260 = vector.broadcast %parallel_loop3A_259 : i32 to vector<16xi32>
      %parallel_loop3A_261 = arith.select %lt3A_7, %parallel_loop3A_258, %parallel_loop3A_260 : vector<16xi1>, vector<16xi32>
      %parallel_loop3A_262 = tpu.vector_load_idx %arg13[%parallel_loop3A_261] masked %lt3A_7 : memref<72xf32, #tpu.memory_space<vmem>>[vector<16xi32>], vector<16xf32>, vector<16xi1>
      %parallel_loop3A_263 = arith.select %lt3A_7, %parallel_loop3A_262, %broadcast_in_dim3A_31 : vector<16xi1>, vector<16xf32>
      %parallel_loop3A_264 = arith.select %and3A, %parallel_loop3A_216, %broadcast_in_dim3A_31 : vector<16xi1>, vector<16xf32>
      %parallel_loop3A_265 = arith.select %ge3A_17, %parallel_loop3A_240, %broadcast_in_dim3A_31 : vector<16xi1>, vector<16xf32>
      %parallel_loop3A_266 = arith.addf %parallel_loop3A_263, %parallel_loop3A_264 : vector<16xf32>
      %parallel_loop3A_267 = arith.addf %parallel_loop3A_266, %parallel_loop3A_265 : vector<16xf32>
      %parallel_loop3A_268 = arith.mulf %parallel_loop3A_263, %parallel_loop3A_263 : vector<16xf32>
      %parallel_loop3A_269 = arith.mulf %parallel_loop3A_264, %parallel_loop3A_264 : vector<16xf32>
      %parallel_loop3A_270 = arith.addf %parallel_loop3A_268, %parallel_loop3A_269 : vector<16xf32>
      %parallel_loop3A_271 = arith.mulf %parallel_loop3A_265, %parallel_loop3A_265 : vector<16xf32>
      %parallel_loop3A_272 = arith.addf %parallel_loop3A_270, %parallel_loop3A_271 : vector<16xf32>
      %parallel_loop3A_273 = arith.addf %parallel_loop3A_267, %parallel_loop3A_219 : vector<16xf32>
      %parallel_loop3A_274 = arith.mulf %parallel_loop3A_219, %parallel_loop3A_219 : vector<16xf32>
      %parallel_loop3A_275 = arith.addf %parallel_loop3A_272, %parallel_loop3A_274 : vector<16xf32>
      %parallel_loop3A_276 = arith.addf %parallel_loop3A_273, %parallel_loop3A_222 : vector<16xf32>
      %parallel_loop3A_277 = arith.mulf %parallel_loop3A_222, %parallel_loop3A_222 : vector<16xf32>
      %parallel_loop3A_278 = arith.addf %parallel_loop3A_275, %parallel_loop3A_277 : vector<16xf32>
      %parallel_loop3A_279 = arith.addf %parallel_loop3A_276, %parallel_loop3A_225 : vector<16xf32>
      %parallel_loop3A_280 = arith.mulf %parallel_loop3A_225, %parallel_loop3A_225 : vector<16xf32>
      %parallel_loop3A_281 = arith.addf %parallel_loop3A_278, %parallel_loop3A_280 : vector<16xf32>
      %parallel_loop3A_282 = arith.addf %parallel_loop3A_279, %parallel_loop3A_228 : vector<16xf32>
      %parallel_loop3A_283 = arith.mulf %parallel_loop3A_228, %parallel_loop3A_228 : vector<16xf32>
      %parallel_loop3A_284 = arith.addf %parallel_loop3A_281, %parallel_loop3A_283 : vector<16xf32>
      %parallel_loop3A_285 = arith.addf %parallel_loop3A_282, %parallel_loop3A_231 : vector<16xf32>
      %parallel_loop3A_286 = arith.mulf %parallel_loop3A_231, %parallel_loop3A_231 : vector<16xf32>
      %parallel_loop3A_287 = arith.addf %parallel_loop3A_284, %parallel_loop3A_286 : vector<16xf32>
      %parallel_loop3A_288 = arith.addf %parallel_loop3A_285, %parallel_loop3A_234 : vector<16xf32>
      %parallel_loop3A_289 = arith.mulf %parallel_loop3A_234, %parallel_loop3A_234 : vector<16xf32>
      %parallel_loop3A_290 = arith.addf %parallel_loop3A_287, %parallel_loop3A_289 : vector<16xf32>
      %parallel_loop3A_291 = arith.addf %parallel_loop3A_288, %parallel_loop3A_237 : vector<16xf32>
      %parallel_loop3A_292 = arith.mulf %parallel_loop3A_237, %parallel_loop3A_237 : vector<16xf32>
      %parallel_loop3A_293 = arith.addf %parallel_loop3A_290, %parallel_loop3A_292 : vector<16xf32>
      %parallel_loop3A_294 = arith.constant true
      %parallel_loop3A_295 = vector.broadcast %parallel_loop3A_294 : i1 to vector<16xi1>
      %parallel_loop3A_296 = tpu.scan <sum>, %parallel_loop3A_291 masked %parallel_loop3A_295 : vector<16xf32>, vector<16xi1> -> vector<16xf32>
      %parallel_loop3A_297 = arith.constant 0 : i32
      %parallel_loop3A_298 = vector.broadcast %parallel_loop3A_297 : i32 to vector<16xi32>
      %parallel_loop3A_299 = arith.cmpi slt, %broadcast_in_dim3A_20, %parallel_loop3A_298 : vector<16xi32>
      %parallel_loop3A_300 = arith.constant 16 : i32
      %parallel_loop3A_301 = vector.broadcast %parallel_loop3A_300 : i32 to vector<16xi32>
      %parallel_loop3A_302 = arith.addi %broadcast_in_dim3A_20, %parallel_loop3A_301 : vector<16xi32>
      %parallel_loop3A_303 = arith.select %parallel_loop3A_299, %parallel_loop3A_302, %broadcast_in_dim3A_20 : vector<16xi1>, vector<16xi32>
      %parallel_loop3A_304 = vector.shape_cast %parallel_loop3A_303 : vector<16xi32> to vector<16x1xi32>
      %parallel_loop3A_305 = vector.shape_cast %parallel_loop3A_304 : vector<16x1xi32> to vector<16xi32>
      %parallel_loop3A_306 = tpu.dynamic_gather %parallel_loop3A_296[%parallel_loop3A_305] in [0] : vector<16xf32>, vector<16xi32> -> vector<16xf32>
      %parallel_loop3A_307 = arith.constant true
      %parallel_loop3A_308 = vector.broadcast %parallel_loop3A_307 : i1 to vector<16xi1>
      %parallel_loop3A_309 = tpu.scan <sum>, %parallel_loop3A_293 masked %parallel_loop3A_308 : vector<16xf32>, vector<16xi1> -> vector<16xf32>
      %parallel_loop3A_310 = arith.constant 0 : i32
      %parallel_loop3A_311 = vector.broadcast %parallel_loop3A_310 : i32 to vector<16xi32>
      %parallel_loop3A_312 = arith.cmpi slt, %broadcast_in_dim3A_20, %parallel_loop3A_311 : vector<16xi32>
      %parallel_loop3A_313 = arith.constant 16 : i32
      %parallel_loop3A_314 = vector.broadcast %parallel_loop3A_313 : i32 to vector<16xi32>
      %parallel_loop3A_315 = arith.addi %broadcast_in_dim3A_20, %parallel_loop3A_314 : vector<16xi32>
      %parallel_loop3A_316 = arith.select %parallel_loop3A_312, %parallel_loop3A_315, %broadcast_in_dim3A_20 : vector<16xi1>, vector<16xi32>
      %parallel_loop3A_317 = vector.shape_cast %parallel_loop3A_316 : vector<16xi32> to vector<16x1xi32>
      %parallel_loop3A_318 = vector.shape_cast %parallel_loop3A_317 : vector<16x1xi32> to vector<16xi32>
      %parallel_loop3A_319 = tpu.dynamic_gather %parallel_loop3A_309[%parallel_loop3A_318] in [0] : vector<16xf32>, vector<16xi32> -> vector<16xf32>
      %parallel_loop3A_320 = arith.constant 0.00746268639 : f32
      %parallel_loop3A_321 = vector.broadcast %parallel_loop3A_320 : f32 to vector<16xf32>
      %parallel_loop3A_322 = arith.mulf %parallel_loop3A_306, %parallel_loop3A_321 : vector<16xf32>
      %parallel_loop3A_323 = arith.constant 0.00746268639 : f32
      %parallel_loop3A_324 = vector.broadcast %parallel_loop3A_323 : f32 to vector<16xf32>
      %parallel_loop3A_325 = arith.mulf %parallel_loop3A_319, %parallel_loop3A_324 : vector<16xf32>
      %parallel_loop3A_326 = arith.mulf %parallel_loop3A_322, %parallel_loop3A_322 : vector<16xf32>
      %parallel_loop3A_327 = arith.subf %parallel_loop3A_325, %parallel_loop3A_326 : vector<16xf32>
      %parallel_loop3A_328 = arith.constant 9.99999996E-13 : f32
      %parallel_loop3A_329 = vector.broadcast %parallel_loop3A_328 : f32 to vector<16xf32>
      %parallel_loop3A_330 = arith.addf %parallel_loop3A_327, %parallel_loop3A_329 : vector<16xf32>
      %parallel_loop3A_331 = tpu.bitcast %parallel_loop3A_330 : vector<16xf32> -> vector<16xi32>
      %parallel_loop3A_332 = arith.constant 1 : i32
      %parallel_loop3A_333 = vector.broadcast %parallel_loop3A_332 : i32 to vector<16xi32>
      %parallel_loop3A_334 = arith.shrui %parallel_loop3A_331, %parallel_loop3A_333 : vector<16xi32>
      %parallel_loop3A_335 = arith.constant 1597463007 : i32
      %parallel_loop3A_336 = vector.broadcast %parallel_loop3A_335 : i32 to vector<16xi32>
      %parallel_loop3A_337 = arith.subi %parallel_loop3A_336, %parallel_loop3A_334 : vector<16xi32>
      %parallel_loop3A_338 = tpu.bitcast %parallel_loop3A_337 : vector<16xi32> -> vector<16xf32>
      %parallel_loop3A_339 = arith.constant 5.000000e-01 : f32
      %parallel_loop3A_340 = vector.broadcast %parallel_loop3A_339 : f32 to vector<16xf32>
      %parallel_loop3A_341 = arith.mulf %parallel_loop3A_340, %parallel_loop3A_330 : vector<16xf32>
      %parallel_loop3A_342 = arith.mulf %parallel_loop3A_341, %parallel_loop3A_338 : vector<16xf32>
      %parallel_loop3A_343 = arith.mulf %parallel_loop3A_342, %parallel_loop3A_338 : vector<16xf32>
      %parallel_loop3A_344 = arith.constant 1.500000e+00 : f32
      %parallel_loop3A_345 = vector.broadcast %parallel_loop3A_344 : f32 to vector<16xf32>
      %parallel_loop3A_346 = arith.subf %parallel_loop3A_345, %parallel_loop3A_343 : vector<16xf32>
      %parallel_loop3A_347 = arith.mulf %parallel_loop3A_338, %parallel_loop3A_346 : vector<16xf32>
      %parallel_loop3A_348 = arith.constant 5.000000e-01 : f32
      %parallel_loop3A_349 = vector.broadcast %parallel_loop3A_348 : f32 to vector<16xf32>
      %parallel_loop3A_350 = arith.mulf %parallel_loop3A_349, %parallel_loop3A_330 : vector<16xf32>
      %parallel_loop3A_351 = arith.mulf %parallel_loop3A_350, %parallel_loop3A_347 : vector<16xf32>
      %parallel_loop3A_352 = arith.mulf %parallel_loop3A_351, %parallel_loop3A_347 : vector<16xf32>
      %parallel_loop3A_353 = arith.constant 1.500000e+00 : f32
      %parallel_loop3A_354 = vector.broadcast %parallel_loop3A_353 : f32 to vector<16xf32>
      %parallel_loop3A_355 = arith.subf %parallel_loop3A_354, %parallel_loop3A_352 : vector<16xf32>
      %parallel_loop3A_356 = arith.mulf %parallel_loop3A_347, %parallel_loop3A_355 : vector<16xf32>
      %parallel_loop3A_357 = arith.constant 5.000000e-01 : f32
      %parallel_loop3A_358 = vector.broadcast %parallel_loop3A_357 : f32 to vector<16xf32>
      %parallel_loop3A_359 = arith.mulf %parallel_loop3A_358, %parallel_loop3A_330 : vector<16xf32>
      %parallel_loop3A_360 = arith.mulf %parallel_loop3A_359, %parallel_loop3A_356 : vector<16xf32>
      %parallel_loop3A_361 = arith.mulf %parallel_loop3A_360, %parallel_loop3A_356 : vector<16xf32>
      %parallel_loop3A_362 = arith.constant 1.500000e+00 : f32
      %parallel_loop3A_363 = vector.broadcast %parallel_loop3A_362 : f32 to vector<16xf32>
      %parallel_loop3A_364 = arith.subf %parallel_loop3A_363, %parallel_loop3A_361 : vector<16xf32>
      %parallel_loop3A_365 = arith.mulf %parallel_loop3A_356, %parallel_loop3A_364 : vector<16xf32>
      %parallel_loop3A_366 = arith.constant 0 : i32
      %parallel_loop3A_367 = vector.broadcast %parallel_loop3A_366 : i32 to vector<16xi32>
      %parallel_loop3A_368 = arith.cmpi slt, %select_n3A_29, %parallel_loop3A_367 : vector<16xi32>
      %parallel_loop3A_369 = arith.constant 16 : i32
      %parallel_loop3A_370 = vector.broadcast %parallel_loop3A_369 : i32 to vector<16xi32>
      %parallel_loop3A_371 = arith.addi %select_n3A_29, %parallel_loop3A_370 : vector<16xi32>
      %parallel_loop3A_372 = arith.select %parallel_loop3A_368, %parallel_loop3A_371, %select_n3A_29 : vector<16xi1>, vector<16xi32>
      %parallel_loop3A_373 = vector.shape_cast %parallel_loop3A_372 : vector<16xi32> to vector<16x1xi32>
      %parallel_loop3A_374 = vector.shape_cast %parallel_loop3A_373 : vector<16x1xi32> to vector<16xi32>
      %parallel_loop3A_375 = tpu.dynamic_gather %parallel_loop3A_216[%parallel_loop3A_374] in [0] : vector<16xf32>, vector<16xi32> -> vector<16xf32>
      %parallel_loop3A_376 = arith.select %lt3A_7, %parallel_loop3A_263, %parallel_loop3A_375 : vector<16xi1>, vector<16xf32>
      %parallel_loop3A_377 = arith.subf %parallel_loop3A_376, %parallel_loop3A_322 : vector<16xf32>
      %parallel_loop3A_378 = arith.mulf %parallel_loop3A_377, %parallel_loop3A_365 : vector<16xf32>
      %parallel_loop3A_379 = arith.mulf %parallel_loop3A_378, %get3A_32 : vector<16xf32>
      %parallel_loop3A_380 = arith.addf %parallel_loop3A_379, %get3A_48 : vector<16xf32>
      %parallel_loop3A_381 = arith.index_cast %parallel_loop3A_213 : i32 to index
      %parallel_loop3A_382 = arith.constant 0 : index
      %parallel_loop3A_383 = tpu.vector_load %arg9[%parallel_loop3A_381, %parallel_loop3A_382] {strides = array<i32>} : memref<128x128xf32, #tpu.memory_space<vmem>>, vector<16xf32>,
      tpu.vector_store %arg9[%parallel_loop3A_381, %parallel_loop3A_382], %parallel_loop3A_380 {strides = array<i32>} : memref<128x128xf32, #tpu.memory_space<vmem>>, vector<16xf32>,
      %parallel_loop3A_384 = arith.subf %parallel_loop3A_219, %parallel_loop3A_322 : vector<16xf32>
      %parallel_loop3A_385 = arith.mulf %parallel_loop3A_384, %parallel_loop3A_365 : vector<16xf32>
      %parallel_loop3A_386 = arith.mulf %parallel_loop3A_385, %get3A_34 : vector<16xf32>
      %parallel_loop3A_387 = arith.addf %parallel_loop3A_386, %get3A_50 : vector<16xf32>
      %parallel_loop3A_388 = arith.index_cast %parallel_loop3A_213 : i32 to index
      %parallel_loop3A_389 = arith.constant 16 : index
      %parallel_loop3A_390 = tpu.vector_load %arg9[%parallel_loop3A_388, %parallel_loop3A_389] {strides = array<i32>} : memref<128x128xf32, #tpu.memory_space<vmem>>, vector<16xf32>,
      tpu.vector_store %arg9[%parallel_loop3A_388, %parallel_loop3A_389], %parallel_loop3A_387 {strides = array<i32>} : memref<128x128xf32, #tpu.memory_space<vmem>>, vector<16xf32>,
      %parallel_loop3A_391 = arith.subf %parallel_loop3A_222, %parallel_loop3A_322 : vector<16xf32>
      %parallel_loop3A_392 = arith.mulf %parallel_loop3A_391, %parallel_loop3A_365 : vector<16xf32>
      %parallel_loop3A_393 = arith.mulf %parallel_loop3A_392, %get3A_36 : vector<16xf32>
      %parallel_loop3A_394 = arith.addf %parallel_loop3A_393, %get3A_52 : vector<16xf32>
      %parallel_loop3A_395 = arith.index_cast %parallel_loop3A_213 : i32 to index
      %parallel_loop3A_396 = arith.constant 32 : index
      %parallel_loop3A_397 = tpu.vector_load %arg9[%parallel_loop3A_395, %parallel_loop3A_396] {strides = array<i32>} : memref<128x128xf32, #tpu.memory_space<vmem>>, vector<16xf32>,
      tpu.vector_store %arg9[%parallel_loop3A_395, %parallel_loop3A_396], %parallel_loop3A_394 {strides = array<i32>} : memref<128x128xf32, #tpu.memory_space<vmem>>, vector<16xf32>,
      %parallel_loop3A_398 = arith.subf %parallel_loop3A_225, %parallel_loop3A_322 : vector<16xf32>
      %parallel_loop3A_399 = arith.mulf %parallel_loop3A_398, %parallel_loop3A_365 : vector<16xf32>
      %parallel_loop3A_400 = arith.mulf %parallel_loop3A_399, %get3A_38 : vector<16xf32>
      %parallel_loop3A_401 = arith.addf %parallel_loop3A_400, %get3A_54 : vector<16xf32>
      %parallel_loop3A_402 = arith.index_cast %parallel_loop3A_213 : i32 to index
      %parallel_loop3A_403 = arith.constant 48 : index
      %parallel_loop3A_404 = tpu.vector_load %arg9[%parallel_loop3A_402, %parallel_loop3A_403] {strides = array<i32>} : memref<128x128xf32, #tpu.memory_space<vmem>>, vector<16xf32>,
      tpu.vector_store %arg9[%parallel_loop3A_402, %parallel_loop3A_403], %parallel_loop3A_401 {strides = array<i32>} : memref<128x128xf32, #tpu.memory_space<vmem>>, vector<16xf32>,
      %parallel_loop3A_405 = arith.subf %parallel_loop3A_228, %parallel_loop3A_322 : vector<16xf32>
      %parallel_loop3A_406 = arith.mulf %parallel_loop3A_405, %parallel_loop3A_365 : vector<16xf32>
      %parallel_loop3A_407 = arith.mulf %parallel_loop3A_406, %get3A_40 : vector<16xf32>
      %parallel_loop3A_408 = arith.addf %parallel_loop3A_407, %get3A_56 : vector<16xf32>
      %parallel_loop3A_409 = arith.index_cast %parallel_loop3A_213 : i32 to index
      %parallel_loop3A_410 = arith.constant 64 : index
      %parallel_loop3A_411 = tpu.vector_load %arg9[%parallel_loop3A_409, %parallel_loop3A_410] {strides = array<i32>} : memref<128x128xf32, #tpu.memory_space<vmem>>, vector<16xf32>,
      tpu.vector_store %arg9[%parallel_loop3A_409, %parallel_loop3A_410], %parallel_loop3A_408 {strides = array<i32>} : memref<128x128xf32, #tpu.memory_space<vmem>>, vector<16xf32>,
      %parallel_loop3A_412 = arith.subf %parallel_loop3A_231, %parallel_loop3A_322 : vector<16xf32>
      %parallel_loop3A_413 = arith.mulf %parallel_loop3A_412, %parallel_loop3A_365 : vector<16xf32>
      %parallel_loop3A_414 = arith.mulf %parallel_loop3A_413, %get3A_42 : vector<16xf32>
      %parallel_loop3A_415 = arith.addf %parallel_loop3A_414, %get3A_58 : vector<16xf32>
      %parallel_loop3A_416 = arith.index_cast %parallel_loop3A_213 : i32 to index
      %parallel_loop3A_417 = arith.constant 80 : index
      %parallel_loop3A_418 = tpu.vector_load %arg9[%parallel_loop3A_416, %parallel_loop3A_417] {strides = array<i32>} : memref<128x128xf32, #tpu.memory_space<vmem>>, vector<16xf32>,
      tpu.vector_store %arg9[%parallel_loop3A_416, %parallel_loop3A_417], %parallel_loop3A_415 {strides = array<i32>} : memref<128x128xf32, #tpu.memory_space<vmem>>, vector<16xf32>,
      %parallel_loop3A_419 = arith.subf %parallel_loop3A_234, %parallel_loop3A_322 : vector<16xf32>
      %parallel_loop3A_420 = arith.mulf %parallel_loop3A_419, %parallel_loop3A_365 : vector<16xf32>
      %parallel_loop3A_421 = arith.mulf %parallel_loop3A_420, %get3A_44 : vector<16xf32>
      %parallel_loop3A_422 = arith.addf %parallel_loop3A_421, %get3A_60 : vector<16xf32>
      %parallel_loop3A_423 = arith.index_cast %parallel_loop3A_213 : i32 to index
      %parallel_loop3A_424 = arith.constant 96 : index
      %parallel_loop3A_425 = tpu.vector_load %arg9[%parallel_loop3A_423, %parallel_loop3A_424] {strides = array<i32>} : memref<128x128xf32, #tpu.memory_space<vmem>>, vector<16xf32>,
      tpu.vector_store %arg9[%parallel_loop3A_423, %parallel_loop3A_424], %parallel_loop3A_422 {strides = array<i32>} : memref<128x128xf32, #tpu.memory_space<vmem>>, vector<16xf32>,
      %parallel_loop3A_426 = arith.subf %parallel_loop3A_237, %parallel_loop3A_322 : vector<16xf32>
      %parallel_loop3A_427 = arith.mulf %parallel_loop3A_426, %parallel_loop3A_365 : vector<16xf32>
      %parallel_loop3A_428 = arith.mulf %parallel_loop3A_427, %get3A_46 : vector<16xf32>
      %parallel_loop3A_429 = arith.addf %parallel_loop3A_428, %get3A_62 : vector<16xf32>
      %parallel_loop3A_430 = arith.index_cast %parallel_loop3A_213 : i32 to index
      %parallel_loop3A_431 = arith.constant 112 : index
      %parallel_loop3A_432 = tpu.vector_load %arg9[%parallel_loop3A_430, %parallel_loop3A_431] {strides = array<i32>} : memref<128x128xf32, #tpu.memory_space<vmem>>, vector<16xf32>,
      tpu.vector_store %arg9[%parallel_loop3A_430, %parallel_loop3A_431], %parallel_loop3A_429 {strides = array<i32>} : memref<128x128xf32, #tpu.memory_space<vmem>>, vector<16xf32>,
      %parallel_loop3A_433 = arith.constant 0 : i32
      %parallel_loop3A_434 = vector.broadcast %parallel_loop3A_433 : i32 to vector<16xi32>
      %parallel_loop3A_435 = arith.cmpi slt, %select_n3A, %parallel_loop3A_434 : vector<16xi32>
      %parallel_loop3A_436 = arith.constant 16 : i32
      %parallel_loop3A_437 = vector.broadcast %parallel_loop3A_436 : i32 to vector<16xi32>
      %parallel_loop3A_438 = arith.addi %select_n3A, %parallel_loop3A_437 : vector<16xi32>
      %parallel_loop3A_439 = arith.select %parallel_loop3A_435, %parallel_loop3A_438, %select_n3A : vector<16xi1>, vector<16xi32>
      %parallel_loop3A_440 = vector.shape_cast %parallel_loop3A_439 : vector<16xi32> to vector<16x1xi32>
      %parallel_loop3A_441 = vector.shape_cast %parallel_loop3A_440 : vector<16x1xi32> to vector<16xi32>
      %parallel_loop3A_442 = tpu.dynamic_gather %parallel_loop3A_240[%parallel_loop3A_441] in [0] : vector<16xf32>, vector<16xi32> -> vector<16xf32>
      %parallel_loop3A_443 = arith.subf %parallel_loop3A_442, %parallel_loop3A_322 : vector<16xf32>
      %parallel_loop3A_444 = arith.mulf %parallel_loop3A_443, %parallel_loop3A_365 : vector<16xf32>
      %parallel_loop3A_445 = arith.mulf %parallel_loop3A_444, %get3A_64 : vector<16xf32>
      %parallel_loop3A_446 = arith.addf %parallel_loop3A_445, %get3A_66 : vector<16xf32>
      %parallel_loop3A_447 = vector.broadcast %parallel_loop3A_213 : i32 to vector<16xi32>
      %parallel_loop3A_448 = arith.addi %parallel_loop3A_447, %broadcast_in_dim3A_18 : vector<16xi32>
      tpu.vector_store_idx %arg11[%parallel_loop3A_448, %iota3A], %parallel_loop3A_446 masked %lt3A_10 : memref<128x6xf32, #tpu.memory_space<vmem>>[vector<16xi32>, vector<16xi32>], vector<16xf32>, vector<16xi1>
    } {sc.loop_unroll_factor = 2 : i64, sc.parallel_access}
    %mul3A_181 = arith.constant 512 : i32
    %mul3A_182 = arith.muli %add3A, %mul3A_181 : i32
    %add3A_183 = arith.constant 384 : i32
    %add3A_184 = arith.addi %mul3A_182, %add3A_183 : i32
    %dma_start3A_185 = arith.constant 0 : i32
    %dma_start3A_186 = tpu.memref_slice %arg5[%add3A_184, %dma_start3A_185] : memref<16384x134xf32, #tpu.memory_space<hbm>> -> memref<128x128xf32, #tpu.memory_space<hbm>>
    %dma_start3A_187 = arith.constant 0 : i32
    %dma_start3A_188 = tpu.memref_slice %arg5[%add3A_184, %dma_start3A_187] : memref<16384x134xf32, #tpu.memory_space<hbm>> -> memref<128x128xf32, #tpu.memory_space<hbm>>
    tpu.enqueue_dma source(%arg9 : memref<128x128xf32, #tpu.memory_space<vmem>>) target(%dma_start3A_188 : memref<128x128xf32, #tpu.memory_space<hbm>>) target_semaphore(%arg17 : memref<!tpu.dma_semaphore, #tpu.memory_space<semaphore_mem>>)
    %mul3A_189 = arith.constant 512 : i32
    %mul3A_190 = arith.muli %add3A, %mul3A_189 : i32
    %add3A_191 = arith.constant 384 : i32
    %add3A_192 = arith.addi %mul3A_190, %add3A_191 : i32
    %dma_start3A_193 = arith.constant 128 : i32
    %dma_start3A_194 = tpu.memref_slice %arg5[%add3A_192, %dma_start3A_193] : memref<16384x134xf32, #tpu.memory_space<hbm>> -> memref<128x6xf32, #tpu.memory_space<hbm>>
    %dma_start3A_195 = arith.constant 128 : i32
    %dma_start3A_196 = tpu.memref_slice %arg5[%add3A_192, %dma_start3A_195] : memref<16384x134xf32, #tpu.memory_space<hbm>> -> memref<128x6xf32, #tpu.memory_space<hbm>>
    tpu.enqueue_dma source(%arg11 : memref<128x6xf32, #tpu.memory_space<vmem>>) target(%dma_start3A_196 : memref<128x6xf32, #tpu.memory_space<hbm>>) target_semaphore(%arg17 : memref<!tpu.dma_semaphore, #tpu.memory_space<semaphore_mem>>)
    %dma_wait3A_197 = arith.constant 0 : i32
    %dma_wait3A_198 = tpu.memref_slice %arg5[%add3A_153, %dma_wait3A_197] : memref<16384x134xf32, #tpu.memory_space<hbm>> -> memref<128x128xf32, #tpu.memory_space<hbm>>
    %dma_wait3A_199 = arith.constant 0 : i32
    %dma_wait3A_200 = tpu.memref_slice %arg5[%add3A_153, %dma_wait3A_199] : memref<16384x134xf32, #tpu.memory_space<hbm>> -> memref<128x128xf32, #tpu.memory_space<hbm>>
    tpu.wait_dma2 semaphore(%arg16 : memref<!tpu.dma_semaphore, #tpu.memory_space<semaphore_mem>>) src(%arg8 : memref<128x128xf32, #tpu.memory_space<vmem>>) dst(%dma_wait3A_200 : memref<128x128xf32, #tpu.memory_space<hbm>>)
    %dma_wait3A_201 = arith.constant 128 : i32
    %dma_wait3A_202 = tpu.memref_slice %arg5[%add3A_161, %dma_wait3A_201] : memref<16384x134xf32, #tpu.memory_space<hbm>> -> memref<128x6xf32, #tpu.memory_space<hbm>>
    %dma_wait3A_203 = arith.constant 128 : i32
    %dma_wait3A_204 = tpu.memref_slice %arg5[%add3A_161, %dma_wait3A_203] : memref<16384x134xf32, #tpu.memory_space<hbm>> -> memref<128x6xf32, #tpu.memory_space<hbm>>
    tpu.wait_dma2 semaphore(%arg16 : memref<!tpu.dma_semaphore, #tpu.memory_space<semaphore_mem>>) src(%arg10 : memref<128x6xf32, #tpu.memory_space<vmem>>) dst(%dma_wait3A_204 : memref<128x6xf32, #tpu.memory_space<hbm>>)
    %dma_wait3A_205 = arith.constant 0 : i32
    %dma_wait3A_206 = tpu.memref_slice %arg5[%add3A_184, %dma_wait3A_205] : memref<16384x134xf32, #tpu.memory_space<hbm>> -> memref<128x128xf32, #tpu.memory_space<hbm>>
    %dma_wait3A_207 = arith.constant 0 : i32
    %dma_wait3A_208 = tpu.memref_slice %arg5[%add3A_184, %dma_wait3A_207] : memref<16384x134xf32, #tpu.memory_space<hbm>> -> memref<128x128xf32, #tpu.memory_space<hbm>>
    tpu.wait_dma2 semaphore(%arg17 : memref<!tpu.dma_semaphore, #tpu.memory_space<semaphore_mem>>) src(%arg9 : memref<128x128xf32, #tpu.memory_space<vmem>>) dst(%dma_wait3A_208 : memref<128x128xf32, #tpu.memory_space<hbm>>)
    %dma_wait3A_209 = arith.constant 128 : i32
    %dma_wait3A_210 = tpu.memref_slice %arg5[%add3A_192, %dma_wait3A_209] : memref<16384x134xf32, #tpu.memory_space<hbm>> -> memref<128x6xf32, #tpu.memory_space<hbm>>
    %dma_wait3A_211 = arith.constant 128 : i32
    %dma_wait3A_212 = tpu.memref_slice %arg5[%add3A_192, %dma_wait3A_211] : memref<16384x134xf32, #tpu.memory_space<hbm>> -> memref<128x6xf32, #tpu.memory_space<hbm>>
    tpu.wait_dma2 semaphore(%arg17 : memref<!tpu.dma_semaphore, #tpu.memory_space<semaphore_mem>>) src(%arg11 : memref<128x6xf32, #tpu.memory_space<vmem>>) dst(%dma_wait3A_212 : memref<128x6xf32, #tpu.memory_space<hbm>>)
    return
  }
}

</mosaic_0001>

<sc_bundles>
// kernel: kernel.3.cloned.1.call-start
scs
__scs_entry_jumppad:
0x0: {  	(pc) =	sbr.rel $0x88, $3  }
0x1: {  	(tag) =	ssettag $0x0;
	lr =	simm.s32 $0x1  }
0x2: {  	[smem:$0x3F9D] =	sst lr;
	_ =	strace $0xD0000000  }
0x3: {  	_ = 	snop  }
0x4: {  	_ = 	snop  }
0x5: {  	_ = 	snop  }
0x6: {  	_ = 	snop  }
0x7: {  	_ = 	snop  }
__scs_overlays_trampoline_lowered:
0x8: {  	[smem:$0x3FAC] =	sst s0  }
0x9: {  	[smem:$0x3FAD] =	sst s1  }
0xa: {  	[smem:$0x3FAE] =	sst s2  }
0xb: {  	[smem:$0x3FAF] =	sst s3  }
0xc: {  	[smem:$0x3FB0] =	sst s4  }
0xd: {  	[smem:$0x3FB1] =	sst s5  }
0xe: {  	[smem:$0x3FB2] =	sst s6  }
0xf: {  	[smem:$0x3FB3] =	sst s7  }
0x10: {  	[smem:$0x3FB4] =	sst s8  }
0x11: {  	[smem:$0x3FB5] =	sst s9;
	s0 =	simm.s32 @!p0 $0x0  }
0x12: {  	s1 =	sld [smem:$0x3F9B];
	s0 =	simm.s32 @p0 $0x1  }
0x13: {  	[smem:$0x3FB6] =	sst s0;
	s0 =	simm.s32 @!p1 $0x0  }
0x14: {  	s2 =	sld [smem:$0x3F9A];
	s0 =	simm.s32 @p1 $0x1  }
0x15: {  	[smem:$0x3FB7] =	sst s0;
	s0 =	simm.s32 @!p2 $0x0  }
0x16: {  	s3 =	sld [smem:$0x3FDB];
	s0 =	simm.s32 @p2 $0x1  }
0x17: {  	s4 =	simm.s32 $0x1BF5;
	[smem:$0x3FB9] =	sst s0  }
0x18: {  	s0 =	sld [smem:$0x3F9C];
	_ =	swait.ge [sflag:s4], $0x0  }
0x19: {  	s7 =	sld [smem:$0x3F9D]  }
0x1a: {  	s8 =	sadd.s32 $0xFFFFE003, lr  }
0x1b: {  	s9 =	sadd.s32 $0xFFFFFEF7, lr;
	s5 =	simm.s32 $0xFFFFFFFF;
	p2 =	slt.u32 s8, $0xFFFFF086  }
0x1c: {  	p1 =	slt.u32 s9, $0xF7A;
	s5 =	simm.s32 @!p2 $0x0  }
0x1d: {  	s5 =	simm.s32 @p1 $0x1;
	p0 =	seq.s32 s7, s2  }
0x1e: {  	s7 =	smul.u32 @!p0 $0xF7A, s2;
	p2 =	seq.s32 @!p0 s5, $0x0  }
0x1f: {  	s9 =	smul.u32 $0xF7A, s1;
	s8 =	simm.s32 @!p0 $0x1BF5;
	p2 =	por !p2, p0  }
0x20: {  	[sflag:s8] =	ssyncset.s32 @!p0 $0xFFFFF086;
	s6 =	sadd.s32 @!p0 s3, s7;
	s7 =	simm.s32 @!p0 $0x108  }
0x21: {  	s3 =	sadd.s32 s3, s9;
	s6 =	sadd.s32 @!p0 $0x88, s6;
	s7 =	simm.s32 @p2 $0x1082  }
0x22: {  	[simem:s7], [sflag:s8] =	dma.local @!p0 [hbm:s6], $0xF7A  }
0x23: {  	s9 =	sor.u32 $0xD0000000, s2;
	s6 =	simm.s32 $0x108;
	_ =	swait.ge @!p0 [sflag:s8], $0x0  }
0x24: {  	s3 =	sadd.s32 $0x88, s3;
	s6 =	simm.s32 @!p1 $0x1082;
	[sflag:s4] =	ssyncset.s32 $0xFFFFF086  }
0x25: {  	[simem:s6], [sflag:s4] =	dma.local [hbm:s3], $0xF7A  }
0x26: {  	[smem:$0x3F9D] =	sst s1;
	(tag) =	ssettag s2;
	_ =	strace s9  }
0x27: {  	s1 =	sld [smem:$0x3FAD]  }
0x28: {  	s2 =	sld [smem:$0x3FAE]  }
0x29: {  	s4 =	sld [smem:$0x3FB0]  }
0x2a: {  	p0 =	seq.s32 s5, $0x0;
	s5 =	sld [smem:$0x3FB1]  }
0x2b: {  	s6 =	sld [smem:$0x3FB2]  }
0x2c: {  	s7 =	sld [smem:$0x3FB3]  }
0x2d: {  	s3 =	simm.s32 $0x108;
	s8 =	sld [smem:$0x3FB4]  }
0x2e: {  	s3 =	simm.s32 @!p0 $0x1082;
	s9 =	sld [smem:$0x3FB5]  }
0x2f: {  	lr =	sadd.s32 s0, s3;
	s0 =	sld [smem:$0x3FAC]  }
0x30: {  	s3 =	sld [smem:$0x3FAF]  }
0x31: {  	[smem:$0x3FB8] =	sst s10  }
0x32: {  	s10 =	sld [smem:$0x3FB6];
	_ =	sdelay $0x3  }
0x33: {  	p0 =	seq.s32 s10, $0x1;
	s10 =	sld [smem:$0x3FB8];
	_ =	sdelay $0x3  }
0x34: {  	[smem:$0x3FB8] =	sst s10  }
0x35: {  	s10 =	sld [smem:$0x3FB7];
	_ =	sdelay $0x3  }
0x36: {  	p1 =	seq.s32 s10, $0x1;
	s10 =	sld [smem:$0x3FB8];
	_ =	sdelay $0x3  }
0x37: {  	[smem:$0x3FB8] =	sst s10  }
0x38: {  	s10 =	sld [smem:$0x3FB9]  }
0x39: {  	_ = 	snop;
	(pc) =	sbr.ind lr, $3  }
0x3a: {  	_ = 	snop  }
0x3b: {  	_ = 	snop  }
0x3c: {  	p2 =	seq.s32 s10, $0x1;
	s10 =	sld [smem:$0x3FB8]  }
0x3d: {  	_ =	shalt  }
0x3e: {  	_ =	shalt  }
0x3f: {  	_ =	shalt  }
0x40: {  	_ =	shalt  }
0x41: {  	_ =	shalt  }
0x42: {  	_ =	shalt  }
0x43: {  	_ =	shalt  }
0x44: {  	_ =	shalt  }
0x45: {  	_ =	shalt  }
0x46: {  	_ =	shalt  }
0x47: {  	_ =	shalt  }
0x48: {  	_ =	shalt  }
0x49: {  	_ =	shalt  }
0x4a: {  	_ =	shalt  }
0x4b: {  	_ =	shalt  }
0x4c: {  	_ =	shalt  }
0x4d: {  	_ =	shalt  }
0x4e: {  	_ =	shalt  }
0x4f: {  	_ =	shalt  }
0x50: {  	_ =	shalt  }
0x51: {  	_ =	shalt  }
0x52: {  	_ =	shalt  }
0x53: {  	_ =	shalt  }
0x54: {  	_ =	shalt  }
0x55: {  	_ =	shalt  }
0x56: {  	_ =	shalt  }
0x57: {  	_ =	shalt  }
0x58: {  	_ =	shalt  }
0x59: {  	_ =	shalt  }
0x5a: {  	_ =	shalt  }
0x5b: {  	_ =	shalt  }
0x5c: {  	_ =	shalt  }
0x5d: {  	_ =	shalt  }
0x5e: {  	_ =	shalt  }
0x5f: {  	_ =	shalt  }
0x60: {  	_ =	shalt  }
0x61: {  	_ =	shalt  }
0x62: {  	_ =	shalt  }
0x63: {  	_ =	shalt  }
0x64: {  	_ =	shalt  }
0x65: {  	_ =	shalt  }
0x66: {  	_ =	shalt  }
0x67: {  	_ =	shalt  }
0x68: {  	_ =	shalt  }
0x69: {  	_ =	shalt  }
0x6a: {  	_ =	shalt  }
0x6b: {  	_ =	shalt  }
0x6c: {  	_ =	shalt  }
0x6d: {  	_ =	shalt  }
0x6e: {  	_ =	shalt  }
0x6f: {  	_ =	shalt  }
0x70: {  	_ =	shalt  }
0x71: {  	_ =	shalt  }
0x72: {  	_ =	shalt  }
0x73: {  	_ =	shalt  }
0x74: {  	_ =	shalt  }
0x75: {  	_ =	shalt  }
0x76: {  	_ =	shalt  }
0x77: {  	_ =	shalt  }
0x78: {  	_ =	shalt  }
0x79: {  	_ =	shalt  }
0x7a: {  	_ =	shalt  }
0x7b: {  	_ =	shalt  }
0x7c: {  	_ =	shalt  }
0x7d: {  	_ =	shalt  }
0x7e: {  	_ =	shalt  }
0x7f: {  	_ =	shalt  }
0x80: {  	_ =	shalt  }
0x81: {  	_ =	shalt  }
0x82: {  	_ =	shalt  }
0x83: {  	_ =	shalt  }
0x84: {  	_ =	shalt  }
0x85: {  	_ =	shalt  }
0x86: {  	_ =	shalt  }
0x87: {  	_ =	shalt  }
.Lfunc_end0:
.L_simem_size_0:
called_computation_lowered:
.L_overlay_start_0:
0x88: {  	s2 =	sld [smem:$0x3FD9]  }
0x89: {  	s3 =	sld [smem:$0x3FFE];
	_ =	sdelay $0x1  }
0x8a: {  	s1 =	srdreg.scid  }
0x8b: {  	s0 =	sand.u32 $0x1, s1  }
0x8c: {  	s17 =	sshll.u32 s0, $0xA;
	s2 =	sadd.s32 s3, s2  }
0x8d: {  	s2 =	sadd.s32 s2, s17  }
0x8e: {  	[smem:$0x3FC4] =	sst s2  }
0x8f: {  	_ = 	snop  }
0x90: {  	s2 =	sld [smem:$0x3FC9]  }
0x91: {  	s18 =	sld [smem:$0x3FD0];
	(tm) =	ssettm $0x1  }
0x92: {  	s4 =	sld [smem:$0x3FFB];
	_ =	sdelay $0x3  }
0x93: {  	_ =	strace s4  }
0x94: {  	s4 =	sld [smem:$0x3FFC];
	_ =	sdelay $0x3  }
0x95: {  	_ =	strace s4  }
0x96: {  	s4 =	sld [smem:$0x3FFD];
	_ =	sdelay $0x3  }
0x97: {  	_ =	strace s4  }
0x98: {  	_ =	strace $0x8FFFFFFF  }
0x99: {  	s19 =	sld [smem:$0x3FDB];
	_ =	sdelay $0x1  }
0x9a: {  	s5 =	simm.s32 $_scs_section_size  }
0x9b: {  	s6 =	simm.s32 $_size__tile_overlayer_lowered;
	s7 =	simm.s32 $_tile_overlayer_lowered  }
0x9c: {  	s22 =	simm.s32 $0x1BFF;
	s21 =	sshll.u32 s7, $0x1;
	s4 =	sadd.s32 s5, s19  }
0x9d: {  	s8 =	simm.s32 $0x0;
	s20 =	sshll.u32 s6, $0x1;
	s6 =	sadd.s32 s21, s4  }
0x9e: {  	[timem:s8], [sflag:s22] =	dma.local [hbm:s6], s20  }
0x9f: {  	_ =	swait.ge [sflag:s22], s20  }
0xa0: {  	s5 =	ssub.s32 $0x0, s20;
	[sflag:s22] =	ssyncset.done $0x0  }
0xa1: {  	[sflag:s22] =	ssyncadd.s32 s5;
	_ =	sdelay $0x1  }
0xa2: {  	s23 =	simm.s32 $0x1B8B  }
0xa3: {  	_ =	swait.ge [sflag:s23], $0x1  }
0xa4: {  	[sflag:s23] =	ssyncset.done $0x0  }
0xa5: {  	s25 =	simm.s32 $0x1B8E;
	s24 =	sld [smem:$0x3FFE];
	[sflag:s23] =	ssyncadd.s32 $0xFFFFFFFF  }
0xa6: {  	s26 =	simm.s32 $execute0_lowered;
	[smem:$0x3FD2] =	sst s25  }
0xa7: {  	s6 =	sshll.u32 s26, $0x1;
	_ =	strace $0x80000046;
	[dreg:$0x1] =	wrdreg $0xFFFFFFFF  }
0xa8: {  	s28 =	simm.s32 $_size_execute0_lowered;
	s4 =	sadd.s32 s4, s6;
	[dreg:$0x0] =	wrdreg $0x0  }
0xa9: {  	s6 =	sshll.u32 s28, $0x1;
	[dreg:$0x2] =	wrdreg s4  }
0xaa: {  	[dreg:$0x3] =	wrdreg s6  }
0xab: {  	[dreg:$0x4] =	wrdreg $0xC0  }
0xac: {  	_ =	task [dreg:s8], $0x5FFFF  }
0xad: {  	[dreg:$0x1] =	wrdreg $0xFFFFFFFF  }
0xae: {  	[dreg:$0x0] =	wrdreg $0x60  }
0xaf: {  	[dreg:$0x2] =	wrdreg s2  }
0xb0: {  	[dreg:$0x3] =	wrdreg s18  }
0xb1: {  	[dreg:$0x4] =	wrdreg s24  }
0xb2: {  	[dreg:$0x5] =	wrdreg $0x9  }
0xb3: {  	_ =	task.clear_ibuf [dreg:s8], $0x6FFFF;
	_ =	strace $0x90000046  }
0xb4: {  	s29 =	simm.s32 $0x9;
	_ =	strace $0x80000048  }
0xb5: {  	_ =	swait.ge [sflag:s29], $0x1  }
0xb6: {  	[sflag:s29] =	ssyncadd.s32 $0xFFFFFFFF  }
0xb7: {  	_ =	strace $0x90000048  }
0xb8: {  	_ =	sfence  }
0xb9: {  	s30 =	sld [smem:$0x0];
	_ =	sdelay $0x2  }
0xba: {  	s31 =	sshll.u32 s1, $0xD;
	s1 =	sshrl.u32 s1, $0x2  }
0xbb: {  	s3 =	sand.u32 $0x4000, s31;
	s1 =	sadd.s32 s1, s30  }
0xbc: {  	s0 =	sor.u32 s3, s0;
	s1 =	sshll.u32 s1, $0x11  }
0xbd: {  	s0 =	sor.u32 s1, s0  }
0xbe: {  	s0 =	sadd.s32 $0x8F2B, s0  }
0xbf: {  	[sflag:s0] =	ssyncadd.remote.s32 $0x1  }
0xc0: {  	_ =	sfence.sel $0xFFFF  }
0xc1: {  	[dreg:$0x0] =	wrdreg $0xFFFFFFFF;
	(pc) =	sbr.abs _section_cstart, $3  }
0xc2: {  	[dreg:$0x1] =	wrdreg $0xFFFFFFFF  }
0xc3: {  	_ =	task.clear_ibuf [dreg:s8], $0x2FFFF;
	_ =	strace $0x9FFFFFFF  }
0xc4: {  	(tm) =	ssettm $0x7FFFFFFF  }
0xc5: {  	_ =	shalt  }
tec
execute0_lowered:
.L_overlay_start_1:
0x0: {  	(tag) =	ssettag $0x1  }
0x1: {  	s0 =	rddreg [dreg:$0x0]  }
0x2: {  	s1 =	rddreg [dreg:$0x2];
	s2 =	srdreg.scid  }
0x3: {  	s3 =	simm.s32 $0x0;
	s4 =	stileid.u32;
	s18 =	simm.s32 $0x18180  }
0x4: {  	s19 =	simm.s32 $0x2;
	s28 =	simm.s32 $0x14000;
	s30 =	simm.s32 $0x3  }
0x5: {  	s31 =	simm.s32 $0x4;
	s2 =	sand.u32 $0x1, s2;
	[smem:$0x7FF] =	sst s3  }
0x6: {  	s4 =	sshll.u32 s4, $0xA;
	s21 =	sadd.s32 $0x400, s1;
	s15 =	sadd.s32 $0x600, s1  }
0x7: {  	s1 =	sadd.s32 $0x680, s1;
	s5 =	sshll.u32 s2, $0x9;
	s2 =	ssub.s32 $0x2, s2  }
0x8: {  	_ =	strace $0x80000047;
	s4 =	sor.u32 s5, s4;
	s22 =	sshrl.u32 s2, $0x1  }
0x9: {  	v0 =	vimm.s32 $0xE4000;
	[dreg:$0x4] =	wrdreg s21;
	s11 =	sshrl.u32 s4, $0x3;
	s2 =	ssub.s32 s2, s22  }
0xa: {  	v0 =	vunpack.c.l.s2.s4 v0;
	s23 =	sshll.u32 s4, $0x4;
	s4 =	sshll.u32 s4, $0x5;
	s22 =	simm.s32 $0x1  }
0xb: {  	v1 =	vimm.s32 $0x98765400;
	s9 =	sor.u32 $0x10, s11;
	s5 =	sadd.s32 s0, s23;
	s7 =	sadd.s32 s15, s4  }
0xc: {  	v2 =	vimm.s32 $0xFEDCBA;
	v1 =	vunpack.c.l.s4.s8 v1;
	v0 =	vunpack.c.l.s4.s8 v0;
	s12 =	sor.u32 $0x20, s11;
	s8 =	sadd.s32 s4, s1;
	s25 =	sor.u32 $0x30, s11  }
0xd: {  	v2 =	vunpack.c.l.s4.s8 v2;
	s17 =	smax.u32 s2, $0x1;
	s23 =	simm.s32 $0x10000;
	s6 =	sshll.u32 s9, $0x7  }
0xe: {  	v1 =	vunpack.c.0.s8.s32 v1;
	v0 =	vunpack.c.0.s8.s32 v0;
	[dreg:$0x5] =	wrdreg s5;
	s24 =	sshll.u32 s12, $0x7;
	s13 =	sshll.u32 s9, $0x8  }
0xf: {  	v3 =	vlaneseq.u32;
	vm2 =	vcmask $0x3F28;
	v2 =	vunpack.c.0.s8.s32 v2;
	s26 =	sshll.u32 s25, $0x7;
	s14 =	sshll.u32 s12, $0x8;
	s29 =	sshll.u32 s25, $0x8  }
0x10: {  	v23 =	vadd.s32 $0x7, v3;
	v1 =	vand.u32 $0xF, v1;
	s25 =	simm.s32 $0x800;
	s6 =	sadd.s32 s0, s6;
	s9 =	sadd.s32 s0, s24;
	v0 =	vand.u32 $0x3, v0  }
0x11: {  	vm3 =	vcmask $0x1F00;
	[tilespmem:$0x1FFF0] =	vst v23;
	v63 =	vand.u32 $0xF, v2;
	s10 =	sadd.s32 s15, s13;
	s11 =	sadd.s32 s13, s1;
	s12 =	sadd.s32 s0, s26;
	v0 =	vsel vm2, v1, v0  }
0x12: {  	v22 =	vimm.s32 $0x0;
	s13 =	sadd.s32 s15, s14;
	s14 =	sadd.s32 s14, s1;
	s15 =	sadd.s32 s15, s29;
	[tilespmem:$0x1FFD0] =	vst v0;
	v0 =	vnsel vm3, $0x0, v63  }
0x13: {  	vm0 =	vmmov $0x7f;
	vm1 =	vcmask $0x328;
	s16 =	sadd.s32 s29, s1;
	s24 =	simm.s32 $0x400;
	s0 =	simm.s32 $0x0;
	vm2 =	vmmov $0x3ff;
	[tilespmem:$0x1FFE0] =	vst v0  }
.LBB2_1:
0x14: {  	s1 =	rddreg [dreg:$0x5]  }
0x15: {  	[tilespmem:s3], [sflag:$0x1] =	stream.linear.gather [hbm4b:s1+s3], $0x4000, $0x38;
	[tilespmem:$0x18200] =	vst v63  }
0x16: {  	s2 =	rddreg [dreg:$0x4]  }
0x17: {  	[tilespmem:s18], [sflag:$0x2] =	stream.linear.gather [hbm4b:s2+s3], $0x80, $0x38;
	[tilespmem:$0x18200] =	vst v63  }
0x18: {  	_ =	swait.ge [sflag:s19], $0x80  }
0x19: {  	[sflag:s19] =	ssyncset.done $0x0  }
0x1a: {  	[sflag:s19] =	ssyncadd.s32 $0xFFFFFF80  }
0x1b: {  	s2 =	simm.s32 $0x18000;
	s4 =	rddreg [dreg:$0x1]  }
0x1c: {  	[tilespmem:s2], [sflag:$0x2] =	stream.linear.gather [hbm4b:s4+s3], $0x180, $0x38;
	[tilespmem:$0x18200] =	vst v63  }
0x1d: {  	_ =	swait.ge [sflag:s19], $0x180  }
0x1e: {  	[sflag:s19] =	ssyncset.done $0x0  }
0x1f: {  	[sflag:s19] =	ssyncadd.s32 $0xFFFFFE80  }
0x20: {  	v0 =	vld [tilespmem:$0x18040];
	_ =	sdelay $0x4  }
0x21: {  	[tilespmem:$0x1FED0] =	vst v0;
	v0 =	vld [tilespmem:$0x18050];
	_ =	sdelay $0x4  }
0x22: {  	[tilespmem:$0x1FEE0] =	vst v0;
	v0 =	vld [tilespmem:$0x18060];
	_ =	sdelay $0x4  }
0x23: {  	[tilespmem:$0x1FF10] =	vst v0;
	v0 =	vld [tilespmem:$0x18070];
	_ =	sdelay $0x4  }
0x24: {  	[tilespmem:$0x1FF20] =	vst v0;
	v0 =	vld [tilespmem:$0x180B6];
	_ =	sdelay $0x4  }
0x25: {  	[tilespmem:$0x1FF00] =	vst v0;
	v0 =	vld [tilespmem:$0x180C6];
	_ =	sdelay $0x4  }
0x26: {  	[tilespmem:$0x1FF30] =	vst v0;
	v0 =	vld [tilespmem:$0x180D6];
	_ =	sdelay $0x4  }
0x27: {  	[tilespmem:$0x1FF40] =	vst v0;
	v0 =	vld [tilespmem:$0x180E6];
	_ =	sdelay $0x4  }
0x28: {  	[tilespmem:$0x1FF50] =	vst v0;
	v0 =	vld [tilespmem:$0x180F6];
	_ =	sdelay $0x4  }
0x29: {  	[tilespmem:$0x1FF70] =	vst v0;
	v0 =	vld [tilespmem:$0x18080];
	_ =	sdelay $0x1  }
0x2a: {  	v59 =	vld [tilespmem:$0x18000]  }
0x2b: {  	v60 =	vld [tilespmem:$0x18010]  }
0x2c: {  	v61 =	vld [tilespmem:$0x18020]  }
0x2d: {  	[tilespmem:$0x1FF60] =	vst v0;
	v0 =	vld [tilespmem:$0x18106]  }
0x2e: {  	v63 =	vld [tilespmem:$0x18030]  }
0x2f: {  	v54 =	vld [tilespmem:$0x18086]  }
0x30: {  	s5 =	simm.s32 $0x4000;
	v55 =	vld [tilespmem:$0x18096]  }
0x31: {  	v62 =	vld [tilespmem:$0x180A6];
	[tilespmem:s5], [sflag:$0x2] =	stream.linear.gather [hbm4b:s6+s3], $0x4000, $0x38  }
0x32: {  	[tilespmem:$0x1FF90] =	vst v0  }
0x33: {  	_ =	swait.ge [sflag:s22], $0x4000  }
0x34: {  	[sflag:s22] =	ssyncset.done $0x0  }
0x35: {  	s20 =	simm.s32 $0x80;
	[sflag:s22] =	ssyncadd.s32 $0xFFFFC000  }
0x36: {  	v8 =	vld [tilespmem:s20+$0x0];
	_ =	sdelay $0x4  }
0x37: {  	v0 =	vtrunc.f32 v8  }
0x38: {  	v0 =	vcvt.f32.s32 v0;
	_ =	sdelay $0x1  }
0x39: {  	v0 =	vperm.xlane v0, v22;
	_ =	sdelay $0x1  }
0x3a: {  	v0 =	vmul.u32 $0x7, v0;
	_ =	sdelay $0x1  }
0x3b: {  	v0 =	vadd.s32 v23, v0  }
0x3c: {  	v0 =	vnsel vm0, $0x0, v0;
	_ =	sdelay $0x2  }
0x3d: {  	v18 =	vld [tilespmem:s20+$0xFFFFFF80];
	_ =	sdelay $0x1  }
0x3e: {  	v10 =	vld.idx.msk [tilespmem:v0+s18+$0x0], $0x7f;
	_ =	sdelay $0x1  }
0x3f: {  	v9 =	vld [tilespmem:s20+$0x70]  }
0x40: {  	v0 =	vtrunc.f32 v18  }
0x41: {  	v0 =	vcvt.f32.s32 v0  }
0x42: {  	v11 =	vld [tilespmem:s20+$0xA];
	v2 =	vsel vm1, $0x0, v8;
	v1 =	vnsel vm0, $0x0, v10  }
0x43: {  	v0 =	vperm.xlane v0, v22;
	v3 =	vadd.f32 v1, v2  }
0x44: {  	v12 =	vld [tilespmem:s20+$0x1A];
	v4 =	vsel vm2, $0x0, v9;
	v1 =	vmul.f32 v1, v1;
	v2 =	vmul.f32 v2, v2  }
0x45: {  	v0 =	vmul.u32 $0x7, v0;
	v3 =	vadd.f32 v3, v4  }
0x46: {  	v13 =	vld [tilespmem:s20+$0x2A];
	v1 =	vadd.f32 v1, v2;
	v2 =	vmul.f32 v4, v4  }
0x47: {  	v0 =	vadd.s32 v23, v0;
	v3 =	vadd.f32 v3, v11  }
0x48: {  	v15 =	vld [tilespmem:s20+$0x3A];
	v0 =	vnsel vm0, $0x0, v0;
	v1 =	vadd.f32 v1, v2;
	v2 =	vmul.f32 v11, v11  }
0x49: {  	v3 =	vadd.f32 v3, v12  }
0x4a: {  	v17 =	vld [tilespmem:s20+$0x4A];
	v4 =	vmul.f32 v12, v12;
	v2 =	vadd.f32 v1, v2  }
0x4b: {  	v16 =	vld [tilespmem:s20+$0x5A];
	v3 =	vadd.f32 v3, v13  }
0x4c: {  	v14 =	vld [tilespmem:s20+$0x6A];
	v5 =	vmul.f32 v13, v13;
	v2 =	vadd.f32 v2, v4  }
0x4d: {  	s21 =	simm.s32 $0x180;
	v19 =	vld.idx.msk [tilespmem:v0+s18+$0x0], $0x7f;
	v0 =	vadd.f32 v3, v15  }
0x4e: {  	v24 =	vld [tilespmem:s21+$0x0];
	v2 =	vadd.f32 v2, v5;
	v3 =	vmul.f32 v15, v15  }
0x4f: {  	v0 =	vadd.f32 v0, v17  }
0x50: {  	v2 =	vadd.f32 v2, v3;
	v3 =	vmul.f32 v17, v17  }
0x51: {  	v1 =	vld [tilespmem:s20+$0xFFFFFFF0];
	v0 =	vadd.f32 v0, v16  }
0x52: {  	v5 =	vmul.f32 v16, v16;
	v3 =	vadd.f32 v2, v3  }
0x53: {  	v25 =	vtrunc.f32 v24;
	v4 =	vsel vm1, $0x0, v18;
	v0 =	vadd.f32 v0, v14  }
0x54: {  	v7 =	vnsel vm0, $0x0, v19;
	v2 =	vld [tilespmem:s20+$0xFFFFFF8A];
	v3 =	vadd.f32 v3, v5;
	v5 =	vmul.f32 v14, v14  }
0x55: {  	v6 =	vmul.f32 v4, v4;
	v21 =	vadd.f32 v7, v4;
	v7 =	vmul.f32 v7, v7;
	(xrf2) =	vadd.scan.msk.f32 $0xffff, v0  }
0x56: {  	v20 =	vsel vm2, $0x0, v1;
	v4 =	vld [tilespmem:s20+$0xFFFFFF9A];
	v0 =	vadd.f32 v3, v5;
	v3 =	vcvt.f32.s32 v25  }
0x57: {  	v6 =	vadd.f32 v7, v6;
	v25 =	vmul.f32 v20, v20;
	v20 =	vadd.f32 v21, v20  }
0x58: {  	v5 =	vld [tilespmem:s20+$0xFFFFFFAA];
	(xrf2) =	vadd.scan.msk.f32 $0xffff, v0;
	v0 =	vperm.xlane v3, v22  }
0x59: {  	v3 =	vmul.f32 v2, v2;
	v7 =	vadd.f32 v20, v2;
	v20 =	vadd.f32 v6, v25  }
0x5a: {  	v6 =	vld [tilespmem:s20+$0xFFFFFFBA];
	v0 =	vmul.u32 $0x7, v0  }
0x5b: {  	v21 =	vmul.f32 v4, v4;
	v25 =	vadd.f32 v7, v4;
	v3 =	vadd.f32 v20, v3  }
0x5c: {  	v7 =	vld [tilespmem:s20+$0xFFFFFFCA];
	v0 =	vadd.s32 v23, v0  }
0x5d: {  	v25 =	vadd.f32 v25, v5;
	v21 =	vadd.f32 v3, v21;
	v3 =	vld [tilespmem:s20+$0xFFFFFFDA];
	v20 =	vnsel vm0, $0x0, v0  }
0x5e: {  	v0 =	vmul.f32 v5, v5  }
0x5f: {  	v57 =	vimm.s32 $0xF;
	v25 =	vadd.f32 v25, v6;
	v27, _, _ =	vpop (xrf2)  }
0x60: {  	v26 =	vmul.f32 v6, v6;
	v21 =	vadd.f32 v21, v0;
	v27 =	vperm.xlane v27, v57  }
0x61: {  	v0 =	vld [tilespmem:s20+$0xFFFFFFEA];
	v28 =	vmul.f32 v7, v7;
	v25 =	vadd.f32 v25, v7  }
0x62: {  	v21 =	vadd.f32 v21, v26;
	v29, _, _ =	vpop (xrf2);
	v26 =	vld.idx.msk [tilespmem:v20+s18+$0x0], $0x7f;
	v31 =	vmul.f32 $7.462686390e-03, v27;
	v27 =	vmul.f32 v3, v3  }
0x63: {  	v20 =	vperm.xlane v29, v57  }
0x64: {  	v30 =	vadd.f32 v25, v3;
	v25 =	vld [tilespmem:s21+$0x70];
	v21 =	vadd.f32 v21, v28  }
0x65: {  	v20 =	vmul.f32 $7.462686390e-03, v20;
	v28 =	vmul.f32 v31, v31  }
0x66: {  	v29 =	vld [tilespmem:s21+$0xFFFFFF80];
	v32 =	vmul.f32 v0, v0;
	v33 =	vadd.f32 v30, v0;
	v21 =	vadd.f32 v21, v27;
	v27 =	vmovc v24  }
0x67: {  	v20 =	vsub.f32 v20, v28;
	v24 =	vld [tilespmem:s21+$0xA];
	v28 =	vnsel vm0, $0x0, v26;
	v30 =	vsel vm1, $0x0, v27  }
0x68: {  	[tilespmem:$0x1FDE0] =	vst v26;
	v56 =	vmul.f32 v28, v28;
	v34 =	vmul.f32 v30, v30  }
0x69: {  	v36 =	vsel vm2, $0x0, v25;
	v26 =	vld [tilespmem:s21+$0x1A];
	v20 =	vadd.f32 $9.999999960e-13, v20;
	v35 =	vadd.f32 v28, v30  }
0x6a: {  	v21 =	vadd.f32 v21, v32;
	[tilespmem:$0x1FDF0] =	vst v25;
	v58 =	vmul.f32 v36, v36;
	v32 =	vadd.f32 v56, v34  }
0x6b: {  	v30 =	vtrunc.f32 v29;
	v25 =	vld [tilespmem:s21+$0x2A];
	v38 =	vshrl.u32 v20, $0x1;
	v35 =	vadd.f32 v35, v36  }
0x6c: {  	v40 =	vmul.f32 $5.000000000e-01, v20;
	v43 =	vmul.f32 v24, v24;
	[tilespmem:$0x1FE00] =	vst v24;
	v20 =	vadd.f32 v32, v58  }
0x6d: {  	v37 =	vcvt.f32.s32 v30;
	v35 =	vadd.f32 v35, v24;
	v32 =	vld [tilespmem:s21+$0x3A]  }
0x6e: {  	v45 =	vsub.s32 $0x5F3759DF, v38;
	v47 =	vmul.f32 v26, v26;
	[tilespmem:$0x1FE10] =	vst v26;
	v20 =	vadd.f32 v20, v43  }
0x6f: {  	v44 =	vperm.xlane v37, v22;
	v46 =	vmul.f32 v45, v40;
	v34 =	vld [tilespmem:s21+$0x4A];
	v35 =	vadd.f32 v35, v26  }
0x70: {  	(xrf2) =	vadd.scan.msk.f32 $0xffff, v33;
	v48 =	vmul.f32 v25, v25;
	[tilespmem:$0x1FE20] =	vst v25;
	v20 =	vadd.f32 v20, v47  }
0x71: {  	(xrf2) =	vadd.scan.msk.f32 $0xffff, v21;
	v36 =	vmul.u32 $0x7, v44;
	v21 =	vmul.f32 v45, v46;
	v38 =	vld [tilespmem:s21+$0x5A];
	v35 =	vadd.f32 v35, v25  }
0x72: {  	v49 =	vmul.f32 v32, v32;
	v20 =	vadd.f32 v20, v48  }
0x73: {  	v39 =	vld [tilespmem:s21+$0x6A];
	v36 =	vadd.s32 v23, v36;
	v21 =	vsub.f32 $1.500000000e+00, v21;
	v35 =	vadd.f32 v35, v32  }
0x74: {  	v36 =	vnsel vm0, $0x0, v36;
	v50 =	vmul.f32 v34, v34;
	v20 =	vadd.f32 v20, v49  }
0x75: {  	v35 =	vadd.f32 v35, v34  }
0x76: {  	v24 =	vld [tilespmem:$0x1FFD0];
	v21 =	vmul.f32 v45, v21;
	v51 =	vmul.f32 v38, v38;
	v20 =	vadd.f32 v20, v50  }
0x77: {  	v11 =	vsub.f32 v11, v31;
	v35 =	vadd.f32 v35, v38  }
0x78: {  	v43 =	vmul.f32 v39, v39;
	v37 =	vmul.f32 v21, v40;
	v42 =	vadd.f32 v20, v51  }
0x79: {  	v12 =	vsub.f32 v12, v31;
	v36 =	vld.idx.msk [tilespmem:v36+s18+$0x0], $0x7f;
	v35 =	vadd.f32 v35, v39  }
0x7a: {  	v13 =	vsub.f32 v13, v31;
	v41, _, _ =	vpop (xrf2);
	v37 =	vmul.f32 v37, v21;
	v42 =	vadd.f32 v42, v43  }
0x7b: {  	v15 =	vsub.f32 v15, v31;
	v41 =	vperm.xlane v41, v57;
	v44 =	vperm.xlane v18, v24;
	v18, _, _ =	vpop (xrf2);
	v20 =	vld [tilespmem:s21+$0xFFFFFFF0];
	(xrf2) =	vadd.scan.msk.f32 $0xffff, v35  }
0x7c: {  	v52 =	vsel vm1, $0x0, v29;
	v45 =	vperm.xlane v18, v57;
	v37 =	vsub.f32 $1.500000000e+00, v37;
	(xrf2) =	vadd.scan.msk.f32 $0xffff, v42  }
0x7d: {  	v18 =	vmul.f32 $7.462686390e-03, v41;
	v44 =	vsel vm0, v19, v44;
	v19 =	vmul.f32 v52, v52  }
0x7e: {  	v33 =	vld [tilespmem:s21+$0xFFFFFF8A];
	v53 =	vmul.f32 $7.462686390e-03, v45;
	v21 =	vmul.f32 v37, v21;
	v58 =	vnsel vm0, $0x0, v36  }
0x7f: {  	v17 =	vsub.f32 v17, v31;
	v25 =	vld [tilespmem:$0x1FFE0];
	v56 =	vmul.f32 v18, v18;
	v47 =	vmul.f32 v58, v58  }
0x80: {  	v26 =	vld [tilespmem:s21+$0xFFFFFF9A];
	v8 =	vperm.xlane v8, v24;
	v40 =	vmul.f32 v21, v40;
	v46 =	vsel vm2, $0x0, v20  }
0x81: {  	v41 =	vsub.f32 v53, v56;
	v19 =	vadd.f32 v47, v19;
	v48 =	vmul.f32 v46, v46  }
0x82: {  	v16 =	vsub.f32 v16, v31;
	v8 =	vsel vm0, v10, v8;
	v37 =	vld [tilespmem:s21+$0xFFFFFFAA];
	v40 =	vmul.f32 v40, v21  }
0x83: {  	v53 =	vadd.f32 $9.999999960e-13, v41;
	v35 =	vmul.f32 v33, v33;
	v10 =	vadd.f32 v19, v48  }
0x84: {  	v9 =	vperm.xlane v9, v25;
	v43 =	vadd.f32 v58, v52;
	v40 =	vsub.f32 $1.500000000e+00, v40  }
0x85: {  	v41 =	vld [tilespmem:s21+$0xFFFFFFBA];
	v52 =	vmul.f32 v26, v26;
	v50 =	vmul.f32 $5.000000000e-01, v53;
	v10 =	vadd.f32 v10, v35;
	v56, _, _ =	vpop (xrf2)  }
0x86: {  	v8 =	vsub.f32 v8, v31;
	v21 =	vmul.f32 v40, v21;
	v40 =	vperm.xlane v56, v57;
	v58, _, _ =	vpop (xrf2)  }
0x87: {  	v19 =	vmul.f32 v37, v37;
	v10 =	vadd.f32 v10, v52;
	v42 =	vperm.xlane v58, v57  }
0x88: {  	v43 =	vadd.f32 v43, v46;
	v35 =	vshrl.u32 v53, $0x1;
	v56 =	vmul.f32 $7.462686390e-03, v40  }
0x89: {  	v45 =	vsub.s32 $0x5F3759DF, v35;
	v10 =	vadd.f32 v10, v19;
	v51 =	vmul.f32 $7.462686390e-03, v42  }
0x8a: {  	v42 =	vsub.f32 v14, v31;
	v14 =	vmul.f32 v41, v41;
	v52 =	vmul.f32 v56, v56  }
0x8b: {  	v9 =	vsub.f32 v9, v31;
	v46 =	vld [tilespmem:s21+$0xFFFFFFCA];
	v53 =	vadd.f32 v43, v33;
	v19 =	vmul.f32 v45, v50  }
0x8c: {  	v31 =	vmov v26;
	v10 =	vadd.f32 v10, v14;
	v14 =	vsub.f32 v51, v52  }
0x8d: {  	v19 =	vmul.f32 v45, v19;
	v26 =	vld [tilespmem:s21+$0xFFFFFFDA];
	v43 =	vadd.f32 v53, v31  }
0x8e: {  	v47 =	vmul.f32 v21, v13;
	v13 =	vadd.f32 $9.999999960e-13, v14  }
0x8f: {  	v28 =	vld [tilespmem:s21+$0xFFFFFFEA];
	v19 =	vsub.f32 $1.500000000e+00, v19;
	v43 =	vadd.f32 v43, v37  }
0x90: {  	v58 =	vshrl.u32 v13, $0x1;
	v14 =	vmul.f32 $5.000000000e-01, v13;
	v13 =	vmul.f32 v46, v46  }
0x91: {  	v19 =	vmul.f32 v45, v19;
	v43 =	vadd.f32 v43, v41  }
0x92: {  	v45 =	vsub.s32 $0x5F3759DF, v58;
	v10 =	vadd.f32 v10, v13;
	v13 =	vmul.f32 v26, v26  }
0x93: {  	v43 =	vadd.f32 v43, v46;
	v49 =	vmul.f32 v45, v14  }
0x94: {  	v40 =	vmul.f32 v28, v28;
	v10 =	vadd.f32 v10, v13  }
0x95: {  	v13 =	vmul.f32 v45, v49;
	v49 =	vadd.f32 v43, v26  }
0x96: {  	v10 =	vadd.f32 v10, v40  }
0x97: {  	v40 =	vsub.f32 v2, v18;
	v2 =	vadd.f32 v49, v28;
	_ =	sdelay $0x1  }
0x98: {  	v11 =	vmul.f32 v21, v11;
	s21 =	simm.s32 $0x280;
	[tilespmem:$0x1FE30] =	vst v26;
	(xrf2) =	vadd.scan.msk.f32 $0xffff, v2;
	v2 =	vsub.f32 v7, v18  }
0x99: {  	v4 =	vsub.f32 v4, v18;
	v12 =	vmul.f32 v21, v12;
	v53 =	vld [tilespmem:s21+$0x0];
	v58 =	vperm.xlane v1, v25  }
0x9a: {  	v1 =	vperm.xlane v29, v24;
	v29 =	vld [tilespmem:s21+$0xFFFFFF80];
	[tilespmem:$0x1FE70] =	vst v2;
	v2 =	vmul.f32 v11, v60  }
0x9b: {  	[tilespmem:$0x1FE40] =	vst v4;
	v4 =	vsub.f32 v5, v18;
	v5 =	vmul.f32 v12, v61;
	v12 =	vld [tilespmem:$0x1FF00]  }
0x9c: {  	v7 =	vadd.f32 v2, v55;
	v2 =	vld [tilespmem:$0x1FED0];
	_ =	sdelay $0x1  }
0x9d: {  	v52 =	vsub.f32 v6, v18;
	v6 =	vmul.f32 v47, v63  }
0x9e: {  	v15 =	vmul.f32 v21, v15  }
0x9f: {  	v6 =	vadd.f32 v6, v12;
	v12 =	vld [tilespmem:$0x1FF10]  }
0xa0: {  	v2 =	vmul.f32 v15, v2;
	v15 =	vld [tilespmem:$0x1FF20];
	_ =	sdelay $0x1  }
0xa1: {  	v8 =	vmul.f32 v21, v8  }
0xa2: {  	v16 =	vmul.f32 v21, v16;
	v51 =	vmul.f32 v21, v42  }
0xa3: {  	[tilespmem:$0x1FE50] =	vst v4;
	v4 =	vmul.f32 v8, v59;
	v8 =	vld [tilespmem:$0x1FEE0]  }
0xa4: {  	v12 =	vmul.f32 v16, v12;
	v16 =	vmul.f32 v51, v15;
	v15 =	vld [tilespmem:$0x1FF30];
	_ =	sdelay $0x2  }
0xa5: {  	v17 =	vmul.f32 v21, v17;
	_ =	sdelay $0x1  }
0xa6: {  	v8 =	vmul.f32 v17, v8;
	v17 =	vadd.f32 v2, v15;
	v2 =	vld [tilespmem:$0x1FF40];
	_ =	sdelay $0x4  }
0xa7: {  	v35 =	vmul.f32 v19, v50;
	v8 =	vadd.f32 v8, v2;
	v2 =	vld [tilespmem:$0x1FF50]  }
0xa8: {  	[tilespmem:$0x1FE60] =	vst v59  }
0xa9: {  	v48 =	vmul.f32 v35, v19;
	[tilespmem:$0x1FE80] =	vst v60  }
0xaa: {  	[tilespmem:$0x1FE90] =	vst v54  }
0xab: {  	[tilespmem:$0x1FEA0] =	vst v61;
	v48 =	vsub.f32 $1.500000000e+00, v48  }
0xac: {  	v9 =	vmul.f32 v21, v9;
	[tilespmem:$0x1FEB0] =	vst v63;
	v21 =	vsub.f32 $1.500000000e+00, v13;
	v12 =	vadd.f32 v12, v2;
	v2 =	vld [tilespmem:$0x1FF60]  }
0xad: {  	[tilespmem:$0x1FEC0] =	vst v55;
	v5 =	vadd.f32 v5, v62  }
0xae: {  	[tilespmem:$0x1FEF0] =	vst v62;
	v4 =	vadd.f32 v4, v54;
	v13 =	vmul.f32 v48, v19;
	v19 =	vmul.f32 v45, v21;
	v21 =	vld [tilespmem:$0x1FF70]  }
0xaf: {  	s20 =	simm.s32 $0x8080;
	(xrf2) =	vadd.scan.msk.f32 $0xffff, v10;
	v10 =	vtrunc.f32 v29;
	v11 =	vsel vm0, v36, v1;
	v1 =	vtrunc.f32 v53;
	v62 =	vld [tilespmem:s21+$0xFFFFFF9A]  }
0xb0: {  	v10 =	vcvt.f32.s32 v10;
	v15 =	vld [tilespmem:s21+$0xFFFFFFF0];
	[tilespmem:s20+$0x0] =	vst v4;
	v4 =	vperm.xlane v20, v25  }
0xb1: {  	v1 =	vcvt.f32.s32 v1;
	v9 =	vmul.f32 v9, v2;
	v2 =	vld [tilespmem:s21+$0xFFFFFF8A]  }
0xb2: {  	[tilespmem:$0x1FF80] =	vst v4;
	v4 =	vld [tilespmem:$0x1FF90]  }
0xb3: {  	v3 =	vsub.f32 v3, v18;
	v10 =	vperm.xlane v10, v22;
	v1 =	vperm.xlane v1, v22;
	_ =	sdelay $0x1  }
0xb4: {  	v10 =	vmul.u32 $0x7, v10;
	v1 =	vmul.u32 $0x7, v1;
	[tilespmem:$0x1FFA0] =	vst v3  }
0xb5: {  	v0 =	vsub.f32 v0, v18;
	v22 =	vlaneseq.u32;
	[tilespmem:s20+$0x10] =	vst v7  }
0xb6: {  	v1 =	vadd.s32 v23, v1;
	v55 =	vld [tilespmem:s21+$0xFFFFFFBA];
	[tilespmem:s20+$0x20] =	vst v5;
	v9 =	vadd.f32 v9, v4;
	v4 =	vadd.s32 v23, v10  }
0xb7: {  	v16 =	vadd.f32 v16, v21;
	v3 =	vmul.f32 v13, v50;
	v7, _, _ =	vpop (xrf2);
	v5 =	vnsel vm0, $0x0, v1;
	v54 =	vld [tilespmem:s21+$0xFFFFFFCA];
	[tilespmem:s20+$0x30] =	vst v6  }
0xb8: {  	v36 =	vld [tilespmem:s21+$0xFFFFFFDA];
	[tilespmem:s20+$0x40] =	vst v17;
	v17 =	vsel vm1, $0x0, v29;
	v1 =	vperm.xlane v7, v57;
	v7 =	vsel vm2, $0x0, v15  }
0xb9: {  	s26 =	simm.s32 $0x80;
	[tilespmem:s20+$0x50] =	vst v8;
	v50 =	vmul.f32 v3, v13;
	v6 =	vmul.f32 v7, v7;
	v21 =	vnsel vm0, $0x0, v4;
	v4, _, _ =	vpop (xrf2)  }
0xba: {  	v51 =	vor.u32 s26, v22;
	v63 =	vld [tilespmem:s21+$0xFFFFFFAA];
	[tilespmem:s20+$0x60] =	vst v12;
	v10 =	vmul.f32 v17, v17;
	v4 =	vperm.xlane v4, v57  }
0xbb: {  	v57 =	vmul.f32 $7.462686390e-03, v1;
	v1 =	vperm.xlane v29, v24;
	v29 =	vld [tilespmem:s21+$0xFFFFFFEA];
	[tilespmem:$0x1FFB0] =	vst v0;
	v0 =	vsub.f32 v58, v18  }
0xbc: {  	v3 =	vmul.f32 v2, v2;
	v61 =	vmul.f32 v55, v55;
	[tilespmem:s20+$0x70] =	vst v16  }
0xbd: {  	v43 =	vsub.f32 v44, v18;
	v60 =	vmul.f32 v54, v54;
	v59 =	vmul.f32 v36, v36;
	[tilespmem:$0x1FFC0] =	vst v0  }
0xbe: {  	v48 =	vmovc v28;
	v18 =	vsub.f32 $1.500000000e+00, v50;
	v20 =	vmul.f32 $7.462686390e-03, v4;
	v4 =	vmul.f32 v62, v62;
	v8 =	vld.idx.msk [tilespmem:v5+s18+$0x0], $0x7f  }
0xbf: {  	s29 =	simm.s32 $0x6;
	s4 =	simm.s32 $0x0;
	v0 =	vmul.f32 v63, v63;
	v12 =	vsub.f32 v11, v57;
	v5 =	vld.idx.msk [tilespmem:v21+s18+$0x0], $0x7f;
	v21 =	vmul.f32 v57, v57  }
0xc0: {  	s1 =	simm.s32 $0x8080;
	s2 =	simm.s32 $0x4;
	s26 =	simm.s32 $0x2;
	v11 =	vor.u32 s4, v22;
	[tilespmem:v51+s23+$0x0] =	vst.idx.msk $0x3f, v9;
	v9 =	vmul.f32 v19, v14;
	v58 =	vmul.f32 v29, v29  }
.LBB2_2:
0xc1: {  	v30 =	vld [tilespmem:$0x1FFE0];
	_ =	sdelay $0x1  }
0xc2: {  	v23 =	vld [tilespmem:s21+$0x70]  }
0xc3: {  	v22 =	vsub.f32 v33, v57;
	v9 =	vmul.f32 v9, v19  }
0xc4: {  	v24 =	vnsel vm0, $0x0, v8;
	v25 =	vsel vm1, $0x0, v53  }
0xc5: {  	v26 =	vmovc v22;
	v22 =	vld [tilespmem:s21+$0xA];
	v16 =	vperm.xlane v15, v30;
	v15 =	vsub.f32 v20, v21;
	v21 =	vsub.f32 $1.500000000e+00, v9  }
0xc6: {  	v13 =	vmul.f32 v18, v13;
	v18 =	vsub.f32 v41, v57;
	v45 =	vadd.f32 v24, v25  }
0xc7: {  	v41 =	vmovc v55;
	v55 =	vsub.f32 v46, v57;
	v46 =	vmovc v54;
	v19 =	vmul.f32 v21, v19;
	v21 =	vsel vm2, $0x0, v23  }
0xc8: {  	s4 =	sshll.u32 s26, $0x7;
	v24 =	vmul.f32 v24, v24;
	v25 =	vmul.f32 v25, v25;
	v9 =	vmovc v12;
	v54 =	vadd.f32 v45, v21  }
0xc9: {  	s5 =	sadd.s32 $0x80, s4;
	[tilespmem:$0x1FDB0] =	vst v9;
	v9 =	vlaneseq.u32  }
0xca: {  	v24 =	vadd.f32 v24, v25;
	v25 =	vadd.f32 v54, v22;
	v54 =	vor.u32 s5, v9;
	v9 =	vld [tilespmem:$0x1FDF0];
	_ =	sdelay $0x1  }
0xcb: {  	v28 =	vmul.f32 v13, v40;
	_ =	sdelay $0x1  }
0xcc: {  	[tilespmem:$0x1FDA0] =	vst v28;
	v28 =	vld [tilespmem:$0x1FFD0]  }
0xcd: {  	v47 =	vperm.xlane v9, v30;
	v9 =	vmov v23  }
0xce: {  	[tilespmem:$0x1FDF0] =	vst v9;
	v9 =	vld [tilespmem:$0x1FDE0]  }
0xcf: {  	v21 =	vmul.f32 v21, v21;
	_ =	sdelay $0x1  }
0xd0: {  	v21 =	vadd.f32 v24, v21;
	v24 =	vmul.f32 v22, v22;
	v27 =	vperm.xlane v27, v28  }
0xd1: {  	v12 =	vld [tilespmem:s21+$0x1A]  }
0xd2: {  	[tilespmem:$0x1FDC0] =	vst v26;
	v26 =	vld [tilespmem:s21+$0x2A];
	v21 =	vadd.f32 v21, v24;
	v24 =	vsel vm0, v9, v27;
	v9 =	vmov v8  }
0xd3: {  	[tilespmem:$0x1FDE0] =	vst v9;
	v9 =	vld [tilespmem:$0x1FE00];
	_ =	sdelay $0x2  }
0xd4: {  	v25 =	vadd.f32 v25, v12;
	_ =	sdelay $0x1  }
0xd5: {  	v8 =	vadd.f32 v25, v26;
	v25 =	vsub.f32 v9, v56;
	v9 =	vld [tilespmem:$0x1FE10]  }
0xd6: {  	v14 =	vmul.f32 v19, v14;
	_ =	sdelay $0x1  }
0xd7: {  	v14 =	vmul.f32 v14, v19;
	_ =	sdelay $0x1  }
0xd8: {  	v51 =	vld [tilespmem:$0x1FE60];
	v14 =	vsub.f32 $1.500000000e+00, v14;
	v27 =	vsub.f32 v9, v56;
	v9 =	vmov v22  }
0xd9: {  	v32 =	vsub.f32 v32, v56;
	v33 =	vmov v52;
	v52 =	vmov v48;
	[tilespmem:$0x1FE00] =	vst v9;
	v9 =	vld [tilespmem:$0x1FE20]  }
0xda: {  	v48 =	vld [tilespmem:$0x1FE80];
	v20 =	vsub.f32 v31, v57;
	v31 =	vmovc v62;
	v62 =	vsub.f32 v37, v57;
	v14 =	vmul.f32 v14, v19  }
0xdb: {  	v50 =	vld [tilespmem:$0x1FE90];
	v37 =	vmovc v63;
	v63 =	vadd.f32 $9.999999960e-13, v15;
	v23 =	vmul.f32 v26, v26;
	v19 =	vsub.f32 v24, v56  }
0xdc: {  	v45 =	vld [tilespmem:$0x1FEA0];
	v30 =	vmovc v12;
	v24 =	vmul.f32 v12, v12;
	v12 =	vmul.f32 v14, v25;
	v25 =	vsub.f32 v34, v56  }
0xdd: {  	v15 =	vmovc v11;
	v19 =	vmul.f32 v14, v19;
	v34 =	vsub.f32 v38, v56;
	v38 =	vsub.f32 v47, v56;
	v47 =	vld [tilespmem:$0x1FEF0]  }
0xde: {  	v22 =	vsub.f32 v9, v56;
	v9 =	vmovc v26;
	v26 =	vmul.f32 v14, v27;
	v27 =	vsub.f32 v39, v56;
	v56 =	vld [tilespmem:$0x1FED0]  }
0xdf: {  	v49 =	vld [tilespmem:$0x1FEC0];
	v19 =	vmul.f32 v19, v51  }
0xe0: {  	v35 =	vmov v2;
	v44 =	vld [tilespmem:$0x1FEB0];
	v2 =	vmul.f32 v13, v43;
	[tilespmem:$0x1FDD0] =	vst v15  }
0xe1: {  	v43 =	vld [tilespmem:$0x1FF00];
	v15 =	vmovc v53;
	v53 =	vmul.f32 v14, v32;
	v19 =	vadd.f32 v19, v50;
	v26 =	vmul.f32 v26, v45  }
0xe2: {  	s20 =	sadd.s32 $0x100, s20;
	v32 =	vld [tilespmem:s21+$0x3A]  }
0xe3: {  	[tilespmem:s20+$0x0] =	vst v19;
	v19 =	vadd.f32 v26, v47;
	v26 =	vmul.f32 v53, v56;
	v53 =	vld [tilespmem:$0x1FEE0]  }
0xe4: {  	v12 =	vmul.f32 v12, v48;
	v22 =	vmul.f32 v14, v22;
	_ =	sdelay $0x1  }
0xe5: {  	v42 =	vld [tilespmem:$0x1FF30];
	v25 =	vmul.f32 v14, v25;
	v12 =	vadd.f32 v12, v49;
	v22 =	vmul.f32 v22, v44  }
0xe6: {  	v39 =	vmul.f32 v14, v34;
	v34 =	vld [tilespmem:s21+$0x4A]  }
0xe7: {  	[tilespmem:s20+$0x10] =	vst v12;
	v12 =	vadd.f32 v22, v43;
	v22 =	vmul.f32 v25, v53;
	v25 =	vmul.f32 v14, v27;
	v27 =	vld [tilespmem:$0x1FF10]  }
0xe8: {  	v21 =	vadd.f32 v21, v24;
	v24 =	vld [tilespmem:$0x1FF20]  }
0xe9: {  	[tilespmem:$0x1FE10] =	vst v30;
	v30 =	vld [tilespmem:$0x1FF50]  }
0xea: {  	[tilespmem:$0x1FE20] =	vst v9;
	v9 =	vld [tilespmem:$0x1FF40]  }
0xeb: {  	v11 =	vnsel vm0, $0x0, v5  }
0xec: {  	v40 =	vld [tilespmem:$0x1FF60];
	v17 =	vadd.f32 v11, v17;
	[tilespmem:s20+$0x20] =	vst v19;
	v19 =	vadd.f32 v26, v42;
	v26 =	vmul.f32 v39, v27  }
0xed: {  	v11 =	vmul.f32 v11, v11;
	v14 =	vmul.f32 v14, v38;
	v38 =	vld [tilespmem:s21+$0x5A]  }
0xee: {  	v7 =	vadd.f32 v17, v7;
	[tilespmem:s20+$0x40] =	vst v19;
	v19 =	vadd.f32 v26, v30;
	v26 =	vld [tilespmem:$0x1FF70]  }
0xef: {  	v10 =	vadd.f32 v11, v10;
	[tilespmem:s20+$0x30] =	vst v12;
	v12 =	vadd.f32 v22, v9;
	v22 =	vmul.f32 v25, v24;
	v25 =	vld [tilespmem:$0x1FF90]  }
0xf0: {  	v7 =	vadd.f32 v7, v35  }
0xf1: {  	v6 =	vadd.f32 v10, v6;
	v8 =	vadd.f32 v8, v32  }
0xf2: {  	v21 =	vadd.f32 v21, v23;
	v23 =	vmul.f32 v32, v32;
	v14 =	vmul.f32 v14, v40  }
0xf3: {  	v8 =	vadd.f32 v8, v34;
	v39 =	vld [tilespmem:s21+$0x6A];
	[tilespmem:s20+$0x50] =	vst v12;
	v12 =	vadd.f32 v22, v26  }
0xf4: {  	v17 =	vadd.f32 v21, v23;
	v14 =	vadd.f32 v14, v25;
	[tilespmem:s20+$0x60] =	vst v19;
	v19 =	vmul.f32 v34, v34  }
0xf5: {  	v3 =	vadd.f32 v6, v3;
	v8 =	vadd.f32 v8, v38;
	[tilespmem:s20+$0x70] =	vst v12  }
0xf6: {  	v12 =	vadd.f32 v17, v19;
	[tilespmem:v54+s23+$0x0] =	vst.idx.msk $0x3f, v14;
	v14 =	vmul.f32 v38, v38  }
0xf7: {  	v11 =	vmul.f32 $5.000000000e-01, v63;
	v7 =	vadd.f32 v7, v31;
	v3 =	vadd.f32 v3, v4  }
0xf8: {  	v22 =	vshrl.u32 v63, $0x1;
	v17 =	vmul.f32 v39, v39;
	v14 =	vadd.f32 v12, v14  }
0xf9: {  	v4 =	vld [tilespmem:$0x1FE30];
	v10 =	vsub.s32 $0x5F3759DF, v22;
	v19 =	vadd.f32 v8, v39;
	v12 =	vsel vm0, v5, v1  }
0xfa: {  	v8 =	vmovc v20;
	v1 =	vmul.f32 v10, v11;
	v5 =	vadd.f32 v7, v37;
	v7 =	vld [tilespmem:$0x1FE40];
	v6 =	vadd.f32 v14, v17  }
0xfb: {  	v0 =	vadd.f32 v3, v0;
	(xrf2) =	vadd.scan.msk.f32 $0xffff, v19;
	[tilespmem:$0x1FE40] =	vst v8;
	v8 =	vld [tilespmem:$0x1FE50]  }
0xfc: {  	v1 =	vmul.f32 v10, v1;
	v5 =	vadd.f32 v5, v41;
	v17 =	vld [tilespmem:$0x1FE70];
	(xrf2) =	vadd.scan.msk.f32 $0xffff, v6;
	v14 =	vmov v62  }
0xfd: {  	v6 =	vsub.f32 v52, v57;
	v52 =	vmovc v18;
	v18 =	vmov v16;
	v16 =	vmov v55;
	[tilespmem:$0x1FE50] =	vst v14;
	v14 =	vld [tilespmem:$0x1FF80]  }
0xfe: {  	v0 =	vadd.f32 v0, v61;
	v19 =	vmov v36;
	v1 =	vsub.f32 $1.500000000e+00, v1;
	[tilespmem:$0x1FE70] =	vst v16;
	v16 =	vld [tilespmem:$0x1FFB0]  }
0xff: {  	v5 =	vadd.f32 v5, v46;
	[tilespmem:$0x1FF80] =	vst v18;
	v18 =	vld [tilespmem:$0x1FFC0]  }
0x100: {  	v2 =	vmul.f32 v2, v51;
	v0 =	vadd.f32 v0, v60;
	v1 =	vmul.f32 v10, v1;
	v10 =	vld [tilespmem:$0x1FFA0]  }
0x101: {  	v3 =	vmul.f32 v13, v33;
	[tilespmem:$0x1FE30] =	vst v19;
	v5 =	vadd.f32 v5, v19;
	v19 =	vmov v6;
	v6 =	vld [tilespmem:$0x1FDA0]  }
0x102: {  	v4 =	vsub.f32 v4, v57;
	v0 =	vadd.f32 v0, v59;
	v7 =	vmul.f32 v13, v7  }
0x103: {  	v8 =	vmul.f32 v13, v8;
	v17 =	vmul.f32 v13, v17;
	v14 =	vsub.f32 v14, v57  }
0x104: {  	v2 =	vadd.f32 v2, v50;
	v16 =	vmul.f32 v13, v16;
	v18 =	vmul.f32 v13, v18  }
0x105: {  	v0 =	vadd.f32 v0, v58;
	v10 =	vmul.f32 v13, v10;
	v13 =	vmovc v4;
	v4 =	vmul.f32 v1, v11  }
0x106: {  	[tilespmem:s1+$0xFFFFFF80] =	vst v2;
	v23 =	vimm.s32 $0xF;
	v7 =	vmul.f32 v7, v45;
	v6 =	vmul.f32 v6, v48  }
0x107: {  	s21 =	sadd.s32 $0x100, s21;
	v8 =	vmul.f32 v8, v44;
	v5 =	vadd.f32 v5, v29;
	v4 =	vmul.f32 v4, v1;
	v14 =	vmovc v14  }
0x108: {  	[tilespmem:$0x1FFA0] =	vst v13;
	v2 =	vadd.f32 v6, v49;
	v6 =	vmul.f32 v10, v27;
	v10 =	vmul.f32 v16, v24;
	v16 =	vld [tilespmem:s21+$0xFFFFFF80];
	v13, _, _ =	vpop (xrf2)  }
0x109: {  	(xrf2) =	vadd.scan.msk.f32 $0xffff, v5;
	v5 =	vmul.f32 v17, v53;
	v53 =	vld [tilespmem:s21+$0x0];
	v13 =	vperm.xlane v13, v23  }
0x10a: {  	[tilespmem:$0x1FFC0] =	vst v14;
	v4 =	vsub.f32 $1.500000000e+00, v4;
	v14, _, _ =	vpop (xrf2);
	(xrf2) =	vadd.scan.msk.f32 $0xffff, v0;
	v0 =	vadd.f32 v7, v47  }
0x10b: {  	v3 =	vmul.f32 v3, v56;
	v27 =	vmov v15;
	v15 =	vld [tilespmem:s21+$0xFFFFFFF0];
	[tilespmem:s1+$0xFFFFFF90] =	vst v2;
	v56 =	vmul.f32 $7.462686390e-03, v13  }
0x10c: {  	v2 =	vld [tilespmem:s21+$0xFFFFFF8A];
	v13 =	vmul.f32 v4, v1;
	v1 =	vadd.f32 v8, v43;
	v14 =	vperm.xlane v14, v23;
	[tilespmem:s1+$0xFFFFFFA0] =	vst v0  }
0x10d: {  	v7 =	vmul.f32 v56, v56;
	v0 =	vadd.f32 v3, v42;
	v3 =	vadd.f32 v6, v30;
	v62 =	vld [tilespmem:s21+$0xFFFFFF9A]  }
0x10e: {  	v6 =	vtrunc.f32 v16;
	[tilespmem:s1+$0xFFFFFFB0] =	vst v1;
	v1 =	vadd.f32 v5, v9;
	v5 =	vtrunc.f32 v53;
	v9 =	vld [tilespmem:$0x1FFF0]  }
0x10f: {  	v4 =	vmul.f32 $7.462686390e-03, v14;
	v63 =	vld [tilespmem:s21+$0xFFFFFFAA];
	[tilespmem:s1+$0xFFFFFFC0] =	vst v0;
	v5 =	vcvt.f32.s32 v5  }
0x110: {  	v55 =	vld [tilespmem:s21+$0xFFFFFFBA];
	[tilespmem:s1+$0xFFFFFFD0] =	vst v1;
	v1 =	vcvt.f32.s32 v6;
	v6 =	vimm.s32 $0x0  }
0x111: {  	v4 =	vsub.f32 v4, v7;
	v5 =	vperm.xlane v5, v6  }
0x112: {  	v0 =	vadd.f32 v10, v26  }
0x113: {  	v54 =	vld [tilespmem:s21+$0xFFFFFFCA];
	[tilespmem:s1+$0xFFFFFFE0] =	vst v3;
	v4 =	vadd.f32 $9.999999960e-13, v4;
	v5 =	vmul.u32 $0x7, v5  }
0x114: {  	v36 =	vld [tilespmem:s21+$0xFFFFFFDA];
	[tilespmem:s1+$0xFFFFFFF0] =	vst v0;
	v0 =	vperm.xlane v1, v6  }
0x115: {  	v1 =	vshrl.u32 v4, $0x1;
	v14 =	vmul.f32 $5.000000000e-01, v4;
	v5 =	vadd.s32 v9, v5  }
0x116: {  	v1 =	vsub.s32 $0x5F3759DF, v1;
	v5 =	vnsel vm0, $0x0, v5  }
0x117: {  	[tilespmem:$0x1FFB0] =	vst v19;
	v19 =	vmul.u32 $0x7, v0;
	v20 =	vmul.f32 v1, v14;
	_ =	sdelay $0x1  }
0x118: {  	v8 =	vmul.f32 v18, v40;
	v18, _, _ =	vpop (xrf2);
	v19 =	vadd.s32 v9, v19;
	v20 =	vmul.f32 v1, v20  }
0x119: {  	v18 =	vperm.xlane v18, v23;
	v21, _, _ =	vpop (xrf2);
	v22 =	vnsel vm0, $0x0, v19  }
0x11a: {  	v19 =	vsub.f32 $1.500000000e+00, v20;
	v20 =	vperm.xlane v21, v23;
	v23 =	vadd.f32 v8, v25;
	v8 =	vld.idx.msk [tilespmem:v5+s18+$0x0], $0x7f  }
0x11b: {  	v5 =	vld [tilespmem:$0x1FDD0]  }
0x11c: {  	v17 =	vsel vm1, $0x0, v16;
	v11 =	vmul.f32 v13, v11  }
0x11d: {  	v48 =	vmovc v29;
	v10 =	vmul.f32 v17, v17;
	v7 =	vsel vm2, $0x0, v15;
	v3 =	vmul.f32 v2, v2;
	v29 =	vld [tilespmem:s21+$0xFFFFFFEA]  }
0x11e: {  	v6 =	vmul.f32 v7, v7;
	v4 =	vmul.f32 v62, v62  }
0x11f: {  	p0 =	slt.u32 s29, $0x7E;
	v0 =	vmul.f32 v63, v63;
	v57 =	vmul.f32 $7.462686390e-03, v18  }
.Ltmp0:
0x120: {  	v61 =	vmul.f32 v55, v55;
	v60 =	vmul.f32 v54, v54;
	(pc) =	sbr.rel @p0 .LBB2_2-.Ltmp0, $4  }
0x121: {  	v59 =	vmul.f32 v36, v36;
	v12 =	vsub.f32 v12, v57;
	v21 =	vmul.f32 v11, v13  }
0x122: {  	v43 =	vld [tilespmem:$0x1FDB0];
	v58 =	vmul.f32 v29, v29;
	v19 =	vmul.f32 v1, v19;
	v1 =	vlaneseq.u32  }
0x123: {  	s26 =	smov.u32 s2;
	v40 =	vld [tilespmem:$0x1FDC0];
	v20 =	vmul.f32 $7.462686390e-03, v20;
	v18 =	vsub.f32 $1.500000000e+00, v21;
	v21 =	vmul.f32 v57, v57;
	[tilespmem:v5+s23+$0x0] =	vst.idx.msk $0x3f, v23  }
0x124: {  	s2 =	smov.u32 s29;
	s29 =	sadd.s32 $0x2, s29;
	v33 =	vmovc v35;
	s1 =	smov.u32 s20;
	v11 =	vor.u32 s4, v1;
	v1 =	vperm.xlane v16, v28;
	v9 =	vmul.f32 v19, v14;
	v5 =	vld.idx.msk [tilespmem:v22+s18+$0x0], $0x7f  }
0x125: {  	v25 =	vld [tilespmem:s21+$0x70];
	_ =	sdelay $0x4  }
0x126: {  	[tilespmem:$0x1FC10] =	vst v25  }
0x127: {  	v26 =	vld [tilespmem:s21+$0xA];
	_ =	sdelay $0x3  }
0x128: {  	v16 =	vnsel vm0, $0x0, v8;
	v22 =	vsel vm1, $0x0, v53  }
0x129: {  	v23 =	vmul.f32 v16, v16;
	v24 =	vmul.f32 v22, v22;
	[tilespmem:$0x1FC20] =	vst v26  }
0x12a: {  	v25 =	vsel vm2, $0x0, v25;
	v42 =	vld [tilespmem:s21+$0x1A]  }
0x12b: {  	v23 =	vadd.f32 v23, v24;
	v49 =	vmul.f32 v25, v25  }
0x12c: {  	v30 =	vld [tilespmem:s21+$0x2A]  }
0x12d: {  	v23 =	vadd.f32 v23, v49;
	v50 =	vmul.f32 v26, v26  }
0x12e: {  	v16 =	vadd.f32 v16, v22;
	v35 =	vld [tilespmem:s21+$0x3A]  }
0x12f: {  	v22 =	vadd.f32 v23, v50;
	v23 =	vmul.f32 v42, v42;
	[tilespmem:$0x1FC30] =	vst v42  }
0x130: {  	v9 =	vmul.f32 v9, v19;
	v16 =	vadd.f32 v16, v25;
	v28 =	vld [tilespmem:s21+$0x4A]  }
0x131: {  	[tilespmem:$0x1FC40] =	vst v30;
	v22 =	vadd.f32 v22, v23;
	v23 =	vmul.f32 v30, v30  }
0x132: {  	v51 =	vsub.f32 $1.500000000e+00, v9;
	v16 =	vadd.f32 v16, v26;
	v9 =	vld [tilespmem:s21+$0x5A]  }
0x133: {  	v22 =	vadd.f32 v22, v23;
	v23 =	vmul.f32 v35, v35  }
0x134: {  	v16 =	vadd.f32 v16, v42  }
0x135: {  	v22 =	vadd.f32 v22, v23;
	v23 =	vmul.f32 v28, v28  }
0x136: {  	v44 =	vld [tilespmem:$0x1FE20];
	[tilespmem:$0x1FC50] =	vst v35;
	v16 =	vadd.f32 v16, v30  }
0x137: {  	v30 =	vmov v9;
	[tilespmem:$0x1FC70] =	vst v9;
	v22 =	vadd.f32 v22, v23;
	v23 =	vmul.f32 v9, v9;
	v9 =	vld [tilespmem:$0x1FFD0]  }
0x138: {  	v19 =	vmul.f32 v51, v19;
	v42 =	vld [tilespmem:$0x1FE10];
	[tilespmem:$0x1FC60] =	vst v28  }
0x139: {  	v47 =	vld [tilespmem:s21+$0x6A];
	v22 =	vadd.f32 v22, v23;
	v23 =	vadd.f32 v16, v35  }
0x13a: {  	v20 =	vsub.f32 v20, v21;
	v14 =	vmul.f32 v19, v14;
	v35 =	vnsel vm0, $0x0, v5;
	v16 =	vld [tilespmem:$0x1FDE0]  }
0x13b: {  	v25 =	vadd.f32 v35, v17;
	v17 =	vadd.f32 v23, v28;
	v28 =	vld [tilespmem:$0x1FDF0]  }
0x13c: {  	v45 =	vsub.f32 v34, v56;
	v14 =	vmul.f32 v14, v19;
	v21 =	vperm.xlane v27, v9;
	v9 =	vld [tilespmem:$0x1FFE0]  }
0x13d: {  	v34 =	vsub.f32 v38, v56;
	v17 =	vadd.f32 v17, v30  }
0x13e: {  	v14 =	vsub.f32 $1.500000000e+00, v14;
	v24 =	vmul.f32 v35, v35;
	v23 =	vld [tilespmem:$0x1FE00];
	v35 =	vmul.f32 v47, v47  }
0x13f: {  	v39 =	vsub.f32 v39, v56;
	v17 =	vadd.f32 v17, v47  }
0x140: {  	v19 =	vmul.f32 v14, v19;
	v26 =	vsub.f32 v42, v56;
	v14 =	vadd.f32 v22, v35  }
0x141: {  	v27 =	vsub.f32 v44, v56;
	v21 =	vsel vm0, v16, v21;
	v28 =	vperm.xlane v28, v9;
	(xrf2) =	vadd.scan.msk.f32 $0xffff, v17  }
0x142: {  	v30 =	vsub.f32 v32, v56;
	v21 =	vsub.f32 v21, v56;
	(xrf2) =	vadd.scan.msk.f32 $0xffff, v14  }
0x143: {  	v23 =	vsub.f32 v23, v56;
	v28 =	vsub.f32 v28, v56  }
0x144: {  	v56 =	vadd.f32 v24, v10;
	v10 =	vperm.xlane v15, v9;
	v9 =	vsub.f32 v33, v57;
	_ =	sdelay $0x1  }
0x145: {  	v51 =	vld [tilespmem:$0x1FE80];
	[tilespmem:$0x1FC00] =	vst v9;
	v9 =	vsub.f32 v31, v57  }
0x146: {  	v20 =	vadd.f32 $9.999999960e-13, v20  }
0x147: {  	v18 =	vmul.f32 v18, v13;
	v6 =	vadd.f32 v56, v6;
	[tilespmem:$0x1FC80] =	vst v9;
	v9 =	vsub.f32 v37, v57  }
0x148: {  	v34 =	vmul.f32 v19, v34;
	v7 =	vadd.f32 v25, v7;
	v16 =	vld [tilespmem:$0x1FEC0];
	v23 =	vmul.f32 v19, v23  }
0x149: {  	v39 =	vmul.f32 v19, v39;
	v21 =	vmul.f32 v19, v21;
	v15 =	vld [tilespmem:$0x1FE60];
	[tilespmem:$0x1FC90] =	vst v9;
	v9 =	vsub.f32 v41, v57  }
0x14a: {  	v7 =	vadd.f32 v7, v2;
	v33 =	vmul.f32 v18, v40;
	v23 =	vmul.f32 v23, v51;
	v41, _, _ =	vpop (xrf2)  }
0x14b: {  	s4 =	sshll.u32 s26, $0x7;
	v40 =	vld [tilespmem:$0x1FE90];
	v31 =	vimm.s32 $0xF;
	v3 =	vadd.f32 v6, v3;
	[tilespmem:$0x1FCA0] =	vst v9;
	v9 =	vsub.f32 v46, v57;
	v6, _, _ =	vpop (xrf2)  }
0x14c: {  	s5 =	sadd.s32 $0x80, s4;
	v35 =	vperm.xlane v41, v31;
	v42 =	vperm.xlane v6, v31;
	v31 =	vlaneseq.u32  }
0x14d: {  	v26 =	vmul.f32 v19, v26;
	v32 =	vmul.f32 v19, v45;
	[tilespmem:$0x1FCB0] =	vst v9;
	v13 =	vor.u32 s5, v31  }
0x14e: {  	v7 =	vadd.f32 v7, v62;
	v21 =	vmul.f32 v21, v15;
	v9 =	vadd.f32 v23, v16;
	[tilespmem:$0x1FBF0] =	vst v13;
	v13 =	vld [tilespmem:$0x1FF60]  }
0x14f: {  	v22 =	vmul.f32 v18, v43;
	v27 =	vmul.f32 v19, v27;
	[tilespmem:$0x1FCC0] =	vst v10;
	v3 =	vadd.f32 v3, v4  }
0x150: {  	v4 =	vadd.f32 v7, v63;
	v10 =	vadd.f32 v21, v40;
	v6 =	vmul.f32 $7.462686390e-03, v35;
	[tilespmem:$0x1FBE0] =	vst v9;
	v9 =	vld [tilespmem:$0x1FEE0]  }
0x151: {  	v30 =	vmul.f32 v19, v30;
	v19 =	vmul.f32 v19, v28;
	v0 =	vadd.f32 v3, v0  }
0x152: {  	v4 =	vadd.f32 v4, v55;
	[tilespmem:$0x1FBD0] =	vst v10;
	v10 =	vld [tilespmem:$0x1FF40];
	v7 =	vmul.f32 $7.462686390e-03, v42;
	v43 =	vmul.f32 v6, v6  }
0x153: {  	v31 =	vld [tilespmem:$0x1FE40];
	v3 =	vmul.f32 v19, v13;
	v19 =	vshrl.u32 v20, $0x1;
	v20 =	vmul.f32 $5.000000000e-01, v20  }
0x154: {  	v0 =	vadd.f32 v0, v61;
	v4 =	vadd.f32 v4, v54;
	v19 =	vsub.s32 $0x5F3759DF, v19  }
0x155: {  	v7 =	vsub.f32 v7, v43;
	v32 =	vmul.f32 v32, v9;
	v44 =	vmul.f32 v19, v20  }
0x156: {  	v49 =	vld [tilespmem:$0x1FEA0];
	v0 =	vadd.f32 v0, v60;
	v4 =	vadd.f32 v4, v36  }
0x157: {  	v50 =	vld [tilespmem:$0x1FF10];
	v7 =	vadd.f32 $9.999999960e-13, v7;
	v28 =	vadd.f32 v32, v10;
	v32 =	vmul.f32 v19, v44  }
0x158: {  	v5 =	vsel vm0, v5, v1;
	v0 =	vadd.f32 v0, v59;
	v37 =	vmul.f32 v18, v31;
	v31 =	vld [tilespmem:$0x1FE50]  }
0x159: {  	v1 =	vld [tilespmem:$0x1FFA0];
	v4 =	vadd.f32 v4, v29;
	v45 =	vshrl.u32 v7, $0x1;
	v32 =	vsub.f32 $1.500000000e+00, v32  }
0x15a: {  	v0 =	vadd.f32 v0, v58;
	v38 =	vsub.s32 $0x5F3759DF, v45;
	v45 =	vld [tilespmem:$0x1FF90]  }
0x15b: {  	v17 =	vld [tilespmem:$0x1FF00];
	(xrf2) =	vadd.scan.msk.f32 $0xffff, v4;
	v4 =	vmul.f32 v19, v32  }
0x15c: {  	(xrf2) =	vadd.scan.msk.f32 $0xffff, v0;
	v0 =	vld [tilespmem:$0x1FFB0]  }
0x15d: {  	v14 =	vld [tilespmem:$0x1FF20];
	v59 =	vmul.f32 v18, v31;
	v31 =	vmul.f32 v4, v20  }
0x15e: {  	v24 =	vld [tilespmem:$0x1FEB0]  }
0x15f: {  	v44 =	vadd.f32 v3, v45;
	v3 =	vld [tilespmem:$0x1FE70];
	v31 =	vmul.f32 v31, v4  }
0x160: {  	v21 =	vld [tilespmem:$0x1FEF0];
	v7 =	vmul.f32 $5.000000000e-01, v7  }
0x161: {  	v32 =	vmul.f32 v18, v0;
	v0 =	vld [tilespmem:$0x1FFC0];
	v31 =	vsub.f32 $1.500000000e+00, v31  }
0x162: {  	v46 =	vld [tilespmem:$0x1FED0];
	v60 =	vmul.f32 v38, v7  }
0x163: {  	v26 =	vmul.f32 v26, v49;
	v31 =	vmul.f32 v31, v4;
	v4 =	vld [tilespmem:$0x1FBD0]  }
0x164: {  	v23 =	vld [tilespmem:$0x1FF30];
	v43 =	vmul.f32 v18, v3;
	v3 =	vmul.f32 v38, v60  }
0x165: {  	v56 =	vld [tilespmem:$0x1FF50];
	v27 =	vmul.f32 v27, v24;
	v61 =	vmul.f32 v18, v52  }
0x166: {  	v35 =	vld [tilespmem:$0x1FF70];
	v19 =	vmul.f32 v18, v1;
	v18 =	vmul.f32 v18, v0;
	v0 =	vsub.f32 $1.500000000e+00, v3  }
0x167: {  	s20 =	sadd.s32 $0x100, s20;
	v26 =	vadd.f32 v26, v21;
	v30 =	vmul.f32 v30, v46;
	v1 =	vld [tilespmem:$0x1FE30]  }
0x168: {  	v34 =	vmul.f32 v34, v50;
	v27 =	vadd.f32 v27, v17;
	v38 =	vmul.f32 v38, v0;
	v0 =	vld [tilespmem:$0x1FF80];
	[tilespmem:s20+$0x0] =	vst v4  }
0x169: {  	v30 =	vadd.f32 v30, v23;
	v60 =	vmov v9;
	v42 =	vmul.f32 v43, v9;
	v9 =	vld [tilespmem:$0x1FBE0];
	[tilespmem:s20+$0x20] =	vst v26  }
0x16a: {  	v25 =	vmul.f32 v39, v14;
	[tilespmem:s20+$0x30] =	vst v27  }
0x16b: {  	v34 =	vadd.f32 v34, v56;
	[tilespmem:s20+$0x40] =	vst v30  }
0x16c: {  	v25 =	vadd.f32 v25, v35;
	[tilespmem:s20+$0x50] =	vst v28  }
0x16d: {  	[tilespmem:s20+$0x60] =	vst v34  }
0x16e: {  	[tilespmem:s20+$0x70] =	vst v25  }
0x16f: {  	[tilespmem:s20+$0x10] =	vst v9  }
0x170: {  	v9 =	vld [tilespmem:$0x1FBF0];
	_ =	sdelay $0x1  }
0x171: {  	v22 =	vmul.f32 v22, v15  }
0x172: {  	v3 =	vsub.f32 v1, v57;
	v1 =	vsub.f32 v48, v57;
	v48 =	vmul.f32 v38, v7  }
0x173: {  	v37 =	vmul.f32 v37, v49  }
0x174: {  	v22 =	vadd.f32 v22, v40;
	v58 =	vmovc v40;
	v39 =	vmul.f32 v59, v24;
	v40 =	vmul.f32 v48, v38  }
0x175: {  	v37 =	vadd.f32 v37, v21;
	v0 =	vsub.f32 v0, v57  }
0x176: {  	v20 =	vmul.f32 v31, v20;
	v57 =	vmovc v21;
	v21 =	vadd.f32 v39, v17;
	v39 =	vsub.f32 $1.500000000e+00, v40  }
0x177: {  	v33 =	vmul.f32 v33, v51;
	[tilespmem:v9+s23+$0x0] =	vst.idx.msk $0x3f, v44  }
0x178: {  	v20 =	vmul.f32 v20, v31;
	v38 =	vmul.f32 v39, v38;
	v39 =	vld [tilespmem:$0x1FFD0];
	[tilespmem:s1+$0xFFFFFF80] =	vst v22  }
0x179: {  	v33 =	vadd.f32 v33, v16;
	v4, _, _ =	vpop (xrf2);
	v9 =	vld [tilespmem:$0x1FC00]  }
0x17a: {  	v52 =	vmul.f32 v61, v46;
	v61 =	vimm.s32 $0xF;
	v20 =	vsub.f32 $1.500000000e+00, v20;
	v40, _, _ =	vpop (xrf2)  }
0x17b: {  	v40 =	vperm.xlane v40, v61  }
0x17c: {  	v20 =	vmul.f32 v20, v31;
	[tilespmem:s1+$0xFFFFFF90] =	vst v33  }
0x17d: {  	v28 =	vmul.f32 $7.462686390e-03, v40;
	v40 =	vld [tilespmem:$0x1FFE0]  }
0x17e: {  	v48 =	vmov v17;
	v17 =	vmul.f32 v20, v9;
	v9 =	vld [tilespmem:$0x1FC10];
	_ =	sdelay $0x2  }
0x17f: {  	[tilespmem:s1+$0xFFFFFFA0] =	vst v37  }
0x180: {  	[tilespmem:s1+$0xFFFFFFB0] =	vst v21  }
0x181: {  	v4 =	vperm.xlane v4, v61;
	v61 =	vperm.xlane v9, v40;
	v9 =	vld [tilespmem:$0x1FC20];
	_ =	sdelay $0x4  }
0x182: {  	v4 =	vmul.f32 $7.462686390e-03, v4;
	v21 =	vsub.f32 v9, v6;
	v9 =	vld [tilespmem:$0x1FC30];
	_ =	sdelay $0x1  }
0x183: {  	v43 =	vmov v23;
	v23 =	vadd.f32 v52, v23;
	v30 =	vmul.f32 v4, v4;
	_ =	sdelay $0x1  }
0x184: {  	v26 =	vadd.f32 v42, v10;
	v42 =	vsub.f32 v28, v30;
	[tilespmem:s1+$0xFFFFFFC0] =	vst v23  }
0x185: {  	v28 =	vsub.f32 v62, v4;
	v62 =	vsub.f32 v9, v6;
	v9 =	vld [tilespmem:$0x1FC40];
	_ =	sdelay $0x3  }
0x186: {  	[tilespmem:s1+$0xFFFFFFD0] =	vst v26  }
0x187: {  	v7 =	vmul.f32 v38, v7;
	v23 =	vsub.f32 v9, v6;
	v9 =	vld [tilespmem:$0x1FC50];
	_ =	sdelay $0x1  }
0x188: {  	v7 =	vmul.f32 v7, v38  }
0x189: {  	v31 =	vperm.xlane v53, v39  }
0x18a: {  	v59 =	vmov v16;
	v16 =	vsub.f32 v47, v6;
	v7 =	vsub.f32 $1.500000000e+00, v7  }
0x18b: {  	v19 =	vmul.f32 v19, v50;
	v8 =	vsel vm0, v8, v31;
	v37 =	vsub.f32 v9, v6;
	v9 =	vld [tilespmem:$0x1FC60]  }
0x18c: {  	v7 =	vmul.f32 v7, v38;
	v22 =	vadd.f32 $9.999999960e-13, v42;
	v8 =	vsub.f32 v8, v6  }
0x18d: {  	v32 =	vmul.f32 v32, v14;
	v19 =	vadd.f32 v19, v56;
	v18 =	vmul.f32 v18, v13  }
0x18e: {  	v31 =	vshrl.u32 v22, $0x1;
	v22 =	vmul.f32 $5.000000000e-01, v22;
	v8 =	vmul.f32 v7, v8  }
0x18f: {  	v27 =	vadd.f32 v32, v35;
	v30 =	vsub.f32 v63, v4;
	v31 =	vsub.s32 $0x5F3759DF, v31;
	[tilespmem:s1+$0xFFFFFFE0] =	vst v19  }
0x190: {  	v63 =	vmul.f32 v31, v22;
	v8 =	vmul.f32 v8, v15;
	v38 =	vsub.f32 v9, v6;
	v9 =	vld [tilespmem:$0x1FC70]  }
0x191: {  	v18 =	vadd.f32 v18, v45;
	v21 =	vmul.f32 v7, v21;
	v23 =	vmul.f32 v7, v23  }
0x192: {  	v41 =	vmul.f32 v31, v63;
	v8 =	vadd.f32 v8, v58;
	v19 =	vmul.f32 v7, v62;
	[tilespmem:s1+$0xFFFFFFF0] =	vst v27  }
0x193: {  	v23 =	vmul.f32 v23, v24;
	[tilespmem:v11+s23+$0x0] =	vst.idx.msk $0x3f, v18;
	v11 =	vmul.f32 v21, v51  }
0x194: {  	v18 =	vmul.f32 v19, v49;
	v19 =	vsub.f32 $1.500000000e+00, v41;
	v21 =	vmul.f32 v7, v37  }
0x195: {  	s21 =	sadd.s32 $0x100, s20;
	v52 =	vmovc v10;
	v42 =	vmul.f32 v7, v38;
	v11 =	vadd.f32 v11, v59;
	v9 =	vsub.f32 v9, v6  }
0x196: {  	[tilespmem:s21+$0x0] =	vst v8;
	v19 =	vmul.f32 v31, v19;
	v21 =	vmul.f32 v21, v46;
	v8 =	vadd.f32 v18, v57  }
0x197: {  	v18 =	vmul.f32 v42, v60;
	[tilespmem:s21+$0x10] =	vst v11;
	v11 =	vadd.f32 v23, v48;
	v9 =	vmul.f32 v7, v9  }
0x198: {  	v16 =	vmul.f32 v7, v16;
	v6 =	vsub.f32 v61, v6;
	[tilespmem:s21+$0x20] =	vst v8;
	v8 =	vadd.f32 v21, v43  }
0x199: {  	v44 =	vmul.f32 v19, v22;
	[tilespmem:s21+$0x30] =	vst v11;
	v11 =	vadd.f32 v18, v52;
	v9 =	vmul.f32 v9, v50  }
0x19a: {  	v16 =	vmul.f32 v16, v14;
	[tilespmem:s21+$0x40] =	vst v8  }
0x19b: {  	s2 =	sshll.u32 s2, $0x7;
	v6 =	vmul.f32 v7, v6;
	v7 =	vmul.f32 v44, v19;
	[tilespmem:s21+$0x50] =	vst v11;
	v8 =	vadd.f32 v9, v56  }
0x19c: {  	s26 =	sadd.s32 $0x80, s2;
	v12 =	vmul.f32 v20, v12;
	v23 =	vlaneseq.u32;
	v11 =	vld [tilespmem:$0x1FC80];
	v9 =	vadd.f32 v16, v35  }
0x19d: {  	v21 =	vor.u32 s26, v23;
	v18 =	vmovc v13;
	v6 =	vmul.f32 v6, v13;
	v7 =	vsub.f32 $1.500000000e+00, v7;
	v13 =	vld [tilespmem:$0x1FC90];
	[tilespmem:s21+$0x60] =	vst v8  }
0x19e: {  	v3 =	vmul.f32 v20, v3;
	v8 =	vld [tilespmem:$0x1FCA0];
	[tilespmem:s21+$0x70] =	vst v9  }
0x19f: {  	v12 =	vmul.f32 v12, v15;
	v7 =	vmul.f32 v7, v19;
	v9 =	vld [tilespmem:$0x1FCB0]  }
0x1a0: {  	v3 =	vmul.f32 v3, v50;
	v6 =	vadd.f32 v6, v45  }
0x1a1: {  	v12 =	vadd.f32 v12, v58;
	v16 =	vmul.f32 v7, v22;
	v11 =	vmul.f32 v20, v11  }
0x1a2: {  	v13 =	vmul.f32 v20, v13;
	[tilespmem:v21+s23+$0x0] =	vst.idx.msk $0x3f, v6;
	v6 =	vmul.f32 v17, v51  }
0x1a3: {  	v3 =	vadd.f32 v3, v56;
	v63 =	vmovc v57;
	v11 =	vmul.f32 v11, v49;
	v8 =	vmul.f32 v20, v8  }
0x1a4: {  	[tilespmem:s20+$0xFFFFFF80] =	vst v12;
	v13 =	vmul.f32 v13, v24;
	v6 =	vadd.f32 v6, v59;
	v9 =	vmul.f32 v20, v9  }
0x1a5: {  	v10 =	vmov v60;
	[tilespmem:s20+$0xFFFFFFE0] =	vst v3;
	v11 =	vadd.f32 v11, v63;
	v8 =	vmul.f32 v8, v46  }
0x1a6: {  	v16 =	vmul.f32 v16, v7;
	[tilespmem:s20+$0xFFFFFF90] =	vst v6;
	v6 =	vadd.f32 v13, v48;
	v9 =	vmul.f32 v9, v10  }
0x1a7: {  	[tilespmem:s20+$0xFFFFFFA0] =	vst v11;
	v8 =	vadd.f32 v8, v43  }
0x1a8: {  	v1 =	vmul.f32 v20, v1;
	v12 =	vsub.f32 $1.500000000e+00, v16;
	[tilespmem:s20+$0xFFFFFFB0] =	vst v6;
	v6 =	vadd.f32 v9, v52  }
0x1a9: {  	v2 =	vsub.f32 v2, v4;
	v0 =	vmul.f32 v20, v0;
	v60 =	vmov v14;
	[tilespmem:s20+$0xFFFFFFC0] =	vst v8  }
0x1aa: {  	v57 =	vmovc v15;
	v1 =	vmul.f32 v1, v60;
	v15 =	vor.u32 s4, v23;
	v7 =	vmul.f32 v12, v7;
	[tilespmem:s20+$0xFFFFFFD0] =	vst v6  }
0x1ab: {  	v5 =	vsub.f32 v5, v4;
	v0 =	vmul.f32 v0, v18;
	v3 =	vld [tilespmem:$0x1FCC0]  }
0x1ac: {  	v14 =	vsub.f32 v55, v4;
	v1 =	vadd.f32 v1, v35;
	v2 =	vmul.f32 v7, v2  }
0x1ad: {  	v0 =	vadd.f32 v0, v45;
	v5 =	vmul.f32 v7, v5;
	v9 =	vsub.f32 v54, v4  }
0x1ae: {  	v2 =	vmul.f32 v2, v51;
	v8 =	vsub.f32 v36, v4;
	v6 =	vsub.f32 v29, v4;
	[tilespmem:s20+$0xFFFFFFF0] =	vst v1  }
0x1af: {  	v9 =	vmul.f32 v7, v9;
	v1 =	vmul.f32 v7, v28;
	[tilespmem:v15+s23+$0x0] =	vst.idx.msk $0x3f, v0  }
0x1b0: {  	v0 =	vmul.f32 v7, v30;
	v3 =	vsub.f32 v3, v4;
	v4 =	vmul.f32 v5, v57  }
0x1b1: {  	v2 =	vadd.f32 v2, v59;
	v1 =	vmul.f32 v1, v49;
	v5 =	vmul.f32 v7, v14  }
0x1b2: {  	v8 =	vmul.f32 v7, v8;
	v0 =	vmul.f32 v0, v24;
	v4 =	vadd.f32 v4, v58  }
0x1b3: {  	[tilespmem:s21+$0xFFFFFF90] =	vst v2;
	v1 =	vadd.f32 v1, v63;
	v5 =	vmul.f32 v5, v46;
	v2 =	vmul.f32 v7, v3  }
0x1b4: {  	v0 =	vadd.f32 v0, v48;
	v3 =	vmul.f32 v8, v50;
	[tilespmem:s21+$0xFFFFFF80] =	vst v4;
	v4 =	vmul.f32 v7, v6  }
0x1b5: {  	v23 =	vlaneseq.u32;
	[tilespmem:s21+$0xFFFFFFA0] =	vst v1;
	v6 =	vmul.f32 v9, v10;
	v1 =	vadd.f32 v5, v43  }
0x1b6: {  	[tilespmem:s21+$0xFFFFFFB0] =	vst v0;
	v5 =	vor.u32 s2, v23;
	v3 =	vadd.f32 v3, v56;
	v4 =	vmul.f32 v4, v60  }
0x1b7: {  	v2 =	vmul.f32 v2, v18;
	v0 =	vadd.f32 v6, v52;
	[tilespmem:s21+$0xFFFFFFC0] =	vst v1  }
0x1b8: {  	[tilespmem:s21+$0xFFFFFFE0] =	vst v3;
	v1 =	vadd.f32 v4, v35  }
0x1b9: {  	[tilespmem:s21+$0xFFFFFFD0] =	vst v0;
	v0 =	vadd.f32 v2, v45  }
0x1ba: {  	[tilespmem:s21+$0xFFFFFFF0] =	vst v1  }
0x1bb: {  	s2 =	simm.s32 $0x8000;
	[tilespmem:v5+s23+$0x0] =	vst.idx.msk $0x3f, v0  }
0x1bc: {  	[hbm4b:s7+s24] =	stream.strided.scatter [tilespmem:s2], [sflag:$0x3], $0x4000, s25, s24, $0x38;
	[tilespmem:$0x18200] =	vst v63  }
0x1bd: {  	_ = 	snop  }
0x1be: {  	[hbm4b:s8+s24] =	stream.strided.scatter [tilespmem:s23], [sflag:$0x3], $0x4000, s25, s24, $0x38;
	[tilespmem:$0x18200] =	vst v63  }
0x1bf: {  	s4 =	simm.s32 $0x0  }
0x1c0: {  	[tilespmem:s4], [sflag:$0x1] =	stream.linear.gather [hbm4b:s9+s4], $0x4000, $0x38;
	[tilespmem:$0x18200] =	vst v63  }
0x1c1: {  	_ =	swait.ge [sflag:s19], $0x4000  }
0x1c2: {  	[sflag:s19] =	ssyncset.done $0x0  }
0x1c3: {  	s5 =	simm.s32 $0x4080;
	[sflag:s19] =	ssyncadd.s32 $0xFFFFC000  }
0x1c4: {  	v2 =	vld [tilespmem:s5+$0x0];
	_ =	sdelay $0x4  }
0x1c5: {  	v0 =	vtrunc.f32 v2  }
0x1c6: {  	v0 =	vcvt.f32.s32 v0  }
0x1c7: {  	v62 =	vimm.s32 $0x0;
	v27 =	vld [tilespmem:$0x1FFF0]  }
0x1c8: {  	v0 =	vperm.xlane v0, v62;
	_ =	sdelay $0x1  }
0x1c9: {  	v0 =	vmul.u32 $0x7, v0;
	_ =	sdelay $0x1  }
0x1ca: {  	v6 =	vld [tilespmem:s5+$0xFFFFFF80];
	v0 =	vadd.s32 v27, v0  }
0x1cb: {  	v0 =	vnsel vm0, $0x0, v0;
	_ =	sdelay $0x3  }
0x1cc: {  	v1 =	vtrunc.f32 v6  }
0x1cd: {  	v4 =	vld.idx.msk [tilespmem:v0+s18+$0x0], $0x7f;
	v0 =	vcvt.f32.s32 v1;
	_ =	sdelay $0x1  }
0x1ce: {  	v5 =	vld [tilespmem:s5+$0x70];
	v0 =	vperm.xlane v0, v62;
	_ =	sdelay $0x1  }
0x1cf: {  	v7 =	vsel vm1, $0x0, v2;
	v0 =	vmul.u32 $0x7, v0  }
0x1d0: {  	v3 =	vld [tilespmem:s5+$0xA];
	v9 =	vmul.f32 v7, v7;
	v1 =	vnsel vm0, $0x0, v4  }
0x1d1: {  	v8 =	vadd.f32 v1, v7;
	v1 =	vmul.f32 v1, v1;
	v0 =	vadd.s32 v27, v0  }
0x1d2: {  	v10 =	vsel vm2, $0x0, v5;
	v7 =	vld [tilespmem:s5+$0x1A];
	v0 =	vnsel vm0, $0x0, v0  }
0x1d3: {  	v11 =	vadd.f32 v8, v10;
	v1 =	vadd.f32 v1, v9;
	v9 =	vmul.f32 v10, v10  }
0x1d4: {  	v8 =	vld [tilespmem:s5+$0x2A]  }
0x1d5: {  	v15 =	vld [tilespmem:s5+$0xFFFFFFF0];
	v10 =	vadd.f32 v11, v3;
	v1 =	vadd.f32 v1, v9;
	v11 =	vmul.f32 v3, v3  }
0x1d6: {  	v9 =	vld [tilespmem:s5+$0x3A]  }
0x1d7: {  	v12 =	vadd.f32 v10, v7;
	v1 =	vadd.f32 v1, v11;
	v11 =	vmul.f32 v7, v7;
	v13 =	vld.idx.msk [tilespmem:v0+s18+$0x0], $0x7f  }
0x1d8: {  	v10 =	vld [tilespmem:s5+$0x4A]  }
0x1d9: {  	v0 =	vmul.f32 v8, v8;
	v14 =	vadd.f32 v12, v8;
	v1 =	vadd.f32 v1, v11  }
0x1da: {  	v12 =	vld [tilespmem:s5+$0x5A]  }
0x1db: {  	v14 =	vadd.f32 v14, v9;
	v0 =	vadd.f32 v1, v0;
	v1 =	vmul.f32 v9, v9  }
0x1dc: {  	v16 =	vsel vm1, $0x0, v6;
	v20 =	vsel vm2, $0x0, v15;
	v11 =	vld [tilespmem:s5+$0x6A];
	v18 =	vnsel vm0, $0x0, v13  }
0x1dd: {  	v19 =	vld [tilespmem:s5+$0xFFFFFF8A];
	v14 =	vadd.f32 v14, v10;
	v0 =	vadd.f32 v0, v1;
	v1 =	vmul.f32 v10, v10  }
0x1de: {  	v17 =	vmul.f32 v16, v16;
	v16 =	vadd.f32 v18, v16;
	v18 =	vmul.f32 v18, v18  }
0x1df: {  	v14 =	vadd.f32 v14, v12;
	v0 =	vadd.f32 v0, v1;
	v1 =	vmul.f32 v12, v12  }
0x1e0: {  	v21 =	vld [tilespmem:s5+$0xFFFFFF9A];
	v22 =	vmul.f32 v20, v20;
	v17 =	vadd.f32 v18, v17;
	v16 =	vadd.f32 v16, v20  }
0x1e1: {  	v14 =	vadd.f32 v14, v11;
	v0 =	vadd.f32 v0, v1;
	v1 =	vmul.f32 v11, v11  }
0x1e2: {  	v23 =	vld [tilespmem:s5+$0xFFFFFFAA];
	v16 =	vadd.f32 v16, v19  }
0x1e3: {  	(xrf2) =	vadd.scan.msk.f32 $0xffff, v14;
	v0 =	vadd.f32 v0, v1;
	v1 =	vmul.f32 v19, v19;
	v14 =	vadd.f32 v17, v22  }
0x1e4: {  	v22 =	vld [tilespmem:s5+$0xFFFFFFBA]  }
0x1e5: {  	(xrf2) =	vadd.scan.msk.f32 $0xffff, v0;
	v0 =	vmul.f32 v21, v21;
	v1 =	vadd.f32 v14, v1;
	v14 =	vadd.f32 v16, v21  }
0x1e6: {  	v29 =	vld [tilespmem:s5+$0xFFFFFFCA]  }
0x1e7: {  	v16 =	vmul.f32 v23, v23;
	v17 =	vadd.f32 v1, v0;
	v14 =	vadd.f32 v14, v23  }
0x1e8: {  	v1 =	vld [tilespmem:s5+$0xFFFFFFDA]  }
0x1e9: {  	v18 =	vmul.f32 v22, v22;
	v16 =	vadd.f32 v17, v16;
	v14 =	vadd.f32 v14, v22  }
0x1ea: {  	v0 =	vld [tilespmem:s5+$0xFFFFFFEA]  }
0x1eb: {  	v17 =	vmul.f32 v29, v29;
	v16 =	vadd.f32 v16, v18;
	v14 =	vadd.f32 v14, v29;
	_ =	sdelay $0x1  }
0x1ec: {  	v46 =	vimm.s32 $0xF;
	v20 =	vmul.f32 v1, v1;
	v18, _, _ =	vpop (xrf2);
	v16 =	vadd.f32 v16, v17  }
0x1ed: {  	s20 =	simm.s32 $0x4180;
	v47 =	vadd.f32 v14, v1;
	v17 =	vperm.xlane v18, v46  }
0x1ee: {  	v42 =	vld [tilespmem:s20+$0x0];
	v18 =	vmul.f32 v0, v0;
	v14, _, _ =	vpop (xrf2);
	v16 =	vadd.f32 v16, v20  }
0x1ef: {  	v20 =	vperm.xlane v14, v46;
	v14 =	vmul.f32 $7.462686390e-03, v17;
	v17 =	vadd.f32 v47, v0  }
0x1f0: {  	v16 =	vadd.f32 v16, v18;
	v18 =	vld [tilespmem:s20+$0xFFFFFF80]  }
0x1f1: {  	(xrf2) =	vadd.scan.msk.f32 $0xffff, v17  }
0x1f2: {  	v20 =	vmul.f32 $7.462686390e-03, v20  }
0x1f3: {  	v48 =	vmul.f32 v14, v14;
	v17 =	vtrunc.f32 v42  }
0x1f4: {  	v26 =	vperm.xlane v6, v39;
	(xrf2) =	vadd.scan.msk.f32 $0xffff, v16;
	v17 =	vcvt.f32.s32 v17  }
0x1f5: {  	v6 =	vperm.xlane v15, v40;
	v16 =	vsub.f32 v20, v48;
	v15 =	vtrunc.f32 v18  }
0x1f6: {  	v17 =	vperm.xlane v17, v62;
	v15 =	vcvt.f32.s32 v15  }
0x1f7: {  	v16 =	vadd.f32 $9.999999960e-13, v16  }
0x1f8: {  	v25 =	vld [tilespmem:s20+$0xFFFFFFF0];
	v17 =	vmul.u32 $0x7, v17;
	v15 =	vperm.xlane v15, v62  }
0x1f9: {  	v31 =	vld [tilespmem:s20+$0xFFFFFF8A];
	v20 =	vshrl.u32 v16, $0x1;
	v16 =	vmul.f32 $5.000000000e-01, v16  }
0x1fa: {  	v32 =	vld [tilespmem:s20+$0xFFFFFF9A];
	v28 =	vsub.s32 $0x5F3759DF, v20;
	v17 =	vadd.s32 v27, v17;
	v15 =	vmul.u32 $0x7, v15  }
0x1fb: {  	v36 =	vimm.s32 $0xF;
	v33 =	vld [tilespmem:s20+$0xFFFFFFAA];
	v20 =	vmul.f32 v28, v16;
	v17 =	vnsel vm0, $0x0, v17;
	v30, _, _ =	vpop (xrf2)  }
0x1fc: {  	v35 =	vld [tilespmem:s20+$0xFFFFFFBA];
	v30 =	vperm.xlane v30, v36;
	v15 =	vadd.s32 v27, v15  }
0x1fd: {  	v34 =	vld [tilespmem:s20+$0xFFFFFFCA];
	v20 =	vmul.f32 v28, v20;
	v43 =	vnsel vm0, $0x0, v15  }
0x1fe: {  	v24 =	vld [tilespmem:s20+$0xFFFFFFDA];
	v49, _, _ =	vpop (xrf2);
	v15 =	vmul.f32 $7.462686390e-03, v30  }
0x1ff: {  	v61 =	vmov v52;
	v41 =	vld [tilespmem:s20+$0xFFFFFFEA];
	v50 =	vsub.f32 $1.500000000e+00, v20;
	v52 =	vperm.xlane v49, v36  }
0x200: {  	v55 =	vld.idx.msk [tilespmem:v17+s18+$0x0], $0x7f;
	v21 =	vsub.f32 v21, v15  }
0x201: {  	v44 =	vmul.f32 v28, v50;
	v28 =	vmul.f32 $7.462686390e-03, v52;
	v52 =	vld [tilespmem:s20+$0x70]  }
0x202: {  	v38 =	vsub.f32 v19, v15;
	v19 =	vld.idx.msk [tilespmem:v43+s18+$0x0], $0x7f;
	[tilespmem:$0x1FCD0] =	vst v21;
	v21 =	vsub.f32 v23, v15  }
0x203: {  	v56 =	vmov v40  }
0x204: {  	[tilespmem:$0x1FCE0] =	vst v21;
	v21 =	vperm.xlane v25, v56;
	_ =	sdelay $0x1  }
0x205: {  	[tilespmem:$0x1FCF0] =	vst v21;
	v21 =	vsub.f32 v22, v15  }
0x206: {  	v30 =	vmul.f32 v15, v15  }
0x207: {  	v49 =	vmul.f32 v44, v16;
	[tilespmem:$0x1FD00] =	vst v21  }
0x208: {  	v50 =	vsub.f32 v28, v30;
	v23 =	vnsel vm0, $0x0, v55;
	v28 =	vld [tilespmem:s20+$0xA];
	[tilespmem:$0x1FD10] =	vst v55;
	v55 =	vsub.f32 v29, v15  }
0x209: {  	v49 =	vmul.f32 v49, v44  }
0x20a: {  	v51 =	vmov v39;
	v26 =	vsel vm0, v13, v26;
	v47 =	vsel vm2, $0x0, v25;
	[tilespmem:$0x1FD20] =	vst v55  }
0x20b: {  	v45 =	vsel vm1, $0x0, v18;
	v18 =	vperm.xlane v18, v51;
	v21 =	vsub.f32 $1.500000000e+00, v49;
	v25 =	vld [tilespmem:s20+$0x1A]  }
0x20c: {  	v46 =	vmul.f32 v45, v45;
	v40 =	vsub.f32 v26, v15;
	v49 =	vsel vm1, $0x0, v42  }
0x20d: {  	v26 =	vmovc v51;
	v30 =	vmovc v56;
	v51 =	vsel vm2, $0x0, v52;
	v56 =	vadd.f32 v23, v49;
	v21 =	vmul.f32 v21, v44  }
0x20e: {  	v22 =	vadd.f32 $9.999999960e-13, v50;
	v23 =	vmul.f32 v23, v23;
	v49 =	vmul.f32 v49, v49  }
0x20f: {  	v43 =	vmovc v52;
	v52 =	vnsel vm0, $0x0, v19;
	v50 =	vadd.f32 v56, v51;
	v16 =	vmul.f32 v21, v16;
	v44 =	vmovc v28;
	v28 =	vld [tilespmem:s20+$0x2A]  }
0x210: {  	v55 =	vadd.f32 v52, v45;
	v23 =	vadd.f32 v23, v49;
	v45 =	vmovc v25;
	v25 =	vmul.f32 v51, v51  }
0x211: {  	v2 =	vperm.xlane v2, v26;
	v50 =	vadd.f32 v50, v44;
	v51 =	vmul.f32 v16, v21  }
0x212: {  	v49 =	vmul.f32 v44, v44;
	v23 =	vadd.f32 v23, v25  }
0x213: {  	v2 =	vsel vm0, v4, v2;
	v50 =	vadd.f32 v50, v45;
	v51 =	vsub.f32 $1.500000000e+00, v51  }
0x214: {  	v56 =	vmul.f32 v52, v52;
	v4 =	vmul.f32 v28, v28;
	v23 =	vadd.f32 v23, v49;
	v49 =	vld [tilespmem:s20+$0x3A]  }
0x215: {  	v52 =	vadd.f32 v50, v28;
	v21 =	vmul.f32 v51, v21;
	[tilespmem:$0x1FD30] =	vst v28;
	v51 =	vmul.f32 v45, v45;
	v28 =	vld [tilespmem:$0x1FE80]  }
0x216: {  	v3 =	vsub.f32 v3, v14;
	v50 =	vld [tilespmem:s20+$0x4A]  }
0x217: {  	v23 =	vadd.f32 v23, v51  }
0x218: {  	v3 =	vmul.f32 v21, v3  }
0x219: {  	v4 =	vadd.f32 v23, v4;
	v23 =	vmul.f32 v49, v49  }
0x21a: {  	v3 =	vmul.f32 v3, v28  }
0x21b: {  	v2 =	vsub.f32 v2, v14;
	v4 =	vadd.f32 v4, v23;
	v23 =	vmul.f32 v50, v50  }
0x21c: {  	v46 =	vadd.f32 v56, v46;
	v56 =	vadd.f32 v3, v59;
	v3 =	vld [tilespmem:$0x1FEB0]  }
0x21d: {  	v2 =	vmul.f32 v21, v2;
	v4 =	vadd.f32 v4, v23;
	v23 =	vld [tilespmem:$0x1FEA0]  }
0x21e: {  	v7 =	vsub.f32 v7, v14;
	v8 =	vsub.f32 v8, v14;
	v51 =	vld [tilespmem:s20+$0x5A]  }
0x21f: {  	v48 =	vmul.f32 v47, v47;
	v2 =	vmul.f32 v2, v57;
	v57 =	vadd.f32 v52, v49  }
0x220: {  	v7 =	vmul.f32 v21, v7;
	v8 =	vmul.f32 v21, v8  }
0x221: {  	v39 =	vmul.f32 v31, v31;
	v12 =	vsub.f32 v12, v14;
	v57 =	vadd.f32 v57, v50  }
0x222: {  	v3 =	vmul.f32 v8, v3;
	v8 =	vadd.f32 v46, v48;
	v7 =	vmul.f32 v7, v23  }
0x223: {  	v5 =	vperm.xlane v5, v30;
	v52 =	vld [tilespmem:s20+$0x6A];
	v58 =	vadd.f32 v2, v58;
	v2 =	vadd.f32 v57, v51  }
0x224: {  	v57 =	vadd.f32 v7, v63;
	v7 =	vadd.f32 v8, v39;
	v8 =	vmul.f32 v21, v12;
	v12 =	vld [tilespmem:$0x1FF00]  }
0x225: {  	v9 =	vsub.f32 v9, v14;
	v10 =	vsub.f32 v10, v14  }
0x226: {  	v11 =	vsub.f32 v11, v14;
	v5 =	vsub.f32 v5, v14;
	v14 =	vmul.f32 v51, v51;
	_ =	sdelay $0x1  }
0x227: {  	v4 =	vadd.f32 v4, v14;
	v14 =	vmul.f32 v52, v52  }
0x228: {  	v2 =	vadd.f32 v2, v52;
	v59 =	vadd.f32 v3, v12;
	v3 =	vld [tilespmem:$0x1FEE0]  }
0x229: {  	v4 =	vadd.f32 v4, v14  }
0x22a: {  	(xrf2) =	vadd.scan.msk.f32 $0xffff, v2  }
0x22b: {  	v10 =	vmul.f32 v21, v10;
	(xrf2) =	vadd.scan.msk.f32 $0xffff, v4;
	v4 =	vld [tilespmem:$0x1FED0];
	_ =	sdelay $0x1  }
0x22c: {  	v3 =	vmul.f32 v10, v3;
	v10 =	vmul.f32 v21, v11;
	v11 =	vld [tilespmem:$0x1FF30]  }
0x22d: {  	v9 =	vmul.f32 v21, v9  }
0x22e: {  	v47 =	vadd.f32 v55, v47  }
0x22f: {  	v4 =	vmul.f32 v9, v4  }
0x230: {  	v14 =	vadd.f32 v47, v31  }
0x231: {  	v11 =	vadd.f32 v4, v11;
	v4 =	vld [tilespmem:$0x1FF10]  }
0x232: {  	v23 =	vshrl.u32 v22, $0x1;
	v22 =	vmul.f32 $5.000000000e-01, v22;
	v9 =	vadd.f32 v14, v32  }
0x233: {  	v53 =	vmul.f32 v32, v32;
	v54 =	vmul.f32 v33, v33;
	v23 =	vsub.s32 $0x5F3759DF, v23  }
0x234: {  	v5 =	vmul.f32 v21, v5;
	v2 =	vmul.f32 v23, v22;
	v9 =	vadd.f32 v9, v33  }
0x235: {  	v7 =	vadd.f32 v7, v53;
	v21 =	vadd.f32 v3, v61;
	v3 =	vmul.f32 v10, v60;
	v10 =	vld [tilespmem:$0x1FF50]  }
0x236: {  	v2 =	vmul.f32 v23, v2;
	v12 =	vld [tilespmem:$0x1FF70];
	v4 =	vmul.f32 v8, v4;
	v8 =	vadd.f32 v9, v35  }
0x237: {  	v20 =	vmul.f32 v35, v35;
	v7 =	vadd.f32 v7, v54  }
0x238: {  	v2 =	vsub.f32 $1.500000000e+00, v2  }
0x239: {  	v37 =	vmul.f32 v34, v34;
	v7 =	vadd.f32 v7, v20  }
0x23a: {  	v2 =	vmul.f32 v23, v2;
	v10 =	vadd.f32 v4, v10;
	v4 =	vadd.f32 v8, v34;
	v8, _, _ =	vpop (xrf2)  }
0x23b: {  	v60 =	vadd.f32 v3, v12;
	v3 =	vadd.f32 v7, v37;
	v7 =	vperm.xlane v8, v36;
	v8 =	vld [tilespmem:$0x1FF60]  }
0x23c: {  	v9 =	vmul.f32 v2, v22;
	_ =	sdelay $0x1  }
0x23d: {  	s21 =	simm.s32 $0x80;
	v13 =	vmul.f32 v24, v24;
	v25 =	vmovc v26;
	v26 =	vlaneseq.u32;
	v9 =	vmul.f32 v9, v2  }
0x23e: {  	v17 =	vmul.f32 v41, v41;
	v1 =	vsub.f32 v1, v15;
	v16 =	vor.u32 s21, v26;
	s21 =	simm.s32 $0x4280;
	[tilespmem:$0x1FD40] =	vst v24  }
0x23f: {  	v23 =	vld [tilespmem:s21+$0xFFFFFF80];
	v4 =	vadd.f32 v4, v24;
	v9 =	vsub.f32 $1.500000000e+00, v9;
	v8 =	vmul.f32 v5, v8;
	v5, _, _ =	vpop (xrf2)  }
0x240: {  	v3 =	vadd.f32 v3, v13;
	v55 =	vperm.xlane v5, v36;
	v5 =	vmul.f32 $7.462686390e-03, v7  }
0x241: {  	v54 =	vld [tilespmem:s21+$0x0];
	[tilespmem:$0x1FD50] =	vst v1;
	v1 =	vadd.f32 v4, v41;
	v14 =	vmul.f32 v9, v2  }
0x242: {  	v2 =	vadd.f32 v3, v17;
	v3 =	vmul.f32 $7.462686390e-03, v55;
	v4 =	vmul.f32 v5, v5;
	_ =	sdelay $0x1  }
0x243: {  	v0 =	vsub.f32 v0, v15;
	v3 =	vsub.f32 v3, v4;
	v4 =	vtrunc.f32 v23  }
0x244: {  	v63 =	vld [tilespmem:s21+$0xFFFFFF8A];
	v4 =	vcvt.f32.s32 v4  }
0x245: {  	v13 =	vld [tilespmem:s21+$0xFFFFFFF0];
	[tilespmem:$0x1FD60] =	vst v0  }
0x246: {  	v53 =	vld [tilespmem:s21+$0xFFFFFFCA];
	v17 =	vperm.xlane v4, v62  }
0x247: {  	s20 =	simm.s32 $0xC080  }
0x248: {  	v39 =	vld [tilespmem:s21+$0xFFFFFFDA];
	[tilespmem:s20+$0x0] =	vst v58;
	v17 =	vmul.u32 $0x7, v17  }
0x249: {  	[tilespmem:s20+$0x10] =	vst v56  }
0x24a: {  	v47 =	vmov v34;
	v34 =	vld [tilespmem:s21+$0xFFFFFFEA];
	[tilespmem:s20+$0x20] =	vst v57;
	v17 =	vadd.s32 v27, v17  }
0x24b: {  	[tilespmem:s20+$0x30] =	vst v59;
	(xrf2) =	vadd.scan.msk.f32 $0xffff, v1;
	v1 =	vld [tilespmem:s21+$0xFFFFFF9A];
	v20 =	vnsel vm0, $0x0, v17;
	v17 =	vmul.f32 v53, v53  }
0x24c: {  	[tilespmem:s20+$0x40] =	vst v11;
	(xrf2) =	vadd.scan.msk.f32 $0xffff, v2;
	v2 =	vld [tilespmem:s21+$0xFFFFFFAA]  }
0x24d: {  	v0 =	vtrunc.f32 v54;
	v55 =	vld [tilespmem:s21+$0xFFFFFFBA];
	[tilespmem:$0x1FD70] =	vst v17;
	v17 =	vmul.f32 v39, v39  }
0x24e: {  	v0 =	vcvt.f32.s32 v0  }
0x24f: {  	[tilespmem:$0x1FD80] =	vst v17  }
0x250: {  	v0 =	vperm.xlane v0, v62;
	v9 =	vadd.f32 $9.999999960e-13, v3;
	[tilespmem:s20+$0x50] =	vst v21;
	v21 =	vmul.f32 v34, v34  }
0x251: {  	v48 =	vsub.f32 v6, v15;
	v12 =	vsel vm0, v19, v18  }
0x252: {  	v18 =	vshrl.u32 v9, $0x1;
	v19 =	vmul.f32 $5.000000000e-01, v9;
	v9 =	vmul.u32 $0x7, v0;
	[tilespmem:$0x1FD90] =	vst v21  }
0x253: {  	v15 =	vsel vm1, $0x0, v23;
	v61 =	vmul.f32 v63, v63;
	v18 =	vsub.s32 $0x5F3759DF, v18;
	[tilespmem:s20+$0x60] =	vst v10  }
0x254: {  	v6 =	vmul.f32 v14, v22;
	v22 =	vmul.f32 v18, v19;
	v9 =	vadd.s32 v27, v9;
	v10 =	vld [tilespmem:$0x1FF90]  }
0x255: {  	v7 =	vmul.f32 v15, v15;
	v3 =	vsel vm2, $0x0, v13;
	v9 =	vnsel vm0, $0x0, v9  }
0x256: {  	v4 =	vmul.f32 v3, v3;
	v11, _, _ =	vpop (xrf2);
	v22 =	vmul.f32 v18, v22  }
0x257: {  	v62 =	vmul.f32 v2, v2;
	v11 =	vperm.xlane v11, v36  }
0x258: {  	v30 =	vmul.f32 v55, v55;
	v0 =	vmul.f32 v1, v1;
	v17, _, _ =	vpop (xrf2);
	v21 =	vsub.f32 $1.500000000e+00, v22  }
0x259: {  	s26 =	simm.s32 $0x0;
	[tilespmem:s20+$0x70] =	vst v60;
	v60 =	vmul.f32 $7.462686390e-03, v11;
	v8 =	vadd.f32 v8, v10;
	v10 =	vperm.xlane v17, v36  }
0x25a: {  	v9 =	vld.idx.msk [tilespmem:v9+s18+$0x0], $0x7f;
	v21 =	vmul.f32 v18, v21;
	v11 =	vor.u32 s26, v26;
	v17 =	vmul.f32 v6, v14  }
0x25b: {  	s29 =	simm.s32 $0x6;
	v12 =	vsub.f32 v12, v60;
	v6 =	vperm.xlane v23, v25;
	[tilespmem:v16+s28+$0x0] =	vst.idx.msk $0x3f, v8;
	v18 =	vmul.f32 $7.462686390e-03, v10  }
0x25c: {  	s1 =	simm.s32 $0xC080;
	s2 =	simm.s32 $0x4;
	v46 =	vmovc v41;
	s26 =	simm.s32 $0x2;
	v17 =	vsub.f32 $1.500000000e+00, v17;
	v8 =	vld.idx.msk [tilespmem:v20+s18+$0x0], $0x7f;
	v20 =	vmul.f32 v60, v60;
	v10 =	vmul.f32 v21, v19  }
.LBB2_4:
0x25d: {  	[tilespmem:$0x1FB90] =	vst v30;
	v30 =	vld [tilespmem:$0x1FFE0]  }
0x25e: {  	v10 =	vmul.f32 v10, v21;
	_ =	sdelay $0x1  }
0x25f: {  	v59 =	vnsel vm0, $0x0, v9;
	v25 =	vsel vm1, $0x0, v54  }
0x260: {  	v36 =	vadd.f32 v59, v25  }
0x261: {  	v29 =	vld [tilespmem:$0x1FFD0];
	v25 =	vmul.f32 v25, v25;
	v58 =	vsub.f32 $1.500000000e+00, v10;
	v10 =	vmovc v12;
	v16 =	vperm.xlane v13, v30  }
0x262: {  	v23 =	vld [tilespmem:s21+$0x70];
	s4 =	sshll.u32 s26, $0x7;
	v13 =	vmul.f32 v17, v14;
	v17 =	vsub.f32 v35, v60;
	v35 =	vmovc v55;
	v55 =	vmul.f32 v59, v59  }
0x263: {  	v22 =	vsub.f32 v31, v60;
	s5 =	sadd.s32 $0x80, s4;
	v21 =	vmul.f32 v58, v21;
	[tilespmem:$0x1FBB0] =	vst v10;
	v10 =	vlaneseq.u32  }
0x264: {  	v18 =	vsub.f32 v18, v20;
	v25 =	vadd.f32 v55, v25;
	v55 =	vor.u32 s5, v10;
	v10 =	vld [tilespmem:$0x1FD10]  }
0x265: {  	v49 =	vsub.f32 v49, v5;
	v20 =	vsub.f32 v32, v60;
	v26 =	vmovc v22;
	v22 =	vld [tilespmem:s21+$0xA];
	v19 =	vmul.f32 v21, v19  }
0x266: {  	v31 =	vmovc v63;
	v63 =	vadd.f32 $9.999999960e-13, v18;
	v28 =	vperm.xlane v42, v29;
	v14 =	vsub.f32 v33, v60  }
0x267: {  	v12 =	vld [tilespmem:s21+$0x1A];
	v33 =	vmovc v2;
	v2 =	vmul.f32 v13, v38;
	v38 =	vsel vm2, $0x0, v23;
	v19 =	vmul.f32 v19, v21  }
0x268: {  	v37 =	vmovc v53;
	v24 =	vmovc v11;
	v32 =	vmov v1;
	v18 =	vsub.f32 v47, v60;
	v53 =	vadd.f32 v36, v38  }
0x269: {  	v27 =	vld [tilespmem:s21+$0x2A];
	[tilespmem:$0x1FBA0] =	vst v26;
	v41 =	vperm.xlane v43, v30;
	v19 =	vsub.f32 $1.500000000e+00, v19;
	v58 =	vsel vm0, v10, v28;
	v10 =	vmovc v9  }
0x26a: {  	v1 =	vmul.f32 v13, v40;
	v26 =	vmul.f32 v38, v38;
	v53 =	vadd.f32 v53, v22;
	[tilespmem:$0x1FD10] =	vst v10;
	v10 =	vld [tilespmem:$0x1FD30]  }
0x26b: {  	[tilespmem:$0x1FBC0] =	vst v24;
	v24 =	vld [tilespmem:$0x1FEC0];
	v36 =	vsub.f32 v45, v5;
	v19 =	vmul.f32 v19, v21;
	v28 =	vsub.f32 v44, v5  }
0x26c: {  	v47 =	vmovc v46;
	v46 =	vld [tilespmem:$0x1FE60];
	v25 =	vadd.f32 v25, v26;
	v26 =	vmul.f32 v12, v12;
	v53 =	vadd.f32 v53, v12  }
0x26d: {  	v44 =	vld [tilespmem:$0x1FE80];
	v21 =	vsub.f32 v58, v5;
	v58 =	vmovc v12;
	v12 =	vmul.f32 v19, v28;
	v28 =	vsub.f32 v50, v5  }
0x26e: {  	v40 =	vmul.f32 v22, v22;
	v45 =	vld [tilespmem:$0x1FE90];
	v50 =	vsub.f32 v51, v5;
	v51 =	vsub.f32 v52, v5  }
0x26f: {  	v57 =	vmovc v22;
	v21 =	vmul.f32 v19, v21;
	v22 =	vsub.f32 v10, v5;
	v5 =	vsub.f32 v41, v5;
	v41 =	vld [tilespmem:$0x1FEB0]  }
0x270: {  	v42 =	vld [tilespmem:$0x1FEA0]  }
0x271: {  	v56 =	vmovc v23;
	v23 =	vadd.f32 v25, v40;
	v25 =	vmul.f32 v27, v27;
	v40 =	vld [tilespmem:$0x1FF00];
	v21 =	vmul.f32 v21, v46  }
0x272: {  	v59 =	vmov v54;
	v54 =	vld [tilespmem:$0x1FEE0];
	v12 =	vmul.f32 v12, v44;
	v22 =	vmul.f32 v19, v22  }
0x273: {  	v43 =	vld [tilespmem:$0x1FEF0];
	v9 =	vadd.f32 v53, v27;
	v38 =	vmul.f32 v19, v36;
	v21 =	vadd.f32 v21, v45  }
0x274: {  	s20 =	sadd.s32 $0x100, s20;
	v53 =	vld [tilespmem:$0x1FF40];
	v52 =	vmul.f32 v19, v49;
	v12 =	vadd.f32 v12, v24;
	v22 =	vmul.f32 v22, v41  }
0x275: {  	v49 =	vld [tilespmem:s21+$0x3A];
	v28 =	vmul.f32 v19, v28;
	v36 =	vmul.f32 v19, v50;
	v10 =	vmov v27;
	[tilespmem:s20+$0x0] =	vst v21  }
0x276: {  	v27 =	vmul.f32 v38, v42;
	v5 =	vmul.f32 v19, v5;
	v50 =	vld [tilespmem:s21+$0x4A];
	[tilespmem:s20+$0x10] =	vst v12;
	v12 =	vadd.f32 v22, v40  }
0x277: {  	v22 =	vmul.f32 v28, v54;
	v28 =	vmul.f32 v19, v51;
	v19 =	vadd.f32 v23, v26;
	v26 =	vld [tilespmem:$0x1FF20]  }
0x278: {  	v38 =	vld [tilespmem:$0x1FED0];
	v21 =	vadd.f32 v27, v43  }
0x279: {  	v30 =	vld [tilespmem:$0x1FF10];
	[tilespmem:$0x1FD30] =	vst v10  }
0x27a: {  	v10 =	vld [tilespmem:$0x1FF30];
	[tilespmem:s20+$0x20] =	vst v21  }
0x27b: {  	v51 =	vld [tilespmem:s21+$0x5A]  }
0x27c: {  	[tilespmem:s20+$0x30] =	vst v12;
	v12 =	vadd.f32 v22, v53;
	v22 =	vmul.f32 v28, v26;
	v28 =	vld [tilespmem:$0x1FF50]  }
0x27d: {  	v27 =	vmul.f32 v52, v38;
	_ =	sdelay $0x1  }
0x27e: {  	v36 =	vmul.f32 v36, v30;
	v21 =	vadd.f32 v27, v10  }
0x27f: {  	v27 =	vld [tilespmem:$0x1FF70]  }
0x280: {  	v11 =	vnsel vm0, $0x0, v8;
	[tilespmem:s20+$0x40] =	vst v21;
	v21 =	vadd.f32 v36, v28;
	v36 =	vld [tilespmem:$0x1FF60]  }
0x281: {  	v15 =	vadd.f32 v11, v15  }
0x282: {  	v9 =	vadd.f32 v9, v49;
	v19 =	vadd.f32 v19, v25;
	v25 =	vld [tilespmem:$0x1FF90]  }
0x283: {  	v52 =	vld [tilespmem:s21+$0x6A]  }
0x284: {  	v11 =	vmul.f32 v11, v11;
	v3 =	vadd.f32 v15, v3;
	v9 =	vadd.f32 v9, v50  }
0x285: {  	v23 =	vmul.f32 v49, v49;
	[tilespmem:s20+$0x50] =	vst v12;
	v12 =	vadd.f32 v22, v27;
	v5 =	vmul.f32 v5, v36  }
0x286: {  	v7 =	vadd.f32 v11, v7;
	v9 =	vadd.f32 v9, v51  }
0x287: {  	v15 =	vadd.f32 v19, v23;
	v19 =	vmul.f32 v50, v50;
	[tilespmem:s20+$0x70] =	vst v12;
	v5 =	vadd.f32 v5, v25  }
0x288: {  	v11 =	vmul.f32 $5.000000000e-01, v63;
	v4 =	vadd.f32 v7, v4;
	v7 =	vadd.f32 v9, v52;
	[tilespmem:s20+$0x60] =	vst v21  }
0x289: {  	v22 =	vshrl.u32 v63, $0x1;
	v12 =	vmul.f32 v51, v51;
	[tilespmem:v55+s28+$0x0] =	vst.idx.msk $0x3f, v5;
	v5 =	vadd.f32 v15, v19  }
0x28a: {  	v3 =	vadd.f32 v3, v31;
	v4 =	vadd.f32 v4, v61;
	v9 =	vsub.s32 $0x5F3759DF, v22  }
0x28b: {  	(xrf2) =	vadd.scan.msk.f32 $0xffff, v7;
	v7 =	vld [tilespmem:$0x1FCD0];
	v5 =	vadd.f32 v5, v12;
	v12 =	vsel vm0, v8, v6;
	v6 =	vmul.f32 v9, v11  }
0x28c: {  	v3 =	vadd.f32 v3, v32;
	v8 =	vmov v20;
	v20 =	vmov v16;
	v16 =	vld [tilespmem:$0x1FB90]  }
0x28d: {  	v0 =	vadd.f32 v4, v0;
	v21 =	vmovc v14;
	v14 =	vmov v17;
	v17 =	vld [tilespmem:$0x1FD20];
	v4 =	vmul.f32 v9, v6  }
0x28e: {  	v3 =	vadd.f32 v3, v33;
	v15 =	vmul.f32 v52, v52;
	v6 =	vld [tilespmem:$0x1FD40]  }
0x28f: {  	v0 =	vadd.f32 v0, v62;
	[tilespmem:$0x1FCD0] =	vst v8;
	v8 =	vld [tilespmem:$0x1FCE0];
	v4 =	vsub.f32 $1.500000000e+00, v4  }
0x290: {  	v3 =	vadd.f32 v3, v35;
	v5 =	vadd.f32 v5, v15;
	v15 =	vld [tilespmem:$0x1FD00]  }
0x291: {  	v0 =	vadd.f32 v0, v16;
	v16 =	vmov v18;
	v4 =	vmul.f32 v9, v4;
	v9 =	vld [tilespmem:$0x1FD50]  }
0x292: {  	v3 =	vadd.f32 v3, v37;
	v19 =	vmov v39;
	[tilespmem:$0x1FD20] =	vst v16;
	v16 =	vld [tilespmem:$0x1FD60]  }
0x293: {  	v1 =	vmul.f32 v1, v46;
	v6 =	vsub.f32 v6, v60  }
0x294: {  	v7 =	vmul.f32 v13, v7;
	v17 =	vmul.f32 v13, v17;
	v3 =	vadd.f32 v3, v19;
	(xrf2) =	vadd.scan.msk.f32 $0xffff, v5  }
0x295: {  	[tilespmem:$0x1FD40] =	vst v19;
	v5 =	vsub.f32 v47, v60;
	v18 =	vmul.f32 v13, v48;
	v19 =	vmov v6;
	v6 =	vld [tilespmem:$0x1FD70]  }
0x296: {  	v8 =	vmul.f32 v13, v8;
	v15 =	vmul.f32 v13, v15  }
0x297: {  	v9 =	vmul.f32 v13, v9;
	v16 =	vmul.f32 v13, v16;
	v13 =	vmov v5;
	v5 =	vld [tilespmem:$0x1FD80]  }
0x298: {  	v1 =	vadd.f32 v1, v45;
	v2 =	vmul.f32 v2, v44;
	[tilespmem:$0x1FD00] =	vst v14;
	v14 =	vld [tilespmem:$0x1FCF0]  }
0x299: {  	[tilespmem:$0x1FD60] =	vst v13;
	v13 =	vld [tilespmem:$0x1FD90]  }
0x29a: {  	[tilespmem:s1+$0xFFFFFF80] =	vst v1;
	v1 =	vadd.f32 v2, v24;
	v23 =	vimm.s32 $0xF;
	v0 =	vadd.f32 v0, v6  }
0x29b: {  	v7 =	vmul.f32 v7, v42;
	v3 =	vadd.f32 v3, v34;
	v6 =	vmul.f32 v4, v11  }
0x29c: {  	v8 =	vmul.f32 v8, v41;
	v2 =	vmul.f32 v9, v30;
	v0 =	vadd.f32 v0, v5  }
0x29d: {  	s21 =	sadd.s32 $0x100, s21;
	v14 =	vsub.f32 v14, v60;
	v9 =	vmul.f32 v16, v26;
	v5, _, _ =	vpop (xrf2);
	v6 =	vmul.f32 v6, v4  }
0x29e: {  	v16 =	vld [tilespmem:s21+$0xFFFFFF80];
	(xrf2) =	vadd.scan.msk.f32 $0xffff, v3;
	v3 =	vmul.f32 v15, v38;
	v5 =	vperm.xlane v5, v23;
	v0 =	vadd.f32 v0, v13;
	v13, _, _ =	vpop (xrf2)  }
0x29f: {  	v15 =	vmul.f32 v17, v54;
	v54 =	vld [tilespmem:s21+$0x0];
	v6 =	vsub.f32 $1.500000000e+00, v6;
	v17 =	vperm.xlane v13, v23  }
0x2a0: {  	v5 =	vmul.f32 $7.462686390e-03, v5;
	v13 =	vld [tilespmem:s21+$0xFFFFFFF0];
	[tilespmem:s1+$0xFFFFFF90] =	vst v1;
	(xrf2) =	vadd.scan.msk.f32 $0xffff, v0;
	v0 =	vadd.f32 v7, v43  }
0x2a1: {  	v48 =	vmov v14;
	v14 =	vmul.f32 v6, v4;
	v4 =	vadd.f32 v8, v40;
	v63 =	vld [tilespmem:s21+$0xFFFFFF8A]  }
0x2a2: {  	v7 =	vmul.f32 $7.462686390e-03, v17;
	v8 =	vmul.f32 v5, v5;
	[tilespmem:s1+$0xFFFFFFA0] =	vst v0;
	v0 =	vadd.f32 v3, v10;
	v10 =	vld [tilespmem:$0x1FFF0]  }
0x2a3: {  	v3 =	vadd.f32 v15, v53;
	v1 =	vld [tilespmem:s21+$0xFFFFFF9A];
	[tilespmem:s1+$0xFFFFFFB0] =	vst v4  }
0x2a4: {  	v17 =	vtrunc.f32 v54;
	v4 =	vadd.f32 v2, v28;
	v8 =	vsub.f32 v7, v8;
	v2 =	vld [tilespmem:s21+$0xFFFFFFAA];
	[tilespmem:s1+$0xFFFFFFC0] =	vst v0  }
0x2a5: {  	v7 =	vtrunc.f32 v16;
	v0 =	vadd.f32 v9, v27;
	v9 =	vcvt.f32.s32 v17;
	v55 =	vld [tilespmem:s21+$0xFFFFFFBA];
	[tilespmem:s1+$0xFFFFFFD0] =	vst v3  }
0x2a6: {  	v17 =	vcvt.f32.s32 v7;
	v53 =	vld [tilespmem:s21+$0xFFFFFFCA];
	[tilespmem:s1+$0xFFFFFFE0] =	vst v4;
	v4 =	vimm.s32 $0x0  }
0x2a7: {  	v8 =	vadd.f32 $9.999999960e-13, v8;
	v9 =	vperm.xlane v9, v4  }
0x2a8: {  	v39 =	vld [tilespmem:s21+$0xFFFFFFDA];
	[tilespmem:s1+$0xFFFFFFF0] =	vst v0;
	v0 =	vperm.xlane v17, v4  }
0x2a9: {  	[tilespmem:$0x1FD50] =	vst v19;
	v17 =	vshrl.u32 v8, $0x1;
	v19 =	vmul.f32 $5.000000000e-01, v8;
	v8 =	vmul.u32 $0x7, v9  }
0x2aa: {  	v9 =	vsub.s32 $0x5F3759DF, v17  }
0x2ab: {  	[tilespmem:$0x1FCF0] =	vst v20;
	v20 =	vmul.f32 v9, v19;
	v8 =	vadd.s32 v10, v8  }
0x2ac: {  	v17 =	vmul.u32 $0x7, v0;
	v8 =	vnsel vm0, $0x0, v8  }
0x2ad: {  	v20 =	vmul.f32 v9, v20  }
0x2ae: {  	v6 =	vmul.f32 v18, v36;
	v18, _, _ =	vpop (xrf2);
	v17 =	vadd.s32 v10, v17  }
0x2af: {  	v22 =	vnsel vm0, $0x0, v17;
	v17 =	vperm.xlane v18, v23;
	v18 =	vsub.f32 $1.500000000e+00, v20  }
0x2b0: {  	[tilespmem:$0x1FCE0] =	vst v21;
	v21, _, _ =	vpop (xrf2)  }
0x2b1: {  	v20 =	vperm.xlane v21, v23;
	v21 =	vmul.f32 v9, v18;
	v9 =	vld.idx.msk [tilespmem:v8+s18+$0x0], $0x7f  }
0x2b2: {  	v8 =	vld [tilespmem:$0x1FBC0]  }
0x2b3: {  	v11 =	vmul.f32 v14, v11;
	v15 =	vsel vm1, $0x0, v16  }
0x2b4: {  	v46 =	vmovc v34;
	v7 =	vmul.f32 v15, v15;
	v3 =	vsel vm2, $0x0, v13;
	v61 =	vmul.f32 v63, v63;
	v34 =	vld [tilespmem:s21+$0xFFFFFFEA]  }
0x2b5: {  	v4 =	vmul.f32 v3, v3;
	v10 =	vmul.f32 v53, v53  }
0x2b6: {  	p0 =	slt.u32 s29, $0x7E;
	v0 =	vmul.f32 v1, v1;
	v62 =	vmul.f32 v2, v2  }
.Ltmp1:
0x2b7: {  	v25 =	vadd.f32 v6, v25;
	v30 =	vmul.f32 v55, v55;
	[tilespmem:$0x1FD70] =	vst v10;
	v10 =	vmul.f32 v39, v39;
	(pc) =	sbr.rel @p0 .LBB2_4-.Ltmp1, $4  }
0x2b8: {  	v44 =	vmovc v57;
	v45 =	vmovc v58;
	v6 =	vlaneseq.u32;
	v23 =	vmul.f32 v11, v14;
	v60 =	vmul.f32 $7.462686390e-03, v17  }
0x2b9: {  	v42 =	vmovc v59;
	v38 =	vld [tilespmem:$0x1FBA0];
	v11 =	vor.u32 s4, v6;
	v6 =	vperm.xlane v16, v29;
	[tilespmem:$0x1FD80] =	vst v10;
	v10 =	vmul.f32 v34, v34  }
0x2ba: {  	s26 =	smov.u32 s2;
	v47 =	vmovc v37;
	v43 =	vmov v56;
	v40 =	vld [tilespmem:$0x1FBB0];
	v18 =	vmul.f32 $7.462686390e-03, v20;
	v20 =	vmul.f32 v60, v60;
	[tilespmem:v8+s28+$0x0] =	vst.idx.msk $0x3f, v25  }
0x2bb: {  	s2 =	smov.u32 s29;
	s29 =	sadd.s32 $0x2, s29;
	s1 =	smov.u32 s20;
	v17 =	vsub.f32 $1.500000000e+00, v23;
	v12 =	vsub.f32 v12, v60;
	[tilespmem:$0x1FD90] =	vst v10;
	v10 =	vmul.f32 v21, v19;
	v8 =	vld.idx.msk [tilespmem:v22+s18+$0x0], $0x7f  }
0x2bc: {  	v26 =	vld [tilespmem:s21+$0x70];
	_ =	sdelay $0x4  }
0x2bd: {  	[tilespmem:$0x1FA00] =	vst v26  }
0x2be: {  	v24 =	vld [tilespmem:s21+$0xA];
	_ =	sdelay $0x3  }
0x2bf: {  	v16 =	vnsel vm0, $0x0, v9;
	v22 =	vsel vm1, $0x0, v54  }
0x2c0: {  	v23 =	vmul.f32 v16, v16;
	v25 =	vmul.f32 v22, v22;
	[tilespmem:$0x1FA10] =	vst v24  }
0x2c1: {  	v26 =	vsel vm2, $0x0, v26;
	v37 =	vld [tilespmem:s21+$0x1A]  }
0x2c2: {  	v23 =	vadd.f32 v23, v25;
	v59 =	vmul.f32 v26, v26  }
0x2c3: {  	v28 =	vld [tilespmem:s21+$0x2A]  }
0x2c4: {  	v23 =	vadd.f32 v23, v59;
	v36 =	vmul.f32 v24, v24  }
0x2c5: {  	v29 =	vld [tilespmem:s21+$0x3A]  }
0x2c6: {  	v16 =	vadd.f32 v16, v22;
	v22 =	vadd.f32 v23, v36;
	v23 =	vmul.f32 v37, v37;
	[tilespmem:$0x1FA20] =	vst v37  }
0x2c7: {  	v10 =	vmul.f32 v10, v21;
	v36 =	vld [tilespmem:s21+$0x4A]  }
0x2c8: {  	v16 =	vadd.f32 v16, v26;
	[tilespmem:$0x1FA30] =	vst v28;
	v22 =	vadd.f32 v22, v23;
	v23 =	vmul.f32 v28, v28  }
0x2c9: {  	v41 =	vsub.f32 $1.500000000e+00, v10;
	v10 =	vld [tilespmem:s21+$0x5A]  }
0x2ca: {  	v16 =	vadd.f32 v16, v24;
	v22 =	vadd.f32 v22, v23;
	v23 =	vmul.f32 v29, v29  }
0x2cb: {  	v18 =	vsub.f32 v18, v20  }
0x2cc: {  	v20 =	vld [tilespmem:$0x1FFD0];
	v16 =	vadd.f32 v16, v37;
	v22 =	vadd.f32 v22, v23;
	v23 =	vmul.f32 v36, v36  }
0x2cd: {  	v57 =	vld [tilespmem:$0x1FFE0]  }
0x2ce: {  	v16 =	vadd.f32 v16, v28;
	v22 =	vadd.f32 v22, v23;
	v23 =	vmul.f32 v10, v10  }
0x2cf: {  	v56 =	vld [tilespmem:$0x1FD30];
	v21 =	vmul.f32 v41, v21  }
0x2d0: {  	v22 =	vadd.f32 v22, v23;
	v23 =	vadd.f32 v16, v29;
	v16 =	vld [tilespmem:$0x1FD10]  }
0x2d1: {  	v27 =	vsub.f32 v45, v5;
	v20 =	vperm.xlane v42, v20;
	v19 =	vmul.f32 v21, v19  }
0x2d2: {  	v42 =	vnsel vm0, $0x0, v8;
	v58 =	vperm.xlane v43, v57;
	v41 =	vsub.f32 v49, v5  }
0x2d3: {  	v43 =	vsub.f32 v51, v5;
	v49 =	vsub.f32 v52, v5;
	v19 =	vmul.f32 v19, v21  }
0x2d4: {  	v26 =	vadd.f32 v42, v15;
	v25 =	vmul.f32 v42, v42;
	v42 =	vsub.f32 v50, v5  }
0x2d5: {  	v15 =	vsub.f32 $1.500000000e+00, v19;
	v28 =	vsub.f32 v56, v5;
	v20 =	vsel vm0, v16, v20  }
0x2d6: {  	[tilespmem:$0x1FA40] =	vst v29;
	v19 =	vsub.f32 v20, v5;
	v20 =	vadd.f32 v23, v36  }
0x2d7: {  	[tilespmem:$0x1FA50] =	vst v36;
	v23 =	vsub.f32 v44, v5;
	v36 =	vsub.f32 v58, v5;
	v5 =	vperm.xlane v13, v57  }
0x2d8: {  	[tilespmem:$0x1FA60] =	vst v10  }
0x2d9: {  	v16 =	vld [tilespmem:s21+$0x6A];
	[tilespmem:$0x1FAB0] =	vst v5;
	v5 =	vsub.f32 v31, v60;
	_ =	sdelay $0x1  }
0x2da: {  	[tilespmem:$0x1F9F0] =	vst v5;
	v5 =	vsub.f32 v32, v60;
	_ =	sdelay $0x1  }
0x2db: {  	[tilespmem:$0x1FA70] =	vst v5;
	v5 =	vsub.f32 v33, v60;
	_ =	sdelay $0x1  }
0x2dc: {  	[tilespmem:$0x1FA80] =	vst v5;
	v5 =	vsub.f32 v35, v60  }
0x2dd: {  	v20 =	vadd.f32 v20, v10  }
0x2de: {  	[tilespmem:$0x1FA90] =	vst v5;
	v5 =	vld [tilespmem:$0x1FE60]  }
0x2df: {  	v50 =	vld [tilespmem:$0x1FE90];
	v21 =	vmul.f32 v15, v21;
	v20 =	vadd.f32 v20, v16;
	v59 =	vmul.f32 v16, v16  }
0x2e0: {  	v56 =	vld [tilespmem:$0x1FEA0]  }
0x2e1: {  	v45 =	vmul.f32 v17, v14;
	v57 =	vld [tilespmem:$0x1FED0];
	v15 =	vmul.f32 v21, v19;
	(xrf2) =	vadd.scan.msk.f32 $0xffff, v20;
	v14 =	vadd.f32 v22, v59  }
0x2e2: {  	v27 =	vmul.f32 v21, v27;
	v10 =	vld [tilespmem:$0x1FEF0]  }
0x2e3: {  	v22 =	vmul.f32 v21, v23;
	v23 =	vadd.f32 $9.999999960e-13, v18;
	(xrf2) =	vadd.scan.msk.f32 $0xffff, v14;
	v18 =	vmul.f32 v15, v5;
	_ =	sdelay $0x1  }
0x2e4: {  	v41 =	vmul.f32 v21, v41;
	v31 =	vadd.f32 v18, v50;
	v18 =	vmul.f32 v27, v56  }
0x2e5: {  	v44 =	vmul.f32 v21, v49;
	v49 =	vld [tilespmem:$0x1FF30]  }
0x2e6: {  	v52 =	vld [tilespmem:$0x1FEE0];
	v15 =	vmovc v5;
	v5 =	vsub.f32 v47, v60;
	v33 =	vadd.f32 v18, v10;
	v18 =	vmul.f32 v41, v57  }
0x2e7: {  	v25 =	vadd.f32 v25, v7  }
0x2e8: {  	v3 =	vadd.f32 v26, v3;
	[tilespmem:$0x1FAA0] =	vst v5;
	v5 =	vld [tilespmem:$0x1FF40]  }
0x2e9: {  	v4 =	vadd.f32 v25, v4;
	v42 =	vmul.f32 v21, v42  }
0x2ea: {  	v3 =	vadd.f32 v3, v63;
	v58 =	vimm.s32 $0xF;
	v37 =	vadd.f32 v18, v49;
	v18, _, _ =	vpop (xrf2)  }
0x2eb: {  	v32 =	vmul.f32 v42, v52;
	v18 =	vperm.xlane v18, v58  }
0x2ec: {  	v51 =	vld [tilespmem:$0x1FF10];
	v4 =	vadd.f32 v4, v61;
	v3 =	vadd.f32 v3, v1;
	v19 =	vmul.f32 v45, v38;
	v38, _, _ =	vpop (xrf2)  }
0x2ed: {  	v61 =	vld [tilespmem:$0x1FF20];
	v27 =	vadd.f32 v32, v5;
	v32 =	vperm.xlane v38, v58;
	v18 =	vmul.f32 $7.462686390e-03, v18  }
0x2ee: {  	v0 =	vadd.f32 v4, v0;
	v20 =	vmul.f32 v45, v40  }
0x2ef: {  	v3 =	vadd.f32 v3, v2;
	v58 =	vld [tilespmem:$0x1FF50];
	v4 =	vmul.f32 $7.462686390e-03, v32;
	v40 =	vmul.f32 v18, v18  }
0x2f0: {  	v43 =	vmul.f32 v21, v43;
	v0 =	vadd.f32 v0, v62;
	v28 =	vmul.f32 v21, v28  }
0x2f1: {  	v42 =	vshrl.u32 v23, $0x1;
	v23 =	vmul.f32 $5.000000000e-01, v23;
	v4 =	vsub.f32 v4, v40  }
0x2f2: {  	v26 =	vmul.f32 v44, v61;
	v47 =	vmul.f32 v43, v51;
	v43 =	vld [tilespmem:$0x1FCD0];
	v32 =	vsub.s32 $0x5F3759DF, v42  }
0x2f3: {  	v44 =	vld [tilespmem:$0x1FD70];
	v21 =	vmul.f32 v21, v36;
	v36 =	vmul.f32 v32, v23;
	v4 =	vadd.f32 $9.999999960e-13, v4  }
0x2f4: {  	v3 =	vadd.f32 v3, v55;
	v14 =	vadd.f32 v47, v58  }
0x2f5: {  	v47 =	vshrl.u32 v4, $0x1;
	v40 =	vmul.f32 $5.000000000e-01, v4;
	v4 =	vmul.f32 v32, v36;
	v36 =	vld [tilespmem:$0x1FD80]  }
0x2f6: {  	v0 =	vadd.f32 v0, v30  }
0x2f7: {  	s4 =	sshll.u32 s26, $0x7;
	v3 =	vadd.f32 v3, v53;
	v30 =	vmul.f32 v45, v43;
	v43 =	vld [tilespmem:$0x1FD90]  }
0x2f8: {  	s5 =	sadd.s32 $0x80, s4;
	v7 =	vld [tilespmem:$0x1FEC0];
	v0 =	vadd.f32 v0, v44;
	v41 =	vlaneseq.u32  }
0x2f9: {  	v3 =	vadd.f32 v3, v39;
	v17 =	vor.u32 s5, v41;
	v41 =	vld [tilespmem:$0x1FCE0]  }
0x2fa: {  	v59 =	vld [tilespmem:$0x1FE80];
	v0 =	vadd.f32 v0, v36  }
0x2fb: {  	v3 =	vadd.f32 v3, v34;
	v44 =	vld [tilespmem:$0x1FD20]  }
0x2fc: {  	v35 =	vld [tilespmem:$0x1FEB0];
	v0 =	vadd.f32 v0, v43  }
0x2fd: {  	(xrf2) =	vadd.scan.msk.f32 $0xffff, v3;
	v42 =	vld [tilespmem:$0x1FD00];
	v4 =	vsub.f32 $1.500000000e+00, v4  }
0x2fe: {  	v38 =	vmul.f32 v45, v41;
	v36 =	vsub.s32 $0x5F3759DF, v47;
	(xrf2) =	vadd.scan.msk.f32 $0xffff, v0;
	v0 =	vld [tilespmem:$0x1FD60]  }
0x2ff: {  	v8 =	vsel vm0, v8, v6;
	v6 =	vmul.f32 v32, v4;
	v4 =	vld [tilespmem:$0x1FD50];
	v41 =	vmul.f32 v36, v40  }
0x300: {  	v62 =	vld [tilespmem:$0x1FF60];
	v22 =	vmul.f32 v22, v59  }
0x301: {  	v13 =	vld [tilespmem:$0x1FF00];
	v29 =	vmul.f32 v45, v44;
	v3 =	vmul.f32 v36, v41  }
0x302: {  	v25 =	vld [tilespmem:$0x1FF70];
	v28 =	vmul.f32 v28, v35;
	v42 =	vmul.f32 v45, v42  }
0x303: {  	v47 =	vld [tilespmem:$0x1FF90];
	v43 =	vmul.f32 v45, v48;
	v41 =	vmul.f32 v45, v0;
	v0 =	vsub.f32 $1.500000000e+00, v3  }
0x304: {  	s20 =	sadd.s32 $0x100, s20;
	v22 =	vadd.f32 v22, v7;
	v32 =	vmul.f32 v45, v4;
	v3 =	vld [tilespmem:$0x1FD40];
	v45 =	vmul.f32 v6, v23  }
0x305: {  	v36 =	vmul.f32 v36, v0;
	v0 =	vld [tilespmem:$0x1FCF0];
	[tilespmem:s20+$0x0] =	vst v31  }
0x306: {  	v21 =	vmul.f32 v21, v62;
	v28 =	vadd.f32 v28, v13;
	v24 =	vmul.f32 v45, v6;
	[tilespmem:s20+$0x10] =	vst v22  }
0x307: {  	v26 =	vadd.f32 v26, v25;
	v20 =	vmul.f32 v20, v15;
	[tilespmem:s20+$0x20] =	vst v33;
	v48 =	vmul.f32 v36, v40  }
0x308: {  	v19 =	vmul.f32 v19, v59;
	v29 =	vmul.f32 v29, v52;
	[tilespmem:s20+$0x30] =	vst v28;
	v24 =	vsub.f32 $1.500000000e+00, v24  }
0x309: {  	v20 =	vadd.f32 v20, v50;
	v38 =	vmul.f32 v38, v35;
	[tilespmem:s20+$0x40] =	vst v37;
	v44 =	vmul.f32 v48, v36  }
0x30a: {  	v42 =	vmul.f32 v42, v57;
	v21 =	vadd.f32 v21, v47;
	[tilespmem:s20+$0x50] =	vst v27;
	v24 =	vmul.f32 v24, v6  }
0x30b: {  	v31 =	vadd.f32 v38, v13;
	v38 =	vmul.f32 v43, v62;
	[tilespmem:s20+$0x60] =	vst v14;
	v43 =	vsub.f32 $1.500000000e+00, v44  }
0x30c: {  	[tilespmem:s20+$0x70] =	vst v26;
	v4 =	vsub.f32 v3, v60;
	v3 =	vsub.f32 v46, v60;
	v23 =	vmul.f32 v24, v23  }
0x30d: {  	[tilespmem:v17+s28+$0x0] =	vst.idx.msk $0x3f, v21;
	v6, _, _ =	vpop (xrf2);
	v0 =	vsub.f32 v0, v60;
	v60 =	vimm.s32 $0xF;
	v36 =	vmul.f32 v43, v36  }
0x30e: {  	v22 =	vadd.f32 v42, v49;
	v33 =	vld [tilespmem:$0x1FFD0];
	[tilespmem:s1+$0xFFFFFF80] =	vst v20;
	v42, _, _ =	vpop (xrf2);
	v6 =	vperm.xlane v6, v60;
	v23 =	vmul.f32 v23, v24  }
0x30f: {  	v29 =	vadd.f32 v29, v5;
	v46 =	vmovc v5;
	v5 =	vld [tilespmem:$0x1F9F0];
	v45 =	vperm.xlane v42, v60;
	v60 =	vmul.f32 v36, v40  }
0x310: {  	v19 =	vadd.f32 v19, v7;
	v23 =	vsub.f32 $1.500000000e+00, v23  }
0x311: {  	v37 =	vadd.f32 v38, v47;
	v6 =	vmul.f32 $7.462686390e-03, v6;
	v38 =	vmul.f32 v60, v36  }
0x312: {  	[tilespmem:s1+$0xFFFFFF90] =	vst v19;
	v23 =	vmul.f32 v23, v24  }
0x313: {  	v30 =	vmul.f32 v30, v56;
	v40 =	vsub.f32 v63, v6;
	v63 =	vsub.f32 $1.500000000e+00, v38;
	v38 =	vld [tilespmem:$0x1FFE0]  }
0x314: {  	v17 =	vmul.f32 v23, v5;
	v5 =	vld [tilespmem:$0x1FA00]  }
0x315: {  	v30 =	vadd.f32 v30, v10;
	_ =	sdelay $0x1  }
0x316: {  	[tilespmem:s1+$0xFFFFFFA0] =	vst v30  }
0x317: {  	[tilespmem:s1+$0xFFFFFFB0] =	vst v31  }
0x318: {  	v19 =	vperm.xlane v5, v38;
	v5 =	vld [tilespmem:$0x1FA10];
	_ =	sdelay $0x2  }
0x319: {  	v21 =	vperm.xlane v54, v33;
	_ =	sdelay $0x1  }
0x31a: {  	v9 =	vsel vm0, v9, v21;
	v21 =	vmul.f32 v63, v36;
	v36 =	vsub.f32 v5, v18;
	v5 =	vld [tilespmem:$0x1FA20];
	_ =	sdelay $0x1  }
0x31b: {  	v32 =	vmul.f32 v32, v51  }
0x31c: {  	v41 =	vmul.f32 v41, v61  }
0x31d: {  	v28 =	vadd.f32 v32, v58;
	[tilespmem:s1+$0xFFFFFFC0] =	vst v22  }
0x31e: {  	v32 =	vadd.f32 v41, v25;
	v41 =	vsub.f32 v5, v18;
	v5 =	vld [tilespmem:$0x1FA30];
	_ =	sdelay $0x3  }
0x31f: {  	[tilespmem:s1+$0xFFFFFFD0] =	vst v29  }
0x320: {  	v22 =	vsub.f32 v5, v18;
	v5 =	vld [tilespmem:$0x1FA40]  }
0x321: {  	v44 =	vmul.f32 $7.462686390e-03, v45;
	v45 =	vmul.f32 v6, v6;
	_ =	sdelay $0x1  }
0x322: {  	v60 =	vsub.f32 v44, v45;
	_ =	sdelay $0x1  }
0x323: {  	v20 =	vadd.f32 $9.999999960e-13, v60;
	v29 =	vsub.f32 v5, v18;
	v5 =	vld [tilespmem:$0x1FA50]  }
0x324: {  	v9 =	vsub.f32 v9, v18  }
0x325: {  	v16 =	vsub.f32 v16, v18;
	v24 =	vshrl.u32 v20, $0x1;
	v20 =	vmul.f32 $5.000000000e-01, v20  }
0x326: {  	v24 =	vsub.s32 $0x5F3759DF, v24;
	v9 =	vmul.f32 v21, v9  }
0x327: {  	v30 =	vmul.f32 v24, v20;
	v16 =	vmul.f32 v21, v16;
	[tilespmem:s1+$0xFFFFFFE0] =	vst v28  }
0x328: {  	v9 =	vmul.f32 v9, v15;
	v26 =	vmul.f32 v21, v36;
	v31 =	vsub.f32 v5, v18;
	v5 =	vld [tilespmem:$0x1FA60]  }
0x329: {  	v27 =	vmul.f32 v21, v41;
	v22 =	vmul.f32 v21, v22;
	[tilespmem:s1+$0xFFFFFFF0] =	vst v32  }
0x32a: {  	v28 =	vmul.f32 v24, v30;
	[tilespmem:v11+s28+$0x0] =	vst.idx.msk $0x3f, v37;
	v11 =	vmul.f32 v26, v59  }
0x32b: {  	v9 =	vadd.f32 v9, v50;
	v42 =	vmul.f32 v27, v56;
	v22 =	vmul.f32 v22, v35  }
0x32c: {  	v43 =	vsub.f32 $1.500000000e+00, v28;
	v28 =	vmul.f32 v21, v31;
	v11 =	vadd.f32 v11, v7  }
0x32d: {  	s26 =	sadd.s32 $0x100, s20;
	v48 =	vmovc v10;
	v10 =	vsub.f32 v5, v18;
	v18 =	vsub.f32 v19, v18;
	v19 =	vmul.f32 v21, v29  }
0x32e: {  	v24 =	vmul.f32 v24, v43;
	v44 =	vmul.f32 v28, v52;
	[tilespmem:s26+$0x10] =	vst v11;
	v11 =	vadd.f32 v22, v13  }
0x32f: {  	[tilespmem:s26+$0x0] =	vst v9;
	v9 =	vadd.f32 v42, v48;
	v19 =	vmul.f32 v19, v57;
	v10 =	vmul.f32 v21, v10  }
0x330: {  	v27 =	vmul.f32 v24, v20;
	[tilespmem:s26+$0x30] =	vst v11;
	v11 =	vadd.f32 v44, v46  }
0x331: {  	s2 =	sshll.u32 s2, $0x7;
	v16 =	vmul.f32 v16, v61;
	[tilespmem:s26+$0x20] =	vst v9;
	v10 =	vmul.f32 v10, v51;
	v9 =	vadd.f32 v19, v49  }
0x332: {  	s21 =	sadd.s32 $0x80, s2;
	v22 =	vlaneseq.u32;
	v18 =	vmul.f32 v21, v18;
	v19 =	vmul.f32 v27, v24;
	[tilespmem:s26+$0x50] =	vst v11  }
0x333: {  	v21 =	vor.u32 s21, v22;
	[tilespmem:s26+$0x40] =	vst v9;
	v9 =	vadd.f32 v10, v58  }
0x334: {  	v31 =	vmovc v7;
	v11 =	vadd.f32 v16, v25;
	v10 =	vmul.f32 v18, v62;
	v18 =	vsub.f32 $1.500000000e+00, v19;
	v7 =	vld [tilespmem:$0x1FA70]  }
0x335: {  	v12 =	vmul.f32 v23, v12;
	v4 =	vmul.f32 v23, v4;
	v28 =	vmov v13;
	v13 =	vld [tilespmem:$0x1FA80];
	[tilespmem:s26+$0x60] =	vst v9  }
0x336: {  	v3 =	vmul.f32 v23, v3;
	v9 =	vadd.f32 v10, v47;
	v14 =	vmul.f32 v18, v24;
	v10 =	vld [tilespmem:$0x1FA90];
	[tilespmem:s26+$0x70] =	vst v11  }
0x337: {  	v0 =	vmul.f32 v23, v0;
	v12 =	vmul.f32 v12, v15;
	v11 =	vld [tilespmem:$0x1FAA0]  }
0x338: {  	[tilespmem:v21+s28+$0x0] =	vst.idx.msk $0x3f, v9;
	v9 =	vmul.f32 v17, v59;
	v17 =	vmul.f32 v14, v20  }
0x339: {  	v8 =	vsub.f32 v8, v6;
	v4 =	vmul.f32 v4, v51;
	v30 =	vmovc v50;
	v7 =	vmul.f32 v23, v7  }
0x33a: {  	v12 =	vadd.f32 v12, v30;
	v13 =	vmul.f32 v23, v13;
	v17 =	vmul.f32 v17, v14  }
0x33b: {  	v4 =	vadd.f32 v4, v58;
	v10 =	vmul.f32 v23, v10;
	v7 =	vmul.f32 v7, v56  }
0x33c: {  	[tilespmem:s20+$0xFFFFFF80] =	vst v12;
	v9 =	vadd.f32 v9, v31;
	v13 =	vmul.f32 v13, v35;
	v11 =	vmul.f32 v23, v11  }
0x33d: {  	[tilespmem:s20+$0xFFFFFFE0] =	vst v4;
	v12 =	vsub.f32 $1.500000000e+00, v17;
	v10 =	vmul.f32 v10, v57;
	v7 =	vadd.f32 v7, v48  }
0x33e: {  	v3 =	vmul.f32 v3, v61;
	[tilespmem:s20+$0xFFFFFF90] =	vst v9;
	v9 =	vadd.f32 v13, v28;
	v11 =	vmul.f32 v11, v52  }
0x33f: {  	v45 =	vmovc v15;
	v15 =	vor.u32 s4, v22;
	[tilespmem:s20+$0xFFFFFFA0] =	vst v7;
	v7 =	vadd.f32 v10, v49;
	v10 =	vmul.f32 v12, v14  }
0x340: {  	v1 =	vsub.f32 v1, v6;
	v0 =	vmul.f32 v0, v62;
	[tilespmem:s20+$0xFFFFFFB0] =	vst v9;
	v9 =	vadd.f32 v11, v46  }
0x341: {  	v2 =	vsub.f32 v2, v6;
	v3 =	vadd.f32 v3, v25;
	[tilespmem:s20+$0xFFFFFFC0] =	vst v7;
	v8 =	vmul.f32 v10, v8  }
0x342: {  	v0 =	vadd.f32 v0, v47;
	v16 =	vsub.f32 v55, v6;
	v1 =	vmul.f32 v10, v1;
	[tilespmem:s20+$0xFFFFFFD0] =	vst v9  }
0x343: {  	v4 =	vmul.f32 v10, v40;
	v9 =	vsub.f32 v34, v6;
	v5 =	vld [tilespmem:$0x1FAB0];
	[tilespmem:s20+$0xFFFFFFF0] =	vst v3;
	v3 =	vmul.f32 v8, v45  }
0x344: {  	v22 =	vlaneseq.u32;
	v1 =	vmul.f32 v1, v56;
	[tilespmem:v15+s28+$0x0] =	vst.idx.msk $0x3f, v0;
	v0 =	vmul.f32 v10, v2  }
0x345: {  	v2 =	vmul.f32 v4, v59;
	v4 =	vmul.f32 v10, v16;
	v3 =	vadd.f32 v3, v30  }
0x346: {  	v11 =	vsub.f32 v53, v6;
	v7 =	vsub.f32 v39, v6;
	v0 =	vmul.f32 v0, v35  }
0x347: {  	v1 =	vadd.f32 v1, v48;
	v4 =	vmul.f32 v4, v57;
	[tilespmem:s26+$0xFFFFFF80] =	vst v3;
	v3 =	vmul.f32 v10, v9  }
0x348: {  	v2 =	vadd.f32 v2, v31;
	v5 =	vsub.f32 v5, v6;
	v6 =	vmul.f32 v10, v11  }
0x349: {  	v7 =	vmul.f32 v10, v7;
	[tilespmem:s26+$0xFFFFFFA0] =	vst v1;
	v1 =	vadd.f32 v4, v49;
	v3 =	vmul.f32 v3, v61  }
0x34a: {  	[tilespmem:s26+$0xFFFFFF90] =	vst v2;
	v0 =	vadd.f32 v0, v28;
	v6 =	vmul.f32 v6, v52;
	v2 =	vmul.f32 v10, v5  }
0x34b: {  	v4 =	vor.u32 s2, v22;
	v5 =	vmul.f32 v7, v51;
	[tilespmem:s26+$0xFFFFFFC0] =	vst v1;
	v1 =	vadd.f32 v3, v25  }
0x34c: {  	[tilespmem:s26+$0xFFFFFFB0] =	vst v0;
	v0 =	vadd.f32 v6, v46;
	v2 =	vmul.f32 v2, v62  }
0x34d: {  	v5 =	vadd.f32 v5, v58;
	[tilespmem:s26+$0xFFFFFFF0] =	vst v1  }
0x34e: {  	[tilespmem:s26+$0xFFFFFFD0] =	vst v0;
	v0 =	vadd.f32 v2, v47  }
0x34f: {  	[tilespmem:s26+$0xFFFFFFE0] =	vst v5  }
0x350: {  	s26 =	simm.s32 $0xC000;
	[tilespmem:v4+s28+$0x0] =	vst.idx.msk $0x3f, v0  }
0x351: {  	[hbm4b:s10+s24] =	stream.strided.scatter [tilespmem:s26], [sflag:$0x4], $0x4000, s25, s24, $0x38;
	[tilespmem:$0x18200] =	vst v63  }
0x352: {  	_ = 	snop  }
0x353: {  	[hbm4b:s11+s24] =	stream.strided.scatter [tilespmem:s28], [sflag:$0x4], $0x4000, s25, s24, $0x38;
	[tilespmem:$0x18200] =	vst v63  }
0x354: {  	s4 =	simm.s32 $0x4000;
	s2 =	simm.s32 $0x0  }
0x355: {  	[tilespmem:s4], [sflag:$0x2] =	stream.linear.gather [hbm4b:s12+s2], $0x4000, $0x38;
	[tilespmem:$0x18200] =	vst v63  }
0x356: {  	_ =	swait.ge [sflag:s22], $0x4000  }
0x357: {  	[sflag:s22] =	ssyncset.done $0x0  }
0x358: {  	[sflag:s22] =	ssyncadd.s32 $0xFFFFC000  }
0x359: {  	_ =	swait.ge [sflag:s30], $0x4000  }
0x35a: {  	[sflag:s30] =	ssyncset.done $0x0  }
0x35b: {  	[sflag:s30] =	ssyncadd.s32 $0xFFFFC000  }
0x35c: {  	_ =	swait.ge [sflag:s30], $0x4000  }
0x35d: {  	[sflag:s30] =	ssyncset.done $0x0  }
0x35e: {  	s5 =	simm.s32 $0x80;
	[sflag:s30] =	ssyncadd.s32 $0xFFFFC000  }
0x35f: {  	v2 =	vld [tilespmem:s5+$0x0];
	_ =	sdelay $0x4  }
0x360: {  	v0 =	vtrunc.f32 v2  }
0x361: {  	v0 =	vcvt.f32.s32 v0  }
0x362: {  	v3 =	vimm.s32 $0x0;
	v27 =	vld [tilespmem:$0x1FFF0]  }
0x363: {  	v0 =	vperm.xlane v0, v3;
	_ =	sdelay $0x1  }
0x364: {  	v0 =	vmul.u32 $0x7, v0;
	_ =	sdelay $0x1  }
0x365: {  	v6 =	vld [tilespmem:s5+$0xFFFFFF80];
	v0 =	vadd.s32 v27, v0  }
0x366: {  	v0 =	vnsel vm0, $0x0, v0;
	_ =	sdelay $0x3  }
0x367: {  	v1 =	vtrunc.f32 v6  }
0x368: {  	v4 =	vld.idx.msk [tilespmem:v0+s18+$0x0], $0x7f;
	v0 =	vcvt.f32.s32 v1;
	_ =	sdelay $0x1  }
0x369: {  	v5 =	vld [tilespmem:s5+$0x70];
	v0 =	vperm.xlane v0, v3;
	_ =	sdelay $0x1  }
0x36a: {  	v7 =	vsel vm1, $0x0, v2;
	v0 =	vmul.u32 $0x7, v0  }
0x36b: {  	v9 =	vmul.f32 v7, v7;
	v3 =	vld [tilespmem:s5+$0xA];
	v1 =	vnsel vm0, $0x0, v4  }
0x36c: {  	v8 =	vadd.f32 v1, v7;
	v1 =	vmul.f32 v1, v1;
	v0 =	vadd.s32 v27, v0  }
0x36d: {  	v10 =	vsel vm2, $0x0, v5;
	v7 =	vld [tilespmem:s5+$0x1A];
	v0 =	vnsel vm0, $0x0, v0  }
0x36e: {  	v11 =	vadd.f32 v8, v10;
	v1 =	vadd.f32 v1, v9;
	v9 =	vmul.f32 v10, v10  }
0x36f: {  	v8 =	vld [tilespmem:s5+$0x2A]  }
0x370: {  	v15 =	vld [tilespmem:s5+$0xFFFFFFF0];
	v10 =	vadd.f32 v11, v3;
	v1 =	vadd.f32 v1, v9;
	v11 =	vmul.f32 v3, v3  }
0x371: {  	v9 =	vld [tilespmem:s5+$0x3A]  }
0x372: {  	v12 =	vadd.f32 v10, v7;
	v1 =	vadd.f32 v1, v11;
	v11 =	vmul.f32 v7, v7;
	v13 =	vld.idx.msk [tilespmem:v0+s18+$0x0], $0x7f  }
0x373: {  	v10 =	vld [tilespmem:s5+$0x4A]  }
0x374: {  	v0 =	vmul.f32 v8, v8;
	v14 =	vadd.f32 v12, v8;
	v1 =	vadd.f32 v1, v11  }
0x375: {  	v12 =	vld [tilespmem:s5+$0x5A]  }
0x376: {  	v14 =	vadd.f32 v14, v9;
	v0 =	vadd.f32 v1, v0;
	v1 =	vmul.f32 v9, v9  }
0x377: {  	v16 =	vsel vm1, $0x0, v6;
	v20 =	vsel vm2, $0x0, v15;
	v11 =	vld [tilespmem:s5+$0x6A];
	v18 =	vnsel vm0, $0x0, v13  }
0x378: {  	v19 =	vld [tilespmem:s5+$0xFFFFFF8A];
	v14 =	vadd.f32 v14, v10;
	v0 =	vadd.f32 v0, v1;
	v1 =	vmul.f32 v10, v10  }
0x379: {  	v17 =	vmul.f32 v16, v16;
	v16 =	vadd.f32 v18, v16;
	v18 =	vmul.f32 v18, v18  }
0x37a: {  	v14 =	vadd.f32 v14, v12;
	v0 =	vadd.f32 v0, v1;
	v1 =	vmul.f32 v12, v12  }
0x37b: {  	v21 =	vld [tilespmem:s5+$0xFFFFFF9A];
	v22 =	vmul.f32 v20, v20;
	v17 =	vadd.f32 v18, v17;
	v16 =	vadd.f32 v16, v20  }
0x37c: {  	v14 =	vadd.f32 v14, v11;
	v0 =	vadd.f32 v0, v1;
	v1 =	vmul.f32 v11, v11  }
0x37d: {  	v23 =	vld [tilespmem:s5+$0xFFFFFFAA];
	v16 =	vadd.f32 v16, v19  }
0x37e: {  	(xrf2) =	vadd.scan.msk.f32 $0xffff, v14;
	v0 =	vadd.f32 v0, v1;
	v1 =	vmul.f32 v19, v19;
	v14 =	vadd.f32 v17, v22  }
0x37f: {  	v22 =	vld [tilespmem:s5+$0xFFFFFFBA]  }
0x380: {  	(xrf2) =	vadd.scan.msk.f32 $0xffff, v0;
	v0 =	vmul.f32 v21, v21;
	v1 =	vadd.f32 v14, v1;
	v14 =	vadd.f32 v16, v21  }
0x381: {  	v29 =	vld [tilespmem:s5+$0xFFFFFFCA]  }
0x382: {  	v16 =	vmul.f32 v23, v23;
	v17 =	vadd.f32 v1, v0;
	v14 =	vadd.f32 v14, v23  }
0x383: {  	v1 =	vld [tilespmem:s5+$0xFFFFFFDA]  }
0x384: {  	v18 =	vmul.f32 v22, v22;
	v16 =	vadd.f32 v17, v16;
	v14 =	vadd.f32 v14, v22  }
0x385: {  	v0 =	vld [tilespmem:s5+$0xFFFFFFEA]  }
0x386: {  	v17 =	vmul.f32 v29, v29;
	v16 =	vadd.f32 v16, v18;
	v14 =	vadd.f32 v14, v29;
	_ =	sdelay $0x1  }
0x387: {  	s20 =	simm.s32 $0x180;
	v47 =	vimm.s32 $0xF;
	v20 =	vmul.f32 v1, v1;
	v18, _, _ =	vpop (xrf2);
	v16 =	vadd.f32 v16, v17  }
0x388: {  	v42 =	vld [tilespmem:s20+$0x0];
	v48 =	vadd.f32 v14, v1;
	v17 =	vperm.xlane v18, v47  }
0x389: {  	v18 =	vmul.f32 v0, v0;
	v14, _, _ =	vpop (xrf2);
	v16 =	vadd.f32 v16, v20  }
0x38a: {  	v20 =	vperm.xlane v14, v47;
	v14 =	vmul.f32 $7.462686390e-03, v17;
	v17 =	vadd.f32 v48, v0  }
0x38b: {  	v16 =	vadd.f32 v16, v18;
	v18 =	vld [tilespmem:s20+$0xFFFFFF80]  }
0x38c: {  	v20 =	vmul.f32 $7.462686390e-03, v20;
	(xrf2) =	vadd.scan.msk.f32 $0xffff, v17  }
0x38d: {  	v49 =	vmul.f32 v14, v14;
	v17 =	vtrunc.f32 v42  }
0x38e: {  	v30 =	vimm.s32 $0x0;
	(xrf2) =	vadd.scan.msk.f32 $0xffff, v16;
	v17 =	vcvt.f32.s32 v17  }
0x38f: {  	v26 =	vperm.xlane v6, v33;
	v6 =	vperm.xlane v15, v38;
	v16 =	vsub.f32 v20, v49  }
0x390: {  	v17 =	vperm.xlane v17, v30;
	v15 =	vtrunc.f32 v18  }
0x391: {  	v16 =	vadd.f32 $9.999999960e-13, v16;
	v15 =	vcvt.f32.s32 v15  }
0x392: {  	v17 =	vmul.u32 $0x7, v17  }
0x393: {  	v60 =	vmovc v61;
	v61 =	vmovc v25;
	v25 =	vld [tilespmem:s20+$0xFFFFFFF0];
	v20 =	vshrl.u32 v16, $0x1;
	v16 =	vmul.f32 $5.000000000e-01, v16;
	v15 =	vperm.xlane v15, v30  }
0x394: {  	v31 =	vld [tilespmem:s20+$0xFFFFFF8A];
	v28 =	vsub.s32 $0x5F3759DF, v20  }
0x395: {  	v32 =	vld [tilespmem:s20+$0xFFFFFF9A];
	v17 =	vadd.s32 v27, v17;
	v20 =	vmul.f32 v28, v16;
	v15 =	vmul.u32 $0x7, v15  }
0x396: {  	v36 =	vimm.s32 $0xF;
	v35 =	vld [tilespmem:s20+$0xFFFFFFBA];
	v17 =	vnsel vm0, $0x0, v17;
	v30, _, _ =	vpop (xrf2)  }
0x397: {  	v34 =	vld [tilespmem:s20+$0xFFFFFFCA];
	v20 =	vmul.f32 v28, v20;
	v30 =	vperm.xlane v30, v36;
	v15 =	vadd.s32 v27, v15  }
0x398: {  	v24 =	vld [tilespmem:s20+$0xFFFFFFDA];
	v50, _, _ =	vpop (xrf2);
	v43 =	vnsel vm0, $0x0, v15  }
0x399: {  	v41 =	vld [tilespmem:s20+$0xFFFFFFEA];
	v51 =	vsub.f32 $1.500000000e+00, v20;
	v52 =	vperm.xlane v50, v36;
	v15 =	vmul.f32 $7.462686390e-03, v30  }
0x39a: {  	v55 =	vmov v33;
	v33 =	vld [tilespmem:s20+$0xFFFFFFAA]  }
0x39b: {  	v44 =	vmul.f32 v28, v51;
	v28 =	vmul.f32 $7.462686390e-03, v52;
	v52 =	vld.idx.msk [tilespmem:v17+s18+$0x0], $0x7f;
	v21 =	vsub.f32 v21, v15  }
0x39c: {  	v51 =	vld [tilespmem:s20+$0x70]  }
0x39d: {  	v56 =	vmov v38;
	v38 =	vsub.f32 v19, v15;
	v19 =	vld.idx.msk [tilespmem:v43+s18+$0x0], $0x7f;
	[tilespmem:$0x1FAC0] =	vst v21;
	v21 =	vsub.f32 v23, v15;
	_ =	sdelay $0x1  }
0x39e: {  	v30 =	vmul.f32 v15, v15;
	[tilespmem:$0x1FAD0] =	vst v21;
	v21 =	vperm.xlane v25, v56;
	_ =	sdelay $0x1  }
0x39f: {  	v26 =	vsel vm0, v13, v26;
	v3 =	vsub.f32 v3, v14;
	[tilespmem:$0x1FAE0] =	vst v21;
	v21 =	vsub.f32 v22, v15  }
0x3a0: {  	v7 =	vsub.f32 v7, v14;
	v8 =	vsub.f32 v8, v14;
	v57 =	vmul.f32 v44, v16  }
0x3a1: {  	v58 =	vsub.f32 v28, v30;
	v30 =	vmov v56;
	v56 =	vsub.f32 v29, v15;
	[tilespmem:$0x1FAF0] =	vst v21  }
0x3a2: {  	v47 =	vsel vm2, $0x0, v25;
	v9 =	vsub.f32 v9, v14;
	v10 =	vsub.f32 v10, v14;
	v28 =	vld [tilespmem:s20+$0xA];
	[tilespmem:$0x1FB00] =	vst v52  }
0x3a3: {  	v45 =	vsel vm1, $0x0, v18;
	v18 =	vperm.xlane v18, v55;
	v49 =	vmul.f32 v57, v44;
	[tilespmem:$0x1FB10] =	vst v56  }
0x3a4: {  	v40 =	vsub.f32 v26, v15;
	v26 =	vmovc v55;
	v55 =	vsel vm1, $0x0, v42;
	v23 =	vnsel vm0, $0x0, v52;
	v25 =	vld [tilespmem:s20+$0x1A]  }
0x3a5: {  	v43 =	vmovc v51;
	v51 =	vsel vm2, $0x0, v51;
	v57 =	vadd.f32 v23, v55;
	v21 =	vsub.f32 $1.500000000e+00, v49  }
0x3a6: {  	v23 =	vmul.f32 v23, v23;
	v22 =	vadd.f32 $9.999999960e-13, v58;
	v49 =	vmul.f32 v55, v55  }
0x3a7: {  	v58 =	vnsel vm0, $0x0, v19;
	v50 =	vadd.f32 v57, v51;
	v21 =	vmul.f32 v21, v44  }
0x3a8: {  	v63 =	vmovc v46;
	v46 =	vmul.f32 v45, v45;
	v55 =	vadd.f32 v58, v45;
	v23 =	vadd.f32 v23, v49  }
0x3a9: {  	v16 =	vmul.f32 v21, v16;
	v44 =	vmovc v28;
	v28 =	vld [tilespmem:s20+$0x2A];
	v45 =	vmov v25;
	v25 =	vmul.f32 v51, v51  }
0x3aa: {  	v2 =	vperm.xlane v2, v26;
	v56 =	vmul.f32 v58, v58;
	v50 =	vadd.f32 v50, v44  }
0x3ab: {  	v57 =	vmul.f32 v16, v21;
	v58 =	vmul.f32 v44, v44;
	v23 =	vadd.f32 v23, v25  }
0x3ac: {  	v12 =	vsub.f32 v12, v14;
	v2 =	vsel vm0, v4, v2;
	v50 =	vadd.f32 v50, v45  }
0x3ad: {  	v5 =	vperm.xlane v5, v30;
	v49 =	vld [tilespmem:s20+$0x3A];
	v51 =	vsub.f32 $1.500000000e+00, v57;
	v23 =	vadd.f32 v23, v58  }
0x3ae: {  	v4 =	vmul.f32 v28, v28;
	[tilespmem:$0x1FB20] =	vst v28;
	v57 =	vadd.f32 v50, v28;
	v58 =	vmul.f32 v45, v45;
	v28 =	vld [tilespmem:$0x1FE60]  }
0x3af: {  	v11 =	vsub.f32 v11, v14;
	v2 =	vsub.f32 v2, v14;
	v50 =	vld [tilespmem:s20+$0x4A]  }
0x3b0: {  	v5 =	vsub.f32 v5, v14;
	v14 =	vld [tilespmem:$0x1FE90];
	v21 =	vmul.f32 v51, v21;
	v23 =	vadd.f32 v23, v58  }
0x3b1: {  	v51 =	vld [tilespmem:s20+$0x5A]  }
0x3b2: {  	v2 =	vmul.f32 v21, v2;
	v4 =	vadd.f32 v23, v4;
	v23 =	vmul.f32 v49, v49  }
0x3b3: {  	v52 =	vld [tilespmem:s20+$0x6A]  }
0x3b4: {  	v2 =	vmul.f32 v2, v28;
	v4 =	vadd.f32 v4, v23;
	v23 =	vmul.f32 v50, v50;
	_ =	sdelay $0x1  }
0x3b5: {  	v58 =	vadd.f32 v2, v14;
	v14 =	vmul.f32 v51, v51;
	v4 =	vadd.f32 v4, v23;
	_ =	sdelay $0x1  }
0x3b6: {  	v57 =	vadd.f32 v57, v49;
	v4 =	vadd.f32 v4, v14;
	v14 =	vmul.f32 v52, v52;
	_ =	sdelay $0x1  }
0x3b7: {  	v57 =	vadd.f32 v57, v50;
	v4 =	vadd.f32 v4, v14;
	v14 =	vld [tilespmem:$0x1FEC0]  }
0x3b8: {  	v3 =	vmul.f32 v21, v3  }
0x3b9: {  	v2 =	vadd.f32 v57, v51  }
0x3ba: {  	v3 =	vmul.f32 v3, v59  }
0x3bb: {  	v23 =	vld [tilespmem:$0x1FEA0];
	v2 =	vadd.f32 v2, v52  }
0x3bc: {  	v46 =	vadd.f32 v56, v46;
	v56 =	vadd.f32 v3, v14;
	v3 =	vld [tilespmem:$0x1FEB0]  }
0x3bd: {  	(xrf2) =	vadd.scan.msk.f32 $0xffff, v2  }
0x3be: {  	v48 =	vmul.f32 v47, v47;
	(xrf2) =	vadd.scan.msk.f32 $0xffff, v4;
	v4 =	vld [tilespmem:$0x1FEF0]  }
0x3bf: {  	v7 =	vmul.f32 v21, v7;
	v8 =	vmul.f32 v21, v8  }
0x3c0: {  	v39 =	vmul.f32 v31, v31  }
0x3c1: {  	v7 =	vmul.f32 v7, v23;
	v3 =	vmul.f32 v8, v3;
	v8 =	vadd.f32 v46, v48;
	_ =	sdelay $0x1  }
0x3c2: {  	v57 =	vadd.f32 v7, v4;
	v7 =	vadd.f32 v8, v39;
	v8 =	vmul.f32 v21, v12;
	v12 =	vld [tilespmem:$0x1FF00];
	_ =	sdelay $0x4  }
0x3c3: {  	v59 =	vadd.f32 v3, v12;
	v3 =	vld [tilespmem:$0x1FEE0];
	_ =	sdelay $0x2  }
0x3c4: {  	v10 =	vmul.f32 v21, v10;
	v4 =	vld [tilespmem:$0x1FED0];
	_ =	sdelay $0x1  }
0x3c5: {  	v3 =	vmul.f32 v10, v3;
	v10 =	vmul.f32 v21, v11;
	v11 =	vld [tilespmem:$0x1FF30]  }
0x3c6: {  	v9 =	vmul.f32 v21, v9  }
0x3c7: {  	v47 =	vadd.f32 v55, v47;
	v23 =	vshrl.u32 v22, $0x1;
	v22 =	vmul.f32 $5.000000000e-01, v22  }
0x3c8: {  	v23 =	vsub.s32 $0x5F3759DF, v23;
	v4 =	vmul.f32 v9, v4  }
0x3c9: {  	v2 =	vmul.f32 v23, v22;
	v14 =	vadd.f32 v47, v31  }
0x3ca: {  	v11 =	vadd.f32 v4, v11;
	v4 =	vld [tilespmem:$0x1FF10]  }
0x3cb: {  	v53 =	vmul.f32 v32, v32;
	v2 =	vmul.f32 v23, v2;
	v9 =	vadd.f32 v14, v32  }
0x3cc: {  	v37 =	vmul.f32 v34, v34;
	v54 =	vmul.f32 v33, v33  }
0x3cd: {  	v5 =	vmul.f32 v21, v5;
	v2 =	vsub.f32 $1.500000000e+00, v2;
	v9 =	vadd.f32 v9, v33  }
0x3ce: {  	v7 =	vadd.f32 v7, v53;
	v21 =	vadd.f32 v3, v63;
	v3 =	vmul.f32 v10, v60;
	v10 =	vld [tilespmem:$0x1FF50]  }
0x3cf: {  	v2 =	vmul.f32 v23, v2;
	v4 =	vmul.f32 v8, v4;
	v8 =	vadd.f32 v9, v35  }
0x3d0: {  	v13 =	vmul.f32 v24, v24;
	v20 =	vmul.f32 v35, v35;
	v7 =	vadd.f32 v7, v54  }
0x3d1: {  	s21 =	simm.s32 $0x80;
	v17 =	vmul.f32 v41, v41;
	v25 =	vmovc v26;
	v26 =	vlaneseq.u32;
	v9 =	vmul.f32 v2, v22  }
0x3d2: {  	v1 =	vsub.f32 v1, v15;
	v16 =	vor.u32 s21, v26;
	v7 =	vadd.f32 v7, v20  }
0x3d3: {  	s21 =	simm.s32 $0x280;
	[tilespmem:$0x1FB30] =	vst v24;
	v10 =	vadd.f32 v4, v10;
	v4 =	vadd.f32 v8, v34;
	v9 =	vmul.f32 v9, v2;
	v8, _, _ =	vpop (xrf2)  }
0x3d4: {  	v23 =	vld [tilespmem:s21+$0xFFFFFF80];
	v60 =	vadd.f32 v3, v61;
	v3 =	vadd.f32 v7, v37;
	v7 =	vperm.xlane v8, v36  }
0x3d5: {  	v54 =	vld [tilespmem:s21+$0x0];
	v4 =	vadd.f32 v4, v24;
	v9 =	vsub.f32 $1.500000000e+00, v9;
	v8 =	vmul.f32 v5, v62;
	v5, _, _ =	vpop (xrf2)  }
0x3d6: {  	v3 =	vadd.f32 v3, v13;
	v55 =	vperm.xlane v5, v36;
	v5 =	vmul.f32 $7.462686390e-03, v7  }
0x3d7: {  	v0 =	vsub.f32 v0, v15;
	[tilespmem:$0x1FB40] =	vst v1;
	v1 =	vadd.f32 v4, v41;
	v14 =	vmul.f32 v9, v2  }
0x3d8: {  	v2 =	vadd.f32 v3, v17;
	v3 =	vmul.f32 $7.462686390e-03, v55;
	v4 =	vmul.f32 v5, v5  }
0x3d9: {  	v63 =	vld [tilespmem:s21+$0xFFFFFF8A]  }
0x3da: {  	v13 =	vld [tilespmem:s21+$0xFFFFFFF0];
	[tilespmem:$0x1FB50] =	vst v0;
	v0 =	vtrunc.f32 v54;
	v3 =	vsub.f32 v3, v4;
	v4 =	vtrunc.f32 v23  }
0x3db: {  	v0 =	vcvt.f32.s32 v0;
	v4 =	vcvt.f32.s32 v4  }
0x3dc: {  	v17 =	vimm.s32 $0x0  }
0x3dd: {  	v53 =	vld [tilespmem:s21+$0xFFFFFFCA];
	v0 =	vperm.xlane v0, v17;
	v17 =	vperm.xlane v4, v17  }
0x3de: {  	s20 =	simm.s32 $0x8080  }
0x3df: {  	v39 =	vld [tilespmem:s21+$0xFFFFFFDA];
	[tilespmem:s20+$0x0] =	vst v58;
	v17 =	vmul.u32 $0x7, v17  }
0x3e0: {  	[tilespmem:s20+$0x10] =	vst v56  }
0x3e1: {  	v47 =	vmov v34;
	[tilespmem:s20+$0x20] =	vst v57;
	v34 =	vld [tilespmem:s21+$0xFFFFFFEA];
	v17 =	vadd.s32 v27, v17  }
0x3e2: {  	[tilespmem:s20+$0x30] =	vst v59;
	(xrf2) =	vadd.scan.msk.f32 $0xffff, v1;
	v1 =	vld [tilespmem:s21+$0xFFFFFF9A];
	v20 =	vnsel vm0, $0x0, v17;
	v17 =	vmul.f32 v53, v53  }
0x3e3: {  	[tilespmem:s20+$0x40] =	vst v11;
	v55 =	vld [tilespmem:s21+$0xFFFFFFBA]  }
0x3e4: {  	(xrf2) =	vadd.scan.msk.f32 $0xffff, v2;
	v2 =	vld [tilespmem:s21+$0xFFFFFFAA];
	[tilespmem:$0x1FB60] =	vst v17;
	v17 =	vmul.f32 v39, v39;
	_ =	sdelay $0x1  }
0x3e5: {  	[tilespmem:$0x1FB70] =	vst v17  }
0x3e6: {  	v9 =	vadd.f32 $9.999999960e-13, v3;
	[tilespmem:s20+$0x50] =	vst v21;
	v21 =	vmul.f32 v34, v34  }
0x3e7: {  	v12 =	vsel vm0, v19, v18  }
0x3e8: {  	v18 =	vshrl.u32 v9, $0x1;
	v19 =	vmul.f32 $5.000000000e-01, v9;
	v9 =	vmul.u32 $0x7, v0;
	[tilespmem:$0x1FB80] =	vst v21  }
0x3e9: {  	v48 =	vsub.f32 v6, v15;
	v15 =	vsel vm1, $0x0, v23;
	v18 =	vsub.s32 $0x5F3759DF, v18;
	[tilespmem:s20+$0x60] =	vst v10  }
0x3ea: {  	v6 =	vmul.f32 v14, v22;
	v22 =	vmul.f32 v18, v19;
	v9 =	vadd.s32 v27, v9;
	v10 =	vld [tilespmem:$0x1FF90]  }
0x3eb: {  	v61 =	vmul.f32 v63, v63;
	v7 =	vmul.f32 v15, v15;
	v9 =	vnsel vm0, $0x0, v9  }
0x3ec: {  	v3 =	vsel vm2, $0x0, v13;
	v30 =	vmul.f32 v55, v55;
	v11, _, _ =	vpop (xrf2);
	v22 =	vmul.f32 v18, v22  }
0x3ed: {  	v4 =	vmul.f32 v3, v3;
	v11 =	vperm.xlane v11, v36  }
0x3ee: {  	v62 =	vmul.f32 v2, v2;
	v0 =	vmul.f32 v1, v1;
	v17, _, _ =	vpop (xrf2);
	v21 =	vsub.f32 $1.500000000e+00, v22  }
0x3ef: {  	s26 =	simm.s32 $0x0;
	[tilespmem:s20+$0x70] =	vst v60;
	v60 =	vmul.f32 $7.462686390e-03, v11;
	v8 =	vadd.f32 v8, v10;
	v10 =	vperm.xlane v17, v36  }
0x3f0: {  	v9 =	vld.idx.msk [tilespmem:v9+s18+$0x0], $0x7f;
	v21 =	vmul.f32 v18, v21;
	v11 =	vor.u32 s26, v26;
	v17 =	vmul.f32 v6, v14  }
0x3f1: {  	s29 =	simm.s32 $0x6;
	v12 =	vsub.f32 v12, v60;
	v6 =	vperm.xlane v23, v25;
	[tilespmem:v16+s23+$0x0] =	vst.idx.msk $0x3f, v8;
	v18 =	vmul.f32 $7.462686390e-03, v10  }
0x3f2: {  	s1 =	simm.s32 $0x8080;
	s2 =	simm.s32 $0x4;
	v46 =	vmovc v41;
	s26 =	simm.s32 $0x2;
	v17 =	vsub.f32 $1.500000000e+00, v17;
	v8 =	vld.idx.msk [tilespmem:v20+s18+$0x0], $0x7f;
	v20 =	vmul.f32 v60, v60;
	v10 =	vmul.f32 v21, v19  }
.LBB2_6:
0x3f3: {  	[tilespmem:$0x1F9B0] =	vst v30;
	v30 =	vld [tilespmem:$0x1FFE0]  }
0x3f4: {  	v10 =	vmul.f32 v10, v21;
	_ =	sdelay $0x1  }
0x3f5: {  	v59 =	vnsel vm0, $0x0, v9;
	v25 =	vsel vm1, $0x0, v54  }
0x3f6: {  	v36 =	vadd.f32 v59, v25  }
0x3f7: {  	v29 =	vld [tilespmem:$0x1FFD0];
	v25 =	vmul.f32 v25, v25;
	v58 =	vsub.f32 $1.500000000e+00, v10;
	v10 =	vmovc v12;
	v16 =	vperm.xlane v13, v30  }
0x3f8: {  	v23 =	vld [tilespmem:s21+$0x70];
	s4 =	sshll.u32 s26, $0x7;
	v13 =	vmul.f32 v17, v14;
	v17 =	vsub.f32 v35, v60;
	v35 =	vmovc v55;
	v55 =	vmul.f32 v59, v59  }
0x3f9: {  	v22 =	vsub.f32 v31, v60;
	s5 =	sadd.s32 $0x80, s4;
	v21 =	vmul.f32 v58, v21;
	[tilespmem:$0x1F9D0] =	vst v10;
	v10 =	vlaneseq.u32  }
0x3fa: {  	v18 =	vsub.f32 v18, v20;
	v25 =	vadd.f32 v55, v25;
	v55 =	vor.u32 s5, v10;
	v10 =	vld [tilespmem:$0x1FB00]  }
0x3fb: {  	v49 =	vsub.f32 v49, v5;
	v20 =	vsub.f32 v32, v60;
	v26 =	vmovc v22;
	v22 =	vld [tilespmem:s21+$0xA];
	v19 =	vmul.f32 v21, v19  }
0x3fc: {  	v31 =	vmovc v63;
	v63 =	vadd.f32 $9.999999960e-13, v18;
	v28 =	vperm.xlane v42, v29;
	v14 =	vsub.f32 v33, v60  }
0x3fd: {  	v12 =	vld [tilespmem:s21+$0x1A];
	v33 =	vmovc v2;
	v2 =	vmul.f32 v13, v38;
	v38 =	vsel vm2, $0x0, v23;
	v19 =	vmul.f32 v19, v21  }
0x3fe: {  	v37 =	vmovc v53;
	v24 =	vmovc v11;
	v32 =	vmov v1;
	v18 =	vsub.f32 v47, v60;
	v53 =	vadd.f32 v36, v38  }
0x3ff: {  	v27 =	vld [tilespmem:s21+$0x2A];
	[tilespmem:$0x1F9C0] =	vst v26;
	v41 =	vperm.xlane v43, v30;
	v19 =	vsub.f32 $1.500000000e+00, v19;
	v58 =	vsel vm0, v10, v28;
	v10 =	vmovc v9  }
0x400: {  	v1 =	vmul.f32 v13, v40;
	v26 =	vmul.f32 v38, v38;
	v53 =	vadd.f32 v53, v22;
	[tilespmem:$0x1FB00] =	vst v10;
	v10 =	vld [tilespmem:$0x1FB20]  }
0x401: {  	[tilespmem:$0x1F9E0] =	vst v24;
	v24 =	vld [tilespmem:$0x1FEC0];
	v36 =	vsub.f32 v45, v5;
	v19 =	vmul.f32 v19, v21;
	v28 =	vsub.f32 v44, v5  }
0x402: {  	v47 =	vmovc v46;
	v46 =	vld [tilespmem:$0x1FE60];
	v25 =	vadd.f32 v25, v26;
	v26 =	vmul.f32 v12, v12;
	v53 =	vadd.f32 v53, v12  }
0x403: {  	v44 =	vld [tilespmem:$0x1FE80];
	v21 =	vsub.f32 v58, v5;
	v58 =	vmovc v12;
	v12 =	vmul.f32 v19, v28;
	v28 =	vsub.f32 v50, v5  }
0x404: {  	v40 =	vmul.f32 v22, v22;
	v45 =	vld [tilespmem:$0x1FE90];
	v50 =	vsub.f32 v51, v5;
	v51 =	vsub.f32 v52, v5  }
0x405: {  	v57 =	vmovc v22;
	v21 =	vmul.f32 v19, v21;
	v22 =	vsub.f32 v10, v5;
	v5 =	vsub.f32 v41, v5;
	v41 =	vld [tilespmem:$0x1FEB0]  }
0x406: {  	v42 =	vld [tilespmem:$0x1FEA0]  }
0x407: {  	v56 =	vmovc v23;
	v23 =	vadd.f32 v25, v40;
	v25 =	vmul.f32 v27, v27;
	v40 =	vld [tilespmem:$0x1FF00];
	v21 =	vmul.f32 v21, v46  }
0x408: {  	v59 =	vmov v54;
	v54 =	vld [tilespmem:$0x1FEE0];
	v12 =	vmul.f32 v12, v44;
	v22 =	vmul.f32 v19, v22  }
0x409: {  	v43 =	vld [tilespmem:$0x1FEF0];
	v9 =	vadd.f32 v53, v27;
	v38 =	vmul.f32 v19, v36;
	v21 =	vadd.f32 v21, v45  }
0x40a: {  	s20 =	sadd.s32 $0x100, s20;
	v53 =	vld [tilespmem:$0x1FF40];
	v52 =	vmul.f32 v19, v49;
	v12 =	vadd.f32 v12, v24;
	v22 =	vmul.f32 v22, v41  }
0x40b: {  	v49 =	vld [tilespmem:s21+$0x3A];
	v28 =	vmul.f32 v19, v28;
	v36 =	vmul.f32 v19, v50;
	v10 =	vmov v27;
	[tilespmem:s20+$0x0] =	vst v21  }
0x40c: {  	v27 =	vmul.f32 v38, v42;
	v5 =	vmul.f32 v19, v5;
	v50 =	vld [tilespmem:s21+$0x4A];
	[tilespmem:s20+$0x10] =	vst v12;
	v12 =	vadd.f32 v22, v40  }
0x40d: {  	v22 =	vmul.f32 v28, v54;
	v28 =	vmul.f32 v19, v51;
	v19 =	vadd.f32 v23, v26;
	v26 =	vld [tilespmem:$0x1FF20]  }
0x40e: {  	v38 =	vld [tilespmem:$0x1FED0];
	v21 =	vadd.f32 v27, v43  }
0x40f: {  	v30 =	vld [tilespmem:$0x1FF10];
	[tilespmem:$0x1FB20] =	vst v10  }
0x410: {  	v10 =	vld [tilespmem:$0x1FF30];
	[tilespmem:s20+$0x20] =	vst v21  }
0x411: {  	v51 =	vld [tilespmem:s21+$0x5A]  }
0x412: {  	[tilespmem:s20+$0x30] =	vst v12;
	v12 =	vadd.f32 v22, v53;
	v22 =	vmul.f32 v28, v26;
	v28 =	vld [tilespmem:$0x1FF50]  }
0x413: {  	v27 =	vmul.f32 v52, v38;
	_ =	sdelay $0x1  }
0x414: {  	v36 =	vmul.f32 v36, v30;
	v21 =	vadd.f32 v27, v10  }
0x415: {  	v27 =	vld [tilespmem:$0x1FF70]  }
0x416: {  	v11 =	vnsel vm0, $0x0, v8;
	[tilespmem:s20+$0x40] =	vst v21;
	v21 =	vadd.f32 v36, v28;
	v36 =	vld [tilespmem:$0x1FF60]  }
0x417: {  	v15 =	vadd.f32 v11, v15  }
0x418: {  	v9 =	vadd.f32 v9, v49;
	v19 =	vadd.f32 v19, v25;
	v25 =	vld [tilespmem:$0x1FF90]  }
0x419: {  	v52 =	vld [tilespmem:s21+$0x6A]  }
0x41a: {  	v11 =	vmul.f32 v11, v11;
	v3 =	vadd.f32 v15, v3;
	v9 =	vadd.f32 v9, v50  }
0x41b: {  	v23 =	vmul.f32 v49, v49;
	[tilespmem:s20+$0x50] =	vst v12;
	v12 =	vadd.f32 v22, v27;
	v5 =	vmul.f32 v5, v36  }
0x41c: {  	v7 =	vadd.f32 v11, v7;
	v9 =	vadd.f32 v9, v51  }
0x41d: {  	v15 =	vadd.f32 v19, v23;
	v19 =	vmul.f32 v50, v50;
	[tilespmem:s20+$0x70] =	vst v12;
	v5 =	vadd.f32 v5, v25  }
0x41e: {  	v11 =	vmul.f32 $5.000000000e-01, v63;
	v4 =	vadd.f32 v7, v4;
	v7 =	vadd.f32 v9, v52;
	[tilespmem:s20+$0x60] =	vst v21  }
0x41f: {  	v22 =	vshrl.u32 v63, $0x1;
	v12 =	vmul.f32 v51, v51;
	[tilespmem:v55+s23+$0x0] =	vst.idx.msk $0x3f, v5;
	v5 =	vadd.f32 v15, v19  }
0x420: {  	v3 =	vadd.f32 v3, v31;
	v4 =	vadd.f32 v4, v61;
	v9 =	vsub.s32 $0x5F3759DF, v22  }
0x421: {  	(xrf2) =	vadd.scan.msk.f32 $0xffff, v7;
	v7 =	vld [tilespmem:$0x1FAC0];
	v5 =	vadd.f32 v5, v12;
	v12 =	vsel vm0, v8, v6;
	v6 =	vmul.f32 v9, v11  }
0x422: {  	v3 =	vadd.f32 v3, v32;
	v8 =	vmov v20;
	v20 =	vmov v16;
	v16 =	vld [tilespmem:$0x1F9B0]  }
0x423: {  	v0 =	vadd.f32 v4, v0;
	v21 =	vmovc v14;
	v14 =	vmov v17;
	v17 =	vld [tilespmem:$0x1FB10];
	v4 =	vmul.f32 v9, v6  }
0x424: {  	v3 =	vadd.f32 v3, v33;
	v15 =	vmul.f32 v52, v52;
	v6 =	vld [tilespmem:$0x1FB30]  }
0x425: {  	v0 =	vadd.f32 v0, v62;
	[tilespmem:$0x1FAC0] =	vst v8;
	v8 =	vld [tilespmem:$0x1FAD0];
	v4 =	vsub.f32 $1.500000000e+00, v4  }
0x426: {  	v3 =	vadd.f32 v3, v35;
	v5 =	vadd.f32 v5, v15;
	v15 =	vld [tilespmem:$0x1FAF0]  }
0x427: {  	v0 =	vadd.f32 v0, v16;
	v16 =	vmov v18;
	v4 =	vmul.f32 v9, v4;
	v9 =	vld [tilespmem:$0x1FB40]  }
0x428: {  	v3 =	vadd.f32 v3, v37;
	v19 =	vmov v39;
	[tilespmem:$0x1FB10] =	vst v16;
	v16 =	vld [tilespmem:$0x1FB50]  }
0x429: {  	v1 =	vmul.f32 v1, v46;
	v6 =	vsub.f32 v6, v60  }
0x42a: {  	v7 =	vmul.f32 v13, v7;
	v17 =	vmul.f32 v13, v17;
	v3 =	vadd.f32 v3, v19;
	(xrf2) =	vadd.scan.msk.f32 $0xffff, v5  }
0x42b: {  	[tilespmem:$0x1FB30] =	vst v19;
	v5 =	vsub.f32 v47, v60;
	v18 =	vmul.f32 v13, v48;
	v19 =	vmov v6;
	v6 =	vld [tilespmem:$0x1FB60]  }
0x42c: {  	v8 =	vmul.f32 v13, v8;
	v15 =	vmul.f32 v13, v15  }
0x42d: {  	v9 =	vmul.f32 v13, v9;
	v16 =	vmul.f32 v13, v16;
	v13 =	vmov v5;
	v5 =	vld [tilespmem:$0x1FB70]  }
0x42e: {  	v1 =	vadd.f32 v1, v45;
	v2 =	vmul.f32 v2, v44;
	[tilespmem:$0x1FAF0] =	vst v14;
	v14 =	vld [tilespmem:$0x1FAE0]  }
0x42f: {  	[tilespmem:$0x1FB50] =	vst v13;
	v13 =	vld [tilespmem:$0x1FB80]  }
0x430: {  	[tilespmem:s1+$0xFFFFFF80] =	vst v1;
	v1 =	vadd.f32 v2, v24;
	v23 =	vimm.s32 $0xF;
	v0 =	vadd.f32 v0, v6  }
0x431: {  	v7 =	vmul.f32 v7, v42;
	v3 =	vadd.f32 v3, v34;
	v6 =	vmul.f32 v4, v11  }
0x432: {  	v8 =	vmul.f32 v8, v41;
	v2 =	vmul.f32 v9, v30;
	v0 =	vadd.f32 v0, v5  }
0x433: {  	s21 =	sadd.s32 $0x100, s21;
	v14 =	vsub.f32 v14, v60;
	v9 =	vmul.f32 v16, v26;
	v5, _, _ =	vpop (xrf2);
	v6 =	vmul.f32 v6, v4  }
0x434: {  	v16 =	vld [tilespmem:s21+$0xFFFFFF80];
	(xrf2) =	vadd.scan.msk.f32 $0xffff, v3;
	v3 =	vmul.f32 v15, v38;
	v5 =	vperm.xlane v5, v23;
	v0 =	vadd.f32 v0, v13;
	v13, _, _ =	vpop (xrf2)  }
0x435: {  	v15 =	vmul.f32 v17, v54;
	v54 =	vld [tilespmem:s21+$0x0];
	v6 =	vsub.f32 $1.500000000e+00, v6;
	v17 =	vperm.xlane v13, v23  }
0x436: {  	v5 =	vmul.f32 $7.462686390e-03, v5;
	v13 =	vld [tilespmem:s21+$0xFFFFFFF0];
	[tilespmem:s1+$0xFFFFFF90] =	vst v1;
	(xrf2) =	vadd.scan.msk.f32 $0xffff, v0;
	v0 =	vadd.f32 v7, v43  }
0x437: {  	v48 =	vmov v14;
	v14 =	vmul.f32 v6, v4;
	v4 =	vadd.f32 v8, v40;
	v63 =	vld [tilespmem:s21+$0xFFFFFF8A]  }
0x438: {  	v7 =	vmul.f32 $7.462686390e-03, v17;
	v8 =	vmul.f32 v5, v5;
	[tilespmem:s1+$0xFFFFFFA0] =	vst v0;
	v0 =	vadd.f32 v3, v10;
	v10 =	vld [tilespmem:$0x1FFF0]  }
0x439: {  	v3 =	vadd.f32 v15, v53;
	v1 =	vld [tilespmem:s21+$0xFFFFFF9A];
	[tilespmem:s1+$0xFFFFFFB0] =	vst v4  }
0x43a: {  	v17 =	vtrunc.f32 v54;
	v4 =	vadd.f32 v2, v28;
	v8 =	vsub.f32 v7, v8;
	v2 =	vld [tilespmem:s21+$0xFFFFFFAA];
	[tilespmem:s1+$0xFFFFFFC0] =	vst v0  }
0x43b: {  	v7 =	vtrunc.f32 v16;
	v0 =	vadd.f32 v9, v27;
	v9 =	vcvt.f32.s32 v17;
	v55 =	vld [tilespmem:s21+$0xFFFFFFBA];
	[tilespmem:s1+$0xFFFFFFD0] =	vst v3  }
0x43c: {  	v17 =	vcvt.f32.s32 v7;
	v53 =	vld [tilespmem:s21+$0xFFFFFFCA];
	[tilespmem:s1+$0xFFFFFFE0] =	vst v4;
	v4 =	vimm.s32 $0x0  }
0x43d: {  	v8 =	vadd.f32 $9.999999960e-13, v8;
	v9 =	vperm.xlane v9, v4  }
0x43e: {  	v39 =	vld [tilespmem:s21+$0xFFFFFFDA];
	[tilespmem:s1+$0xFFFFFFF0] =	vst v0;
	v0 =	vperm.xlane v17, v4  }
0x43f: {  	[tilespmem:$0x1FB40] =	vst v19;
	v17 =	vshrl.u32 v8, $0x1;
	v19 =	vmul.f32 $5.000000000e-01, v8;
	v8 =	vmul.u32 $0x7, v9  }
0x440: {  	v9 =	vsub.s32 $0x5F3759DF, v17  }
0x441: {  	[tilespmem:$0x1FAE0] =	vst v20;
	v20 =	vmul.f32 v9, v19;
	v8 =	vadd.s32 v10, v8  }
0x442: {  	v17 =	vmul.u32 $0x7, v0;
	v8 =	vnsel vm0, $0x0, v8  }
0x443: {  	v20 =	vmul.f32 v9, v20  }
0x444: {  	v6 =	vmul.f32 v18, v36;
	v18, _, _ =	vpop (xrf2);
	v17 =	vadd.s32 v10, v17  }
0x445: {  	v22 =	vnsel vm0, $0x0, v17;
	v17 =	vperm.xlane v18, v23;
	v18 =	vsub.f32 $1.500000000e+00, v20  }
0x446: {  	[tilespmem:$0x1FAD0] =	vst v21;
	v21, _, _ =	vpop (xrf2)  }
0x447: {  	v20 =	vperm.xlane v21, v23;
	v21 =	vmul.f32 v9, v18;
	v9 =	vld.idx.msk [tilespmem:v8+s18+$0x0], $0x7f  }
0x448: {  	v8 =	vld [tilespmem:$0x1F9E0]  }
0x449: {  	v11 =	vmul.f32 v14, v11;
	v15 =	vsel vm1, $0x0, v16  }
0x44a: {  	v46 =	vmovc v34;
	v7 =	vmul.f32 v15, v15;
	v3 =	vsel vm2, $0x0, v13;
	v61 =	vmul.f32 v63, v63;
	v34 =	vld [tilespmem:s21+$0xFFFFFFEA]  }
0x44b: {  	v4 =	vmul.f32 v3, v3;
	v10 =	vmul.f32 v53, v53  }
0x44c: {  	p0 =	slt.u32 s29, $0x7E;
	v0 =	vmul.f32 v1, v1;
	v62 =	vmul.f32 v2, v2  }
.Ltmp2:
0x44d: {  	v25 =	vadd.f32 v6, v25;
	v30 =	vmul.f32 v55, v55;
	[tilespmem:$0x1FB60] =	vst v10;
	v10 =	vmul.f32 v39, v39;
	(pc) =	sbr.rel @p0 .LBB2_6-.Ltmp2, $4  }
0x44e: {  	v44 =	vmovc v57;
	v45 =	vmovc v58;
	v6 =	vlaneseq.u32;
	v23 =	vmul.f32 v11, v14;
	v60 =	vmul.f32 $7.462686390e-03, v17  }
0x44f: {  	v42 =	vmovc v59;
	v38 =	vld [tilespmem:$0x1F9C0];
	v11 =	vor.u32 s4, v6;
	v6 =	vperm.xlane v16, v29;
	[tilespmem:$0x1FB70] =	vst v10;
	v10 =	vmul.f32 v34, v34  }
0x450: {  	s26 =	smov.u32 s2;
	v47 =	vmovc v37;
	v43 =	vmov v56;
	v40 =	vld [tilespmem:$0x1F9D0];
	v18 =	vmul.f32 $7.462686390e-03, v20;
	v20 =	vmul.f32 v60, v60;
	[tilespmem:v8+s23+$0x0] =	vst.idx.msk $0x3f, v25  }
0x451: {  	s2 =	smov.u32 s29;
	s29 =	sadd.s32 $0x2, s29;
	s1 =	smov.u32 s20;
	v17 =	vsub.f32 $1.500000000e+00, v23;
	v12 =	vsub.f32 v12, v60;
	[tilespmem:$0x1FB80] =	vst v10;
	v10 =	vmul.f32 v21, v19;
	v8 =	vld.idx.msk [tilespmem:v22+s18+$0x0], $0x7f  }
0x452: {  	v26 =	vld [tilespmem:s21+$0x70];
	_ =	sdelay $0x4  }
0x453: {  	[tilespmem:$0x1F830] =	vst v26  }
0x454: {  	v24 =	vld [tilespmem:s21+$0xA];
	_ =	sdelay $0x3  }
0x455: {  	v16 =	vnsel vm0, $0x0, v9;
	v22 =	vsel vm1, $0x0, v54  }
0x456: {  	v23 =	vmul.f32 v16, v16;
	v25 =	vmul.f32 v22, v22;
	[tilespmem:$0x1F840] =	vst v24  }
0x457: {  	v26 =	vsel vm2, $0x0, v26;
	v37 =	vld [tilespmem:s21+$0x1A]  }
0x458: {  	v23 =	vadd.f32 v23, v25;
	v59 =	vmul.f32 v26, v26  }
0x459: {  	v28 =	vld [tilespmem:s21+$0x2A]  }
0x45a: {  	v23 =	vadd.f32 v23, v59;
	v36 =	vmul.f32 v24, v24  }
0x45b: {  	v29 =	vld [tilespmem:s21+$0x3A]  }
0x45c: {  	v16 =	vadd.f32 v16, v22;
	v22 =	vadd.f32 v23, v36;
	v23 =	vmul.f32 v37, v37;
	[tilespmem:$0x1F850] =	vst v37  }
0x45d: {  	v10 =	vmul.f32 v10, v21;
	v36 =	vld [tilespmem:s21+$0x4A]  }
0x45e: {  	v16 =	vadd.f32 v16, v26;
	[tilespmem:$0x1F860] =	vst v28;
	v22 =	vadd.f32 v22, v23;
	v23 =	vmul.f32 v28, v28  }
0x45f: {  	v41 =	vsub.f32 $1.500000000e+00, v10;
	v10 =	vld [tilespmem:s21+$0x5A]  }
0x460: {  	v16 =	vadd.f32 v16, v24;
	v22 =	vadd.f32 v22, v23;
	v23 =	vmul.f32 v29, v29  }
0x461: {  	v18 =	vsub.f32 v18, v20  }
0x462: {  	v20 =	vld [tilespmem:$0x1FFD0];
	v16 =	vadd.f32 v16, v37;
	v22 =	vadd.f32 v22, v23;
	v23 =	vmul.f32 v36, v36  }
0x463: {  	v57 =	vld [tilespmem:$0x1FFE0]  }
0x464: {  	v16 =	vadd.f32 v16, v28;
	v22 =	vadd.f32 v22, v23;
	v23 =	vmul.f32 v10, v10  }
0x465: {  	v56 =	vld [tilespmem:$0x1FB20];
	v21 =	vmul.f32 v41, v21  }
0x466: {  	v22 =	vadd.f32 v22, v23;
	v23 =	vadd.f32 v16, v29;
	v16 =	vld [tilespmem:$0x1FB00]  }
0x467: {  	v27 =	vsub.f32 v45, v5;
	v20 =	vperm.xlane v42, v20;
	v19 =	vmul.f32 v21, v19  }
0x468: {  	v42 =	vnsel vm0, $0x0, v8;
	v58 =	vperm.xlane v43, v57;
	v41 =	vsub.f32 v49, v5  }
0x469: {  	v43 =	vsub.f32 v51, v5;
	v49 =	vsub.f32 v52, v5;
	v19 =	vmul.f32 v19, v21  }
0x46a: {  	v26 =	vadd.f32 v42, v15;
	v25 =	vmul.f32 v42, v42;
	v42 =	vsub.f32 v50, v5  }
0x46b: {  	v15 =	vsub.f32 $1.500000000e+00, v19;
	v28 =	vsub.f32 v56, v5;
	v20 =	vsel vm0, v16, v20  }
0x46c: {  	[tilespmem:$0x1F870] =	vst v29;
	v19 =	vsub.f32 v20, v5;
	v20 =	vadd.f32 v23, v36  }
0x46d: {  	[tilespmem:$0x1F880] =	vst v36;
	v23 =	vsub.f32 v44, v5;
	v36 =	vsub.f32 v58, v5;
	v5 =	vperm.xlane v13, v57  }
0x46e: {  	[tilespmem:$0x1F890] =	vst v10  }
0x46f: {  	v16 =	vld [tilespmem:s21+$0x6A];
	[tilespmem:$0x1F8E0] =	vst v5;
	v5 =	vsub.f32 v31, v60;
	_ =	sdelay $0x1  }
0x470: {  	[tilespmem:$0x1F820] =	vst v5;
	v5 =	vsub.f32 v32, v60;
	_ =	sdelay $0x1  }
0x471: {  	[tilespmem:$0x1F8A0] =	vst v5;
	v5 =	vsub.f32 v33, v60;
	_ =	sdelay $0x1  }
0x472: {  	[tilespmem:$0x1F8B0] =	vst v5;
	v5 =	vsub.f32 v35, v60  }
0x473: {  	v21 =	vmul.f32 v15, v21  }
0x474: {  	[tilespmem:$0x1F8C0] =	vst v5;
	v5 =	vld [tilespmem:$0x1FE60]  }
0x475: {  	v15 =	vmul.f32 v21, v19  }
0x476: {  	v20 =	vadd.f32 v20, v10;
	v59 =	vmul.f32 v16, v16  }
0x477: {  	v45 =	vmul.f32 v17, v14  }
0x478: {  	v50 =	vld [tilespmem:$0x1FEA0];
	v20 =	vadd.f32 v20, v16;
	v14 =	vadd.f32 v22, v59;
	v22 =	vmul.f32 v21, v23  }
0x479: {  	v23 =	vadd.f32 $9.999999960e-13, v18;
	v18 =	vmul.f32 v15, v5;
	v15 =	vmovc v5;
	v5 =	vsub.f32 v47, v60;
	v47 =	vld [tilespmem:$0x1FE90]  }
0x47a: {  	v13 =	vld [tilespmem:$0x1FEF0];
	(xrf2) =	vadd.scan.msk.f32 $0xffff, v20  }
0x47b: {  	v57 =	vld [tilespmem:$0x1FED0]  }
0x47c: {  	v27 =	vmul.f32 v21, v27;
	(xrf2) =	vadd.scan.msk.f32 $0xffff, v14;
	_ =	sdelay $0x1  }
0x47d: {  	v31 =	vadd.f32 v18, v47;
	v18 =	vmul.f32 v27, v50;
	v27 =	vmul.f32 v21, v41  }
0x47e: {  	[tilespmem:$0x1F8D0] =	vst v5;
	v5 =	vld [tilespmem:$0x1FF30]  }
0x47f: {  	v51 =	vld [tilespmem:$0x1FEE0];
	v33 =	vadd.f32 v18, v13;
	v18 =	vmul.f32 v27, v57  }
0x480: {  	v25 =	vadd.f32 v25, v7;
	v44 =	vmul.f32 v21, v49;
	v49 =	vld [tilespmem:$0x1FF10]  }
0x481: {  	v3 =	vadd.f32 v26, v3;
	v7 =	vld [tilespmem:$0x1FF40]  }
0x482: {  	v4 =	vadd.f32 v25, v4;
	v42 =	vmul.f32 v21, v42;
	v28 =	vmul.f32 v21, v28  }
0x483: {  	v58 =	vimm.s32 $0xF;
	v27 =	vmul.f32 v21, v43;
	v37 =	vadd.f32 v18, v5;
	v18, _, _ =	vpop (xrf2)  }
0x484: {  	v3 =	vadd.f32 v3, v63;
	v32 =	vmul.f32 v42, v51;
	v18 =	vperm.xlane v18, v58  }
0x485: {  	v4 =	vadd.f32 v4, v61;
	v21 =	vmul.f32 v21, v36;
	v52 =	vmul.f32 v27, v49;
	v36, _, _ =	vpop (xrf2)  }
0x486: {  	v27 =	vadd.f32 v32, v7;
	v32 =	vperm.xlane v36, v58;
	v18 =	vmul.f32 $7.462686390e-03, v18  }
0x487: {  	v3 =	vadd.f32 v3, v1;
	v0 =	vadd.f32 v4, v0;
	v19 =	vmul.f32 v45, v38  }
0x488: {  	v61 =	vld [tilespmem:$0x1FF20];
	v4 =	vmul.f32 $7.462686390e-03, v32;
	v38 =	vmul.f32 v18, v18  }
0x489: {  	v3 =	vadd.f32 v3, v2;
	v0 =	vadd.f32 v0, v62  }
0x48a: {  	v41 =	vshrl.u32 v23, $0x1;
	v23 =	vmul.f32 $5.000000000e-01, v23;
	v4 =	vsub.f32 v4, v38  }
0x48b: {  	s4 =	sshll.u32 s26, $0x7;
	v3 =	vadd.f32 v3, v55;
	v20 =	vmul.f32 v45, v40;
	v43 =	vld [tilespmem:$0x1FB60];
	v32 =	vsub.s32 $0x5F3759DF, v41  }
0x48c: {  	s5 =	sadd.s32 $0x80, s4;
	v40 =	vlaneseq.u32;
	v36 =	vmul.f32 v32, v23;
	v4 =	vadd.f32 $9.999999960e-13, v4  }
0x48d: {  	v25 =	vld [tilespmem:$0x1FF90];
	v0 =	vadd.f32 v0, v30;
	v26 =	vmul.f32 v44, v61;
	v17 =	vor.u32 s5, v40  }
0x48e: {  	v44 =	vshrl.u32 v4, $0x1;
	v40 =	vmul.f32 $5.000000000e-01, v4;
	v4 =	vmul.f32 v32, v36;
	v36 =	vld [tilespmem:$0x1FB70]  }
0x48f: {  	v62 =	vld [tilespmem:$0x1FF60]  }
0x490: {  	v3 =	vadd.f32 v3, v53;
	v0 =	vadd.f32 v0, v43;
	v43 =	vld [tilespmem:$0x1FB80]  }
0x491: {  	v56 =	vld [tilespmem:$0x1FE80]  }
0x492: {  	v3 =	vadd.f32 v3, v39;
	v10 =	vld [tilespmem:$0x1FF00]  }
0x493: {  	v41 =	vld [tilespmem:$0x1FAD0];
	v0 =	vadd.f32 v0, v36  }
0x494: {  	v3 =	vadd.f32 v3, v34;
	v42 =	vld [tilespmem:$0x1FAC0]  }
0x495: {  	v58 =	vld [tilespmem:$0x1FF50];
	v0 =	vadd.f32 v0, v43  }
0x496: {  	v59 =	vld [tilespmem:$0x1FEC0];
	(xrf2) =	vadd.scan.msk.f32 $0xffff, v3  }
0x497: {  	v36 =	vsub.s32 $0x5F3759DF, v44;
	(xrf2) =	vadd.scan.msk.f32 $0xffff, v0;
	v0 =	vld [tilespmem:$0x1FB50]  }
0x498: {  	v35 =	vld [tilespmem:$0x1FEB0];
	v38 =	vmul.f32 v45, v41;
	v4 =	vsub.f32 $1.500000000e+00, v4;
	v41 =	vmul.f32 v36, v40  }
0x499: {  	v8 =	vsel vm0, v8, v6;
	v30 =	vmul.f32 v45, v42;
	v42 =	vld [tilespmem:$0x1FAF0]  }
0x49a: {  	v14 =	vadd.f32 v52, v58;
	v52 =	vld [tilespmem:$0x1FF70];
	v6 =	vmul.f32 v32, v4;
	v3 =	vmul.f32 v36, v41  }
0x49b: {  	v22 =	vmul.f32 v22, v56;
	v4 =	vld [tilespmem:$0x1FB40];
	v43 =	vmul.f32 v45, v48  }
0x49c: {  	v44 =	vld [tilespmem:$0x1FB10];
	v48 =	vmul.f32 v6, v23;
	v41 =	vmul.f32 v45, v0;
	v0 =	vsub.f32 $1.500000000e+00, v3  }
0x49d: {  	s20 =	sadd.s32 $0x100, s20;
	v22 =	vadd.f32 v22, v59;
	v28 =	vmul.f32 v28, v35;
	v3 =	vld [tilespmem:$0x1FB30]  }
0x49e: {  	v24 =	vmul.f32 v48, v6;
	v36 =	vmul.f32 v36, v0;
	v0 =	vld [tilespmem:$0x1FAE0];
	[tilespmem:s20+$0x0] =	vst v31  }
0x49f: {  	v28 =	vadd.f32 v28, v10;
	[tilespmem:s20+$0x10] =	vst v22  }
0x4a0: {  	v20 =	vmul.f32 v20, v15;
	v24 =	vsub.f32 $1.500000000e+00, v24;
	[tilespmem:s20+$0x20] =	vst v33  }
0x4a1: {  	v21 =	vmul.f32 v21, v62;
	[tilespmem:s20+$0x30] =	vst v28  }
0x4a2: {  	v20 =	vadd.f32 v20, v47;
	v24 =	vmul.f32 v24, v6;
	[tilespmem:s20+$0x40] =	vst v37  }
0x4a3: {  	v42 =	vmul.f32 v45, v42;
	v21 =	vadd.f32 v21, v25;
	v26 =	vadd.f32 v26, v52;
	[tilespmem:s20+$0x50] =	vst v27  }
0x4a4: {  	v32 =	vmul.f32 v45, v4;
	v23 =	vmul.f32 v24, v23;
	[tilespmem:s20+$0x60] =	vst v14;
	v4 =	vsub.f32 v3, v60  }
0x4a5: {  	[tilespmem:s20+$0x70] =	vst v26;
	v3 =	vsub.f32 v46, v60;
	v0 =	vsub.f32 v0, v60;
	v60 =	vmul.f32 v36, v40  }
0x4a6: {  	v42 =	vmul.f32 v42, v57;
	v29 =	vmul.f32 v45, v44;
	[tilespmem:v17+s23+$0x0] =	vst.idx.msk $0x3f, v21  }
0x4a7: {  	v6, _, _ =	vpop (xrf2);
	v23 =	vmul.f32 v23, v24;
	v33 =	vld [tilespmem:$0x1FFD0];
	[tilespmem:s1+$0xFFFFFF80] =	vst v20;
	v44 =	vmul.f32 v60, v36;
	v60 =	vimm.s32 $0xF  }
0x4a8: {  	v19 =	vmul.f32 v19, v56;
	v45 =	vmovc v5;
	v22 =	vadd.f32 v42, v5;
	v5 =	vld [tilespmem:$0x1F820];
	v6 =	vperm.xlane v6, v60  }
0x4a9: {  	v48, _, _ =	vpop (xrf2);
	v23 =	vsub.f32 $1.500000000e+00, v23  }
0x4aa: {  	v19 =	vadd.f32 v19, v59;
	v42 =	vperm.xlane v48, v60;
	v6 =	vmul.f32 $7.462686390e-03, v6  }
0x4ab: {  	v38 =	vmul.f32 v38, v35;
	v23 =	vmul.f32 v23, v24  }
0x4ac: {  	[tilespmem:s1+$0xFFFFFF90] =	vst v19;
	v27 =	vmul.f32 $7.462686390e-03, v42;
	v48 =	vmul.f32 v6, v6  }
0x4ad: {  	v30 =	vmul.f32 v30, v50;
	v31 =	vadd.f32 v38, v10;
	v17 =	vmul.f32 v23, v5;
	v5 =	vld [tilespmem:$0x1F830]  }
0x4ae: {  	v38 =	vmul.f32 v43, v62;
	v43 =	vsub.f32 $1.500000000e+00, v44;
	v60 =	vsub.f32 v27, v48;
	v48 =	vld [tilespmem:$0x1FFE0]  }
0x4af: {  	v30 =	vadd.f32 v30, v13  }
0x4b0: {  	v36 =	vmul.f32 v43, v36  }
0x4b1: {  	[tilespmem:s1+$0xFFFFFFA0] =	vst v30  }
0x4b2: {  	v44 =	vmul.f32 v36, v40;
	[tilespmem:s1+$0xFFFFFFB0] =	vst v31  }
0x4b3: {  	v19 =	vperm.xlane v5, v48;
	v5 =	vld [tilespmem:$0x1F840]  }
0x4b4: {  	v37 =	vadd.f32 v38, v25;
	v38 =	vmul.f32 v44, v36;
	_ =	sdelay $0x1  }
0x4b5: {  	v21 =	vperm.xlane v54, v33;
	v40 =	vsub.f32 v63, v6;
	v63 =	vsub.f32 $1.500000000e+00, v38;
	_ =	sdelay $0x1  }
0x4b6: {  	v9 =	vsel vm0, v9, v21;
	v21 =	vmul.f32 v63, v36;
	v36 =	vsub.f32 v5, v18;
	v5 =	vld [tilespmem:$0x1F850];
	_ =	sdelay $0x3  }
0x4b7: {  	[tilespmem:s1+$0xFFFFFFC0] =	vst v22  }
0x4b8: {  	v29 =	vmul.f32 v29, v51;
	v27 =	vsub.f32 v5, v18;
	v5 =	vld [tilespmem:$0x1F860];
	_ =	sdelay $0x1  }
0x4b9: {  	v29 =	vadd.f32 v29, v7;
	_ =	sdelay $0x1  }
0x4ba: {  	[tilespmem:s1+$0xFFFFFFD0] =	vst v29  }
0x4bb: {  	v22 =	vsub.f32 v5, v18;
	v5 =	vld [tilespmem:$0x1F870];
	_ =	sdelay $0x4  }
0x4bc: {  	v32 =	vmul.f32 v32, v49;
	v20 =	vadd.f32 $9.999999960e-13, v60;
	v29 =	vsub.f32 v5, v18;
	v5 =	vld [tilespmem:$0x1F880]  }
0x4bd: {  	v16 =	vsub.f32 v16, v18;
	v41 =	vmul.f32 v41, v61;
	v9 =	vsub.f32 v9, v18  }
0x4be: {  	v28 =	vadd.f32 v32, v58;
	v24 =	vshrl.u32 v20, $0x1;
	v20 =	vmul.f32 $5.000000000e-01, v20  }
0x4bf: {  	v24 =	vsub.s32 $0x5F3759DF, v24;
	v9 =	vmul.f32 v21, v9  }
0x4c0: {  	v32 =	vadd.f32 v41, v52;
	v30 =	vmul.f32 v24, v20;
	v16 =	vmul.f32 v21, v16;
	[tilespmem:s1+$0xFFFFFFE0] =	vst v28  }
0x4c1: {  	v9 =	vmul.f32 v9, v15;
	v26 =	vmul.f32 v21, v36;
	v31 =	vsub.f32 v5, v18;
	v5 =	vld [tilespmem:$0x1F890]  }
0x4c2: {  	v27 =	vmul.f32 v21, v27;
	v22 =	vmul.f32 v21, v22;
	[tilespmem:s1+$0xFFFFFFF0] =	vst v32  }
0x4c3: {  	v28 =	vmul.f32 v24, v30;
	[tilespmem:v11+s23+$0x0] =	vst.idx.msk $0x3f, v37;
	v11 =	vmul.f32 v26, v56  }
0x4c4: {  	v9 =	vadd.f32 v9, v47;
	v38 =	vmul.f32 v27, v50;
	v22 =	vmul.f32 v22, v35  }
0x4c5: {  	v27 =	vsub.f32 $1.500000000e+00, v28;
	v28 =	vmul.f32 v21, v31;
	v11 =	vadd.f32 v11, v59  }
0x4c6: {  	s21 =	sadd.s32 $0x100, s20;
	v46 =	vmovc v10;
	v10 =	vsub.f32 v5, v18;
	v18 =	vsub.f32 v19, v18;
	v19 =	vmul.f32 v21, v29  }
0x4c7: {  	v24 =	vmul.f32 v24, v27;
	v42 =	vmul.f32 v28, v51;
	[tilespmem:s21+$0x10] =	vst v11;
	v11 =	vadd.f32 v22, v46  }
0x4c8: {  	[tilespmem:s21+$0x0] =	vst v9;
	v9 =	vadd.f32 v38, v13;
	v19 =	vmul.f32 v19, v57;
	v10 =	vmul.f32 v21, v10  }
0x4c9: {  	v12 =	vmul.f32 v23, v12;
	v27 =	vmul.f32 v24, v20;
	[tilespmem:s21+$0x30] =	vst v11;
	v11 =	vadd.f32 v42, v7  }
0x4ca: {  	s2 =	sshll.u32 s2, $0x7;
	v16 =	vmul.f32 v16, v61;
	[tilespmem:s21+$0x20] =	vst v9;
	v10 =	vmul.f32 v10, v49;
	v9 =	vadd.f32 v19, v45  }
0x4cb: {  	s26 =	sadd.s32 $0x80, s2;
	v22 =	vlaneseq.u32;
	v18 =	vmul.f32 v21, v18;
	v19 =	vmul.f32 v27, v24;
	[tilespmem:s21+$0x50] =	vst v11  }
0x4cc: {  	v4 =	vmul.f32 v23, v4;
	v21 =	vor.u32 s26, v22;
	[tilespmem:s21+$0x40] =	vst v9;
	v9 =	vadd.f32 v10, v58  }
0x4cd: {  	v43 =	vmovc v7;
	v11 =	vadd.f32 v16, v52;
	v10 =	vmul.f32 v18, v62;
	v18 =	vsub.f32 $1.500000000e+00, v19;
	v7 =	vld [tilespmem:$0x1F8A0]  }
0x4ce: {  	v3 =	vmul.f32 v23, v3;
	v0 =	vmul.f32 v23, v0;
	v30 =	vmov v13;
	v13 =	vld [tilespmem:$0x1F8B0];
	[tilespmem:s21+$0x60] =	vst v9  }
0x4cf: {  	v12 =	vmul.f32 v12, v15;
	v9 =	vadd.f32 v10, v25;
	v14 =	vmul.f32 v18, v24;
	v10 =	vld [tilespmem:$0x1F8C0];
	[tilespmem:s21+$0x70] =	vst v11  }
0x4d0: {  	v4 =	vmul.f32 v4, v49;
	v3 =	vmul.f32 v3, v61;
	v11 =	vld [tilespmem:$0x1F8D0]  }
0x4d1: {  	[tilespmem:v21+s23+$0x0] =	vst.idx.msk $0x3f, v9;
	v9 =	vmul.f32 v17, v56;
	v17 =	vmul.f32 v14, v20  }
0x4d2: {  	v41 =	vmov v47;
	v0 =	vmul.f32 v0, v62;
	v7 =	vmul.f32 v23, v7  }
0x4d3: {  	v12 =	vadd.f32 v12, v41;
	v13 =	vmul.f32 v23, v13;
	v17 =	vmul.f32 v17, v14  }
0x4d4: {  	v4 =	vadd.f32 v4, v58;
	v10 =	vmul.f32 v23, v10;
	v7 =	vmul.f32 v7, v50  }
0x4d5: {  	[tilespmem:s20+$0xFFFFFF80] =	vst v12;
	v9 =	vadd.f32 v9, v59;
	v13 =	vmul.f32 v13, v35;
	v11 =	vmul.f32 v23, v11  }
0x4d6: {  	[tilespmem:s20+$0xFFFFFFE0] =	vst v4;
	v12 =	vsub.f32 $1.500000000e+00, v17;
	v10 =	vmul.f32 v10, v57;
	v7 =	vadd.f32 v7, v30  }
0x4d7: {  	v8 =	vsub.f32 v8, v6;
	[tilespmem:s20+$0xFFFFFF90] =	vst v9;
	v9 =	vadd.f32 v13, v46;
	v11 =	vmul.f32 v11, v51  }
0x4d8: {  	v44 =	vmovc v15;
	v15 =	vor.u32 s4, v22;
	[tilespmem:s20+$0xFFFFFFA0] =	vst v7;
	v7 =	vadd.f32 v10, v45;
	v10 =	vmul.f32 v12, v14  }
0x4d9: {  	v1 =	vsub.f32 v1, v6;
	[tilespmem:s20+$0xFFFFFFB0] =	vst v9;
	v9 =	vadd.f32 v11, v43  }
0x4da: {  	v3 =	vadd.f32 v3, v52;
	v0 =	vadd.f32 v0, v25;
	[tilespmem:s20+$0xFFFFFFC0] =	vst v7;
	v8 =	vmul.f32 v10, v8  }
0x4db: {  	v2 =	vsub.f32 v2, v6;
	v16 =	vsub.f32 v55, v6;
	v1 =	vmul.f32 v10, v1;
	[tilespmem:s20+$0xFFFFFFD0] =	vst v9  }
0x4dc: {  	v4 =	vmul.f32 v10, v40;
	v9 =	vsub.f32 v34, v6;
	v5 =	vld [tilespmem:$0x1F8E0];
	[tilespmem:s20+$0xFFFFFFF0] =	vst v3;
	v3 =	vmul.f32 v8, v44  }
0x4dd: {  	v22 =	vlaneseq.u32;
	v1 =	vmul.f32 v1, v50;
	[tilespmem:v15+s23+$0x0] =	vst.idx.msk $0x3f, v0;
	v0 =	vmul.f32 v10, v2  }
0x4de: {  	v2 =	vmul.f32 v4, v56;
	v4 =	vmul.f32 v10, v16;
	v3 =	vadd.f32 v3, v41  }
0x4df: {  	v18 =	vmovc v59;
	v11 =	vsub.f32 v53, v6;
	v7 =	vsub.f32 v39, v6;
	v0 =	vmul.f32 v0, v35  }
0x4e0: {  	v1 =	vadd.f32 v1, v30;
	v4 =	vmul.f32 v4, v57;
	[tilespmem:s21+$0xFFFFFF80] =	vst v3;
	v3 =	vmul.f32 v10, v9  }
0x4e1: {  	v2 =	vadd.f32 v2, v18;
	v5 =	vsub.f32 v5, v6;
	v6 =	vmul.f32 v10, v11  }
0x4e2: {  	v7 =	vmul.f32 v10, v7;
	[tilespmem:s21+$0xFFFFFFA0] =	vst v1;
	v1 =	vadd.f32 v4, v45;
	v3 =	vmul.f32 v3, v61  }
0x4e3: {  	[tilespmem:s21+$0xFFFFFF90] =	vst v2;
	v0 =	vadd.f32 v0, v46;
	v6 =	vmul.f32 v6, v51;
	v2 =	vmul.f32 v10, v5  }
0x4e4: {  	v4 =	vor.u32 s2, v22;
	v5 =	vmul.f32 v7, v49;
	[tilespmem:s21+$0xFFFFFFC0] =	vst v1;
	v1 =	vadd.f32 v3, v52  }
0x4e5: {  	[tilespmem:s21+$0xFFFFFFB0] =	vst v0;
	v0 =	vadd.f32 v6, v43;
	v2 =	vmul.f32 v2, v62  }
0x4e6: {  	v5 =	vadd.f32 v5, v58;
	[tilespmem:s21+$0xFFFFFFF0] =	vst v1  }
0x4e7: {  	[tilespmem:s21+$0xFFFFFFD0] =	vst v0;
	v0 =	vadd.f32 v2, v25  }
0x4e8: {  	[tilespmem:s21+$0xFFFFFFE0] =	vst v5  }
0x4e9: {  	s2 =	simm.s32 $0x8000;
	[tilespmem:v4+s23+$0x0] =	vst.idx.msk $0x3f, v0  }
0x4ea: {  	[hbm4b:s13+s24] =	stream.strided.scatter [tilespmem:s2], [sflag:$0x3], $0x4000, s25, s24, $0x38;
	[tilespmem:$0x18200] =	vst v63  }
0x4eb: {  	_ = 	snop  }
0x4ec: {  	[hbm4b:s14+s24] =	stream.strided.scatter [tilespmem:s23], [sflag:$0x3], $0x4000, s25, s24, $0x38;
	[tilespmem:$0x18200] =	vst v63  }
0x4ed: {  	_ =	swait.ge [sflag:s19], $0x4000  }
0x4ee: {  	[sflag:s19] =	ssyncset.done $0x0  }
0x4ef: {  	[sflag:s19] =	ssyncadd.s32 $0xFFFFC000  }
0x4f0: {  	_ =	swait.ge [sflag:s31], $0x4000  }
0x4f1: {  	[sflag:s31] =	ssyncset.done $0x0  }
0x4f2: {  	[sflag:s31] =	ssyncadd.s32 $0xFFFFC000  }
0x4f3: {  	_ =	swait.ge [sflag:s31], $0x4000  }
0x4f4: {  	[sflag:s31] =	ssyncset.done $0x0  }
0x4f5: {  	s4 =	simm.s32 $0x4080;
	[sflag:s31] =	ssyncadd.s32 $0xFFFFC000  }
0x4f6: {  	v2 =	vld [tilespmem:s4+$0x0];
	_ =	sdelay $0x4  }
0x4f7: {  	v0 =	vtrunc.f32 v2  }
0x4f8: {  	v0 =	vcvt.f32.s32 v0  }
0x4f9: {  	v3 =	vimm.s32 $0x0;
	v24 =	vld [tilespmem:$0x1FFF0]  }
0x4fa: {  	v0 =	vperm.xlane v0, v3;
	_ =	sdelay $0x1  }
0x4fb: {  	v0 =	vmul.u32 $0x7, v0;
	_ =	sdelay $0x1  }
0x4fc: {  	v0 =	vadd.s32 v24, v0  }
0x4fd: {  	v5 =	vld [tilespmem:s4+$0xFFFFFF80];
	v0 =	vnsel vm0, $0x0, v0;
	_ =	sdelay $0x4  }
0x4fe: {  	v1 =	vtrunc.f32 v5;
	v4 =	vld.idx.msk [tilespmem:v0+s18+$0x0], $0x7f  }
0x4ff: {  	v0 =	vcvt.f32.s32 v1  }
0x500: {  	v6 =	vld [tilespmem:s4+$0x70]  }
0x501: {  	v0 =	vperm.xlane v0, v3;
	_ =	sdelay $0x1  }
0x502: {  	v7 =	vsel vm1, $0x0, v2;
	v3 =	vld [tilespmem:s4+$0xA];
	v0 =	vmul.u32 $0x7, v0;
	v1 =	vnsel vm0, $0x0, v4  }
0x503: {  	v9 =	vmul.f32 v7, v7;
	v8 =	vadd.f32 v1, v7;
	v1 =	vmul.f32 v1, v1  }
0x504: {  	v10 =	vsel vm2, $0x0, v6;
	v0 =	vadd.s32 v24, v0;
	v7 =	vld [tilespmem:s4+$0x1A]  }
0x505: {  	v11 =	vadd.f32 v8, v10;
	v1 =	vadd.f32 v1, v9;
	v9 =	vmul.f32 v10, v10  }
0x506: {  	v0 =	vnsel vm0, $0x0, v0;
	v8 =	vld [tilespmem:s4+$0x2A]  }
0x507: {  	v10 =	vadd.f32 v11, v3;
	v1 =	vadd.f32 v1, v9;
	v11 =	vmul.f32 v3, v3  }
0x508: {  	v9 =	vld [tilespmem:s4+$0x3A]  }
0x509: {  	v15 =	vld [tilespmem:s4+$0xFFFFFFF0];
	v12 =	vadd.f32 v10, v7;
	v1 =	vadd.f32 v1, v11;
	v11 =	vmul.f32 v7, v7  }
0x50a: {  	v10 =	vld [tilespmem:s4+$0x4A]  }
0x50b: {  	v13 =	vld.idx.msk [tilespmem:v0+s18+$0x0], $0x7f;
	v0 =	vmul.f32 v8, v8;
	v14 =	vadd.f32 v12, v8;
	v1 =	vadd.f32 v1, v11  }
0x50c: {  	v12 =	vld [tilespmem:s4+$0x5A]  }
0x50d: {  	v14 =	vadd.f32 v14, v9;
	v0 =	vadd.f32 v1, v0;
	v1 =	vmul.f32 v9, v9  }
0x50e: {  	v11 =	vld [tilespmem:s4+$0x6A]  }
0x50f: {  	v14 =	vadd.f32 v14, v10;
	v0 =	vadd.f32 v0, v1;
	v1 =	vmul.f32 v10, v10  }
0x510: {  	v16 =	vsel vm1, $0x0, v5;
	v19 =	vsel vm2, $0x0, v15;
	v18 =	vnsel vm0, $0x0, v13  }
0x511: {  	v21 =	vld [tilespmem:s4+$0xFFFFFF8A];
	v14 =	vadd.f32 v14, v12;
	v0 =	vadd.f32 v0, v1;
	v1 =	vmul.f32 v12, v12  }
0x512: {  	v17 =	vmul.f32 v16, v16;
	v16 =	vadd.f32 v18, v16;
	v18 =	vmul.f32 v18, v18  }
0x513: {  	v22 =	vld [tilespmem:s4+$0xFFFFFF9A];
	v14 =	vadd.f32 v14, v11;
	v0 =	vadd.f32 v0, v1;
	v1 =	vmul.f32 v11, v11  }
0x514: {  	v20 =	vmul.f32 v19, v19;
	v17 =	vadd.f32 v18, v17  }
0x515: {  	v23 =	vld [tilespmem:s4+$0xFFFFFFAA];
	v16 =	vadd.f32 v16, v19;
	(xrf2) =	vadd.scan.msk.f32 $0xffff, v14;
	v0 =	vadd.f32 v0, v1  }
0x516: {  	v35 =	vld [tilespmem:s4+$0xFFFFFFBA];
	v1 =	vmul.f32 v21, v21;
	v14 =	vadd.f32 v17, v20  }
0x517: {  	v16 =	vadd.f32 v16, v21;
	(xrf2) =	vadd.scan.msk.f32 $0xffff, v0  }
0x518: {  	v0 =	vmul.f32 v22, v22;
	v1 =	vadd.f32 v14, v1  }
0x519: {  	v38 =	vld [tilespmem:s4+$0xFFFFFFCA];
	v14 =	vadd.f32 v16, v22  }
0x51a: {  	v16 =	vmul.f32 v23, v23;
	v17 =	vadd.f32 v1, v0  }
0x51b: {  	v18 =	vmul.f32 v35, v35;
	v1 =	vld [tilespmem:s4+$0xFFFFFFDA];
	v14 =	vadd.f32 v14, v23  }
0x51c: {  	v37 =	vld [tilespmem:s4+$0xFFFFFFEA];
	v16 =	vadd.f32 v17, v16  }
0x51d: {  	v14 =	vadd.f32 v14, v35  }
0x51e: {  	v17 =	vmul.f32 v38, v38;
	v16 =	vadd.f32 v16, v18  }
0x51f: {  	v46 =	vimm.s32 $0xF;
	v14 =	vadd.f32 v14, v38;
	v18, _, _ =	vpop (xrf2)  }
0x520: {  	s5 =	simm.s32 $0x4180;
	v19 =	vmul.f32 v1, v1;
	v16 =	vadd.f32 v16, v17;
	v17 =	vperm.xlane v18, v46  }
0x521: {  	v41 =	vld [tilespmem:s5+$0x0];
	v14 =	vadd.f32 v14, v1;
	v18 =	vmul.f32 v37, v37;
	v20, _, _ =	vpop (xrf2)  }
0x522: {  	v16 =	vadd.f32 v16, v19;
	v20 =	vperm.xlane v20, v46;
	v19 =	vmul.f32 $7.462686390e-03, v17  }
0x523: {  	v14 =	vadd.f32 v14, v37  }
0x524: {  	v16 =	vadd.f32 v16, v18;
	v18 =	vmul.f32 $7.462686390e-03, v20;
	v20 =	vmul.f32 v19, v19  }
0x525: {  	v17 =	vld [tilespmem:s5+$0xFFFFFF80];
	(xrf2) =	vadd.scan.msk.f32 $0xffff, v14  }
0x526: {  	(xrf2) =	vadd.scan.msk.f32 $0xffff, v16;
	v16 =	vtrunc.f32 v41;
	v14 =	vsub.f32 v18, v20  }
0x527: {  	v16 =	vcvt.f32.s32 v16  }
0x528: {  	v60 =	vimm.s32 $0x0;
	v14 =	vadd.f32 $9.999999960e-13, v14  }
0x529: {  	v26 =	vmov v56;
	v56 =	vperm.xlane v15, v48;
	v16 =	vperm.xlane v16, v60  }
0x52a: {  	v15 =	vtrunc.f32 v17;
	v20 =	vshrl.u32 v14, $0x1;
	v45 =	vmul.f32 $5.000000000e-01, v14  }
0x52b: {  	v14 =	vcvt.f32.s32 v15;
	v15 =	vmul.u32 $0x7, v16;
	v47 =	vsub.s32 $0x5F3759DF, v20  }
0x52c: {  	v16 =	vmul.f32 v47, v45  }
0x52d: {  	v15 =	vadd.s32 v24, v15  }
0x52e: {  	v30 =	vld [tilespmem:s5+$0xFFFFFFF0];
	v16 =	vmul.f32 v47, v16  }
0x52f: {  	v25 =	vimm.s32 $0xF;
	v58 =	vld [tilespmem:s5+$0xFFFFFF8A];
	v20, _, _ =	vpop (xrf2)  }
0x530: {  	v27 =	vld [tilespmem:s5+$0xFFFFFF9A];
	v57 =	vnsel vm0, $0x0, v15;
	v49 =	vperm.xlane v20, v25;
	v15, _, _ =	vpop (xrf2);
	v16 =	vsub.f32 $1.500000000e+00, v16  }
0x531: {  	v28 =	vld [tilespmem:s5+$0xFFFFFFAA];
	v18 =	vperm.xlane v5, v33;
	v55 =	vperm.xlane v15, v25  }
0x532: {  	v59 =	vmov v44;
	v32 =	vld [tilespmem:s5+$0xFFFFFFBA];
	v15 =	vmul.f32 $7.462686390e-03, v49;
	v44 =	vmul.f32 v47, v16  }
0x533: {  	v31 =	vld [tilespmem:s5+$0xFFFFFFCA];
	v13 =	vsel vm0, v13, v18;
	v14 =	vperm.xlane v14, v60  }
0x534: {  	v29 =	vld [tilespmem:s5+$0xFFFFFFDA];
	v39 =	vsub.f32 v13, v15;
	v13 =	vsub.f32 v21, v15;
	v49 =	vmul.f32 v44, v45  }
0x535: {  	v40 =	vld [tilespmem:s5+$0xFFFFFFEA]  }
0x536: {  	v14 =	vmul.u32 $0x7, v14;
	v57 =	vld.idx.msk [tilespmem:v57+s18+$0x0], $0x7f;
	[tilespmem:$0x1F8F0] =	vst v13;
	v21 =	vmul.f32 v49, v44  }
0x537: {  	v36 =	vmul.f32 $7.462686390e-03, v55;
	v55 =	vld [tilespmem:s5+$0x70]  }
0x538: {  	v14 =	vadd.s32 v24, v14;
	v21 =	vsub.f32 $1.500000000e+00, v21  }
0x539: {  	v42 =	vnsel vm0, $0x0, v14  }
0x53a: {  	v21 =	vmul.f32 v21, v44  }
0x53b: {  	v0 =	vmov v33;
	v18 =	vmul.f32 v15, v15  }
0x53c: {  	v3 =	vsub.f32 v3, v19;
	v7 =	vsub.f32 v7, v19;
	v34 =	vmovc v55;
	v55 =	vmul.f32 v21, v45  }
0x53d: {  	v51 =	vsel vm2, $0x0, v30;
	v8 =	vsub.f32 v8, v19;
	v33 =	vmovc v0;
	v13 =	vsub.f32 v36, v18  }
0x53e: {  	v18 =	vld.idx.msk [tilespmem:v42+s18+$0x0], $0x7f;
	v42 =	vsub.f32 v22, v15;
	v22 =	vsub.f32 v23, v15;
	v55 =	vmul.f32 v55, v21  }
0x53f: {  	v9 =	vsub.f32 v9, v19;
	v10 =	vsub.f32 v10, v19;
	v2 =	vperm.xlane v2, v33  }
0x540: {  	v12 =	vsub.f32 v12, v19;
	[tilespmem:$0x1F900] =	vst v22;
	v22 =	vperm.xlane v30, v48;
	v55 =	vsub.f32 $1.500000000e+00, v55  }
0x541: {  	v46 =	vsel vm1, $0x0, v17;
	v17 =	vperm.xlane v17, v0;
	v0 =	vmovc v48;
	v2 =	vsel vm0, v4, v2  }
0x542: {  	v2 =	vsub.f32 v2, v19;
	[tilespmem:$0x1F910] =	vst v22;
	v22 =	vsub.f32 v35, v15;
	v21 =	vmul.f32 v55, v21  }
0x543: {  	v6 =	vperm.xlane v6, v0;
	v0 =	vld [tilespmem:$0x1FE90];
	v23 =	vsel vm1, $0x0, v41;
	v30 =	vsub.f32 v38, v15  }
0x544: {  	[tilespmem:$0x1F920] =	vst v22;
	v22 =	vadd.f32 $9.999999960e-13, v13;
	v13 =	vnsel vm0, $0x0, v57;
	v2 =	vmul.f32 v21, v2  }
0x545: {  	v36 =	vld [tilespmem:s5+$0xA];
	v47 =	vadd.f32 v13, v23;
	v13 =	vmul.f32 v13, v13;
	v23 =	vmul.f32 v23, v23  }
0x546: {  	v11 =	vsub.f32 v11, v19;
	v48 =	vsel vm2, $0x0, v34;
	[tilespmem:$0x1F930] =	vst v30;
	v2 =	vmul.f32 v2, v59  }
0x547: {  	v6 =	vsub.f32 v6, v19;
	v38 =	vld [tilespmem:s5+$0x1A];
	v13 =	vadd.f32 v13, v23;
	v23 =	vmul.f32 v48, v48  }
0x548: {  	v50 =	vmul.f32 v46, v46;
	v47 =	vadd.f32 v47, v48;
	v19 =	vadd.f32 v2, v0;
	v0 =	vld [tilespmem:$0x1FEA0]  }
0x549: {  	s20 =	simm.s32 $0x80;
	v35 =	vmovc v57;
	v57 =	vnsel vm0, $0x0, v18;
	v23 =	vadd.f32 v13, v23;
	v13 =	vlaneseq.u32  }
0x54a: {  	v30 =	vadd.f32 v57, v46;
	v46 =	vadd.f32 v47, v36;
	v13 =	vor.u32 s20, v13  }
0x54b: {  	v45 =	vld [tilespmem:s5+$0x2A];
	[tilespmem:$0x1F9A0] =	vst v13;
	v7 =	vmul.f32 v21, v7  }
0x54c: {  	v48 =	vmul.f32 v36, v36;
	v49 =	vadd.f32 v46, v38;
	v46 =	vld [tilespmem:s5+$0x3A]  }
0x54d: {  	v7 =	vmul.f32 v7, v0;
	v0 =	vld [tilespmem:$0x1FEC0]  }
0x54e: {  	v55 =	vmul.f32 v38, v38;
	v23 =	vadd.f32 v23, v48;
	v3 =	vmul.f32 v21, v3  }
0x54f: {  	v47 =	vld [tilespmem:s5+$0x4A]  }
0x550: {  	v4 =	vmul.f32 v45, v45;
	v23 =	vadd.f32 v23, v55;
	v3 =	vmul.f32 v3, v26  }
0x551: {  	v48 =	vld [tilespmem:s5+$0x5A];
	v49 =	vadd.f32 v49, v45  }
0x552: {  	v4 =	vadd.f32 v23, v4;
	v23 =	vmul.f32 v46, v46;
	v3 =	vadd.f32 v3, v0;
	v0 =	vld [tilespmem:$0x1FEB0]  }
0x553: {  	v13 =	vadd.f32 v49, v46;
	v49 =	vld [tilespmem:s5+$0x6A]  }
0x554: {  	v4 =	vadd.f32 v4, v23;
	v23 =	vmul.f32 v47, v47  }
0x555: {  	v8 =	vmul.f32 v21, v8;
	v13 =	vadd.f32 v13, v47  }
0x556: {  	v4 =	vadd.f32 v4, v23;
	v23 =	vmul.f32 v48, v48  }
0x557: {  	v2 =	vadd.f32 v13, v48;
	v8 =	vmul.f32 v8, v0;
	v0 =	vld [tilespmem:$0x1FEF0]  }
0x558: {  	v4 =	vadd.f32 v4, v23;
	v23 =	vmul.f32 v49, v49  }
0x559: {  	v2 =	vadd.f32 v2, v49  }
0x55a: {  	v4 =	vadd.f32 v4, v23  }
0x55b: {  	(xrf2) =	vadd.scan.msk.f32 $0xffff, v2  }
0x55c: {  	(xrf2) =	vadd.scan.msk.f32 $0xffff, v4;
	v4 =	vadd.f32 v7, v0;
	v0 =	vld [tilespmem:$0x1FED0];
	_ =	sdelay $0x2  }
0x55d: {  	v57 =	vmul.f32 v57, v57;
	v9 =	vmul.f32 v21, v9;
	_ =	sdelay $0x1  }
0x55e: {  	v61 =	vmovc v52;
	v52 =	vmul.f32 v51, v51;
	v50 =	vadd.f32 v57, v50;
	v7 =	vmul.f32 v9, v0;
	v0 =	vld [tilespmem:$0x1FF00]  }
0x55f: {  	v51 =	vadd.f32 v30, v51  }
0x560: {  	v63 =	vmov v43;
	v43 =	vmul.f32 v58, v58;
	v23 =	vadd.f32 v50, v52  }
0x561: {  	v26 =	vadd.f32 v51, v58  }
0x562: {  	v9 =	vadd.f32 v23, v43  }
0x563: {  	v23 =	vadd.f32 v26, v27;
	v26 =	vadd.f32 v8, v0;
	v0 =	vld [tilespmem:$0x1FEE0];
	_ =	sdelay $0x2  }
0x564: {  	v10 =	vmul.f32 v21, v10;
	_ =	sdelay $0x1  }
0x565: {  	v8 =	vmul.f32 v10, v0;
	v0 =	vld [tilespmem:$0x1FF30];
	_ =	sdelay $0x4  }
0x566: {  	v10 =	vmul.f32 v21, v11;
	v11 =	vadd.f32 v23, v28;
	v23 =	vadd.f32 v7, v0;
	v0 =	vld [tilespmem:$0x1FF10];
	_ =	sdelay $0x2  }
0x567: {  	v12 =	vmul.f32 v21, v12;
	v13 =	vshrl.u32 v22, $0x1;
	v22 =	vmul.f32 $5.000000000e-01, v22  }
0x568: {  	v13 =	vsub.s32 $0x5F3759DF, v13  }
0x569: {  	v2 =	vmul.f32 v13, v22;
	v7 =	vmul.f32 v12, v0;
	v0 =	vld [tilespmem:$0x1FF20];
	_ =	sdelay $0x1  }
0x56a: {  	v2 =	vmul.f32 v13, v2  }
0x56b: {  	v53 =	vmul.f32 v27, v27  }
0x56c: {  	v54 =	vmul.f32 v28, v28;
	v6 =	vmul.f32 v21, v6;
	v2 =	vsub.f32 $1.500000000e+00, v2  }
0x56d: {  	[tilespmem:$0x1F940] =	vst v58;
	v9 =	vadd.f32 v9, v53;
	v21 =	vadd.f32 v8, v63;
	v8 =	vmul.f32 v10, v0;
	v0 =	vld [tilespmem:$0x1FF50]  }
0x56e: {  	v5 =	vmul.f32 v31, v31;
	[tilespmem:$0x1F950] =	vst v27;
	v2 =	vmul.f32 v13, v2;
	v11 =	vadd.f32 v11, v32  }
0x56f: {  	v20 =	vmul.f32 v32, v32;
	v14 =	vmul.f32 v29, v29;
	[tilespmem:$0x1F960] =	vst v28;
	v9 =	vadd.f32 v9, v54  }
0x570: {  	s26 =	simm.s32 $0x4280;
	v16 =	vmul.f32 v40, v40;
	[tilespmem:$0x1F970] =	vst v31;
	v12 =	vmul.f32 v2, v22  }
0x571: {  	v53 =	vmul.f32 v6, v62;
	v62 =	vld [tilespmem:s26+$0x0];
	v9 =	vadd.f32 v9, v20;
	v20 =	vadd.f32 v8, v61  }
0x572: {  	v12 =	vmul.f32 v12, v2;
	v10 =	vadd.f32 v7, v0;
	v7 =	vadd.f32 v11, v31;
	v11, _, _ =	vpop (xrf2)  }
0x573: {  	v44 =	vmovc v29;
	v8 =	vadd.f32 v9, v5;
	v0 =	vsub.f32 v56, v15;
	v9 =	vperm.xlane v11, v25  }
0x574: {  	v50 =	vmov v32;
	v32 =	vld [tilespmem:s26+$0xFFFFFF80];
	[tilespmem:$0x1F980] =	vst v40;
	v11, _, _ =	vpop (xrf2);
	v6 =	vadd.f32 v7, v44;
	v7 =	vsub.f32 $1.500000000e+00, v12  }
0x575: {  	v29 =	vmovc v33;
	v51 =	vsub.f32 v1, v15;
	v43 =	vld [tilespmem:s26+$0xFFFFFFF0];
	v11 =	vperm.xlane v11, v25;
	v63 =	vmul.f32 $7.462686390e-03, v9  }
0x576: {  	v33 =	vmovc v45;
	v45 =	vld [tilespmem:s26+$0xFFFFFF8A];
	v8 =	vadd.f32 v8, v14;
	[tilespmem:$0x1F990] =	vst v0;
	v0 =	vtrunc.f32 v62;
	v14 =	vmul.f32 v7, v2  }
0x577: {  	s20 =	simm.s32 $0xC080;
	v1 =	vadd.f32 v6, v40;
	v6 =	vmul.f32 $7.462686390e-03, v11;
	v7 =	vmul.f32 v63, v63  }
0x578: {  	v0 =	vcvt.f32.s32 v0;
	[tilespmem:s20+$0x0] =	vst v19;
	v2 =	vadd.f32 v8, v16  }
0x579: {  	[tilespmem:s20+$0x10] =	vst v3;
	(xrf2) =	vadd.scan.msk.f32 $0xffff, v1;
	v1 =	vsub.f32 v6, v7  }
0x57a: {  	[tilespmem:s20+$0x20] =	vst v4;
	v0 =	vperm.xlane v0, v60;
	(xrf2) =	vadd.scan.msk.f32 $0xffff, v2  }
0x57b: {  	[tilespmem:s20+$0x30] =	vst v26;
	v1 =	vadd.f32 $9.999999960e-13, v1  }
0x57c: {  	[tilespmem:s20+$0x40] =	vst v23;
	v0 =	vmul.u32 $0x7, v0  }
0x57d: {  	[tilespmem:s20+$0x50] =	vst v21;
	v9 =	vshrl.u32 v1, $0x1;
	v16 =	vmul.f32 $5.000000000e-01, v1  }
0x57e: {  	v27 =	vsel vm0, v18, v17;
	[tilespmem:s20+$0x60] =	vst v10;
	v0 =	vadd.s32 v24, v0;
	v12 =	vsub.s32 $0x5F3759DF, v9  }
0x57f: {  	v2 =	vtrunc.f32 v32;
	v19 =	vnsel vm0, $0x0, v0;
	v0 =	vld [tilespmem:$0x1FF90];
	v18 =	vmul.f32 v12, v16  }
0x580: {  	v55 =	vld [tilespmem:s26+$0xFFFFFF9A];
	v7 =	vcvt.f32.s32 v2  }
0x581: {  	v52 =	vsub.f32 v37, v15;
	v57 =	vld [tilespmem:s26+$0xFFFFFFAA];
	v18 =	vmul.f32 v12, v18  }
0x582: {  	v61 =	vperm.xlane v32, v29;
	v15 =	vsel vm1, $0x0, v32;
	v58 =	vld [tilespmem:s26+$0xFFFFFFBA];
	v7 =	vperm.xlane v7, v60  }
0x583: {  	v59 =	vld [tilespmem:s26+$0xFFFFFFCA];
	v8 =	vsel vm2, $0x0, v43;
	v13 =	vmul.f32 v14, v22;
	v22, _, _ =	vpop (xrf2);
	v18 =	vsub.f32 $1.500000000e+00, v18  }
0x584: {  	s21 =	simm.s32 $0x0;
	v37 =	vld [tilespmem:s26+$0xFFFFFFEA];
	[tilespmem:s20+$0x70] =	vst v20;
	v1 =	vmul.u32 $0x7, v7;
	v10 =	vadd.f32 v53, v0;
	v0 =	vlaneseq.u32;
	v21, _, _ =	vpop (xrf2)  }
0x585: {  	v5 =	vperm.xlane v21, v25;
	v21 =	vmul.f32 v12, v18;
	v12 =	vor.u32 s21, v0;
	v0 =	vld [tilespmem:$0x1F9A0]  }
0x586: {  	v28 =	vld [tilespmem:s26+$0xFFFFFFDA];
	v11 =	vmul.f32 v8, v8;
	v6 =	vmul.f32 v15, v15  }
0x587: {  	v2 =	vmul.f32 v45, v45;
	v3 =	vmul.f32 v58, v58;
	v1 =	vadd.s32 v24, v1  }
0x588: {  	v4 =	vmul.f32 v59, v59;
	v23 =	vnsel vm0, $0x0, v1;
	v22 =	vperm.xlane v22, v25  }
0x589: {  	v54 =	vmul.f32 v37, v37;
	v17 =	vmul.f32 v13, v14  }
0x58a: {  	v9 =	vmul.f32 v55, v55;
	v53 =	vmul.f32 $7.462686390e-03, v22  }
0x58b: {  	v7 =	vmul.f32 v57, v57;
	v1 =	vmul.f32 v28, v28  }
0x58c: {  	s29 =	simm.s32 $0x6;
	v13 =	vld.idx.msk [tilespmem:v19+s18+$0x0], $0x7f;
	v18 =	vsub.f32 $1.500000000e+00, v17;
	v19 =	vmul.f32 $7.462686390e-03, v5;
	v20 =	vmul.f32 v53, v53  }
0x58d: {  	s1 =	simm.s32 $0xC080;
	s2 =	simm.s32 $0x4;
	s21 =	simm.s32 $0x2;
	v5 =	vsub.f32 v27, v53;
	[tilespmem:v0+s28+$0x0] =	vst.idx.msk $0x3f, v10;
	v0 =	vld.idx.msk [tilespmem:v23+s18+$0x0], $0x7f;
	v10 =	vmul.f32 v21, v16  }
.LBB2_8:
0x58e: {  	v32 =	vld [tilespmem:$0x1FFE0];
	_ =	sdelay $0x2  }
0x58f: {  	v22 =	vld [tilespmem:$0x1F940];
	v10 =	vmul.f32 v10, v21;
	_ =	sdelay $0x1  }
0x590: {  	v23 =	vperm.xlane v43, v32;
	v43 =	vsub.f32 $1.500000000e+00, v10;
	v10 =	vld [tilespmem:$0x1F8F0];
	_ =	sdelay $0x2  }
0x591: {  	v14 =	vmul.f32 v18, v14;
	v19 =	vsub.f32 v19, v20;
	v22 =	vsub.f32 v22, v53  }
0x592: {  	[tilespmem:$0x1F7D0] =	vst v52  }
0x593: {  	v52 =	vmovc v44;
	v44 =	vmovc v57;
	v57 =	vadd.f32 $9.999999960e-13, v19;
	[tilespmem:$0x1F7A0] =	vst v23;
	v23 =	vld [tilespmem:s26+$0x70];
	v19 =	vmul.f32 v14, v10;
	v10 =	vmov v22  }
0x594: {  	[tilespmem:$0x1F8F0] =	vst v10;
	v10 =	vld [tilespmem:$0x1F970];
	_ =	sdelay $0x1  }
0x595: {  	v17 =	vmovc v42;
	v42 =	vmovc v45;
	v45 =	vmov v55;
	v30 =	vsel vm1, $0x0, v62;
	v55 =	vnsel vm0, $0x0, v13;
	v22 =	vld [tilespmem:s26+$0xA]  }
0x596: {  	v60 =	vadd.f32 v55, v30  }
0x597: {  	[tilespmem:$0x1F7B0] =	vst v51;
	v24 =	vsub.f32 v50, v53;
	v51 =	vmov v59;
	v31 =	vsel vm2, $0x0, v23  }
0x598: {  	s4 =	sshll.u32 s21, $0x7;
	v21 =	vmul.f32 v43, v21;
	v59 =	vadd.f32 v60, v31;
	v56 =	vsub.f32 v10, v53;
	v10 =	vmovc v5  }
0x599: {  	v50 =	vmovc v58;
	s5 =	sadd.s32 $0x80, s4;
	v58 =	vmul.f32 v55, v55;
	v30 =	vmul.f32 v30, v30;
	[tilespmem:$0x1F800] =	vst v10;
	v10 =	vlaneseq.u32  }
0x59a: {  	v16 =	vmul.f32 v21, v16;
	v60 =	vadd.f32 v59, v22;
	v59 =	vor.u32 s5, v10;
	v10 =	vld [tilespmem:$0x1FFD0]  }
0x59b: {  	v30 =	vadd.f32 v58, v30;
	v31 =	vmul.f32 v31, v31;
	v5 =	vld [tilespmem:s26+$0x1A]  }
0x59c: {  	v40 =	vmul.f32 v14, v39;
	v39 =	vld [tilespmem:s26+$0x2A];
	v16 =	vmul.f32 v16, v21  }
0x59d: {  	v38 =	vsub.f32 v38, v63;
	v29 =	vld [tilespmem:$0x1FF30];
	v30 =	vadd.f32 v30, v31;
	v31 =	vmul.f32 v22, v22  }
0x59e: {  	v46 =	vsub.f32 v46, v63;
	[tilespmem:$0x1F7E0] =	vst v40;
	v40 =	vld [tilespmem:$0x1FE90];
	v16 =	vsub.f32 $1.500000000e+00, v16  }
0x59f: {  	v43 =	vmovc v62;
	v62 =	vld [tilespmem:$0x1FEE0];
	v26 =	vmov v23;
	v23 =	vadd.f32 v30, v31;
	v25 =	vperm.xlane v41, v10  }
0x5a0: {  	v16 =	vmul.f32 v16, v21;
	v31 =	vsub.f32 v36, v63;
	v36 =	vld [tilespmem:$0x1FEF0];
	v58 =	vadd.f32 v60, v5  }
0x5a1: {  	v34 =	vperm.xlane v34, v32;
	[tilespmem:$0x1F7F0] =	vst v19;
	v30 =	vmul.f32 v39, v39;
	v41 =	vld [tilespmem:$0x1FE60];
	v25 =	vsel vm0, v35, v25  }
0x5a2: {  	v60 =	vmovc v13;
	v13 =	vadd.f32 v58, v39;
	v58 =	vmul.f32 v16, v38;
	v38 =	vld [tilespmem:$0x1FE80];
	v21 =	vsub.f32 v25, v63  }
0x5a3: {  	v19 =	vmovc v12;
	[tilespmem:$0x1F7C0] =	vst v56;
	v55 =	vmov v5;
	v35 =	vld [tilespmem:$0x1FEA0];
	v25 =	vmul.f32 v5, v5;
	v5 =	vmul.f32 v16, v31  }
0x5a4: {  	v56 =	vmovc v39;
	v39 =	vld [tilespmem:$0x1FEC0];
	v31 =	vsub.f32 v47, v63;
	v47 =	vsub.f32 v48, v63;
	v21 =	vmul.f32 v16, v21  }
0x5a5: {  	v48 =	vsub.f32 v49, v63;
	v49 =	vsub.f32 v34, v63;
	v34 =	vld [tilespmem:$0x1FEB0]  }
0x5a6: {  	[tilespmem:$0x1F810] =	vst v19;
	v19 =	vmov v22;
	v22 =	vsub.f32 v33, v63;
	v63 =	vld [tilespmem:$0x1FED0];
	v21 =	vmul.f32 v21, v41  }
0x5a7: {  	v33 =	vld [tilespmem:$0x1FF00];
	v5 =	vmul.f32 v5, v38  }
0x5a8: {  	v27 =	vld [tilespmem:$0x1FF40];
	[tilespmem:$0x1F790] =	vst v24;
	v22 =	vmul.f32 v16, v22;
	v24 =	vmul.f32 v58, v35;
	v21 =	vadd.f32 v21, v40  }
0x5a9: {  	s20 =	sadd.s32 $0x100, s20;
	v23 =	vadd.f32 v23, v25;
	v25 =	vld [tilespmem:$0x1FF20];
	v58 =	vmul.f32 v16, v46;
	v5 =	vadd.f32 v5, v39  }
0x5aa: {  	v31 =	vmul.f32 v16, v31;
	v46 =	vld [tilespmem:s26+$0x3A];
	v22 =	vmul.f32 v22, v34;
	[tilespmem:s20+$0x0] =	vst v21;
	v21 =	vadd.f32 v24, v36  }
0x5ab: {  	v24 =	vmul.f32 v58, v63;
	v58 =	vmul.f32 v16, v47;
	v47 =	vld [tilespmem:s26+$0x4A];
	[tilespmem:s20+$0x10] =	vst v5  }
0x5ac: {  	v5 =	vadd.f32 v22, v33;
	v22 =	vmul.f32 v31, v62;
	v31 =	vmul.f32 v16, v48;
	[tilespmem:s20+$0x20] =	vst v21  }
0x5ad: {  	v48 =	vld [tilespmem:s26+$0x5A]  }
0x5ae: {  	[tilespmem:s20+$0x30] =	vst v5;
	v5 =	vadd.f32 v22, v27;
	v22 =	vmul.f32 v31, v25;
	v31 =	vld [tilespmem:$0x1FF70];
	_ =	sdelay $0x1  }
0x5af: {  	v18 =	vld [tilespmem:$0x1F950];
	v21 =	vadd.f32 v24, v29  }
0x5b0: {  	v12 =	vnsel vm0, $0x0, v0  }
0x5b1: {  	v32 =	vld [tilespmem:$0x1FF10];
	v15 =	vadd.f32 v12, v15;
	[tilespmem:s20+$0x40] =	vst v21  }
0x5b2: {  	v12 =	vmul.f32 v12, v12;
	v16 =	vmul.f32 v16, v49;
	v49 =	vld [tilespmem:s26+$0x6A];
	[tilespmem:s20+$0x50] =	vst v5;
	v5 =	vadd.f32 v22, v31;
	_ =	sdelay $0x1  }
0x5b3: {  	v20 =	vsub.f32 v18, v53;
	v18 =	vld [tilespmem:$0x1F960];
	[tilespmem:s20+$0x70] =	vst v5;
	v5 =	vadd.f32 v12, v6;
	_ =	sdelay $0x1  }
0x5b4: {  	v5 =	vadd.f32 v5, v11  }
0x5b5: {  	v24 =	vmul.f32 v58, v32;
	v58 =	vld [tilespmem:$0x1FF50]  }
0x5b6: {  	v2 =	vadd.f32 v5, v2;
	v5 =	vsel vm0, v0, v61;
	v0 =	vld [tilespmem:$0x1F790]  }
0x5b7: {  	v18 =	vsub.f32 v18, v53;
	v13 =	vadd.f32 v13, v46;
	_ =	sdelay $0x1  }
0x5b8: {  	v8 =	vadd.f32 v15, v8;
	v13 =	vadd.f32 v13, v47  }
0x5b9: {  	[tilespmem:$0x1F940] =	vst v42;
	v21 =	vadd.f32 v24, v58  }
0x5ba: {  	v8 =	vadd.f32 v8, v42;
	v42 =	vmovc v20;
	v20 =	vmovc v18;
	v6 =	vadd.f32 v13, v48;
	v18 =	vmov v0;
	v0 =	vld [tilespmem:$0x1F7A0]  }
0x5bb: {  	v23 =	vadd.f32 v23, v30;
	v24 =	vmul.f32 v46, v46;
	[tilespmem:s20+$0x60] =	vst v21;
	v21 =	vmul.f32 v47, v47  }
0x5bc: {  	v22 =	vshrl.u32 v57, $0x1;
	v12 =	vmul.f32 $5.000000000e-01, v57;
	v6 =	vadd.f32 v6, v49  }
0x5bd: {  	v15 =	vadd.f32 v23, v24;
	v11 =	vsub.s32 $0x5F3759DF, v22  }
0x5be: {  	(xrf2) =	vadd.scan.msk.f32 $0xffff, v6;
	v6 =	vmul.f32 v11, v12  }
0x5bf: {  	v13 =	vadd.f32 v15, v21;
	v21 =	vmov v0;
	v0 =	vld [tilespmem:$0x1F7B0]  }
0x5c0: {  	v2 =	vadd.f32 v2, v9;
	v6 =	vmul.f32 v11, v6;
	_ =	sdelay $0x1  }
0x5c1: {  	v10 =	vld [tilespmem:$0x1FF60];
	v2 =	vadd.f32 v2, v7;
	v6 =	vsub.f32 $1.500000000e+00, v6  }
0x5c2: {  	v30 =	vld [tilespmem:$0x1FF90]  }
0x5c3: {  	v2 =	vadd.f32 v2, v3;
	v3 =	vmul.f32 v11, v6;
	v6 =	vmul.f32 v14, v0;
	v0 =	vld [tilespmem:$0x1F7C0];
	_ =	sdelay $0x2  }
0x5c4: {  	v16 =	vmul.f32 v16, v10;
	_ =	sdelay $0x1  }
0x5c5: {  	v16 =	vadd.f32 v16, v30;
	v15 =	vmul.f32 v48, v48;
	v11 =	vmov v0;
	v0 =	vld [tilespmem:$0x1F7D0]  }
0x5c6: {  	v8 =	vadd.f32 v8, v45  }
0x5c7: {  	[tilespmem:v59+s28+$0x0] =	vst.idx.msk $0x3f, v16;
	v16 =	vld [tilespmem:$0x1F900];
	v13 =	vadd.f32 v13, v15;
	v15 =	vmul.f32 v49, v49  }
0x5c8: {  	v8 =	vadd.f32 v8, v44;
	[tilespmem:$0x1F900] =	vst v20;
	v20 =	vld [tilespmem:$0x1F930]  }
0x5c9: {  	v13 =	vadd.f32 v13, v15;
	v15 =	vmul.f32 v14, v17;
	v17 =	vld [tilespmem:$0x1F990]  }
0x5ca: {  	v8 =	vadd.f32 v8, v50;
	[tilespmem:$0x1F930] =	vst v11;
	v11 =	vmul.f32 v14, v0;
	v0 =	vld [tilespmem:$0x1F7E0]  }
0x5cb: {  	(xrf2) =	vadd.scan.msk.f32 $0xffff, v13;
	v13 =	vld [tilespmem:$0x1F980]  }
0x5cc: {  	[tilespmem:$0x1F960] =	vst v44;
	v8 =	vadd.f32 v8, v51;
	v7 =	vld [tilespmem:$0x1F920]  }
0x5cd: {  	v44 =	vmov v28;
	v9 =	vsub.f32 v52, v53;
	[tilespmem:$0x1F920] =	vst v18;
	v18 =	vld [tilespmem:$0x1F910]  }
0x5ce: {  	v8 =	vadd.f32 v8, v44  }
0x5cf: {  	[tilespmem:$0x1F970] =	vst v51;
	v16 =	vmul.f32 v14, v16;
	v51 =	vmov v9;
	v9 =	vmul.f32 v0, v41;
	v0 =	vld [tilespmem:$0x1F7F0]  }
0x5d0: {  	v8 =	vadd.f32 v8, v37;
	v20 =	vmul.f32 v14, v20;
	v17 =	vmul.f32 v14, v17  }
0x5d1: {  	v13 =	vsub.f32 v13, v53;
	v7 =	vmul.f32 v14, v7;
	[tilespmem:$0x1F910] =	vst v21;
	v21 =	vadd.f32 v2, v4  }
0x5d2: {  	v18 =	vsub.f32 v18, v53;
	v4 =	vmul.f32 v3, v12;
	v2, _, _ =	vpop (xrf2);
	(xrf2) =	vadd.scan.msk.f32 $0xffff, v8;
	v8 =	vadd.f32 v9, v40  }
0x5d3: {  	v7 =	vmul.f32 v7, v63;
	v1 =	vadd.f32 v21, v1;
	v6 =	vmul.f32 v6, v32  }
0x5d4: {  	v24 =	vimm.s32 $0xF;
	v52 =	vmovc v13;
	[tilespmem:s1+$0xFFFFFF80] =	vst v8;
	v13 =	vmul.f32 v0, v38;
	v0 =	vmovc v18;
	v18 =	vmul.f32 v4, v3  }
0x5d5: {  	s26 =	sadd.s32 $0x100, s26;
	v14 =	vmul.f32 v15, v35;
	[tilespmem:$0x1F990] =	vst v0;
	v0 =	vadd.f32 v1, v54;
	v1 =	vperm.xlane v2, v24  }
0x5d6: {  	[tilespmem:$0x1F950] =	vst v45;
	v15 =	vmul.f32 v16, v34;
	v4, _, _ =	vpop (xrf2);
	v2 =	vsub.f32 $1.500000000e+00, v18;
	v8 =	vadd.f32 v13, v39;
	v13 =	vld [tilespmem:s26+$0xFFFFFF80]  }
0x5d7: {  	v21 =	vld [tilespmem:$0x1FFF0];
	v41 =	vmovc v43;
	v4 =	vperm.xlane v4, v24;
	v63 =	vmul.f32 $7.462686390e-03, v1;
	(xrf2) =	vadd.scan.msk.f32 $0xffff, v0;
	v0 =	vadd.f32 v14, v36  }
0x5d8: {  	v9 =	vmul.f32 v20, v62;
	v43 =	vld [tilespmem:s26+$0xFFFFFFF0];
	v1 =	vadd.f32 v15, v33;
	v14 =	vmul.f32 v2, v3;
	[tilespmem:s1+$0xFFFFFF90] =	vst v8  }
0x5d9: {  	v2 =	vmul.f32 $7.462686390e-03, v4;
	v45 =	vld [tilespmem:s26+$0xFFFFFF8A];
	v3 =	vmul.f32 v63, v63;
	[tilespmem:s1+$0xFFFFFFA0] =	vst v0;
	v0 =	vadd.f32 v7, v29  }
0x5da: {  	v11 =	vmul.f32 v11, v25;
	v38 =	vmov v55;
	v55 =	vld [tilespmem:s26+$0xFFFFFF9A];
	[tilespmem:s1+$0xFFFFFFB0] =	vst v1;
	v1 =	vadd.f32 v9, v27  }
0x5db: {  	v4 =	vadd.f32 v6, v58;
	v57 =	vld [tilespmem:s26+$0xFFFFFFAA];
	v2 =	vsub.f32 v2, v3;
	[tilespmem:s1+$0xFFFFFFC0] =	vst v0;
	v3 =	vtrunc.f32 v13  }
0x5dc: {  	v0 =	vadd.f32 v11, v31;
	v58 =	vld [tilespmem:s26+$0xFFFFFFBA];
	[tilespmem:s1+$0xFFFFFFD0] =	vst v1;
	v1 =	vcvt.f32.s32 v3  }
0x5dd: {  	v9 =	vimm.s32 $0x0;
	v59 =	vld [tilespmem:s26+$0xFFFFFFCA];
	[tilespmem:s1+$0xFFFFFFE0] =	vst v4  }
0x5de: {  	v28 =	vld [tilespmem:s26+$0xFFFFFFDA];
	[tilespmem:s1+$0xFFFFFFF0] =	vst v0;
	v0 =	vperm.xlane v1, v9  }
0x5df: {  	v62 =	vld [tilespmem:s26+$0x0]  }
0x5e0: {  	v0 =	vmul.u32 $0x7, v0;
	_ =	sdelay $0x1  }
0x5e1: {  	v12 =	vmul.f32 v14, v12;
	v0 =	vadd.s32 v21, v0  }
0x5e2: {  	v23 =	vnsel vm0, $0x0, v0;
	v0 =	vlaneseq.u32  }
0x5e3: {  	v33 =	vmovc v56;
	v6 =	vtrunc.f32 v62;
	v56 =	vmul.f32 v12, v14;
	v12 =	vor.u32 s4, v0;
	v0 =	vld [tilespmem:$0x1FFD0]  }
0x5e4: {  	v7 =	vcvt.f32.s32 v6  }
0x5e5: {  	v3 =	vadd.f32 $9.999999960e-13, v2  }
0x5e6: {  	v17 =	vmul.f32 v17, v10;
	v16 =	vmov v37;
	v18, _, _ =	vpop (xrf2);
	v4 =	vperm.xlane v7, v9  }
0x5e7: {  	[tilespmem:$0x1F980] =	vst v16;
	v18 =	vperm.xlane v18, v24;
	v1 =	vshrl.u32 v3, $0x1;
	v16 =	vmul.f32 $5.000000000e-01, v3  }
0x5e8: {  	v36 =	vmovc v19;
	v4 =	vmul.u32 $0x7, v4;
	v19 =	vsub.s32 $0x5F3759DF, v1;
	v61 =	vperm.xlane v13, v0;
	v0 =	vld [tilespmem:$0x1F810]  }
0x5e9: {  	v8 =	vsel vm2, $0x0, v43;
	v15 =	vsel vm1, $0x0, v13;
	v1 =	vmul.f32 v19, v16  }
0x5ea: {  	v11 =	vmul.f32 v8, v8;
	v53 =	vmul.f32 $7.462686390e-03, v18;
	v4 =	vadd.s32 v21, v4  }
0x5eb: {  	v6 =	vmul.f32 v15, v15;
	v37 =	vld [tilespmem:s26+$0xFFFFFFEA];
	v22 =	vnsel vm0, $0x0, v4;
	v21 =	vmul.f32 v19, v1  }
0x5ec: {  	p0 =	slt.u32 s29, $0x7E;
	v2 =	vmul.f32 v45, v45;
	v9 =	vmul.f32 v55, v55  }
.Ltmp3:
0x5ed: {  	v7 =	vmul.f32 v57, v57;
	v20, _, _ =	vpop (xrf2);
	v3 =	vmul.f32 v58, v58;
	v21 =	vsub.f32 $1.500000000e+00, v21;
	(pc) =	sbr.rel @p0 .LBB2_8-.Ltmp3, $4  }
0x5ee: {  	v17 =	vadd.f32 v17, v30;
	v4 =	vmul.f32 v59, v59;
	v20 =	vperm.xlane v20, v24  }
0x5ef: {  	v39 =	vld [tilespmem:$0x1F800];
	v5 =	vsub.f32 v5, v53;
	v1 =	vmul.f32 v28, v28;
	v21 =	vmul.f32 v19, v21  }
0x5f0: {  	s21 =	smov.u32 s2;
	v35 =	vmov v60;
	v54 =	vmul.f32 v37, v37;
	v19 =	vmul.f32 $7.462686390e-03, v20;
	v13 =	vld.idx.msk [tilespmem:v22+s18+$0x0], $0x7f;
	[tilespmem:v0+s28+$0x0] =	vst.idx.msk $0x3f, v17  }
0x5f1: {  	s2 =	smov.u32 s29;
	s29 =	sadd.s32 $0x2, s29;
	v34 =	vmovc v26;
	s1 =	smov.u32 s20;
	v18 =	vsub.f32 $1.500000000e+00, v56;
	v20 =	vmul.f32 v53, v53;
	v10 =	vmul.f32 v21, v16;
	v0 =	vld.idx.msk [tilespmem:v23+s18+$0x0], $0x7f  }
0x5f2: {  	v27 =	vld [tilespmem:s26+$0x70];
	_ =	sdelay $0x4  }
0x5f3: {  	[tilespmem:$0x1F710] =	vst v27  }
0x5f4: {  	v22 =	vsel vm1, $0x0, v62;
	v25 =	vnsel vm0, $0x0, v13;
	v17 =	vld [tilespmem:s26+$0xA]  }
0x5f5: {  	v24 =	vmul.f32 v22, v22;
	v23 =	vmul.f32 v25, v25;
	v25 =	vadd.f32 v25, v22  }
0x5f6: {  	v22 =	vsel vm2, $0x0, v27;
	v26 =	vld [tilespmem:s26+$0x1A]  }
0x5f7: {  	v23 =	vadd.f32 v23, v24;
	v56 =	vmul.f32 v22, v22;
	v25 =	vadd.f32 v25, v22  }
0x5f8: {  	v60 =	vld [tilespmem:s26+$0x2A]  }
0x5f9: {  	v22 =	vadd.f32 v23, v56;
	[tilespmem:$0x1F720] =	vst v17;
	v23 =	vmul.f32 v17, v17;
	v30 =	vadd.f32 v25, v17  }
0x5fa: {  	v31 =	vld [tilespmem:s26+$0x3A]  }
0x5fb: {  	[tilespmem:$0x1F730] =	vst v26;
	v22 =	vadd.f32 v22, v23;
	v23 =	vmul.f32 v26, v26;
	v24 =	vadd.f32 v30, v26  }
0x5fc: {  	v32 =	vld [tilespmem:s26+$0x4A]  }
0x5fd: {  	[tilespmem:$0x1F740] =	vst v60;
	v22 =	vadd.f32 v22, v23;
	v23 =	vmul.f32 v60, v60;
	v24 =	vadd.f32 v24, v60  }
0x5fe: {  	v60 =	vld [tilespmem:s26+$0x5A]  }
0x5ff: {  	v22 =	vadd.f32 v22, v23;
	[tilespmem:$0x1F750] =	vst v31;
	v23 =	vmul.f32 v31, v31;
	v24 =	vadd.f32 v24, v31  }
0x600: {  	v56 =	vnsel vm0, $0x0, v0;
	v40 =	vld [tilespmem:s26+$0x6A]  }
0x601: {  	v22 =	vadd.f32 v22, v23;
	v23 =	vmul.f32 v32, v32;
	v24 =	vadd.f32 v24, v32  }
0x602: {  	v30 =	vmul.f32 v56, v56  }
0x603: {  	v22 =	vadd.f32 v22, v23;
	v23 =	vmul.f32 v60, v60;
	v24 =	vadd.f32 v24, v60  }
0x604: {  	v6 =	vadd.f32 v30, v6  }
0x605: {  	v22 =	vadd.f32 v22, v23;
	v23 =	vadd.f32 v24, v40  }
0x606: {  	v6 =	vadd.f32 v6, v11;
	v17 =	vmul.f32 v40, v40  }
0x607: {  	[tilespmem:$0x1F770] =	vst v40;
	v40 =	vadd.f32 v56, v15;
	(xrf2) =	vadd.scan.msk.f32 $0xffff, v23  }
0x608: {  	v2 =	vadd.f32 v6, v2;
	v22 =	vadd.f32 v22, v17  }
0x609: {  	v6 =	vadd.f32 v40, v8  }
0x60a: {  	v2 =	vadd.f32 v2, v9;
	(xrf2) =	vadd.scan.msk.f32 $0xffff, v22  }
0x60b: {  	v6 =	vadd.f32 v6, v45  }
0x60c: {  	v56 =	vmul.f32 v10, v21;
	v2 =	vadd.f32 v2, v7  }
0x60d: {  	v6 =	vadd.f32 v6, v55  }
0x60e: {  	v15 =	vsub.f32 $1.500000000e+00, v56;
	v2 =	vadd.f32 v2, v3  }
0x60f: {  	v6 =	vadd.f32 v6, v57  }
0x610: {  	v33 =	vsub.f32 v33, v63;
	v7 =	vmul.f32 v15, v21;
	v4 =	vadd.f32 v2, v4  }
0x611: {  	v27 =	vimm.s32 $0xF;
	v31 =	vsub.f32 v19, v20;
	v6 =	vadd.f32 v6, v58;
	v17, _, _ =	vpop (xrf2)  }
0x612: {  	[tilespmem:$0x1F760] =	vst v32;
	v32 =	vmul.f32 v7, v16;
	v1 =	vadd.f32 v4, v1;
	v29 =	vperm.xlane v17, v27;
	v17 =	vld [tilespmem:$0x1FFD0]  }
0x613: {  	v48 =	vsub.f32 v48, v63;
	v6 =	vadd.f32 v6, v59  }
0x614: {  	v3 =	vadd.f32 $9.999999960e-13, v31;
	v9 =	vmul.f32 v32, v7;
	v24 =	vadd.f32 v1, v54;
	v30, _, _ =	vpop (xrf2)  }
0x615: {  	v32 =	vsub.f32 v38, v63;
	v6 =	vadd.f32 v6, v28;
	v8 =	vperm.xlane v30, v27  }
0x616: {  	v2 =	vmul.f32 $7.462686390e-03, v29;
	v29 =	vsub.f32 $1.500000000e+00, v9;
	v30 =	vsub.f32 v36, v63  }
0x617: {  	v38 =	vadd.f32 v6, v37;
	v40 =	vmul.f32 $7.462686390e-03, v8;
	v19 =	vperm.xlane v41, v17;
	v41 =	vld [tilespmem:$0x1FFE0]  }
0x618: {  	v36 =	vshrl.u32 v3, $0x1;
	v56 =	vmul.f32 v2, v2;
	v7 =	vmul.f32 v29, v7  }
0x619: {  	v1 =	vmul.f32 $5.000000000e-01, v3;
	v9 =	vmul.f32 v18, v14;
	v18 =	vsub.s32 $0x5F3759DF, v36;
	(xrf2) =	vadd.scan.msk.f32 $0xffff, v38  }
0x61a: {  	v25 =	vsub.f32 v40, v56;
	v8 =	vmul.f32 v7, v30;
	v26 =	vsel vm0, v35, v19  }
0x61b: {  	v35 =	vsub.f32 v46, v63;
	v46 =	vsub.f32 v47, v63;
	v47 =	vmul.f32 v18, v1  }
0x61c: {  	v14 =	vmul.f32 v7, v33;
	v31 =	vperm.xlane v34, v41;
	v34 =	vadd.f32 $9.999999960e-13, v25  }
0x61d: {  	v21 =	vsub.f32 v49, v63;
	v23 =	vmul.f32 v7, v48;
	v19 =	vmul.f32 v18, v47  }
0x61e: {  	v36 =	vld [tilespmem:$0x1F8F0];
	v33 =	vmul.f32 v9, v52;
	v40 =	vshrl.u32 v34, $0x1;
	v15 =	vmul.f32 $5.000000000e-01, v34  }
0x61f: {  	v38 =	vld [tilespmem:$0x1F900];
	v22 =	vmul.f32 v7, v46;
	v49 =	vsub.f32 $1.500000000e+00, v19;
	v6 =	vsub.s32 $0x5F3759DF, v40  }
0x620: {  	v10 =	vsub.f32 v31, v63;
	v31 =	vmul.f32 v9, v51;
	v51 =	vld [tilespmem:$0x1F990];
	v20 =	vmul.f32 v6, v15  }
0x621: {  	v56 =	vmul.f32 v18, v49;
	v18 =	vmul.f32 v9, v39;
	v39 =	vld [tilespmem:$0x1F920]  }
0x622: {  	(xrf2) =	vadd.scan.msk.f32 $0xffff, v24;
	v19 =	vmul.f32 v7, v21;
	v40 =	vld [tilespmem:$0x1F930];
	v20 =	vmul.f32 v6, v20  }
0x623: {  	v21 =	vmul.f32 v9, v42;
	v42 =	vmul.f32 v56, v1;
	v46, _, _ =	vpop (xrf2)  }
0x624: {  	v29 =	vld [tilespmem:$0x1FED0];
	v24 =	vmul.f32 v9, v38;
	v3 =	vperm.xlane v46, v27;
	v54 =	vsub.f32 $1.500000000e+00, v20  }
0x625: {  	v46 =	vld [tilespmem:$0x1FEF0];
	v48 =	vmul.f32 v42, v56;
	v20 =	vmul.f32 v9, v36  }
0x626: {  	v42 =	vld [tilespmem:$0x1FEB0];
	v25 =	vmul.f32 v9, v39;
	v6 =	vmul.f32 v6, v54  }
0x627: {  	v30 =	vmul.f32 v9, v40;
	v9 =	vmul.f32 v9, v51;
	v51 =	vld [tilespmem:$0x1FF00]  }
0x628: {  	v36 =	vld [tilespmem:$0x1FF10];
	v47 =	vmul.f32 v6, v15  }
0x629: {  	v40 =	vld [tilespmem:$0x1FF30];
	v34 =	vsub.f32 $1.500000000e+00, v48  }
0x62a: {  	v48 =	vld [tilespmem:$0x1FEC0];
	v49 =	vmul.f32 v47, v6  }
0x62b: {  	[tilespmem:$0x1F780] =	vst v0;
	v0 =	vmul.f32 $7.462686390e-03, v3;
	v3 =	vmul.f32 v34, v56;
	v56 =	vmov v50;
	v50 =	vld [tilespmem:$0x1FE60]  }
0x62c: {  	v11 =	vmul.f32 v7, v32;
	v4 =	vsub.f32 v26, v63;
	v32, _, _ =	vpop (xrf2);
	v47 =	vld [tilespmem:$0x1FE80];
	v52 =	vsub.f32 $1.500000000e+00, v49  }
0x62d: {  	v32 =	vperm.xlane v32, v27;
	v49 =	vld [tilespmem:$0x1FE90]  }
0x62e: {  	v4 =	vmul.f32 v7, v4;
	v6 =	vmul.f32 v52, v6;
	v52 =	vld [tilespmem:$0x1FEA0]  }
0x62f: {  	v32 =	vmul.f32 $7.462686390e-03, v32;
	v63 =	vmul.f32 v0, v0;
	v54 =	vmov v28;
	v28 =	vld [tilespmem:$0x1FEE0]  }
0x630: {  	v16 =	vmul.f32 v7, v35;
	v39 =	vld [tilespmem:$0x1FF40];
	v4 =	vmul.f32 v4, v50  }
0x631: {  	v7 =	vmul.f32 v7, v10;
	v10 =	vsub.f32 v32, v63;
	v32 =	vld [tilespmem:$0x1FF20];
	v8 =	vmul.f32 v8, v47  }
0x632: {  	v16 =	vmul.f32 v16, v29;
	v4 =	vadd.f32 v4, v49  }
0x633: {  	s4 =	sadd.s32 $0x100, s20;
	v38 =	vld [tilespmem:$0x1FF50];
	v14 =	vmul.f32 v14, v42;
	v8 =	vadd.f32 v8, v48;
	v11 =	vmul.f32 v11, v52  }
0x634: {  	v27 =	vld [tilespmem:$0x1FF60];
	v23 =	vmul.f32 v23, v36;
	v16 =	vadd.f32 v16, v40;
	v22 =	vmul.f32 v22, v28;
	[tilespmem:s4+$0x0] =	vst v4  }
0x635: {  	v14 =	vadd.f32 v14, v51;
	v18 =	vmul.f32 v18, v50;
	v35 =	vld [tilespmem:$0x1FF70];
	[tilespmem:s4+$0x10] =	vst v8;
	v11 =	vadd.f32 v11, v46  }
0x636: {  	s29 =	sshll.u32 s21, $0x7;
	v19 =	vmul.f32 v19, v32;
	v22 =	vadd.f32 v22, v39;
	v26 =	vmul.f32 v20, v47;
	v34 =	vld [tilespmem:$0x1FF90]  }
0x637: {  	s5 =	sadd.s32 $0x80, s29;
	[tilespmem:s4+$0x20] =	vst v11;
	v11 =	vadd.f32 v18, v49;
	v18 =	vmul.f32 v25, v29;
	v25 =	vlaneseq.u32  }
0x638: {  	v20 =	vmul.f32 v21, v52;
	v21 =	vmul.f32 v30, v28;
	[tilespmem:s4+$0x30] =	vst v14;
	v30 =	vor.u32 s5, v25  }
0x639: {  	v7 =	vmul.f32 v7, v27;
	v23 =	vadd.f32 v23, v38;
	v15 =	vmul.f32 v6, v15;
	[tilespmem:s4+$0x40] =	vst v16  }
0x63a: {  	[tilespmem:s4+$0x50] =	vst v22;
	v4 =	vadd.f32 v19, v35  }
0x63b: {  	v15 =	vmul.f32 v15, v6;
	[tilespmem:s4+$0x60] =	vst v23;
	v7 =	vadd.f32 v7, v34  }
0x63c: {  	v62 =	vperm.xlane v62, v17;
	v63 =	vmul.f32 v24, v42;
	[tilespmem:s4+$0x70] =	vst v4  }
0x63d: {  	v31 =	vmul.f32 v31, v36;
	v15 =	vsub.f32 $1.500000000e+00, v15;
	[tilespmem:v30+s28+$0x0] =	vst.idx.msk $0x3f, v7  }
0x63e: {  	v8 =	vadd.f32 v63, v51;
	v63 =	vsel vm0, v13, v62;
	v14 =	vadd.f32 v26, v48;
	v26 =	vld [tilespmem:$0x1F710]  }
0x63f: {  	v1 =	vmul.f32 v3, v1;
	v24 =	vsub.f32 v63, v2;
	v4 =	vmul.f32 v15, v6;
	v30 =	vld [tilespmem:$0x1F720]  }
0x640: {  	v20 =	vadd.f32 v20, v46;
	v22 =	vmul.f32 v33, v32;
	v6 =	vadd.f32 v31, v38;
	v31 =	vld [tilespmem:$0x1F730];
	[tilespmem:s1+$0xFFFFFF80] =	vst v11  }
0x641: {  	v7 =	vmul.f32 v9, v27;
	v9 =	vadd.f32 $9.999999960e-13, v10;
	v10 =	vmul.f32 v4, v24;
	v11 =	vld [tilespmem:$0x1F740]  }
0x642: {  	v1 =	vmul.f32 v1, v3;
	v21 =	vadd.f32 v21, v39;
	v23 =	vsub.f32 v60, v2;
	v62 =	vld [tilespmem:$0x1F750];
	[tilespmem:s1+$0xFFFFFF90] =	vst v14  }
0x643: {  	v18 =	vadd.f32 v18, v40;
	v15 =	vadd.f32 v22, v35;
	v10 =	vmul.f32 v10, v50;
	v24 =	vld [tilespmem:$0x1F760]  }
0x644: {  	v7 =	vadd.f32 v7, v34;
	[tilespmem:s1+$0xFFFFFFA0] =	vst v20;
	v20 =	vshrl.u32 v9, $0x1;
	v9 =	vmul.f32 $5.000000000e-01, v9  }
0x645: {  	[tilespmem:s1+$0xFFFFFFB0] =	vst v8;
	v20 =	vsub.s32 $0x5F3759DF, v20;
	v16 =	vsub.f32 v30, v2;
	v33 =	vsub.f32 v31, v2  }
0x646: {  	v13 =	vperm.xlane v26, v41;
	v30 =	vld [tilespmem:$0x1F770];
	[tilespmem:s1+$0xFFFFFFC0] =	vst v18;
	v18 =	vmul.f32 v4, v23;
	v11 =	vsub.f32 v11, v2  }
0x647: {  	[tilespmem:s1+$0xFFFFFFD0] =	vst v21;
	v22 =	vsub.f32 v62, v2;
	v63 =	vmul.f32 v4, v16;
	v26 =	vmul.f32 v4, v33  }
0x648: {  	[tilespmem:s1+$0xFFFFFFE0] =	vst v6;
	v16 =	vsub.f32 v24, v2;
	v33 =	vmul.f32 v20, v9;
	v11 =	vmul.f32 v4, v11  }
0x649: {  	v60 =	vadd.f32 v10, v49;
	[tilespmem:s1+$0xFFFFFFF0] =	vst v15;
	v62 =	vmul.f32 v4, v22;
	v14 =	vmul.f32 v63, v47  }
0x64a: {  	[tilespmem:v12+s28+$0x0] =	vst.idx.msk $0x3f, v7;
	v8 =	vmul.f32 v26, v52;
	v63 =	vmul.f32 v4, v16  }
0x64b: {  	v31 =	vsub.f32 v30, v2;
	v2 =	vsub.f32 v13, v2;
	v13 =	vmul.f32 v20, v33  }
0x64c: {  	s21 =	sadd.s32 $0x100, s4;
	v11 =	vmul.f32 v11, v42;
	v30 =	vmul.f32 v62, v29;
	v14 =	vadd.f32 v14, v48  }
0x64d: {  	[tilespmem:s21+$0x0] =	vst v60;
	v26 =	vadd.f32 v8, v46;
	v60 =	vmul.f32 v63, v28;
	v63 =	vmul.f32 v18, v36  }
0x64e: {  	s2 =	sshll.u32 s2, $0x7;
	v24 =	vmul.f32 v4, v31;
	v13 =	vsub.f32 $1.500000000e+00, v13;
	v33 =	vadd.f32 v11, v51;
	[tilespmem:s21+$0x10] =	vst v14  }
0x64f: {  	s26 =	sadd.s32 $0x80, s2;
	v2 =	vmul.f32 v4, v2;
	v62 =	vadd.f32 v30, v40;
	[tilespmem:s21+$0x20] =	vst v26;
	v14 =	vadd.f32 v60, v39  }
0x650: {  	v31 =	vmul.f32 v20, v13;
	[tilespmem:s21+$0x30] =	vst v33;
	v13 =	vor.u32 s26, v25;
	v15 =	vmul.f32 v24, v32  }
0x651: {  	v16 =	vadd.f32 v63, v38;
	[tilespmem:s21+$0x40] =	vst v62;
	v2 =	vmul.f32 v2, v27  }
0x652: {  	v1 =	vsub.f32 $1.500000000e+00, v1;
	[tilespmem:s21+$0x50] =	vst v14;
	v18 =	vadd.f32 v15, v35  }
0x653: {  	[tilespmem:s21+$0x60] =	vst v16;
	v2 =	vadd.f32 v2, v34  }
0x654: {  	v1 =	vmul.f32 v1, v3;
	[tilespmem:s21+$0x70] =	vst v18  }
0x655: {  	[tilespmem:v13+s28+$0x0] =	vst.idx.msk $0x3f, v2  }
0x656: {  	v5 =	vmul.f32 v1, v5;
	v17 =	vmul.f32 v31, v9;
	v26 =	vld [tilespmem:$0x1F940]  }
0x657: {  	v30 =	vld [tilespmem:$0x1F950]  }
0x658: {  	v5 =	vmul.f32 v5, v50;
	v33 =	vsub.f32 v56, v53;
	v19 =	vmul.f32 v17, v31;
	v56 =	vld [tilespmem:$0x1F970]  }
0x659: {  	v60 =	vsub.f32 v44, v53;
	v10 =	vld [tilespmem:$0x1F780]  }
0x65a: {  	v5 =	vadd.f32 v5, v49;
	v24 =	vsub.f32 $1.500000000e+00, v19;
	v62 =	vld [tilespmem:$0x1F910]  }
0x65b: {  	v44 =	vsub.f32 v54, v0;
	v11 =	vmul.f32 v1, v60;
	v7 =	vmul.f32 v1, v33  }
0x65c: {  	v15 =	vor.u32 s29, v25;
	v33 =	vsub.f32 v57, v0;
	v2 =	vmul.f32 v24, v31  }
0x65d: {  	v14 =	vmul.f32 v11, v36;
	v63 =	vmul.f32 v7, v29;
	v31 =	vld [tilespmem:$0x1F960];
	v3 =	vsub.f32 v26, v53  }
0x65e: {  	v9 =	vmul.f32 v2, v9;
	v4 =	vsub.f32 v30, v53;
	v8 =	vsub.f32 v56, v53  }
0x65f: {  	v10 =	vsel vm0, v10, v61;
	v61 =	vld [tilespmem:$0x1F980];
	v13 =	vsub.f32 v62, v53;
	[tilespmem:s4+$0xFFFFFF80] =	vst v5;
	v5 =	vadd.f32 v63, v40  }
0x660: {  	v26 =	vsub.f32 v45, v0;
	v30 =	vperm.xlane v43, v41;
	v41 =	vsub.f32 v58, v0  }
0x661: {  	v43 =	vsub.f32 v59, v0;
	v45 =	vsub.f32 v37, v0;
	v9 =	vmul.f32 v9, v2  }
0x662: {  	v17 =	vsub.f32 v10, v0;
	v6 =	vsub.f32 v31, v53;
	v3 =	vmul.f32 v1, v3  }
0x663: {  	v4 =	vmul.f32 v1, v4;
	v8 =	vmul.f32 v1, v8;
	v9 =	vsub.f32 $1.500000000e+00, v9  }
0x664: {  	v6 =	vmul.f32 v1, v6;
	v3 =	vmul.f32 v3, v47;
	v12 =	vsub.f32 v61, v53  }
0x665: {  	v31 =	vsub.f32 v55, v0;
	v4 =	vmul.f32 v4, v52;
	v2 =	vmul.f32 v9, v2  }
0x666: {  	v0 =	vsub.f32 v30, v0;
	v6 =	vmul.f32 v6, v42;
	v12 =	vmul.f32 v1, v12  }
0x667: {  	v3 =	vadd.f32 v3, v48;
	v1 =	vmul.f32 v1, v13;
	v13 =	vmul.f32 v8, v28  }
0x668: {  	[tilespmem:s4+$0xFFFFFFC0] =	vst v5;
	v4 =	vadd.f32 v4, v46;
	v19 =	vmul.f32 v2, v17;
	v5 =	vmul.f32 v2, v31  }
0x669: {  	v53 =	vmul.f32 v2, v41;
	v54 =	vmul.f32 v2, v43;
	[tilespmem:s4+$0xFFFFFF90] =	vst v3;
	v6 =	vadd.f32 v6, v51  }
0x66a: {  	v56 =	vmul.f32 v2, v44;
	[tilespmem:s4+$0xFFFFFFA0] =	vst v4;
	v4 =	vadd.f32 v14, v38;
	v16 =	vmul.f32 v12, v32  }
0x66b: {  	v58 =	vmul.f32 v2, v45;
	v3 =	vadd.f32 v13, v39;
	v5 =	vmul.f32 v5, v52;
	[tilespmem:s4+$0xFFFFFFB0] =	vst v6  }
0x66c: {  	v0 =	vmul.f32 v2, v0;
	v7 =	vmul.f32 v54, v28;
	[tilespmem:s4+$0xFFFFFFE0] =	vst v4;
	v18 =	vadd.f32 v16, v35  }
0x66d: {  	v1 =	vmul.f32 v1, v27;
	v59 =	vmul.f32 v56, v36;
	[tilespmem:s4+$0xFFFFFFD0] =	vst v3;
	v55 =	vadd.f32 v5, v46  }
0x66e: {  	v24 =	vmul.f32 v19, v50;
	v50 =	vmul.f32 v2, v33;
	v61 =	vadd.f32 v7, v39;
	[tilespmem:s4+$0xFFFFFFF0] =	vst v18  }
0x66f: {  	v6 =	vmul.f32 v53, v29;
	v3 =	vmul.f32 v2, v26;
	v2 =	vadd.f32 v59, v38;
	[tilespmem:s21+$0xFFFFFFA0] =	vst v55  }
0x670: {  	v1 =	vadd.f32 v1, v34;
	v4 =	vmul.f32 v50, v42;
	[tilespmem:s21+$0xFFFFFFD0] =	vst v61  }
0x671: {  	v60 =	vadd.f32 v6, v40;
	[tilespmem:s21+$0xFFFFFFE0] =	vst v2  }
0x672: {  	v3 =	vmul.f32 v3, v47;
	v57 =	vadd.f32 v4, v51;
	[tilespmem:v15+s28+$0x0] =	vst.idx.msk $0x3f, v1  }
0x673: {  	v62 =	vor.u32 s2, v25;
	v4 =	vmul.f32 v58, v32;
	v1 =	vadd.f32 v24, v49;
	[tilespmem:s21+$0xFFFFFFC0] =	vst v60  }
0x674: {  	v0 =	vmul.f32 v0, v27;
	v3 =	vadd.f32 v3, v48;
	[tilespmem:s21+$0xFFFFFFB0] =	vst v57  }
0x675: {  	v63 =	vadd.f32 v4, v35;
	[tilespmem:s21+$0xFFFFFF80] =	vst v1  }
0x676: {  	v0 =	vadd.f32 v0, v34;
	[tilespmem:s21+$0xFFFFFF90] =	vst v3  }
0x677: {  	[tilespmem:s21+$0xFFFFFFF0] =	vst v63  }
0x678: {  	s29 =	simm.s32 $0xC000;
	[tilespmem:v62+s28+$0x0] =	vst.idx.msk $0x3f, v0  }
0x679: {  	[hbm4b:s15+s24] =	stream.strided.scatter [tilespmem:s29], [sflag:$0x4], $0x4000, s25, s24, $0x38;
	[tilespmem:$0x18200] =	vst v63  }
0x67a: {  	_ = 	snop  }
0x67b: {  	[hbm4b:s16+s24] =	stream.strided.scatter [tilespmem:s28], [sflag:$0x4], $0x4000, s25, s24, $0x38;
	[tilespmem:$0x18200] =	vst v63  }
0x67c: {  	_ =	swait.ge [sflag:s30], $0x4000  }
0x67d: {  	[sflag:s30] =	ssyncset.done $0x0  }
0x67e: {  	[sflag:s30] =	ssyncadd.s32 $0xFFFFC000  }
0x67f: {  	_ =	swait.ge [sflag:s30], $0x4000  }
0x680: {  	[sflag:s30] =	ssyncset.done $0x0  }
0x681: {  	s0 =	sadd.s32 $0x1, s0;
	[sflag:s30] =	ssyncadd.s32 $0xFFFFC000  }
0x682: {  	p0 =	sne.s32 s0, s17;
	_ =	swait.ge [sflag:s31], $0x4000  }
.Ltmp4:
0x683: {  	[sflag:s31] =	ssyncset.done $0x0;
	(pc) =	sbr.rel @p0 .LBB2_1-.Ltmp4, $4  }
0x684: {  	[sflag:s31] =	ssyncadd.s32 $0xFFFFC000  }
0x685: {  	_ =	swait.ge [sflag:s31], $0x4000  }
0x686: {  	[sflag:s31] =	ssyncset.done $0x0  }
0x687: {  	v22 =	vimm.s32 $0x0;
	v23 =	vld [tilespmem:$0x1FFF0];
	[sflag:s31] =	ssyncadd.s32 $0xFFFFC000  }
0x688: {  	_ =	sfence.sel $0x180000  }
0x689: {  	[bflag:$0x0] =	sbarrier.arrive $0xFFFF  }
0x68a: {  	_ =	strace $0x90000047  }
0x68b: {  	s0 =	stileid.u32;
	[bflag:$0x2] =	sbarrier.arrive $0xFFFF  }
0x68c: {  	p0 =	sne.s32 s0, $0x0;
	s0 =	rddreg [dreg:$0x3]  }
0x68d: {  	s0 =	sadd.s32 @!p0 $0x100000, s0  }
0x68e: {  	[sflag:s0] =	ssyncadd.tile.s32 @!p0 $0x1;
	_ =	shalt  }
.Lfunc_end2:
_tile_overlayer_lowered:
.L_overlay_start_2:
0x68f: {  	(tag) =	ssettag $0x2  }
0x690: {  	s0 =	rddreg [dreg:$0x0];
	s2 =	stileid.u32  }
0x691: {  	s1 =	rddreg [dreg:$0x1];
	p0 =	sne.s32 s2, $0x0  }
0x692: {  	s3 =	rddreg [dreg:$0x2];
	[bflag:$0x3] =	sbarrier.arrive $0xFFFF;
	s2 =	simm.s32 @!p0 $0x1C05  }
0x693: {  	[timem:s3], [sflag:s2] =	dma.local @!p0 [hbm:s0], s1  }
0x694: {  	s0 =	simm.s32 @!p0 $0x5  }
0x695: {  	_ =	swait.ge @!p0 [sflag:s0], s1  }
0x696: {  	s1 =	ssub.s32 @!p0 $0x0, s1;
	[sflag:s0] =	ssyncset.done @!p0 $0x0  }
0x697: {  	[sflag:s0] =	ssyncadd.s32 @!p0 s1  }
0x698: {  	[bflag:$0x3] =	sbarrier.arrive $0xFFFF  }
0x699: {  	_ =	shalt  }

</sc_bundles>
